<compile_context>
chip_gen: v7x
topology: tpu7x:2x2x1
jax: 0.10.2.dev20260603
libtpu: 0.0.44.dev20260713+nightly
codegen_flags: <defaults>
</compile_context>

<pallas_src>
import functools

import jax
import jax.numpy as jnp
from jax import lax
from jax.experimental import pallas as pl
from jax.experimental.pallas import tpu as pltpu
from jax.experimental.pallas import tpu_sc as plsc

N = 10000
E = 320000
D = 128

NC = 2
NS = 16
NW = NC * NS
K = 128
EPW = E // NW
C = 80
NP = 10240
RPT = NP // NS
H = NP // 2
HT = H + 8
RT = H // NS
CAPC = 24
CAP = CAPC * K
GROUPS = ((0, 0), (1, 0), (0, 1), (1, 1))

_mesh = plsc.VectorSubcoreMesh(core_axis_name="c", subcore_axis_name="s")


@functools.partial(
    pl.kernel,
    out_type=(
        jax.ShapeDtypeStruct((NC, NP), jnp.float32),
        jax.ShapeDtypeStruct((NW * 8, CAP), jnp.int32),
    ),
    mesh=_mesh,
    scratch_types=[
        pltpu.VMEM((C, K), jnp.int32),
        pltpu.VMEM((C, K), jnp.int32),
        pltpu.VMEM((NP,), jnp.float32),
        pltpu.VMEM((NS, RPT), jnp.float32),
        pltpu.VMEM((RPT,), jnp.float32),
    ] + [pltpu.VMEM((CAP,), jnp.int32)] * 8
    + [pltpu.VMEM_SHARED((NS, NP), jnp.float32)],
    compiler_params=pltpu.CompilerParams(needs_layout_passes=False),
)
def _deg_kernel(srcp_hbm, dstp_hbm, zflat_hbm, deg_hbm, lists_hbm,
                src_v, dst_v, deg_v, blk_v, res_v,
                sl0, dl0, sl1, dl1, sl2, dl2, sl3, dl3, part_sp):
    c = lax.axis_index("c")
    s = lax.axis_index("s")
    wid = c * NS + s
    src_lists = (sl0, sl1, sl2, sl3)
    dst_lists = (dl0, dl1, dl2, dl3)
    pltpu.sync_copy(srcp_hbm.at[wid], src_v)
    pltpu.sync_copy(dstp_hbm.at[wid], dst_v)
    pltpu.sync_copy(zflat_hbm, deg_v)

    zero16 = jnp.zeros((16,), jnp.int32)
    pad16 = jnp.full((16,), H, jnp.int32)

    def fill(i, carry):
        for gi in range(4):
            src_lists[gi][pl.ds(i * 16, 16)] = zero16
            dst_lists[gi][pl.ds(i * 16, 16)] = pad16
        return carry

    lax.fori_loop(0, CAP // 16, fill, 0)

    ones16 = jnp.full((16,), 1.0, jnp.float32)

    def body(j, cnt):
        cnt = list(cnt)
        for q in range(K // 16):
            dstv = dst_v[j, pl.ds(q * 16, 16)]
            srcv = src_v[j, pl.ds(q * 16, 16)]
            plsc.addupdate_scatter(deg_v, [dstv], ones16)
            real = dstv < N
            src_hi = srcv >= H
            dst_hi = dstv >= H
            for gi, (aa, bb) in enumerate(GROUPS):
                m = real
                m = jnp.logical_and(m, src_hi if aa else jnp.logical_not(src_hi))
                m = jnp.logical_and(m, dst_hi if bb else jnp.logical_not(dst_hi))
                pm = m.astype(jnp.int32)
                pos = plsc.cumsum(pm) - 1 + cnt[gi]
                plsc.store_scatter(src_lists[gi], [pos], srcv - aa * H, mask=m)
                plsc.store_scatter(dst_lists[gi], [pos], dstv - bb * H, mask=m)
                cnt[gi] = cnt[gi] + jnp.sum(pm)
        return tuple(cnt)

    z = jnp.int32(0)
    lax.fori_loop(0, C, body, (z, z, z, z))
    for gi in range(4):
        pltpu.sync_copy(src_lists[gi], lists_hbm.at[wid * 8 + 2 * gi])
        pltpu.sync_copy(dst_lists[gi], lists_hbm.at[wid * 8 + 2 * gi + 1])

    pltpu.sync_copy(deg_v, part_sp.at[s])
    plsc.subcore_barrier()
    for r in range(NS):
        pltpu.sync_copy(part_sp.at[r, pl.ds(s * RPT, RPT)], blk_v.at[r])

    def comb(i, carry):
        tot = jnp.zeros((16,), jnp.float32)
        for r in range(NS):
            tot = tot + blk_v[r, pl.ds(i * 16, 16)]
        res_v[pl.ds(i * 16, 16)] = tot
        return carry

    lax.fori_loop(0, RPT // 16, comb, 0)
    pltpu.sync_copy(res_v, deg_hbm.at[c, pl.ds(s * RPT, RPT)])


_STAGE = ((0, 128), (128, 128), (256, 64))


@functools.partial(
    pl.kernel,
    out_type=jax.ShapeDtypeStruct((NC * 2, H, D), jnp.float32),
    mesh=_mesh,
    scratch_types=[
        pltpu.VMEM((CAPC, K), jnp.int32),
        pltpu.VMEM((CAPC, K), jnp.int32),
        pltpu.VMEM((K, D), jnp.float32),
        pltpu.VMEM((K, D), jnp.float32),
        pltpu.VMEM_SHARED((H, D), jnp.float32),
        pltpu.VMEM_SHARED((HT, D), jnp.float32),
        pltpu.SemaphoreType.DMA,
        pltpu.SemaphoreType.DMA,
        pltpu.SemaphoreType.DMA,
        pltpu.SemaphoreType.DMA,
    ],
)
def _msg_kernel(gpad_hbm, lists_hbm, zrows_hbm, out_hbm,
                srcl_v, dstl_v, rows0_v, rows1_v, g_sp, acc_sp,
                sem0, sem1, sem2, sem3):
    c = lax.axis_index("c")
    s = lax.axis_index("s")
    wid = c * NS + s
    for b in (0, 1):
        pltpu.sync_copy(zrows_hbm, rows0_v)
        zd = []
        for off, sz in _STAGE:
            zd.append(pltpu.async_copy(
                rows0_v.at[pl.ds(0, sz)],
                acc_sp.at[pl.ds(s * RT + off, sz)], sem2))

        @pl.when(s == NS - 1)
        def _():
            pltpu.async_copy(rows0_v.at[pl.ds(0, HT - H)],
                             acc_sp.at[pl.ds(H, HT - H)], sem3).wait()

        for d in zd:
            d.wait()
        plsc.subcore_barrier()
        for a in (0, 1):
            (o0, z0), (o1, z1), (o2, z2) = _STAGE
            base = a * H + s * RT
            l0 = pltpu.async_copy(gpad_hbm.at[pl.ds(base + o0, z0)],
                                  rows0_v.at[pl.ds(0, z0)], sem0)
            l1 = pltpu.async_copy(gpad_hbm.at[pl.ds(base + o1, z1)],
                                  rows1_v.at[pl.ds(0, z1)], sem1)
            l0.wait()
            s0 = pltpu.async_copy(rows0_v.at[pl.ds(0, z0)],
                                  g_sp.at[pl.ds(s * RT + o0, z0)], sem2)
            l1.wait()
            s1 = pltpu.async_copy(rows1_v.at[pl.ds(0, z1)],
                                  g_sp.at[pl.ds(s * RT + o1, z1)], sem3)
            s0.wait()
            l2 = pltpu.async_copy(gpad_hbm.at[pl.ds(base + o2, z2)],
                                  rows0_v.at[pl.ds(0, z2)], sem0)
            l2.wait()
            s2 = pltpu.async_copy(rows0_v.at[pl.ds(0, z2)],
                                  g_sp.at[pl.ds(s * RT + o2, z2)], sem2)
            s1.wait()
            s2.wait()
            plsc.subcore_barrier()
            gi = 2 * b + a
            pltpu.sync_copy(lists_hbm.at[wid * 8 + 2 * gi], srcl_v)
            pltpu.sync_copy(lists_hbm.at[wid * 8 + 2 * gi + 1], dstl_v)

            pltpu.async_copy(g_sp.at[srcl_v.at[0]], rows0_v, sem0)
            pltpu.async_copy(g_sp.at[srcl_v.at[1]], rows1_v, sem1)

            def body(i, carry):
                j0 = 2 * i
                pltpu.make_async_copy(
                    g_sp.at[srcl_v.at[j0]], rows0_v, sem0).wait()
                pltpu.sync_copy(rows0_v, acc_sp.at[dstl_v.at[j0]], add=True)

                @pl.when(i + 1 < CAPC // 2)
                def _():
                    pltpu.async_copy(
                        g_sp.at[srcl_v.at[j0 + 2]], rows0_v, sem0)

                pltpu.make_async_copy(
                    g_sp.at[srcl_v.at[j0 + 1]], rows1_v, sem1).wait()
                pltpu.sync_copy(
                    rows1_v, acc_sp.at[dstl_v.at[j0 + 1]], add=True)

                @pl.when(i + 1 < CAPC // 2)
                def _():
                    pltpu.async_copy(
                        g_sp.at[srcl_v.at[j0 + 3]], rows1_v, sem1)

                return carry

            lax.fori_loop(0, CAPC // 2, body, 0)
            plsc.subcore_barrier()
        (o0, z0), (o1, z1), (o2, z2) = _STAGE
        w0 = pltpu.async_copy(acc_sp.at[pl.ds(s * RT + o0, z0)],
                              rows0_v.at[pl.ds(0, z0)], sem0)
        w1 = pltpu.async_copy(acc_sp.at[pl.ds(s * RT + o1, z1)],
                              rows1_v.at[pl.ds(0, z1)], sem1)
        w0.wait()
        p0 = pltpu.async_copy(rows0_v.at[pl.ds(0, z0)],
                              out_hbm.at[c * 2 + b, pl.ds(s * RT + o0, z0)],
                              sem2)
        w1.wait()
        p1 = pltpu.async_copy(rows1_v.at[pl.ds(0, z1)],
                              out_hbm.at[c * 2 + b, pl.ds(s * RT + o1, z1)],
                              sem3)
        p0.wait()
        w2 = pltpu.async_copy(acc_sp.at[pl.ds(s * RT + o2, z2)],
                              rows0_v.at[pl.ds(0, z2)], sem0)
        w2.wait()
        p2 = pltpu.async_copy(rows0_v.at[pl.ds(0, z2)],
                              out_hbm.at[c * 2 + b, pl.ds(s * RT + o2, z2)],
                              sem2)
        p1.wait()
        p2.wait()
        plsc.subcore_barrier()


def _dense_body(x_ref, gamma_ref, beta_ref, w_ref, degp_ref, g_ref):
    x = x_ref[...]
    mean = jnp.mean(x, axis=0, keepdims=True)
    xc = x - mean
    var = jnp.mean(xc * xc, axis=0, keepdims=True)
    h = xc * lax.rsqrt(var + 1e-5) * gamma_ref[...] + beta_ref[...]
    h = jnp.maximum(h, 0.0)
    hw = jnp.dot(h, w_ref[...], preferred_element_type=jnp.float32)
    deg = degp_ref[0, :N, :] + degp_ref[1, :N, :] + 1.0
    g_ref[pl.ds(0, N), :] = hw * lax.rsqrt(deg)
    g_ref[pl.ds(N, NP - N), :] = jnp.zeros((NP - N, D), jnp.float32)


_dense_call = pl.pallas_call(
    _dense_body,
    out_shape=jax.ShapeDtypeStruct((NP, D), jnp.float32),
)


def _combine_body(accp_ref, g_ref, degp_ref, b_ref, out_ref):
    deg = degp_ref[0, :N, :] + degp_ref[1, :N, :] + 1.0
    dinv = lax.rsqrt(deg)
    bb = b_ref[...]
    acc_t = accp_ref[0] + accp_ref[2] + g_ref[pl.ds(0, H), :]
    out_ref[pl.ds(0, H), :] = acc_t * dinv[:H, :] + bb
    RB = N - H
    acc_b = (accp_ref[1, pl.ds(0, RB), :] + accp_ref[3, pl.ds(0, RB), :]
             + g_ref[pl.ds(H, RB), :])
    out_ref[pl.ds(H, RB), :] = acc_b * dinv[H:, :] + bb


_combine_call = pl.pallas_call(
    _combine_body,
    out_shape=jax.ShapeDtypeStruct((N, D), jnp.float32),
)


@jax.jit
def kernel(x, edge_index, W, b, gamma, beta):
    pad = C * K - EPW
    src = edge_index[0].reshape(NW, EPW)
    dst = edge_index[1].reshape(NW, EPW)
    srcp = jnp.pad(src, ((0, 0), (0, pad)), constant_values=0)
    dstp = jnp.pad(dst, ((0, 0), (0, pad)), constant_values=NP - 1)
    srcp = srcp.reshape(NW, C, K)
    dstp = dstp.reshape(NW, C, K)
    zeros_rows = jnp.zeros((K, D), jnp.float32)
    zeros_flat = jnp.zeros((NP,), jnp.float32)

    degp, lists = _deg_kernel(srcp, dstp, zeros_flat)
    degp = degp.reshape(NC, NP, 1)
    gpad = _dense_call(x, gamma.reshape(1, D), beta.reshape(1, D), W, degp)
    accp = _msg_kernel(gpad, lists.reshape(NW * 8, CAPC, K), zeros_rows)
    return _combine_call(accp, gpad, degp, b.reshape(1, D))

# --- scband reference (transcript-rebuilt; emitter-appended) ---
"""Pipeline reference for scband-basic-gcnblock-40656160424258 (READ-ONLY COPY).

The authoritative reference and input builder live on the scoring server;
editing this copy changes nothing except your own understanding.
"""

import jax, jax.numpy as jnp
import numpy as np

N = 10000
E = 320000
D = 128


def setup_inputs(seed: int = 0) -> dict:
    key = jax.random.key(seed)
    k1, k2, k3 = jax.random.split(key, 3)
    x = jax.random.normal(k1, (N, D), dtype=jnp.float32)
    edge_index = jax.random.randint(k2, (2, E), 0, N, dtype=jnp.int32)
    # GCNConv parameters (glorot-like init for W, zero bias)
    W = jax.random.normal(k3, (D, D), dtype=jnp.float32) * (1.0 / np.sqrt(D))
    b = jnp.zeros((D,), dtype=jnp.float32)
    # BatchNorm1d affine params (reset_parameters style: weight=1, bias=0)
    gamma = jnp.ones((D,), dtype=jnp.float32)
    beta = jnp.zeros((D,), dtype=jnp.float32)
    return {"x": x, "edge_index": edge_index, "W": W, "b": b, "gamma": gamma, "beta": beta}


def reference(x, edge_index, W, b, gamma, beta):
    # BasicGCNBlock (input_layer=False): BatchNorm1d (training-mode batch stats) -> ReLU -> Dropout(p=0) -> GCNConv
    mean = jnp.mean(x, axis=0)
    var = jnp.var(x, axis=0)
    h = (x - mean) / jnp.sqrt(var + 1e-5) * gamma + beta
    h = jax.nn.relu(h)
    # dropout p=0.0 -> identity
    # GCNConv: add self-loops, symmetric normalization, linear transform, scatter-add aggregate
    n = x.shape[0]
    loops = jnp.arange(n, dtype=edge_index.dtype)
    src = jnp.concatenate([edge_index[0], loops])
    dst = jnp.concatenate([edge_index[1], loops])
    deg = jnp.zeros((n,), dtype=x.dtype).at[dst].add(1.0)
    dinv = jax.lax.rsqrt(jnp.where(deg > 0, deg, 1.0))
    coef = dinv[src] * dinv[dst]
    h = h @ W
    msg = h[src] * coef[:, None]
    out = jnp.zeros((n, W.shape[1]), dtype=x.dtype).at[dst].add(msg)
    return out + b

if __name__ == "__main__":
    import jax
    _d = setup_inputs()
    print(jax.jit(kernel)(*tuple(_d.values())))

</pallas_src>

<mosaic_0001>
#map = affine_map<(d0, d1) -> (0, 0)>
#map1 = affine_map<(d0, d1) -> (0, 0, 0)>
module attributes {stable_mosaic.version = 14 : i64} {
  func.func @_msg_kernel(%arg0: i32, %arg1: i32, %arg2: memref<10240x128xf32, #tpu.memory_space<hbm>>, %arg3: memref<256x24x128xi32, #tpu.memory_space<hbm>>, %arg4: memref<128x128xf32, #tpu.memory_space<hbm>>, %arg5: memref<4x5120x128xf32, #tpu.memory_space<hbm>>, %arg6: memref<24x128xi32, #tpu.memory_space<vmem>>, %arg7: memref<24x128xi32, #tpu.memory_space<vmem>>, %arg8: memref<128x128xf32, #tpu.memory_space<vmem>>, %arg9: memref<128x128xf32, #tpu.memory_space<vmem>>, %arg10: memref<5120x128xf32, #tpu.memory_space<vmem_shared>>, %arg11: memref<5128x128xf32, #tpu.memory_space<vmem_shared>>, %arg12: memref<!tpu.dma_semaphore, #tpu.memory_space<semaphore_mem>>, %arg13: memref<!tpu.dma_semaphore, #tpu.memory_space<semaphore_mem>>, %arg14: memref<!tpu.dma_semaphore, #tpu.memory_space<semaphore_mem>>, %arg15: memref<!tpu.dma_semaphore, #tpu.memory_space<semaphore_mem>>) attributes {dimension_semantics = [#tpu.dimension_semantics<core_parallel>, #tpu.dimension_semantics<subcore_parallel>], iteration_bounds = array<i64: 2, 16>, scalar_prefetch = 0 : i64, scratch_operands = 10 : i64, tpu.core_type = #tpu.core_type<sc_vector_subcore>, window_params = [{transform_indices = #map}, {transform_indices = #map1}, {transform_indices = #map}, {transform_indices = #map1}]} {
    %mul3A = arith.constant 16 : i32
    %mul3A_0 = arith.muli %arg0, %mul3A : i32
    %add3A = arith.addi %mul3A_0, %arg1 : i32
    "tpu.region"() ({
      %run_scoped3A = tpu.sem_alloc : memref<!tpu.dma_semaphore, #tpu.memory_space<semaphore_mem>>
      tpu.enqueue_dma source(%arg4 : memref<128x128xf32, #tpu.memory_space<hbm>>) target(%arg8 : memref<128x128xf32, #tpu.memory_space<vmem>>) target_semaphore(%run_scoped3A : memref<!tpu.dma_semaphore, #tpu.memory_space<semaphore_mem>>)
      tpu.wait_dma2 semaphore(%run_scoped3A : memref<!tpu.dma_semaphore, #tpu.memory_space<semaphore_mem>>) src(%arg4 : memref<128x128xf32, #tpu.memory_space<hbm>>) dst(%arg8 : memref<128x128xf32, #tpu.memory_space<vmem>>)
      tpu.yield
    }) : () -> ()
    %mul3A_1 = arith.constant 320 : i32
    %mul3A_2 = arith.muli %arg1, %mul3A_1 : i32
    %add3A_3 = arith.constant 0 : i32
    %add3A_4 = arith.addi %mul3A_2, %add3A_3 : i32
    %dma_start3A = arith.constant 0 : i32
    %dma_start3A_5 = arith.constant 0 : i32
    %dma_start3A_6 = tpu.memref_slice %arg8[%dma_start3A, %dma_start3A_5] : memref<128x128xf32, #tpu.memory_space<vmem>> -> memref<128x128xf32, #tpu.memory_space<vmem>>
    %dma_start3A_7 = arith.constant 0 : i32
    %dma_start3A_8 = tpu.memref_slice %arg11[%add3A_4, %dma_start3A_7] : memref<5128x128xf32, #tpu.memory_space<vmem_shared>> -> memref<128x128xf32, #tpu.memory_space<vmem_shared>>
    %dma_start3A_9 = arith.constant 0 : i32
    %dma_start3A_10 = tpu.memref_slice %arg11[%add3A_4, %dma_start3A_9] : memref<5128x128xf32, #tpu.memory_space<vmem_shared>> -> memref<128x128xf32, #tpu.memory_space<vmem_shared>>
    %dma_start3A_11 = arith.constant 0 : i32
    %dma_start3A_12 = arith.constant 0 : i32
    %dma_start3A_13 = tpu.memref_slice %arg8[%dma_start3A_11, %dma_start3A_12] : memref<128x128xf32, #tpu.memory_space<vmem>> -> memref<128x128xf32, #tpu.memory_space<vmem>>
    tpu.enqueue_dma source(%dma_start3A_13 : memref<128x128xf32, #tpu.memory_space<vmem>>) target(%dma_start3A_10 : memref<128x128xf32, #tpu.memory_space<vmem_shared>>) target_semaphore(%arg14 : memref<!tpu.dma_semaphore, #tpu.memory_space<semaphore_mem>>)
    %mul3A_14 = arith.constant 320 : i32
    %mul3A_15 = arith.muli %arg1, %mul3A_14 : i32
    %add3A_16 = arith.constant 128 : i32
    %add3A_17 = arith.addi %mul3A_15, %add3A_16 : i32
    %dma_start3A_18 = arith.constant 0 : i32
    %dma_start3A_19 = arith.constant 0 : i32
    %dma_start3A_20 = tpu.memref_slice %arg8[%dma_start3A_18, %dma_start3A_19] : memref<128x128xf32, #tpu.memory_space<vmem>> -> memref<128x128xf32, #tpu.memory_space<vmem>>
    %dma_start3A_21 = arith.constant 0 : i32
    %dma_start3A_22 = tpu.memref_slice %arg11[%add3A_17, %dma_start3A_21] : memref<5128x128xf32, #tpu.memory_space<vmem_shared>> -> memref<128x128xf32, #tpu.memory_space<vmem_shared>>
    %dma_start3A_23 = arith.constant 0 : i32
    %dma_start3A_24 = tpu.memref_slice %arg11[%add3A_17, %dma_start3A_23] : memref<5128x128xf32, #tpu.memory_space<vmem_shared>> -> memref<128x128xf32, #tpu.memory_space<vmem_shared>>
    %dma_start3A_25 = arith.constant 0 : i32
    %dma_start3A_26 = arith.constant 0 : i32
    %dma_start3A_27 = tpu.memref_slice %arg8[%dma_start3A_25, %dma_start3A_26] : memref<128x128xf32, #tpu.memory_space<vmem>> -> memref<128x128xf32, #tpu.memory_space<vmem>>
    tpu.enqueue_dma source(%dma_start3A_27 : memref<128x128xf32, #tpu.memory_space<vmem>>) target(%dma_start3A_24 : memref<128x128xf32, #tpu.memory_space<vmem_shared>>) target_semaphore(%arg14 : memref<!tpu.dma_semaphore, #tpu.memory_space<semaphore_mem>>)
    %mul3A_28 = arith.constant 320 : i32
    %mul3A_29 = arith.muli %arg1, %mul3A_28 : i32
    %add3A_30 = arith.constant 256 : i32
    %add3A_31 = arith.addi %mul3A_29, %add3A_30 : i32
    %dma_start3A_32 = arith.constant 0 : i32
    %dma_start3A_33 = arith.constant 0 : i32
    %dma_start3A_34 = tpu.memref_slice %arg8[%dma_start3A_32, %dma_start3A_33] : memref<128x128xf32, #tpu.memory_space<vmem>> -> memref<64x128xf32, #tpu.memory_space<vmem>>
    %dma_start3A_35 = arith.constant 0 : i32
    %dma_start3A_36 = tpu.memref_slice %arg11[%add3A_31, %dma_start3A_35] : memref<5128x128xf32, #tpu.memory_space<vmem_shared>> -> memref<64x128xf32, #tpu.memory_space<vmem_shared>>
    %dma_start3A_37 = arith.constant 0 : i32
    %dma_start3A_38 = tpu.memref_slice %arg11[%add3A_31, %dma_start3A_37] : memref<5128x128xf32, #tpu.memory_space<vmem_shared>> -> memref<64x128xf32, #tpu.memory_space<vmem_shared>>
    %dma_start3A_39 = arith.constant 0 : i32
    %dma_start3A_40 = arith.constant 0 : i32
    %dma_start3A_41 = tpu.memref_slice %arg8[%dma_start3A_39, %dma_start3A_40] : memref<128x128xf32, #tpu.memory_space<vmem>> -> memref<64x128xf32, #tpu.memory_space<vmem>>
    tpu.enqueue_dma source(%dma_start3A_41 : memref<64x128xf32, #tpu.memory_space<vmem>>) target(%dma_start3A_38 : memref<64x128xf32, #tpu.memory_space<vmem_shared>>) target_semaphore(%arg14 : memref<!tpu.dma_semaphore, #tpu.memory_space<semaphore_mem>>)
    %eq3A = arith.constant 15 : i32
    %eq3A_42 = arith.cmpi eq, %arg1, %eq3A : i32
    %convert_element_type3A = arith.extui %eq3A_42 : i1 to i32
    %cond3A = arith.constant 0 : i32
    %cond3A_43 = arith.cmpi ne, %convert_element_type3A, %cond3A : i32
    scf.if %cond3A_43 {
      %dma_start3A_1184 = arith.constant 0 : i32
      %dma_start3A_1185 = arith.constant 0 : i32
      %dma_start3A_1186 = tpu.memref_slice %arg8[%dma_start3A_1184, %dma_start3A_1185] : memref<128x128xf32, #tpu.memory_space<vmem>> -> memref<8x128xf32, #tpu.memory_space<vmem>>
      %dma_start3A_1187 = arith.constant 5120 : i32
      %dma_start3A_1188 = arith.constant 0 : i32
      %dma_start3A_1189 = tpu.memref_slice %arg11[%dma_start3A_1187, %dma_start3A_1188] : memref<5128x128xf32, #tpu.memory_space<vmem_shared>> -> memref<8x128xf32, #tpu.memory_space<vmem_shared>>
      %dma_start3A_1190 = arith.constant 5120 : i32
      %dma_start3A_1191 = arith.constant 0 : i32
      %dma_start3A_1192 = tpu.memref_slice %arg11[%dma_start3A_1190, %dma_start3A_1191] : memref<5128x128xf32, #tpu.memory_space<vmem_shared>> -> memref<8x128xf32, #tpu.memory_space<vmem_shared>>
      %dma_start3A_1193 = arith.constant 0 : i32
      %dma_start3A_1194 = arith.constant 0 : i32
      %dma_start3A_1195 = tpu.memref_slice %arg8[%dma_start3A_1193, %dma_start3A_1194] : memref<128x128xf32, #tpu.memory_space<vmem>> -> memref<8x128xf32, #tpu.memory_space<vmem>>
      tpu.enqueue_dma source(%dma_start3A_1195 : memref<8x128xf32, #tpu.memory_space<vmem>>) target(%dma_start3A_1192 : memref<8x128xf32, #tpu.memory_space<vmem_shared>>) target_semaphore(%arg15 : memref<!tpu.dma_semaphore, #tpu.memory_space<semaphore_mem>>)
      %dma_wait3A_1196 = arith.constant 0 : i32
      %dma_wait3A_1197 = arith.constant 0 : i32
      %dma_wait3A_1198 = tpu.memref_slice %arg8[%dma_wait3A_1196, %dma_wait3A_1197] : memref<128x128xf32, #tpu.memory_space<vmem>> -> memref<8x128xf32, #tpu.memory_space<vmem>>
      %dma_wait3A_1199 = arith.constant 5120 : i32
      %dma_wait3A_1200 = arith.constant 0 : i32
      %dma_wait3A_1201 = tpu.memref_slice %arg11[%dma_wait3A_1199, %dma_wait3A_1200] : memref<5128x128xf32, #tpu.memory_space<vmem_shared>> -> memref<8x128xf32, #tpu.memory_space<vmem_shared>>
      %dma_wait3A_1202 = arith.constant 5120 : i32
      %dma_wait3A_1203 = arith.constant 0 : i32
      %dma_wait3A_1204 = tpu.memref_slice %arg11[%dma_wait3A_1202, %dma_wait3A_1203] : memref<5128x128xf32, #tpu.memory_space<vmem_shared>> -> memref<8x128xf32, #tpu.memory_space<vmem_shared>>
      %dma_wait3A_1205 = arith.constant 0 : i32
      %dma_wait3A_1206 = arith.constant 0 : i32
      %dma_wait3A_1207 = tpu.memref_slice %arg8[%dma_wait3A_1205, %dma_wait3A_1206] : memref<128x128xf32, #tpu.memory_space<vmem>> -> memref<8x128xf32, #tpu.memory_space<vmem>>
      tpu.wait_dma2 semaphore(%arg15 : memref<!tpu.dma_semaphore, #tpu.memory_space<semaphore_mem>>) src(%dma_wait3A_1207 : memref<8x128xf32, #tpu.memory_space<vmem>>) dst(%dma_wait3A_1204 : memref<8x128xf32, #tpu.memory_space<vmem_shared>>)
    } else {
    }
    %dma_wait3A = arith.constant 0 : i32
    %dma_wait3A_44 = arith.constant 0 : i32
    %dma_wait3A_45 = tpu.memref_slice %arg8[%dma_wait3A, %dma_wait3A_44] : memref<128x128xf32, #tpu.memory_space<vmem>> -> memref<128x128xf32, #tpu.memory_space<vmem>>
    %dma_wait3A_46 = arith.constant 0 : i32
    %dma_wait3A_47 = tpu.memref_slice %arg11[%add3A_4, %dma_wait3A_46] : memref<5128x128xf32, #tpu.memory_space<vmem_shared>> -> memref<128x128xf32, #tpu.memory_space<vmem_shared>>
    %dma_wait3A_48 = arith.constant 0 : i32
    %dma_wait3A_49 = tpu.memref_slice %arg11[%add3A_4, %dma_wait3A_48] : memref<5128x128xf32, #tpu.memory_space<vmem_shared>> -> memref<128x128xf32, #tpu.memory_space<vmem_shared>>
    %dma_wait3A_50 = arith.constant 0 : i32
    %dma_wait3A_51 = arith.constant 0 : i32
    %dma_wait3A_52 = tpu.memref_slice %arg8[%dma_wait3A_50, %dma_wait3A_51] : memref<128x128xf32, #tpu.memory_space<vmem>> -> memref<128x128xf32, #tpu.memory_space<vmem>>
    tpu.wait_dma2 semaphore(%arg14 : memref<!tpu.dma_semaphore, #tpu.memory_space<semaphore_mem>>) src(%dma_wait3A_52 : memref<128x128xf32, #tpu.memory_space<vmem>>) dst(%dma_wait3A_49 : memref<128x128xf32, #tpu.memory_space<vmem_shared>>)
    %dma_wait3A_53 = arith.constant 0 : i32
    %dma_wait3A_54 = arith.constant 0 : i32
    %dma_wait3A_55 = tpu.memref_slice %arg8[%dma_wait3A_53, %dma_wait3A_54] : memref<128x128xf32, #tpu.memory_space<vmem>> -> memref<128x128xf32, #tpu.memory_space<vmem>>
    %dma_wait3A_56 = arith.constant 0 : i32
    %dma_wait3A_57 = tpu.memref_slice %arg11[%add3A_17, %dma_wait3A_56] : memref<5128x128xf32, #tpu.memory_space<vmem_shared>> -> memref<128x128xf32, #tpu.memory_space<vmem_shared>>
    %dma_wait3A_58 = arith.constant 0 : i32
    %dma_wait3A_59 = tpu.memref_slice %arg11[%add3A_17, %dma_wait3A_58] : memref<5128x128xf32, #tpu.memory_space<vmem_shared>> -> memref<128x128xf32, #tpu.memory_space<vmem_shared>>
    %dma_wait3A_60 = arith.constant 0 : i32
    %dma_wait3A_61 = arith.constant 0 : i32
    %dma_wait3A_62 = tpu.memref_slice %arg8[%dma_wait3A_60, %dma_wait3A_61] : memref<128x128xf32, #tpu.memory_space<vmem>> -> memref<128x128xf32, #tpu.memory_space<vmem>>
    tpu.wait_dma2 semaphore(%arg14 : memref<!tpu.dma_semaphore, #tpu.memory_space<semaphore_mem>>) src(%dma_wait3A_62 : memref<128x128xf32, #tpu.memory_space<vmem>>) dst(%dma_wait3A_59 : memref<128x128xf32, #tpu.memory_space<vmem_shared>>)
    %dma_wait3A_63 = arith.constant 0 : i32
    %dma_wait3A_64 = arith.constant 0 : i32
    %dma_wait3A_65 = tpu.memref_slice %arg8[%dma_wait3A_63, %dma_wait3A_64] : memref<128x128xf32, #tpu.memory_space<vmem>> -> memref<64x128xf32, #tpu.memory_space<vmem>>
    %dma_wait3A_66 = arith.constant 0 : i32
    %dma_wait3A_67 = tpu.memref_slice %arg11[%add3A_31, %dma_wait3A_66] : memref<5128x128xf32, #tpu.memory_space<vmem_shared>> -> memref<64x128xf32, #tpu.memory_space<vmem_shared>>
    %dma_wait3A_68 = arith.constant 0 : i32
    %dma_wait3A_69 = tpu.memref_slice %arg11[%add3A_31, %dma_wait3A_68] : memref<5128x128xf32, #tpu.memory_space<vmem_shared>> -> memref<64x128xf32, #tpu.memory_space<vmem_shared>>
    %dma_wait3A_70 = arith.constant 0 : i32
    %dma_wait3A_71 = arith.constant 0 : i32
    %dma_wait3A_72 = tpu.memref_slice %arg8[%dma_wait3A_70, %dma_wait3A_71] : memref<128x128xf32, #tpu.memory_space<vmem>> -> memref<64x128xf32, #tpu.memory_space<vmem>>
    tpu.wait_dma2 semaphore(%arg14 : memref<!tpu.dma_semaphore, #tpu.memory_space<semaphore_mem>>) src(%dma_wait3A_72 : memref<64x128xf32, #tpu.memory_space<vmem>>) dst(%dma_wait3A_69 : memref<64x128xf32, #tpu.memory_space<vmem_shared>>)
    %barrier3A = arith.constant 0 : index
    tpu.barrier barrier_id(%barrier3A)
    %mul3A_73 = arith.constant 320 : i32
    %mul3A_74 = arith.muli %arg1, %mul3A_73 : i32
    %add3A_75 = arith.constant 0 : i32
    %add3A_76 = arith.addi %add3A_75, %mul3A_74 : i32
    %add3A_77 = arith.constant 0 : i32
    %add3A_78 = arith.addi %add3A_76, %add3A_77 : i32
    %dma_start3A_79 = arith.constant 0 : i32
    %dma_start3A_80 = arith.constant 0 : i32
    %dma_start3A_81 = tpu.memref_slice %arg8[%dma_start3A_79, %dma_start3A_80] : memref<128x128xf32, #tpu.memory_space<vmem>> -> memref<128x128xf32, #tpu.memory_space<vmem>>
    %dma_start3A_82 = arith.constant 0 : i32
    %dma_start3A_83 = tpu.memref_slice %arg2[%add3A_78, %dma_start3A_82] : memref<10240x128xf32, #tpu.memory_space<hbm>> -> memref<128x128xf32, #tpu.memory_space<hbm>>
    %dma_start3A_84 = arith.constant 0 : i32
    %dma_start3A_85 = arith.constant 0 : i32
    %dma_start3A_86 = tpu.memref_slice %arg8[%dma_start3A_84, %dma_start3A_85] : memref<128x128xf32, #tpu.memory_space<vmem>> -> memref<128x128xf32, #tpu.memory_space<vmem>>
    %dma_start3A_87 = arith.constant 0 : i32
    %dma_start3A_88 = tpu.memref_slice %arg2[%add3A_78, %dma_start3A_87] : memref<10240x128xf32, #tpu.memory_space<hbm>> -> memref<128x128xf32, #tpu.memory_space<hbm>>
    tpu.enqueue_dma source(%dma_start3A_88 : memref<128x128xf32, #tpu.memory_space<hbm>>) target(%dma_start3A_86 : memref<128x128xf32, #tpu.memory_space<vmem>>) target_semaphore(%arg12 : memref<!tpu.dma_semaphore, #tpu.memory_space<semaphore_mem>>)
    %add3A_89 = arith.constant 128 : i32
    %add3A_90 = arith.addi %add3A_76, %add3A_89 : i32
    %dma_start3A_91 = arith.constant 0 : i32
    %dma_start3A_92 = arith.constant 0 : i32
    %dma_start3A_93 = tpu.memref_slice %arg9[%dma_start3A_91, %dma_start3A_92] : memref<128x128xf32, #tpu.memory_space<vmem>> -> memref<128x128xf32, #tpu.memory_space<vmem>>
    %dma_start3A_94 = arith.constant 0 : i32
    %dma_start3A_95 = tpu.memref_slice %arg2[%add3A_90, %dma_start3A_94] : memref<10240x128xf32, #tpu.memory_space<hbm>> -> memref<128x128xf32, #tpu.memory_space<hbm>>
    %dma_start3A_96 = arith.constant 0 : i32
    %dma_start3A_97 = arith.constant 0 : i32
    %dma_start3A_98 = tpu.memref_slice %arg9[%dma_start3A_96, %dma_start3A_97] : memref<128x128xf32, #tpu.memory_space<vmem>> -> memref<128x128xf32, #tpu.memory_space<vmem>>
    %dma_start3A_99 = arith.constant 0 : i32
    %dma_start3A_100 = tpu.memref_slice %arg2[%add3A_90, %dma_start3A_99] : memref<10240x128xf32, #tpu.memory_space<hbm>> -> memref<128x128xf32, #tpu.memory_space<hbm>>
    tpu.enqueue_dma source(%dma_start3A_100 : memref<128x128xf32, #tpu.memory_space<hbm>>) target(%dma_start3A_98 : memref<128x128xf32, #tpu.memory_space<vmem>>) target_semaphore(%arg13 : memref<!tpu.dma_semaphore, #tpu.memory_space<semaphore_mem>>)
    %dma_wait3A_101 = arith.constant 0 : i32
    %dma_wait3A_102 = arith.constant 0 : i32
    %dma_wait3A_103 = tpu.memref_slice %arg8[%dma_wait3A_101, %dma_wait3A_102] : memref<128x128xf32, #tpu.memory_space<vmem>> -> memref<128x128xf32, #tpu.memory_space<vmem>>
    %dma_wait3A_104 = arith.constant 0 : i32
    %dma_wait3A_105 = tpu.memref_slice %arg2[%add3A_78, %dma_wait3A_104] : memref<10240x128xf32, #tpu.memory_space<hbm>> -> memref<128x128xf32, #tpu.memory_space<hbm>>
    %dma_wait3A_106 = arith.constant 0 : i32
    %dma_wait3A_107 = arith.constant 0 : i32
    %dma_wait3A_108 = tpu.memref_slice %arg8[%dma_wait3A_106, %dma_wait3A_107] : memref<128x128xf32, #tpu.memory_space<vmem>> -> memref<128x128xf32, #tpu.memory_space<vmem>>
    %dma_wait3A_109 = arith.constant 0 : i32
    %dma_wait3A_110 = tpu.memref_slice %arg2[%add3A_78, %dma_wait3A_109] : memref<10240x128xf32, #tpu.memory_space<hbm>> -> memref<128x128xf32, #tpu.memory_space<hbm>>
    tpu.wait_dma2 semaphore(%arg12 : memref<!tpu.dma_semaphore, #tpu.memory_space<semaphore_mem>>) src(%dma_wait3A_110 : memref<128x128xf32, #tpu.memory_space<hbm>>) dst(%dma_wait3A_108 : memref<128x128xf32, #tpu.memory_space<vmem>>)
    %mul3A_111 = arith.constant 320 : i32
    %mul3A_112 = arith.muli %arg1, %mul3A_111 : i32
    %add3A_113 = arith.constant 0 : i32
    %add3A_114 = arith.addi %mul3A_112, %add3A_113 : i32
    %dma_start3A_115 = arith.constant 0 : i32
    %dma_start3A_116 = arith.constant 0 : i32
    %dma_start3A_117 = tpu.memref_slice %arg8[%dma_start3A_115, %dma_start3A_116] : memref<128x128xf32, #tpu.memory_space<vmem>> -> memref<128x128xf32, #tpu.memory_space<vmem>>
    %dma_start3A_118 = arith.constant 0 : i32
    %dma_start3A_119 = tpu.memref_slice %arg10[%add3A_114, %dma_start3A_118] : memref<5120x128xf32, #tpu.memory_space<vmem_shared>> -> memref<128x128xf32, #tpu.memory_space<vmem_shared>>
    %dma_start3A_120 = arith.constant 0 : i32
    %dma_start3A_121 = tpu.memref_slice %arg10[%add3A_114, %dma_start3A_120] : memref<5120x128xf32, #tpu.memory_space<vmem_shared>> -> memref<128x128xf32, #tpu.memory_space<vmem_shared>>
    %dma_start3A_122 = arith.constant 0 : i32
    %dma_start3A_123 = arith.constant 0 : i32
    %dma_start3A_124 = tpu.memref_slice %arg8[%dma_start3A_122, %dma_start3A_123] : memref<128x128xf32, #tpu.memory_space<vmem>> -> memref<128x128xf32, #tpu.memory_space<vmem>>
    tpu.enqueue_dma source(%dma_start3A_124 : memref<128x128xf32, #tpu.memory_space<vmem>>) target(%dma_start3A_121 : memref<128x128xf32, #tpu.memory_space<vmem_shared>>) target_semaphore(%arg14 : memref<!tpu.dma_semaphore, #tpu.memory_space<semaphore_mem>>)
    %dma_wait3A_125 = arith.constant 0 : i32
    %dma_wait3A_126 = arith.constant 0 : i32
    %dma_wait3A_127 = tpu.memref_slice %arg9[%dma_wait3A_125, %dma_wait3A_126] : memref<128x128xf32, #tpu.memory_space<vmem>> -> memref<128x128xf32, #tpu.memory_space<vmem>>
    %dma_wait3A_128 = arith.constant 0 : i32
    %dma_wait3A_129 = tpu.memref_slice %arg2[%add3A_90, %dma_wait3A_128] : memref<10240x128xf32, #tpu.memory_space<hbm>> -> memref<128x128xf32, #tpu.memory_space<hbm>>
    %dma_wait3A_130 = arith.constant 0 : i32
    %dma_wait3A_131 = arith.constant 0 : i32
    %dma_wait3A_132 = tpu.memref_slice %arg9[%dma_wait3A_130, %dma_wait3A_131] : memref<128x128xf32, #tpu.memory_space<vmem>> -> memref<128x128xf32, #tpu.memory_space<vmem>>
    %dma_wait3A_133 = arith.constant 0 : i32
    %dma_wait3A_134 = tpu.memref_slice %arg2[%add3A_90, %dma_wait3A_133] : memref<10240x128xf32, #tpu.memory_space<hbm>> -> memref<128x128xf32, #tpu.memory_space<hbm>>
    tpu.wait_dma2 semaphore(%arg13 : memref<!tpu.dma_semaphore, #tpu.memory_space<semaphore_mem>>) src(%dma_wait3A_134 : memref<128x128xf32, #tpu.memory_space<hbm>>) dst(%dma_wait3A_132 : memref<128x128xf32, #tpu.memory_space<vmem>>)
    %mul3A_135 = arith.constant 320 : i32
    %mul3A_136 = arith.muli %arg1, %mul3A_135 : i32
    %add3A_137 = arith.constant 128 : i32
    %add3A_138 = arith.addi %mul3A_136, %add3A_137 : i32
    %dma_start3A_139 = arith.constant 0 : i32
    %dma_start3A_140 = arith.constant 0 : i32
    %dma_start3A_141 = tpu.memref_slice %arg9[%dma_start3A_139, %dma_start3A_140] : memref<128x128xf32, #tpu.memory_space<vmem>> -> memref<128x128xf32, #tpu.memory_space<vmem>>
    %dma_start3A_142 = arith.constant 0 : i32
    %dma_start3A_143 = tpu.memref_slice %arg10[%add3A_138, %dma_start3A_142] : memref<5120x128xf32, #tpu.memory_space<vmem_shared>> -> memref<128x128xf32, #tpu.memory_space<vmem_shared>>
    %dma_start3A_144 = arith.constant 0 : i32
    %dma_start3A_145 = tpu.memref_slice %arg10[%add3A_138, %dma_start3A_144] : memref<5120x128xf32, #tpu.memory_space<vmem_shared>> -> memref<128x128xf32, #tpu.memory_space<vmem_shared>>
    %dma_start3A_146 = arith.constant 0 : i32
    %dma_start3A_147 = arith.constant 0 : i32
    %dma_start3A_148 = tpu.memref_slice %arg9[%dma_start3A_146, %dma_start3A_147] : memref<128x128xf32, #tpu.memory_space<vmem>> -> memref<128x128xf32, #tpu.memory_space<vmem>>
    tpu.enqueue_dma source(%dma_start3A_148 : memref<128x128xf32, #tpu.memory_space<vmem>>) target(%dma_start3A_145 : memref<128x128xf32, #tpu.memory_space<vmem_shared>>) target_semaphore(%arg15 : memref<!tpu.dma_semaphore, #tpu.memory_space<semaphore_mem>>)
    %dma_wait3A_149 = arith.constant 0 : i32
    %dma_wait3A_150 = arith.constant 0 : i32
    %dma_wait3A_151 = tpu.memref_slice %arg8[%dma_wait3A_149, %dma_wait3A_150] : memref<128x128xf32, #tpu.memory_space<vmem>> -> memref<128x128xf32, #tpu.memory_space<vmem>>
    %dma_wait3A_152 = arith.constant 0 : i32
    %dma_wait3A_153 = tpu.memref_slice %arg10[%add3A_114, %dma_wait3A_152] : memref<5120x128xf32, #tpu.memory_space<vmem_shared>> -> memref<128x128xf32, #tpu.memory_space<vmem_shared>>
    %dma_wait3A_154 = arith.constant 0 : i32
    %dma_wait3A_155 = tpu.memref_slice %arg10[%add3A_114, %dma_wait3A_154] : memref<5120x128xf32, #tpu.memory_space<vmem_shared>> -> memref<128x128xf32, #tpu.memory_space<vmem_shared>>
    %dma_wait3A_156 = arith.constant 0 : i32
    %dma_wait3A_157 = arith.constant 0 : i32
    %dma_wait3A_158 = tpu.memref_slice %arg8[%dma_wait3A_156, %dma_wait3A_157] : memref<128x128xf32, #tpu.memory_space<vmem>> -> memref<128x128xf32, #tpu.memory_space<vmem>>
    tpu.wait_dma2 semaphore(%arg14 : memref<!tpu.dma_semaphore, #tpu.memory_space<semaphore_mem>>) src(%dma_wait3A_158 : memref<128x128xf32, #tpu.memory_space<vmem>>) dst(%dma_wait3A_155 : memref<128x128xf32, #tpu.memory_space<vmem_shared>>)
    %add3A_159 = arith.constant 256 : i32
    %add3A_160 = arith.addi %add3A_76, %add3A_159 : i32
    %dma_start3A_161 = arith.constant 0 : i32
    %dma_start3A_162 = arith.constant 0 : i32
    %dma_start3A_163 = tpu.memref_slice %arg8[%dma_start3A_161, %dma_start3A_162] : memref<128x128xf32, #tpu.memory_space<vmem>> -> memref<64x128xf32, #tpu.memory_space<vmem>>
    %dma_start3A_164 = arith.constant 0 : i32
    %dma_start3A_165 = tpu.memref_slice %arg2[%add3A_160, %dma_start3A_164] : memref<10240x128xf32, #tpu.memory_space<hbm>> -> memref<64x128xf32, #tpu.memory_space<hbm>>
    %dma_start3A_166 = arith.constant 0 : i32
    %dma_start3A_167 = arith.constant 0 : i32
    %dma_start3A_168 = tpu.memref_slice %arg8[%dma_start3A_166, %dma_start3A_167] : memref<128x128xf32, #tpu.memory_space<vmem>> -> memref<64x128xf32, #tpu.memory_space<vmem>>
    %dma_start3A_169 = arith.constant 0 : i32
    %dma_start3A_170 = tpu.memref_slice %arg2[%add3A_160, %dma_start3A_169] : memref<10240x128xf32, #tpu.memory_space<hbm>> -> memref<64x128xf32, #tpu.memory_space<hbm>>
    tpu.enqueue_dma source(%dma_start3A_170 : memref<64x128xf32, #tpu.memory_space<hbm>>) target(%dma_start3A_168 : memref<64x128xf32, #tpu.memory_space<vmem>>) target_semaphore(%arg12 : memref<!tpu.dma_semaphore, #tpu.memory_space<semaphore_mem>>)
    %dma_wait3A_171 = arith.constant 0 : i32
    %dma_wait3A_172 = arith.constant 0 : i32
    %dma_wait3A_173 = tpu.memref_slice %arg8[%dma_wait3A_171, %dma_wait3A_172] : memref<128x128xf32, #tpu.memory_space<vmem>> -> memref<64x128xf32, #tpu.memory_space<vmem>>
    %dma_wait3A_174 = arith.constant 0 : i32
    %dma_wait3A_175 = tpu.memref_slice %arg2[%add3A_160, %dma_wait3A_174] : memref<10240x128xf32, #tpu.memory_space<hbm>> -> memref<64x128xf32, #tpu.memory_space<hbm>>
    %dma_wait3A_176 = arith.constant 0 : i32
    %dma_wait3A_177 = arith.constant 0 : i32
    %dma_wait3A_178 = tpu.memref_slice %arg8[%dma_wait3A_176, %dma_wait3A_177] : memref<128x128xf32, #tpu.memory_space<vmem>> -> memref<64x128xf32, #tpu.memory_space<vmem>>
    %dma_wait3A_179 = arith.constant 0 : i32
    %dma_wait3A_180 = tpu.memref_slice %arg2[%add3A_160, %dma_wait3A_179] : memref<10240x128xf32, #tpu.memory_space<hbm>> -> memref<64x128xf32, #tpu.memory_space<hbm>>
    tpu.wait_dma2 semaphore(%arg12 : memref<!tpu.dma_semaphore, #tpu.memory_space<semaphore_mem>>) src(%dma_wait3A_180 : memref<64x128xf32, #tpu.memory_space<hbm>>) dst(%dma_wait3A_178 : memref<64x128xf32, #tpu.memory_space<vmem>>)
    %mul3A_181 = arith.constant 320 : i32
    %mul3A_182 = arith.muli %arg1, %mul3A_181 : i32
    %add3A_183 = arith.constant 256 : i32
    %add3A_184 = arith.addi %mul3A_182, %add3A_183 : i32
    %dma_start3A_185 = arith.constant 0 : i32
    %dma_start3A_186 = arith.constant 0 : i32
    %dma_start3A_187 = tpu.memref_slice %arg8[%dma_start3A_185, %dma_start3A_186] : memref<128x128xf32, #tpu.memory_space<vmem>> -> memref<64x128xf32, #tpu.memory_space<vmem>>
    %dma_start3A_188 = arith.constant 0 : i32
    %dma_start3A_189 = tpu.memref_slice %arg10[%add3A_184, %dma_start3A_188] : memref<5120x128xf32, #tpu.memory_space<vmem_shared>> -> memref<64x128xf32, #tpu.memory_space<vmem_shared>>
    %dma_start3A_190 = arith.constant 0 : i32
    %dma_start3A_191 = tpu.memref_slice %arg10[%add3A_184, %dma_start3A_190] : memref<5120x128xf32, #tpu.memory_space<vmem_shared>> -> memref<64x128xf32, #tpu.memory_space<vmem_shared>>
    %dma_start3A_192 = arith.constant 0 : i32
    %dma_start3A_193 = arith.constant 0 : i32
    %dma_start3A_194 = tpu.memref_slice %arg8[%dma_start3A_192, %dma_start3A_193] : memref<128x128xf32, #tpu.memory_space<vmem>> -> memref<64x128xf32, #tpu.memory_space<vmem>>
    tpu.enqueue_dma source(%dma_start3A_194 : memref<64x128xf32, #tpu.memory_space<vmem>>) target(%dma_start3A_191 : memref<64x128xf32, #tpu.memory_space<vmem_shared>>) target_semaphore(%arg14 : memref<!tpu.dma_semaphore, #tpu.memory_space<semaphore_mem>>)
    %dma_wait3A_195 = arith.constant 0 : i32
    %dma_wait3A_196 = arith.constant 0 : i32
    %dma_wait3A_197 = tpu.memref_slice %arg9[%dma_wait3A_195, %dma_wait3A_196] : memref<128x128xf32, #tpu.memory_space<vmem>> -> memref<128x128xf32, #tpu.memory_space<vmem>>
    %dma_wait3A_198 = arith.constant 0 : i32
    %dma_wait3A_199 = tpu.memref_slice %arg10[%add3A_138, %dma_wait3A_198] : memref<5120x128xf32, #tpu.memory_space<vmem_shared>> -> memref<128x128xf32, #tpu.memory_space<vmem_shared>>
    %dma_wait3A_200 = arith.constant 0 : i32
    %dma_wait3A_201 = tpu.memref_slice %arg10[%add3A_138, %dma_wait3A_200] : memref<5120x128xf32, #tpu.memory_space<vmem_shared>> -> memref<128x128xf32, #tpu.memory_space<vmem_shared>>
    %dma_wait3A_202 = arith.constant 0 : i32
    %dma_wait3A_203 = arith.constant 0 : i32
    %dma_wait3A_204 = tpu.memref_slice %arg9[%dma_wait3A_202, %dma_wait3A_203] : memref<128x128xf32, #tpu.memory_space<vmem>> -> memref<128x128xf32, #tpu.memory_space<vmem>>
    tpu.wait_dma2 semaphore(%arg15 : memref<!tpu.dma_semaphore, #tpu.memory_space<semaphore_mem>>) src(%dma_wait3A_204 : memref<128x128xf32, #tpu.memory_space<vmem>>) dst(%dma_wait3A_201 : memref<128x128xf32, #tpu.memory_space<vmem_shared>>)
    %dma_wait3A_205 = arith.constant 0 : i32
    %dma_wait3A_206 = arith.constant 0 : i32
    %dma_wait3A_207 = tpu.memref_slice %arg8[%dma_wait3A_205, %dma_wait3A_206] : memref<128x128xf32, #tpu.memory_space<vmem>> -> memref<64x128xf32, #tpu.memory_space<vmem>>
    %dma_wait3A_208 = arith.constant 0 : i32
    %dma_wait3A_209 = tpu.memref_slice %arg10[%add3A_184, %dma_wait3A_208] : memref<5120x128xf32, #tpu.memory_space<vmem_shared>> -> memref<64x128xf32, #tpu.memory_space<vmem_shared>>
    %dma_wait3A_210 = arith.constant 0 : i32
    %dma_wait3A_211 = tpu.memref_slice %arg10[%add3A_184, %dma_wait3A_210] : memref<5120x128xf32, #tpu.memory_space<vmem_shared>> -> memref<64x128xf32, #tpu.memory_space<vmem_shared>>
    %dma_wait3A_212 = arith.constant 0 : i32
    %dma_wait3A_213 = arith.constant 0 : i32
    %dma_wait3A_214 = tpu.memref_slice %arg8[%dma_wait3A_212, %dma_wait3A_213] : memref<128x128xf32, #tpu.memory_space<vmem>> -> memref<64x128xf32, #tpu.memory_space<vmem>>
    tpu.wait_dma2 semaphore(%arg14 : memref<!tpu.dma_semaphore, #tpu.memory_space<semaphore_mem>>) src(%dma_wait3A_214 : memref<64x128xf32, #tpu.memory_space<vmem>>) dst(%dma_wait3A_211 : memref<64x128xf32, #tpu.memory_space<vmem_shared>>)
    %barrier3A_215 = arith.constant 0 : index
    tpu.barrier barrier_id(%barrier3A_215)
    %mul3A_216 = arith.constant 8 : i32
    %mul3A_217 = arith.muli %add3A, %mul3A_216 : i32
    %add3A_218 = arith.constant 0 : i32
    %add3A_219 = arith.addi %mul3A_217, %add3A_218 : i32
    "tpu.region"() ({
      %run_scoped3A = tpu.sem_alloc : memref<!tpu.dma_semaphore, #tpu.memory_space<semaphore_mem>>
      %dma_start3A_1184 = arith.constant 0 : i32
      %dma_start3A_1185 = arith.constant 0 : i32
      %dma_start3A_1186 = tpu.memref_slice %arg3[%add3A_219, %dma_start3A_1184, %dma_start3A_1185] : memref<256x24x128xi32, #tpu.memory_space<hbm>> -> memref<1x24x128xi32, #tpu.memory_space<hbm>>
      %dma_start3A_1187 = tpu.memref_squeeze %dma_start3A_1186 : memref<1x24x128xi32, #tpu.memory_space<hbm>> -> memref<24x128xi32, #tpu.memory_space<hbm>>
      %dma_start3A_1188 = arith.constant 0 : i32
      %dma_start3A_1189 = arith.constant 0 : i32
      %dma_start3A_1190 = tpu.memref_slice %arg3[%add3A_219, %dma_start3A_1188, %dma_start3A_1189] : memref<256x24x128xi32, #tpu.memory_space<hbm>> -> memref<1x24x128xi32, #tpu.memory_space<hbm>>
      %dma_start3A_1191 = tpu.memref_squeeze %dma_start3A_1190 : memref<1x24x128xi32, #tpu.memory_space<hbm>> -> memref<24x128xi32, #tpu.memory_space<hbm>>
      tpu.enqueue_dma source(%dma_start3A_1191 : memref<24x128xi32, #tpu.memory_space<hbm>>) target(%arg6 : memref<24x128xi32, #tpu.memory_space<vmem>>) target_semaphore(%run_scoped3A : memref<!tpu.dma_semaphore, #tpu.memory_space<semaphore_mem>>)
      %dma_wait3A_1192 = arith.constant 0 : i32
      %dma_wait3A_1193 = arith.constant 0 : i32
      %dma_wait3A_1194 = tpu.memref_slice %arg3[%add3A_219, %dma_wait3A_1192, %dma_wait3A_1193] : memref<256x24x128xi32, #tpu.memory_space<hbm>> -> memref<1x24x128xi32, #tpu.memory_space<hbm>>
      %dma_wait3A_1195 = tpu.memref_squeeze %dma_wait3A_1194 : memref<1x24x128xi32, #tpu.memory_space<hbm>> -> memref<24x128xi32, #tpu.memory_space<hbm>>
      %dma_wait3A_1196 = arith.constant 0 : i32
      %dma_wait3A_1197 = arith.constant 0 : i32
      %dma_wait3A_1198 = tpu.memref_slice %arg3[%add3A_219, %dma_wait3A_1196, %dma_wait3A_1197] : memref<256x24x128xi32, #tpu.memory_space<hbm>> -> memref<1x24x128xi32, #tpu.memory_space<hbm>>
      %dma_wait3A_1199 = tpu.memref_squeeze %dma_wait3A_1198 : memref<1x24x128xi32, #tpu.memory_space<hbm>> -> memref<24x128xi32, #tpu.memory_space<hbm>>
      tpu.wait_dma2 semaphore(%run_scoped3A : memref<!tpu.dma_semaphore, #tpu.memory_space<semaphore_mem>>) src(%dma_wait3A_1199 : memref<24x128xi32, #tpu.memory_space<hbm>>) dst(%arg6 : memref<24x128xi32, #tpu.memory_space<vmem>>)
      tpu.yield
    }) : () -> ()
    %mul3A_220 = arith.constant 8 : i32
    %mul3A_221 = arith.muli %add3A, %mul3A_220 : i32
    %add3A_222 = arith.constant 0 : i32
    %add3A_223 = arith.addi %mul3A_221, %add3A_222 : i32
    %add3A_224 = arith.constant 1 : i32
    %add3A_225 = arith.addi %add3A_223, %add3A_224 : i32
    "tpu.region"() ({
      %run_scoped3A = tpu.sem_alloc : memref<!tpu.dma_semaphore, #tpu.memory_space<semaphore_mem>>
      %dma_start3A_1184 = arith.constant 0 : i32
      %dma_start3A_1185 = arith.constant 0 : i32
      %dma_start3A_1186 = tpu.memref_slice %arg3[%add3A_225, %dma_start3A_1184, %dma_start3A_1185] : memref<256x24x128xi32, #tpu.memory_space<hbm>> -> memref<1x24x128xi32, #tpu.memory_space<hbm>>
      %dma_start3A_1187 = tpu.memref_squeeze %dma_start3A_1186 : memref<1x24x128xi32, #tpu.memory_space<hbm>> -> memref<24x128xi32, #tpu.memory_space<hbm>>
      %dma_start3A_1188 = arith.constant 0 : i32
      %dma_start3A_1189 = arith.constant 0 : i32
      %dma_start3A_1190 = tpu.memref_slice %arg3[%add3A_225, %dma_start3A_1188, %dma_start3A_1189] : memref<256x24x128xi32, #tpu.memory_space<hbm>> -> memref<1x24x128xi32, #tpu.memory_space<hbm>>
      %dma_start3A_1191 = tpu.memref_squeeze %dma_start3A_1190 : memref<1x24x128xi32, #tpu.memory_space<hbm>> -> memref<24x128xi32, #tpu.memory_space<hbm>>
      tpu.enqueue_dma source(%dma_start3A_1191 : memref<24x128xi32, #tpu.memory_space<hbm>>) target(%arg7 : memref<24x128xi32, #tpu.memory_space<vmem>>) target_semaphore(%run_scoped3A : memref<!tpu.dma_semaphore, #tpu.memory_space<semaphore_mem>>)
      %dma_wait3A_1192 = arith.constant 0 : i32
      %dma_wait3A_1193 = arith.constant 0 : i32
      %dma_wait3A_1194 = tpu.memref_slice %arg3[%add3A_225, %dma_wait3A_1192, %dma_wait3A_1193] : memref<256x24x128xi32, #tpu.memory_space<hbm>> -> memref<1x24x128xi32, #tpu.memory_space<hbm>>
      %dma_wait3A_1195 = tpu.memref_squeeze %dma_wait3A_1194 : memref<1x24x128xi32, #tpu.memory_space<hbm>> -> memref<24x128xi32, #tpu.memory_space<hbm>>
      %dma_wait3A_1196 = arith.constant 0 : i32
      %dma_wait3A_1197 = arith.constant 0 : i32
      %dma_wait3A_1198 = tpu.memref_slice %arg3[%add3A_225, %dma_wait3A_1196, %dma_wait3A_1197] : memref<256x24x128xi32, #tpu.memory_space<hbm>> -> memref<1x24x128xi32, #tpu.memory_space<hbm>>
      %dma_wait3A_1199 = tpu.memref_squeeze %dma_wait3A_1198 : memref<1x24x128xi32, #tpu.memory_space<hbm>> -> memref<24x128xi32, #tpu.memory_space<hbm>>
      tpu.wait_dma2 semaphore(%run_scoped3A : memref<!tpu.dma_semaphore, #tpu.memory_space<semaphore_mem>>) src(%dma_wait3A_1199 : memref<24x128xi32, #tpu.memory_space<hbm>>) dst(%arg7 : memref<24x128xi32, #tpu.memory_space<vmem>>)
      tpu.yield
    }) : () -> ()
    %dma_start3A_226 = arith.constant 0 : i32
    %dma_start3A_227 = arith.constant 0 : i32
    %dma_start3A_228 = tpu.memref_slice %arg6[%dma_start3A_226, %dma_start3A_227] : memref<24x128xi32, #tpu.memory_space<vmem>> -> memref<1x128xi32, #tpu.memory_space<vmem>>
    %dma_start3A_229 = tpu.memref_squeeze %dma_start3A_228 : memref<1x128xi32, #tpu.memory_space<vmem>> -> memref<128xi32, #tpu.memory_space<vmem>>
    %dma_start3A_230 = arith.constant 0 : i32
    %dma_start3A_231 = arith.constant 0 : i32
    %dma_start3A_232 = tpu.memref_slice %arg10[%dma_start3A_230, %dma_start3A_231] : memref<5120x128xf32, #tpu.memory_space<vmem_shared>> -> memref<5120x128xf32, #tpu.memory_space<vmem_shared>>
    tpu.enqueue_indirect_dma source(%dma_start3A_232 : memref<5120x128xf32, #tpu.memory_space<vmem_shared>>) target(%arg8 : memref<128x128xf32, #tpu.memory_space<vmem>>) offsets(%dma_start3A_229 : memref<128xi32, #tpu.memory_space<vmem>>) semaphore(%arg12 : memref<!tpu.dma_semaphore, #tpu.memory_space<semaphore_mem>>)
    %dma_start3A_233 = arith.constant 1 : i32
    %dma_start3A_234 = arith.constant 0 : i32
    %dma_start3A_235 = tpu.memref_slice %arg6[%dma_start3A_233, %dma_start3A_234] : memref<24x128xi32, #tpu.memory_space<vmem>> -> memref<1x128xi32, #tpu.memory_space<vmem>>
    %dma_start3A_236 = tpu.memref_squeeze %dma_start3A_235 : memref<1x128xi32, #tpu.memory_space<vmem>> -> memref<128xi32, #tpu.memory_space<vmem>>
    %dma_start3A_237 = arith.constant 0 : i32
    %dma_start3A_238 = arith.constant 0 : i32
    %dma_start3A_239 = tpu.memref_slice %arg10[%dma_start3A_237, %dma_start3A_238] : memref<5120x128xf32, #tpu.memory_space<vmem_shared>> -> memref<5120x128xf32, #tpu.memory_space<vmem_shared>>
    tpu.enqueue_indirect_dma source(%dma_start3A_239 : memref<5120x128xf32, #tpu.memory_space<vmem_shared>>) target(%arg9 : memref<128x128xf32, #tpu.memory_space<vmem>>) offsets(%dma_start3A_236 : memref<128xi32, #tpu.memory_space<vmem>>) semaphore(%arg13 : memref<!tpu.dma_semaphore, #tpu.memory_space<semaphore_mem>>)
    %scan3A = arith.constant 0 : i32
    %scan3A_240 = arith.constant 0 : i32
    %scan3A_241 = arith.constant 12 : i32
    %scan3A_242 = arith.addi %scan3A_240, %scan3A_241 : i32
    %scan3A_243 = arith.constant 1 : i32
    scf.for %scan3A_1184 = %scan3A_240 to %scan3A_242 step %scan3A_243  : i32 {
      %mul3A_1185 = arith.constant 2 : i32
      %mul3A_1186 = arith.muli %mul3A_1185, %scan3A_1184 : i32
      %dma_wait3A_1187 = arith.constant 0 : i32
      %dma_wait3A_1188 = tpu.memref_slice %arg6[%mul3A_1186, %dma_wait3A_1187] : memref<24x128xi32, #tpu.memory_space<vmem>> -> memref<1x128xi32, #tpu.memory_space<vmem>>
      %dma_wait3A_1189 = tpu.memref_squeeze %dma_wait3A_1188 : memref<1x128xi32, #tpu.memory_space<vmem>> -> memref<128xi32, #tpu.memory_space<vmem>>
      %dma_wait3A_1190 = arith.constant 0 : i32
      %dma_wait3A_1191 = arith.constant 0 : i32
      %dma_wait3A_1192 = tpu.memref_slice %arg10[%dma_wait3A_1190, %dma_wait3A_1191] : memref<5120x128xf32, #tpu.memory_space<vmem_shared>> -> memref<5120x128xf32, #tpu.memory_space<vmem_shared>>
      tpu.wait_indirect_dma semaphore(%arg12 : memref<!tpu.dma_semaphore, #tpu.memory_space<semaphore_mem>>) src(%dma_wait3A_1192 : memref<5120x128xf32, #tpu.memory_space<vmem_shared>>) dst(%arg8 : memref<128x128xf32, #tpu.memory_space<vmem>>)
      "tpu.region"() ({
        %run_scoped3A = tpu.sem_alloc : memref<!tpu.dma_semaphore, #tpu.memory_space<semaphore_mem>>
        %dma_start3A_1216 = arith.constant 0 : i32
        %dma_start3A_1217 = tpu.memref_slice %arg7[%mul3A_1186, %dma_start3A_1216] : memref<24x128xi32, #tpu.memory_space<vmem>> -> memref<1x128xi32, #tpu.memory_space<vmem>>
        %dma_start3A_1218 = tpu.memref_squeeze %dma_start3A_1217 : memref<1x128xi32, #tpu.memory_space<vmem>> -> memref<128xi32, #tpu.memory_space<vmem>>
        %dma_start3A_1219 = arith.constant 0 : i32
        %dma_start3A_1220 = arith.constant 0 : i32
        %dma_start3A_1221 = tpu.memref_slice %arg11[%dma_start3A_1219, %dma_start3A_1220] : memref<5128x128xf32, #tpu.memory_space<vmem_shared>> -> memref<5128x128xf32, #tpu.memory_space<vmem_shared>>
        tpu.enqueue_indirect_dma source(%arg8 : memref<128x128xf32, #tpu.memory_space<vmem>>) target(%dma_start3A_1221 : memref<5128x128xf32, #tpu.memory_space<vmem_shared>>) offsets(%dma_start3A_1218 : memref<128xi32, #tpu.memory_space<vmem>>) semaphore(%run_scoped3A : memref<!tpu.dma_semaphore, #tpu.memory_space<semaphore_mem>>) {add = true}
        %dma_wait3A_1222 = arith.constant 0 : i32
        %dma_wait3A_1223 = tpu.memref_slice %arg7[%mul3A_1186, %dma_wait3A_1222] : memref<24x128xi32, #tpu.memory_space<vmem>> -> memref<1x128xi32, #tpu.memory_space<vmem>>
        %dma_wait3A_1224 = tpu.memref_squeeze %dma_wait3A_1223 : memref<1x128xi32, #tpu.memory_space<vmem>> -> memref<128xi32, #tpu.memory_space<vmem>>
        %dma_wait3A_1225 = arith.constant 0 : i32
        %dma_wait3A_1226 = arith.constant 0 : i32
        %dma_wait3A_1227 = tpu.memref_slice %arg11[%dma_wait3A_1225, %dma_wait3A_1226] : memref<5128x128xf32, #tpu.memory_space<vmem_shared>> -> memref<5128x128xf32, #tpu.memory_space<vmem_shared>>
        tpu.wait_indirect_dma semaphore(%run_scoped3A : memref<!tpu.dma_semaphore, #tpu.memory_space<semaphore_mem>>) src(%arg8 : memref<128x128xf32, #tpu.memory_space<vmem>>) dst(%dma_wait3A_1227 : memref<5128x128xf32, #tpu.memory_space<vmem_shared>>)
        tpu.yield
      }) : () -> ()
      %add3A_1193 = arith.constant 1 : i32
      %add3A_1194 = arith.addi %scan3A_1184, %add3A_1193 : i32
      %lt3A = arith.constant 12 : i32
      %lt3A_1195 = arith.cmpi slt, %add3A_1194, %lt3A : i32
      %convert_element_type3A_1196 = arith.extui %lt3A_1195 : i1 to i32
      %cond3A_1197 = arith.constant 0 : i32
      %cond3A_1198 = arith.cmpi ne, %convert_element_type3A_1196, %cond3A_1197 : i32
      scf.if %cond3A_1198 {
        %add3A_1216 = arith.constant 2 : i32
        %add3A_1217 = arith.addi %mul3A_1186, %add3A_1216 : i32
        %dma_start3A_1218 = arith.constant 0 : i32
        %dma_start3A_1219 = tpu.memref_slice %arg6[%add3A_1217, %dma_start3A_1218] : memref<24x128xi32, #tpu.memory_space<vmem>> -> memref<1x128xi32, #tpu.memory_space<vmem>>
        %dma_start3A_1220 = tpu.memref_squeeze %dma_start3A_1219 : memref<1x128xi32, #tpu.memory_space<vmem>> -> memref<128xi32, #tpu.memory_space<vmem>>
        %dma_start3A_1221 = arith.constant 0 : i32
        %dma_start3A_1222 = arith.constant 0 : i32
        %dma_start3A_1223 = tpu.memref_slice %arg10[%dma_start3A_1221, %dma_start3A_1222] : memref<5120x128xf32, #tpu.memory_space<vmem_shared>> -> memref<5120x128xf32, #tpu.memory_space<vmem_shared>>
        tpu.enqueue_indirect_dma source(%dma_start3A_1223 : memref<5120x128xf32, #tpu.memory_space<vmem_shared>>) target(%arg8 : memref<128x128xf32, #tpu.memory_space<vmem>>) offsets(%dma_start3A_1220 : memref<128xi32, #tpu.memory_space<vmem>>) semaphore(%arg12 : memref<!tpu.dma_semaphore, #tpu.memory_space<semaphore_mem>>)
      } else {
      }
      %add3A_1199 = arith.constant 1 : i32
      %add3A_1200 = arith.addi %mul3A_1186, %add3A_1199 : i32
      %dma_wait3A_1201 = arith.constant 0 : i32
      %dma_wait3A_1202 = tpu.memref_slice %arg6[%add3A_1200, %dma_wait3A_1201] : memref<24x128xi32, #tpu.memory_space<vmem>> -> memref<1x128xi32, #tpu.memory_space<vmem>>
      %dma_wait3A_1203 = tpu.memref_squeeze %dma_wait3A_1202 : memref<1x128xi32, #tpu.memory_space<vmem>> -> memref<128xi32, #tpu.memory_space<vmem>>
      %dma_wait3A_1204 = arith.constant 0 : i32
      %dma_wait3A_1205 = arith.constant 0 : i32
      %dma_wait3A_1206 = tpu.memref_slice %arg10[%dma_wait3A_1204, %dma_wait3A_1205] : memref<5120x128xf32, #tpu.memory_space<vmem_shared>> -> memref<5120x128xf32, #tpu.memory_space<vmem_shared>>
      tpu.wait_indirect_dma semaphore(%arg13 : memref<!tpu.dma_semaphore, #tpu.memory_space<semaphore_mem>>) src(%dma_wait3A_1206 : memref<5120x128xf32, #tpu.memory_space<vmem_shared>>) dst(%arg9 : memref<128x128xf32, #tpu.memory_space<vmem>>)
      %add3A_1207 = arith.constant 1 : i32
      %add3A_1208 = arith.addi %mul3A_1186, %add3A_1207 : i32
      "tpu.region"() ({
        %run_scoped3A = tpu.sem_alloc : memref<!tpu.dma_semaphore, #tpu.memory_space<semaphore_mem>>
        %dma_start3A_1216 = arith.constant 0 : i32
        %dma_start3A_1217 = tpu.memref_slice %arg7[%add3A_1208, %dma_start3A_1216] : memref<24x128xi32, #tpu.memory_space<vmem>> -> memref<1x128xi32, #tpu.memory_space<vmem>>
        %dma_start3A_1218 = tpu.memref_squeeze %dma_start3A_1217 : memref<1x128xi32, #tpu.memory_space<vmem>> -> memref<128xi32, #tpu.memory_space<vmem>>
        %dma_start3A_1219 = arith.constant 0 : i32
        %dma_start3A_1220 = arith.constant 0 : i32
        %dma_start3A_1221 = tpu.memref_slice %arg11[%dma_start3A_1219, %dma_start3A_1220] : memref<5128x128xf32, #tpu.memory_space<vmem_shared>> -> memref<5128x128xf32, #tpu.memory_space<vmem_shared>>
        tpu.enqueue_indirect_dma source(%arg9 : memref<128x128xf32, #tpu.memory_space<vmem>>) target(%dma_start3A_1221 : memref<5128x128xf32, #tpu.memory_space<vmem_shared>>) offsets(%dma_start3A_1218 : memref<128xi32, #tpu.memory_space<vmem>>) semaphore(%run_scoped3A : memref<!tpu.dma_semaphore, #tpu.memory_space<semaphore_mem>>) {add = true}
        %dma_wait3A_1222 = arith.constant 0 : i32
        %dma_wait3A_1223 = tpu.memref_slice %arg7[%add3A_1208, %dma_wait3A_1222] : memref<24x128xi32, #tpu.memory_space<vmem>> -> memref<1x128xi32, #tpu.memory_space<vmem>>
        %dma_wait3A_1224 = tpu.memref_squeeze %dma_wait3A_1223 : memref<1x128xi32, #tpu.memory_space<vmem>> -> memref<128xi32, #tpu.memory_space<vmem>>
        %dma_wait3A_1225 = arith.constant 0 : i32
        %dma_wait3A_1226 = arith.constant 0 : i32
        %dma_wait3A_1227 = tpu.memref_slice %arg11[%dma_wait3A_1225, %dma_wait3A_1226] : memref<5128x128xf32, #tpu.memory_space<vmem_shared>> -> memref<5128x128xf32, #tpu.memory_space<vmem_shared>>
        tpu.wait_indirect_dma semaphore(%run_scoped3A : memref<!tpu.dma_semaphore, #tpu.memory_space<semaphore_mem>>) src(%arg9 : memref<128x128xf32, #tpu.memory_space<vmem>>) dst(%dma_wait3A_1227 : memref<5128x128xf32, #tpu.memory_space<vmem_shared>>)
        tpu.yield
      }) : () -> ()
      %add3A_1209 = arith.constant 1 : i32
      %add3A_1210 = arith.addi %scan3A_1184, %add3A_1209 : i32
      %lt3A_1211 = arith.constant 12 : i32
      %lt3A_1212 = arith.cmpi slt, %add3A_1210, %lt3A_1211 : i32
      %convert_element_type3A_1213 = arith.extui %lt3A_1212 : i1 to i32
      %cond3A_1214 = arith.constant 0 : i32
      %cond3A_1215 = arith.cmpi ne, %convert_element_type3A_1213, %cond3A_1214 : i32
      scf.if %cond3A_1215 {
        %add3A_1216 = arith.constant 3 : i32
        %add3A_1217 = arith.addi %mul3A_1186, %add3A_1216 : i32
        %dma_start3A_1218 = arith.constant 0 : i32
        %dma_start3A_1219 = tpu.memref_slice %arg6[%add3A_1217, %dma_start3A_1218] : memref<24x128xi32, #tpu.memory_space<vmem>> -> memref<1x128xi32, #tpu.memory_space<vmem>>
        %dma_start3A_1220 = tpu.memref_squeeze %dma_start3A_1219 : memref<1x128xi32, #tpu.memory_space<vmem>> -> memref<128xi32, #tpu.memory_space<vmem>>
        %dma_start3A_1221 = arith.constant 0 : i32
        %dma_start3A_1222 = arith.constant 0 : i32
        %dma_start3A_1223 = tpu.memref_slice %arg10[%dma_start3A_1221, %dma_start3A_1222] : memref<5120x128xf32, #tpu.memory_space<vmem_shared>> -> memref<5120x128xf32, #tpu.memory_space<vmem_shared>>
        tpu.enqueue_indirect_dma source(%dma_start3A_1223 : memref<5120x128xf32, #tpu.memory_space<vmem_shared>>) target(%arg9 : memref<128x128xf32, #tpu.memory_space<vmem>>) offsets(%dma_start3A_1220 : memref<128xi32, #tpu.memory_space<vmem>>) semaphore(%arg13 : memref<!tpu.dma_semaphore, #tpu.memory_space<semaphore_mem>>)
      } else {
      }
    }
    %scan3A_244 = arith.constant 12 : i32
    %barrier3A_245 = arith.constant 0 : index
    tpu.barrier barrier_id(%barrier3A_245)
    %mul3A_246 = arith.constant 320 : i32
    %mul3A_247 = arith.muli %arg1, %mul3A_246 : i32
    %add3A_248 = arith.constant 5120 : i32
    %add3A_249 = arith.addi %add3A_248, %mul3A_247 : i32
    %add3A_250 = arith.constant 0 : i32
    %add3A_251 = arith.addi %add3A_249, %add3A_250 : i32
    %dma_start3A_252 = arith.constant 0 : i32
    %dma_start3A_253 = arith.constant 0 : i32
    %dma_start3A_254 = tpu.memref_slice %arg8[%dma_start3A_252, %dma_start3A_253] : memref<128x128xf32, #tpu.memory_space<vmem>> -> memref<128x128xf32, #tpu.memory_space<vmem>>
    %dma_start3A_255 = arith.constant 0 : i32
    %dma_start3A_256 = tpu.memref_slice %arg2[%add3A_251, %dma_start3A_255] : memref<10240x128xf32, #tpu.memory_space<hbm>> -> memref<128x128xf32, #tpu.memory_space<hbm>>
    %dma_start3A_257 = arith.constant 0 : i32
    %dma_start3A_258 = arith.constant 0 : i32
    %dma_start3A_259 = tpu.memref_slice %arg8[%dma_start3A_257, %dma_start3A_258] : memref<128x128xf32, #tpu.memory_space<vmem>> -> memref<128x128xf32, #tpu.memory_space<vmem>>
    %dma_start3A_260 = arith.constant 0 : i32
    %dma_start3A_261 = tpu.memref_slice %arg2[%add3A_251, %dma_start3A_260] : memref<10240x128xf32, #tpu.memory_space<hbm>> -> memref<128x128xf32, #tpu.memory_space<hbm>>
    tpu.enqueue_dma source(%dma_start3A_261 : memref<128x128xf32, #tpu.memory_space<hbm>>) target(%dma_start3A_259 : memref<128x128xf32, #tpu.memory_space<vmem>>) target_semaphore(%arg12 : memref<!tpu.dma_semaphore, #tpu.memory_space<semaphore_mem>>)
    %add3A_262 = arith.constant 128 : i32
    %add3A_263 = arith.addi %add3A_249, %add3A_262 : i32
    %dma_start3A_264 = arith.constant 0 : i32
    %dma_start3A_265 = arith.constant 0 : i32
    %dma_start3A_266 = tpu.memref_slice %arg9[%dma_start3A_264, %dma_start3A_265] : memref<128x128xf32, #tpu.memory_space<vmem>> -> memref<128x128xf32, #tpu.memory_space<vmem>>
    %dma_start3A_267 = arith.constant 0 : i32
    %dma_start3A_268 = tpu.memref_slice %arg2[%add3A_263, %dma_start3A_267] : memref<10240x128xf32, #tpu.memory_space<hbm>> -> memref<128x128xf32, #tpu.memory_space<hbm>>
    %dma_start3A_269 = arith.constant 0 : i32
    %dma_start3A_270 = arith.constant 0 : i32
    %dma_start3A_271 = tpu.memref_slice %arg9[%dma_start3A_269, %dma_start3A_270] : memref<128x128xf32, #tpu.memory_space<vmem>> -> memref<128x128xf32, #tpu.memory_space<vmem>>
    %dma_start3A_272 = arith.constant 0 : i32
    %dma_start3A_273 = tpu.memref_slice %arg2[%add3A_263, %dma_start3A_272] : memref<10240x128xf32, #tpu.memory_space<hbm>> -> memref<128x128xf32, #tpu.memory_space<hbm>>
    tpu.enqueue_dma source(%dma_start3A_273 : memref<128x128xf32, #tpu.memory_space<hbm>>) target(%dma_start3A_271 : memref<128x128xf32, #tpu.memory_space<vmem>>) target_semaphore(%arg13 : memref<!tpu.dma_semaphore, #tpu.memory_space<semaphore_mem>>)
    %dma_wait3A_274 = arith.constant 0 : i32
    %dma_wait3A_275 = arith.constant 0 : i32
    %dma_wait3A_276 = tpu.memref_slice %arg8[%dma_wait3A_274, %dma_wait3A_275] : memref<128x128xf32, #tpu.memory_space<vmem>> -> memref<128x128xf32, #tpu.memory_space<vmem>>
    %dma_wait3A_277 = arith.constant 0 : i32
    %dma_wait3A_278 = tpu.memref_slice %arg2[%add3A_251, %dma_wait3A_277] : memref<10240x128xf32, #tpu.memory_space<hbm>> -> memref<128x128xf32, #tpu.memory_space<hbm>>
    %dma_wait3A_279 = arith.constant 0 : i32
    %dma_wait3A_280 = arith.constant 0 : i32
    %dma_wait3A_281 = tpu.memref_slice %arg8[%dma_wait3A_279, %dma_wait3A_280] : memref<128x128xf32, #tpu.memory_space<vmem>> -> memref<128x128xf32, #tpu.memory_space<vmem>>
    %dma_wait3A_282 = arith.constant 0 : i32
    %dma_wait3A_283 = tpu.memref_slice %arg2[%add3A_251, %dma_wait3A_282] : memref<10240x128xf32, #tpu.memory_space<hbm>> -> memref<128x128xf32, #tpu.memory_space<hbm>>
    tpu.wait_dma2 semaphore(%arg12 : memref<!tpu.dma_semaphore, #tpu.memory_space<semaphore_mem>>) src(%dma_wait3A_283 : memref<128x128xf32, #tpu.memory_space<hbm>>) dst(%dma_wait3A_281 : memref<128x128xf32, #tpu.memory_space<vmem>>)
    %mul3A_284 = arith.constant 320 : i32
    %mul3A_285 = arith.muli %arg1, %mul3A_284 : i32
    %add3A_286 = arith.constant 0 : i32
    %add3A_287 = arith.addi %mul3A_285, %add3A_286 : i32
    %dma_start3A_288 = arith.constant 0 : i32
    %dma_start3A_289 = arith.constant 0 : i32
    %dma_start3A_290 = tpu.memref_slice %arg8[%dma_start3A_288, %dma_start3A_289] : memref<128x128xf32, #tpu.memory_space<vmem>> -> memref<128x128xf32, #tpu.memory_space<vmem>>
    %dma_start3A_291 = arith.constant 0 : i32
    %dma_start3A_292 = tpu.memref_slice %arg10[%add3A_287, %dma_start3A_291] : memref<5120x128xf32, #tpu.memory_space<vmem_shared>> -> memref<128x128xf32, #tpu.memory_space<vmem_shared>>
    %dma_start3A_293 = arith.constant 0 : i32
    %dma_start3A_294 = tpu.memref_slice %arg10[%add3A_287, %dma_start3A_293] : memref<5120x128xf32, #tpu.memory_space<vmem_shared>> -> memref<128x128xf32, #tpu.memory_space<vmem_shared>>
    %dma_start3A_295 = arith.constant 0 : i32
    %dma_start3A_296 = arith.constant 0 : i32
    %dma_start3A_297 = tpu.memref_slice %arg8[%dma_start3A_295, %dma_start3A_296] : memref<128x128xf32, #tpu.memory_space<vmem>> -> memref<128x128xf32, #tpu.memory_space<vmem>>
    tpu.enqueue_dma source(%dma_start3A_297 : memref<128x128xf32, #tpu.memory_space<vmem>>) target(%dma_start3A_294 : memref<128x128xf32, #tpu.memory_space<vmem_shared>>) target_semaphore(%arg14 : memref<!tpu.dma_semaphore, #tpu.memory_space<semaphore_mem>>)
    %dma_wait3A_298 = arith.constant 0 : i32
    %dma_wait3A_299 = arith.constant 0 : i32
    %dma_wait3A_300 = tpu.memref_slice %arg9[%dma_wait3A_298, %dma_wait3A_299] : memref<128x128xf32, #tpu.memory_space<vmem>> -> memref<128x128xf32, #tpu.memory_space<vmem>>
    %dma_wait3A_301 = arith.constant 0 : i32
    %dma_wait3A_302 = tpu.memref_slice %arg2[%add3A_263, %dma_wait3A_301] : memref<10240x128xf32, #tpu.memory_space<hbm>> -> memref<128x128xf32, #tpu.memory_space<hbm>>
    %dma_wait3A_303 = arith.constant 0 : i32
    %dma_wait3A_304 = arith.constant 0 : i32
    %dma_wait3A_305 = tpu.memref_slice %arg9[%dma_wait3A_303, %dma_wait3A_304] : memref<128x128xf32, #tpu.memory_space<vmem>> -> memref<128x128xf32, #tpu.memory_space<vmem>>
    %dma_wait3A_306 = arith.constant 0 : i32
    %dma_wait3A_307 = tpu.memref_slice %arg2[%add3A_263, %dma_wait3A_306] : memref<10240x128xf32, #tpu.memory_space<hbm>> -> memref<128x128xf32, #tpu.memory_space<hbm>>
    tpu.wait_dma2 semaphore(%arg13 : memref<!tpu.dma_semaphore, #tpu.memory_space<semaphore_mem>>) src(%dma_wait3A_307 : memref<128x128xf32, #tpu.memory_space<hbm>>) dst(%dma_wait3A_305 : memref<128x128xf32, #tpu.memory_space<vmem>>)
    %mul3A_308 = arith.constant 320 : i32
    %mul3A_309 = arith.muli %arg1, %mul3A_308 : i32
    %add3A_310 = arith.constant 128 : i32
    %add3A_311 = arith.addi %mul3A_309, %add3A_310 : i32
    %dma_start3A_312 = arith.constant 0 : i32
    %dma_start3A_313 = arith.constant 0 : i32
    %dma_start3A_314 = tpu.memref_slice %arg9[%dma_start3A_312, %dma_start3A_313] : memref<128x128xf32, #tpu.memory_space<vmem>> -> memref<128x128xf32, #tpu.memory_space<vmem>>
    %dma_start3A_315 = arith.constant 0 : i32
    %dma_start3A_316 = tpu.memref_slice %arg10[%add3A_311, %dma_start3A_315] : memref<5120x128xf32, #tpu.memory_space<vmem_shared>> -> memref<128x128xf32, #tpu.memory_space<vmem_shared>>
    %dma_start3A_317 = arith.constant 0 : i32
    %dma_start3A_318 = tpu.memref_slice %arg10[%add3A_311, %dma_start3A_317] : memref<5120x128xf32, #tpu.memory_space<vmem_shared>> -> memref<128x128xf32, #tpu.memory_space<vmem_shared>>
    %dma_start3A_319 = arith.constant 0 : i32
    %dma_start3A_320 = arith.constant 0 : i32
    %dma_start3A_321 = tpu.memref_slice %arg9[%dma_start3A_319, %dma_start3A_320] : memref<128x128xf32, #tpu.memory_space<vmem>> -> memref<128x128xf32, #tpu.memory_space<vmem>>
    tpu.enqueue_dma source(%dma_start3A_321 : memref<128x128xf32, #tpu.memory_space<vmem>>) target(%dma_start3A_318 : memref<128x128xf32, #tpu.memory_space<vmem_shared>>) target_semaphore(%arg15 : memref<!tpu.dma_semaphore, #tpu.memory_space<semaphore_mem>>)
    %dma_wait3A_322 = arith.constant 0 : i32
    %dma_wait3A_323 = arith.constant 0 : i32
    %dma_wait3A_324 = tpu.memref_slice %arg8[%dma_wait3A_322, %dma_wait3A_323] : memref<128x128xf32, #tpu.memory_space<vmem>> -> memref<128x128xf32, #tpu.memory_space<vmem>>
    %dma_wait3A_325 = arith.constant 0 : i32
    %dma_wait3A_326 = tpu.memref_slice %arg10[%add3A_287, %dma_wait3A_325] : memref<5120x128xf32, #tpu.memory_space<vmem_shared>> -> memref<128x128xf32, #tpu.memory_space<vmem_shared>>
    %dma_wait3A_327 = arith.constant 0 : i32
    %dma_wait3A_328 = tpu.memref_slice %arg10[%add3A_287, %dma_wait3A_327] : memref<5120x128xf32, #tpu.memory_space<vmem_shared>> -> memref<128x128xf32, #tpu.memory_space<vmem_shared>>
    %dma_wait3A_329 = arith.constant 0 : i32
    %dma_wait3A_330 = arith.constant 0 : i32
    %dma_wait3A_331 = tpu.memref_slice %arg8[%dma_wait3A_329, %dma_wait3A_330] : memref<128x128xf32, #tpu.memory_space<vmem>> -> memref<128x128xf32, #tpu.memory_space<vmem>>
    tpu.wait_dma2 semaphore(%arg14 : memref<!tpu.dma_semaphore, #tpu.memory_space<semaphore_mem>>) src(%dma_wait3A_331 : memref<128x128xf32, #tpu.memory_space<vmem>>) dst(%dma_wait3A_328 : memref<128x128xf32, #tpu.memory_space<vmem_shared>>)
    %add3A_332 = arith.constant 256 : i32
    %add3A_333 = arith.addi %add3A_249, %add3A_332 : i32
    %dma_start3A_334 = arith.constant 0 : i32
    %dma_start3A_335 = arith.constant 0 : i32
    %dma_start3A_336 = tpu.memref_slice %arg8[%dma_start3A_334, %dma_start3A_335] : memref<128x128xf32, #tpu.memory_space<vmem>> -> memref<64x128xf32, #tpu.memory_space<vmem>>
    %dma_start3A_337 = arith.constant 0 : i32
    %dma_start3A_338 = tpu.memref_slice %arg2[%add3A_333, %dma_start3A_337] : memref<10240x128xf32, #tpu.memory_space<hbm>> -> memref<64x128xf32, #tpu.memory_space<hbm>>
    %dma_start3A_339 = arith.constant 0 : i32
    %dma_start3A_340 = arith.constant 0 : i32
    %dma_start3A_341 = tpu.memref_slice %arg8[%dma_start3A_339, %dma_start3A_340] : memref<128x128xf32, #tpu.memory_space<vmem>> -> memref<64x128xf32, #tpu.memory_space<vmem>>
    %dma_start3A_342 = arith.constant 0 : i32
    %dma_start3A_343 = tpu.memref_slice %arg2[%add3A_333, %dma_start3A_342] : memref<10240x128xf32, #tpu.memory_space<hbm>> -> memref<64x128xf32, #tpu.memory_space<hbm>>
    tpu.enqueue_dma source(%dma_start3A_343 : memref<64x128xf32, #tpu.memory_space<hbm>>) target(%dma_start3A_341 : memref<64x128xf32, #tpu.memory_space<vmem>>) target_semaphore(%arg12 : memref<!tpu.dma_semaphore, #tpu.memory_space<semaphore_mem>>)
    %dma_wait3A_344 = arith.constant 0 : i32
    %dma_wait3A_345 = arith.constant 0 : i32
    %dma_wait3A_346 = tpu.memref_slice %arg8[%dma_wait3A_344, %dma_wait3A_345] : memref<128x128xf32, #tpu.memory_space<vmem>> -> memref<64x128xf32, #tpu.memory_space<vmem>>
    %dma_wait3A_347 = arith.constant 0 : i32
    %dma_wait3A_348 = tpu.memref_slice %arg2[%add3A_333, %dma_wait3A_347] : memref<10240x128xf32, #tpu.memory_space<hbm>> -> memref<64x128xf32, #tpu.memory_space<hbm>>
    %dma_wait3A_349 = arith.constant 0 : i32
    %dma_wait3A_350 = arith.constant 0 : i32
    %dma_wait3A_351 = tpu.memref_slice %arg8[%dma_wait3A_349, %dma_wait3A_350] : memref<128x128xf32, #tpu.memory_space<vmem>> -> memref<64x128xf32, #tpu.memory_space<vmem>>
    %dma_wait3A_352 = arith.constant 0 : i32
    %dma_wait3A_353 = tpu.memref_slice %arg2[%add3A_333, %dma_wait3A_352] : memref<10240x128xf32, #tpu.memory_space<hbm>> -> memref<64x128xf32, #tpu.memory_space<hbm>>
    tpu.wait_dma2 semaphore(%arg12 : memref<!tpu.dma_semaphore, #tpu.memory_space<semaphore_mem>>) src(%dma_wait3A_353 : memref<64x128xf32, #tpu.memory_space<hbm>>) dst(%dma_wait3A_351 : memref<64x128xf32, #tpu.memory_space<vmem>>)
    %mul3A_354 = arith.constant 320 : i32
    %mul3A_355 = arith.muli %arg1, %mul3A_354 : i32
    %add3A_356 = arith.constant 256 : i32
    %add3A_357 = arith.addi %mul3A_355, %add3A_356 : i32
    %dma_start3A_358 = arith.constant 0 : i32
    %dma_start3A_359 = arith.constant 0 : i32
    %dma_start3A_360 = tpu.memref_slice %arg8[%dma_start3A_358, %dma_start3A_359] : memref<128x128xf32, #tpu.memory_space<vmem>> -> memref<64x128xf32, #tpu.memory_space<vmem>>
    %dma_start3A_361 = arith.constant 0 : i32
    %dma_start3A_362 = tpu.memref_slice %arg10[%add3A_357, %dma_start3A_361] : memref<5120x128xf32, #tpu.memory_space<vmem_shared>> -> memref<64x128xf32, #tpu.memory_space<vmem_shared>>
    %dma_start3A_363 = arith.constant 0 : i32
    %dma_start3A_364 = tpu.memref_slice %arg10[%add3A_357, %dma_start3A_363] : memref<5120x128xf32, #tpu.memory_space<vmem_shared>> -> memref<64x128xf32, #tpu.memory_space<vmem_shared>>
    %dma_start3A_365 = arith.constant 0 : i32
    %dma_start3A_366 = arith.constant 0 : i32
    %dma_start3A_367 = tpu.memref_slice %arg8[%dma_start3A_365, %dma_start3A_366] : memref<128x128xf32, #tpu.memory_space<vmem>> -> memref<64x128xf32, #tpu.memory_space<vmem>>
    tpu.enqueue_dma source(%dma_start3A_367 : memref<64x128xf32, #tpu.memory_space<vmem>>) target(%dma_start3A_364 : memref<64x128xf32, #tpu.memory_space<vmem_shared>>) target_semaphore(%arg14 : memref<!tpu.dma_semaphore, #tpu.memory_space<semaphore_mem>>)
    %dma_wait3A_368 = arith.constant 0 : i32
    %dma_wait3A_369 = arith.constant 0 : i32
    %dma_wait3A_370 = tpu.memref_slice %arg9[%dma_wait3A_368, %dma_wait3A_369] : memref<128x128xf32, #tpu.memory_space<vmem>> -> memref<128x128xf32, #tpu.memory_space<vmem>>
    %dma_wait3A_371 = arith.constant 0 : i32
    %dma_wait3A_372 = tpu.memref_slice %arg10[%add3A_311, %dma_wait3A_371] : memref<5120x128xf32, #tpu.memory_space<vmem_shared>> -> memref<128x128xf32, #tpu.memory_space<vmem_shared>>
    %dma_wait3A_373 = arith.constant 0 : i32
    %dma_wait3A_374 = tpu.memref_slice %arg10[%add3A_311, %dma_wait3A_373] : memref<5120x128xf32, #tpu.memory_space<vmem_shared>> -> memref<128x128xf32, #tpu.memory_space<vmem_shared>>
    %dma_wait3A_375 = arith.constant 0 : i32
    %dma_wait3A_376 = arith.constant 0 : i32
    %dma_wait3A_377 = tpu.memref_slice %arg9[%dma_wait3A_375, %dma_wait3A_376] : memref<128x128xf32, #tpu.memory_space<vmem>> -> memref<128x128xf32, #tpu.memory_space<vmem>>
    tpu.wait_dma2 semaphore(%arg15 : memref<!tpu.dma_semaphore, #tpu.memory_space<semaphore_mem>>) src(%dma_wait3A_377 : memref<128x128xf32, #tpu.memory_space<vmem>>) dst(%dma_wait3A_374 : memref<128x128xf32, #tpu.memory_space<vmem_shared>>)
    %dma_wait3A_378 = arith.constant 0 : i32
    %dma_wait3A_379 = arith.constant 0 : i32
    %dma_wait3A_380 = tpu.memref_slice %arg8[%dma_wait3A_378, %dma_wait3A_379] : memref<128x128xf32, #tpu.memory_space<vmem>> -> memref<64x128xf32, #tpu.memory_space<vmem>>
    %dma_wait3A_381 = arith.constant 0 : i32
    %dma_wait3A_382 = tpu.memref_slice %arg10[%add3A_357, %dma_wait3A_381] : memref<5120x128xf32, #tpu.memory_space<vmem_shared>> -> memref<64x128xf32, #tpu.memory_space<vmem_shared>>
    %dma_wait3A_383 = arith.constant 0 : i32
    %dma_wait3A_384 = tpu.memref_slice %arg10[%add3A_357, %dma_wait3A_383] : memref<5120x128xf32, #tpu.memory_space<vmem_shared>> -> memref<64x128xf32, #tpu.memory_space<vmem_shared>>
    %dma_wait3A_385 = arith.constant 0 : i32
    %dma_wait3A_386 = arith.constant 0 : i32
    %dma_wait3A_387 = tpu.memref_slice %arg8[%dma_wait3A_385, %dma_wait3A_386] : memref<128x128xf32, #tpu.memory_space<vmem>> -> memref<64x128xf32, #tpu.memory_space<vmem>>
    tpu.wait_dma2 semaphore(%arg14 : memref<!tpu.dma_semaphore, #tpu.memory_space<semaphore_mem>>) src(%dma_wait3A_387 : memref<64x128xf32, #tpu.memory_space<vmem>>) dst(%dma_wait3A_384 : memref<64x128xf32, #tpu.memory_space<vmem_shared>>)
    %barrier3A_388 = arith.constant 0 : index
    tpu.barrier barrier_id(%barrier3A_388)
    %mul3A_389 = arith.constant 8 : i32
    %mul3A_390 = arith.muli %add3A, %mul3A_389 : i32
    %add3A_391 = arith.constant 2 : i32
    %add3A_392 = arith.addi %mul3A_390, %add3A_391 : i32
    "tpu.region"() ({
      %run_scoped3A = tpu.sem_alloc : memref<!tpu.dma_semaphore, #tpu.memory_space<semaphore_mem>>
      %dma_start3A_1184 = arith.constant 0 : i32
      %dma_start3A_1185 = arith.constant 0 : i32
      %dma_start3A_1186 = tpu.memref_slice %arg3[%add3A_392, %dma_start3A_1184, %dma_start3A_1185] : memref<256x24x128xi32, #tpu.memory_space<hbm>> -> memref<1x24x128xi32, #tpu.memory_space<hbm>>
      %dma_start3A_1187 = tpu.memref_squeeze %dma_start3A_1186 : memref<1x24x128xi32, #tpu.memory_space<hbm>> -> memref<24x128xi32, #tpu.memory_space<hbm>>
      %dma_start3A_1188 = arith.constant 0 : i32
      %dma_start3A_1189 = arith.constant 0 : i32
      %dma_start3A_1190 = tpu.memref_slice %arg3[%add3A_392, %dma_start3A_1188, %dma_start3A_1189] : memref<256x24x128xi32, #tpu.memory_space<hbm>> -> memref<1x24x128xi32, #tpu.memory_space<hbm>>
      %dma_start3A_1191 = tpu.memref_squeeze %dma_start3A_1190 : memref<1x24x128xi32, #tpu.memory_space<hbm>> -> memref<24x128xi32, #tpu.memory_space<hbm>>
      tpu.enqueue_dma source(%dma_start3A_1191 : memref<24x128xi32, #tpu.memory_space<hbm>>) target(%arg6 : memref<24x128xi32, #tpu.memory_space<vmem>>) target_semaphore(%run_scoped3A : memref<!tpu.dma_semaphore, #tpu.memory_space<semaphore_mem>>)
      %dma_wait3A_1192 = arith.constant 0 : i32
      %dma_wait3A_1193 = arith.constant 0 : i32
      %dma_wait3A_1194 = tpu.memref_slice %arg3[%add3A_392, %dma_wait3A_1192, %dma_wait3A_1193] : memref<256x24x128xi32, #tpu.memory_space<hbm>> -> memref<1x24x128xi32, #tpu.memory_space<hbm>>
      %dma_wait3A_1195 = tpu.memref_squeeze %dma_wait3A_1194 : memref<1x24x128xi32, #tpu.memory_space<hbm>> -> memref<24x128xi32, #tpu.memory_space<hbm>>
      %dma_wait3A_1196 = arith.constant 0 : i32
      %dma_wait3A_1197 = arith.constant 0 : i32
      %dma_wait3A_1198 = tpu.memref_slice %arg3[%add3A_392, %dma_wait3A_1196, %dma_wait3A_1197] : memref<256x24x128xi32, #tpu.memory_space<hbm>> -> memref<1x24x128xi32, #tpu.memory_space<hbm>>
      %dma_wait3A_1199 = tpu.memref_squeeze %dma_wait3A_1198 : memref<1x24x128xi32, #tpu.memory_space<hbm>> -> memref<24x128xi32, #tpu.memory_space<hbm>>
      tpu.wait_dma2 semaphore(%run_scoped3A : memref<!tpu.dma_semaphore, #tpu.memory_space<semaphore_mem>>) src(%dma_wait3A_1199 : memref<24x128xi32, #tpu.memory_space<hbm>>) dst(%arg6 : memref<24x128xi32, #tpu.memory_space<vmem>>)
      tpu.yield
    }) : () -> ()
    %mul3A_393 = arith.constant 8 : i32
    %mul3A_394 = arith.muli %add3A, %mul3A_393 : i32
    %add3A_395 = arith.constant 2 : i32
    %add3A_396 = arith.addi %mul3A_394, %add3A_395 : i32
    %add3A_397 = arith.constant 1 : i32
    %add3A_398 = arith.addi %add3A_396, %add3A_397 : i32
    "tpu.region"() ({
      %run_scoped3A = tpu.sem_alloc : memref<!tpu.dma_semaphore, #tpu.memory_space<semaphore_mem>>
      %dma_start3A_1184 = arith.constant 0 : i32
      %dma_start3A_1185 = arith.constant 0 : i32
      %dma_start3A_1186 = tpu.memref_slice %arg3[%add3A_398, %dma_start3A_1184, %dma_start3A_1185] : memref<256x24x128xi32, #tpu.memory_space<hbm>> -> memref<1x24x128xi32, #tpu.memory_space<hbm>>
      %dma_start3A_1187 = tpu.memref_squeeze %dma_start3A_1186 : memref<1x24x128xi32, #tpu.memory_space<hbm>> -> memref<24x128xi32, #tpu.memory_space<hbm>>
      %dma_start3A_1188 = arith.constant 0 : i32
      %dma_start3A_1189 = arith.constant 0 : i32
      %dma_start3A_1190 = tpu.memref_slice %arg3[%add3A_398, %dma_start3A_1188, %dma_start3A_1189] : memref<256x24x128xi32, #tpu.memory_space<hbm>> -> memref<1x24x128xi32, #tpu.memory_space<hbm>>
      %dma_start3A_1191 = tpu.memref_squeeze %dma_start3A_1190 : memref<1x24x128xi32, #tpu.memory_space<hbm>> -> memref<24x128xi32, #tpu.memory_space<hbm>>
      tpu.enqueue_dma source(%dma_start3A_1191 : memref<24x128xi32, #tpu.memory_space<hbm>>) target(%arg7 : memref<24x128xi32, #tpu.memory_space<vmem>>) target_semaphore(%run_scoped3A : memref<!tpu.dma_semaphore, #tpu.memory_space<semaphore_mem>>)
      %dma_wait3A_1192 = arith.constant 0 : i32
      %dma_wait3A_1193 = arith.constant 0 : i32
      %dma_wait3A_1194 = tpu.memref_slice %arg3[%add3A_398, %dma_wait3A_1192, %dma_wait3A_1193] : memref<256x24x128xi32, #tpu.memory_space<hbm>> -> memref<1x24x128xi32, #tpu.memory_space<hbm>>
      %dma_wait3A_1195 = tpu.memref_squeeze %dma_wait3A_1194 : memref<1x24x128xi32, #tpu.memory_space<hbm>> -> memref<24x128xi32, #tpu.memory_space<hbm>>
      %dma_wait3A_1196 = arith.constant 0 : i32
      %dma_wait3A_1197 = arith.constant 0 : i32
      %dma_wait3A_1198 = tpu.memref_slice %arg3[%add3A_398, %dma_wait3A_1196, %dma_wait3A_1197] : memref<256x24x128xi32, #tpu.memory_space<hbm>> -> memref<1x24x128xi32, #tpu.memory_space<hbm>>
      %dma_wait3A_1199 = tpu.memref_squeeze %dma_wait3A_1198 : memref<1x24x128xi32, #tpu.memory_space<hbm>> -> memref<24x128xi32, #tpu.memory_space<hbm>>
      tpu.wait_dma2 semaphore(%run_scoped3A : memref<!tpu.dma_semaphore, #tpu.memory_space<semaphore_mem>>) src(%dma_wait3A_1199 : memref<24x128xi32, #tpu.memory_space<hbm>>) dst(%arg7 : memref<24x128xi32, #tpu.memory_space<vmem>>)
      tpu.yield
    }) : () -> ()
    %dma_start3A_399 = arith.constant 0 : i32
    %dma_start3A_400 = arith.constant 0 : i32
    %dma_start3A_401 = tpu.memref_slice %arg6[%dma_start3A_399, %dma_start3A_400] : memref<24x128xi32, #tpu.memory_space<vmem>> -> memref<1x128xi32, #tpu.memory_space<vmem>>
    %dma_start3A_402 = tpu.memref_squeeze %dma_start3A_401 : memref<1x128xi32, #tpu.memory_space<vmem>> -> memref<128xi32, #tpu.memory_space<vmem>>
    %dma_start3A_403 = arith.constant 0 : i32
    %dma_start3A_404 = arith.constant 0 : i32
    %dma_start3A_405 = tpu.memref_slice %arg10[%dma_start3A_403, %dma_start3A_404] : memref<5120x128xf32, #tpu.memory_space<vmem_shared>> -> memref<5120x128xf32, #tpu.memory_space<vmem_shared>>
    tpu.enqueue_indirect_dma source(%dma_start3A_405 : memref<5120x128xf32, #tpu.memory_space<vmem_shared>>) target(%arg8 : memref<128x128xf32, #tpu.memory_space<vmem>>) offsets(%dma_start3A_402 : memref<128xi32, #tpu.memory_space<vmem>>) semaphore(%arg12 : memref<!tpu.dma_semaphore, #tpu.memory_space<semaphore_mem>>)
    %dma_start3A_406 = arith.constant 1 : i32
    %dma_start3A_407 = arith.constant 0 : i32
    %dma_start3A_408 = tpu.memref_slice %arg6[%dma_start3A_406, %dma_start3A_407] : memref<24x128xi32, #tpu.memory_space<vmem>> -> memref<1x128xi32, #tpu.memory_space<vmem>>
    %dma_start3A_409 = tpu.memref_squeeze %dma_start3A_408 : memref<1x128xi32, #tpu.memory_space<vmem>> -> memref<128xi32, #tpu.memory_space<vmem>>
    %dma_start3A_410 = arith.constant 0 : i32
    %dma_start3A_411 = arith.constant 0 : i32
    %dma_start3A_412 = tpu.memref_slice %arg10[%dma_start3A_410, %dma_start3A_411] : memref<5120x128xf32, #tpu.memory_space<vmem_shared>> -> memref<5120x128xf32, #tpu.memory_space<vmem_shared>>
    tpu.enqueue_indirect_dma source(%dma_start3A_412 : memref<5120x128xf32, #tpu.memory_space<vmem_shared>>) target(%arg9 : memref<128x128xf32, #tpu.memory_space<vmem>>) offsets(%dma_start3A_409 : memref<128xi32, #tpu.memory_space<vmem>>) semaphore(%arg13 : memref<!tpu.dma_semaphore, #tpu.memory_space<semaphore_mem>>)
    %scan3A_413 = arith.constant 0 : i32
    %scan3A_414 = arith.constant 0 : i32
    %scan3A_415 = arith.constant 12 : i32
    %scan3A_416 = arith.addi %scan3A_414, %scan3A_415 : i32
    %scan3A_417 = arith.constant 1 : i32
    scf.for %scan3A_1184 = %scan3A_414 to %scan3A_416 step %scan3A_417  : i32 {
      %mul3A_1185 = arith.constant 2 : i32
      %mul3A_1186 = arith.muli %mul3A_1185, %scan3A_1184 : i32
      %dma_wait3A_1187 = arith.constant 0 : i32
      %dma_wait3A_1188 = tpu.memref_slice %arg6[%mul3A_1186, %dma_wait3A_1187] : memref<24x128xi32, #tpu.memory_space<vmem>> -> memref<1x128xi32, #tpu.memory_space<vmem>>
      %dma_wait3A_1189 = tpu.memref_squeeze %dma_wait3A_1188 : memref<1x128xi32, #tpu.memory_space<vmem>> -> memref<128xi32, #tpu.memory_space<vmem>>
      %dma_wait3A_1190 = arith.constant 0 : i32
      %dma_wait3A_1191 = arith.constant 0 : i32
      %dma_wait3A_1192 = tpu.memref_slice %arg10[%dma_wait3A_1190, %dma_wait3A_1191] : memref<5120x128xf32, #tpu.memory_space<vmem_shared>> -> memref<5120x128xf32, #tpu.memory_space<vmem_shared>>
      tpu.wait_indirect_dma semaphore(%arg12 : memref<!tpu.dma_semaphore, #tpu.memory_space<semaphore_mem>>) src(%dma_wait3A_1192 : memref<5120x128xf32, #tpu.memory_space<vmem_shared>>) dst(%arg8 : memref<128x128xf32, #tpu.memory_space<vmem>>)
      "tpu.region"() ({
        %run_scoped3A = tpu.sem_alloc : memref<!tpu.dma_semaphore, #tpu.memory_space<semaphore_mem>>
        %dma_start3A_1216 = arith.constant 0 : i32
        %dma_start3A_1217 = tpu.memref_slice %arg7[%mul3A_1186, %dma_start3A_1216] : memref<24x128xi32, #tpu.memory_space<vmem>> -> memref<1x128xi32, #tpu.memory_space<vmem>>
        %dma_start3A_1218 = tpu.memref_squeeze %dma_start3A_1217 : memref<1x128xi32, #tpu.memory_space<vmem>> -> memref<128xi32, #tpu.memory_space<vmem>>
        %dma_start3A_1219 = arith.constant 0 : i32
        %dma_start3A_1220 = arith.constant 0 : i32
        %dma_start3A_1221 = tpu.memref_slice %arg11[%dma_start3A_1219, %dma_start3A_1220] : memref<5128x128xf32, #tpu.memory_space<vmem_shared>> -> memref<5128x128xf32, #tpu.memory_space<vmem_shared>>
        tpu.enqueue_indirect_dma source(%arg8 : memref<128x128xf32, #tpu.memory_space<vmem>>) target(%dma_start3A_1221 : memref<5128x128xf32, #tpu.memory_space<vmem_shared>>) offsets(%dma_start3A_1218 : memref<128xi32, #tpu.memory_space<vmem>>) semaphore(%run_scoped3A : memref<!tpu.dma_semaphore, #tpu.memory_space<semaphore_mem>>) {add = true}
        %dma_wait3A_1222 = arith.constant 0 : i32
        %dma_wait3A_1223 = tpu.memref_slice %arg7[%mul3A_1186, %dma_wait3A_1222] : memref<24x128xi32, #tpu.memory_space<vmem>> -> memref<1x128xi32, #tpu.memory_space<vmem>>
        %dma_wait3A_1224 = tpu.memref_squeeze %dma_wait3A_1223 : memref<1x128xi32, #tpu.memory_space<vmem>> -> memref<128xi32, #tpu.memory_space<vmem>>
        %dma_wait3A_1225 = arith.constant 0 : i32
        %dma_wait3A_1226 = arith.constant 0 : i32
        %dma_wait3A_1227 = tpu.memref_slice %arg11[%dma_wait3A_1225, %dma_wait3A_1226] : memref<5128x128xf32, #tpu.memory_space<vmem_shared>> -> memref<5128x128xf32, #tpu.memory_space<vmem_shared>>
        tpu.wait_indirect_dma semaphore(%run_scoped3A : memref<!tpu.dma_semaphore, #tpu.memory_space<semaphore_mem>>) src(%arg8 : memref<128x128xf32, #tpu.memory_space<vmem>>) dst(%dma_wait3A_1227 : memref<5128x128xf32, #tpu.memory_space<vmem_shared>>)
        tpu.yield
      }) : () -> ()
      %add3A_1193 = arith.constant 1 : i32
      %add3A_1194 = arith.addi %scan3A_1184, %add3A_1193 : i32
      %lt3A = arith.constant 12 : i32
      %lt3A_1195 = arith.cmpi slt, %add3A_1194, %lt3A : i32
      %convert_element_type3A_1196 = arith.extui %lt3A_1195 : i1 to i32
      %cond3A_1197 = arith.constant 0 : i32
      %cond3A_1198 = arith.cmpi ne, %convert_element_type3A_1196, %cond3A_1197 : i32
      scf.if %cond3A_1198 {
        %add3A_1216 = arith.constant 2 : i32
        %add3A_1217 = arith.addi %mul3A_1186, %add3A_1216 : i32
        %dma_start3A_1218 = arith.constant 0 : i32
        %dma_start3A_1219 = tpu.memref_slice %arg6[%add3A_1217, %dma_start3A_1218] : memref<24x128xi32, #tpu.memory_space<vmem>> -> memref<1x128xi32, #tpu.memory_space<vmem>>
        %dma_start3A_1220 = tpu.memref_squeeze %dma_start3A_1219 : memref<1x128xi32, #tpu.memory_space<vmem>> -> memref<128xi32, #tpu.memory_space<vmem>>
        %dma_start3A_1221 = arith.constant 0 : i32
        %dma_start3A_1222 = arith.constant 0 : i32
        %dma_start3A_1223 = tpu.memref_slice %arg10[%dma_start3A_1221, %dma_start3A_1222] : memref<5120x128xf32, #tpu.memory_space<vmem_shared>> -> memref<5120x128xf32, #tpu.memory_space<vmem_shared>>
        tpu.enqueue_indirect_dma source(%dma_start3A_1223 : memref<5120x128xf32, #tpu.memory_space<vmem_shared>>) target(%arg8 : memref<128x128xf32, #tpu.memory_space<vmem>>) offsets(%dma_start3A_1220 : memref<128xi32, #tpu.memory_space<vmem>>) semaphore(%arg12 : memref<!tpu.dma_semaphore, #tpu.memory_space<semaphore_mem>>)
      } else {
      }
      %add3A_1199 = arith.constant 1 : i32
      %add3A_1200 = arith.addi %mul3A_1186, %add3A_1199 : i32
      %dma_wait3A_1201 = arith.constant 0 : i32
      %dma_wait3A_1202 = tpu.memref_slice %arg6[%add3A_1200, %dma_wait3A_1201] : memref<24x128xi32, #tpu.memory_space<vmem>> -> memref<1x128xi32, #tpu.memory_space<vmem>>
      %dma_wait3A_1203 = tpu.memref_squeeze %dma_wait3A_1202 : memref<1x128xi32, #tpu.memory_space<vmem>> -> memref<128xi32, #tpu.memory_space<vmem>>
      %dma_wait3A_1204 = arith.constant 0 : i32
      %dma_wait3A_1205 = arith.constant 0 : i32
      %dma_wait3A_1206 = tpu.memref_slice %arg10[%dma_wait3A_1204, %dma_wait3A_1205] : memref<5120x128xf32, #tpu.memory_space<vmem_shared>> -> memref<5120x128xf32, #tpu.memory_space<vmem_shared>>
      tpu.wait_indirect_dma semaphore(%arg13 : memref<!tpu.dma_semaphore, #tpu.memory_space<semaphore_mem>>) src(%dma_wait3A_1206 : memref<5120x128xf32, #tpu.memory_space<vmem_shared>>) dst(%arg9 : memref<128x128xf32, #tpu.memory_space<vmem>>)
      %add3A_1207 = arith.constant 1 : i32
      %add3A_1208 = arith.addi %mul3A_1186, %add3A_1207 : i32
      "tpu.region"() ({
        %run_scoped3A = tpu.sem_alloc : memref<!tpu.dma_semaphore, #tpu.memory_space<semaphore_mem>>
        %dma_start3A_1216 = arith.constant 0 : i32
        %dma_start3A_1217 = tpu.memref_slice %arg7[%add3A_1208, %dma_start3A_1216] : memref<24x128xi32, #tpu.memory_space<vmem>> -> memref<1x128xi32, #tpu.memory_space<vmem>>
        %dma_start3A_1218 = tpu.memref_squeeze %dma_start3A_1217 : memref<1x128xi32, #tpu.memory_space<vmem>> -> memref<128xi32, #tpu.memory_space<vmem>>
        %dma_start3A_1219 = arith.constant 0 : i32
        %dma_start3A_1220 = arith.constant 0 : i32
        %dma_start3A_1221 = tpu.memref_slice %arg11[%dma_start3A_1219, %dma_start3A_1220] : memref<5128x128xf32, #tpu.memory_space<vmem_shared>> -> memref<5128x128xf32, #tpu.memory_space<vmem_shared>>
        tpu.enqueue_indirect_dma source(%arg9 : memref<128x128xf32, #tpu.memory_space<vmem>>) target(%dma_start3A_1221 : memref<5128x128xf32, #tpu.memory_space<vmem_shared>>) offsets(%dma_start3A_1218 : memref<128xi32, #tpu.memory_space<vmem>>) semaphore(%run_scoped3A : memref<!tpu.dma_semaphore, #tpu.memory_space<semaphore_mem>>) {add = true}
        %dma_wait3A_1222 = arith.constant 0 : i32
        %dma_wait3A_1223 = tpu.memref_slice %arg7[%add3A_1208, %dma_wait3A_1222] : memref<24x128xi32, #tpu.memory_space<vmem>> -> memref<1x128xi32, #tpu.memory_space<vmem>>
        %dma_wait3A_1224 = tpu.memref_squeeze %dma_wait3A_1223 : memref<1x128xi32, #tpu.memory_space<vmem>> -> memref<128xi32, #tpu.memory_space<vmem>>
        %dma_wait3A_1225 = arith.constant 0 : i32
        %dma_wait3A_1226 = arith.constant 0 : i32
        %dma_wait3A_1227 = tpu.memref_slice %arg11[%dma_wait3A_1225, %dma_wait3A_1226] : memref<5128x128xf32, #tpu.memory_space<vmem_shared>> -> memref<5128x128xf32, #tpu.memory_space<vmem_shared>>
        tpu.wait_indirect_dma semaphore(%run_scoped3A : memref<!tpu.dma_semaphore, #tpu.memory_space<semaphore_mem>>) src(%arg9 : memref<128x128xf32, #tpu.memory_space<vmem>>) dst(%dma_wait3A_1227 : memref<5128x128xf32, #tpu.memory_space<vmem_shared>>)
        tpu.yield
      }) : () -> ()
      %add3A_1209 = arith.constant 1 : i32
      %add3A_1210 = arith.addi %scan3A_1184, %add3A_1209 : i32
      %lt3A_1211 = arith.constant 12 : i32
      %lt3A_1212 = arith.cmpi slt, %add3A_1210, %lt3A_1211 : i32
      %convert_element_type3A_1213 = arith.extui %lt3A_1212 : i1 to i32
      %cond3A_1214 = arith.constant 0 : i32
      %cond3A_1215 = arith.cmpi ne, %convert_element_type3A_1213, %cond3A_1214 : i32
      scf.if %cond3A_1215 {
        %add3A_1216 = arith.constant 3 : i32
        %add3A_1217 = arith.addi %mul3A_1186, %add3A_1216 : i32
        %dma_start3A_1218 = arith.constant 0 : i32
        %dma_start3A_1219 = tpu.memref_slice %arg6[%add3A_1217, %dma_start3A_1218] : memref<24x128xi32, #tpu.memory_space<vmem>> -> memref<1x128xi32, #tpu.memory_space<vmem>>
        %dma_start3A_1220 = tpu.memref_squeeze %dma_start3A_1219 : memref<1x128xi32, #tpu.memory_space<vmem>> -> memref<128xi32, #tpu.memory_space<vmem>>
        %dma_start3A_1221 = arith.constant 0 : i32
        %dma_start3A_1222 = arith.constant 0 : i32
        %dma_start3A_1223 = tpu.memref_slice %arg10[%dma_start3A_1221, %dma_start3A_1222] : memref<5120x128xf32, #tpu.memory_space<vmem_shared>> -> memref<5120x128xf32, #tpu.memory_space<vmem_shared>>
        tpu.enqueue_indirect_dma source(%dma_start3A_1223 : memref<5120x128xf32, #tpu.memory_space<vmem_shared>>) target(%arg9 : memref<128x128xf32, #tpu.memory_space<vmem>>) offsets(%dma_start3A_1220 : memref<128xi32, #tpu.memory_space<vmem>>) semaphore(%arg13 : memref<!tpu.dma_semaphore, #tpu.memory_space<semaphore_mem>>)
      } else {
      }
    }
    %scan3A_418 = arith.constant 12 : i32
    %barrier3A_419 = arith.constant 0 : index
    tpu.barrier barrier_id(%barrier3A_419)
    %mul3A_420 = arith.constant 320 : i32
    %mul3A_421 = arith.muli %arg1, %mul3A_420 : i32
    %add3A_422 = arith.constant 0 : i32
    %add3A_423 = arith.addi %mul3A_421, %add3A_422 : i32
    %dma_start3A_424 = arith.constant 0 : i32
    %dma_start3A_425 = arith.constant 0 : i32
    %dma_start3A_426 = tpu.memref_slice %arg8[%dma_start3A_424, %dma_start3A_425] : memref<128x128xf32, #tpu.memory_space<vmem>> -> memref<128x128xf32, #tpu.memory_space<vmem>>
    %dma_start3A_427 = arith.constant 0 : i32
    %dma_start3A_428 = tpu.memref_slice %arg11[%add3A_423, %dma_start3A_427] : memref<5128x128xf32, #tpu.memory_space<vmem_shared>> -> memref<128x128xf32, #tpu.memory_space<vmem_shared>>
    %dma_start3A_429 = arith.constant 0 : i32
    %dma_start3A_430 = arith.constant 0 : i32
    %dma_start3A_431 = tpu.memref_slice %arg8[%dma_start3A_429, %dma_start3A_430] : memref<128x128xf32, #tpu.memory_space<vmem>> -> memref<128x128xf32, #tpu.memory_space<vmem>>
    %dma_start3A_432 = arith.constant 0 : i32
    %dma_start3A_433 = tpu.memref_slice %arg11[%add3A_423, %dma_start3A_432] : memref<5128x128xf32, #tpu.memory_space<vmem_shared>> -> memref<128x128xf32, #tpu.memory_space<vmem_shared>>
    tpu.enqueue_dma source(%dma_start3A_433 : memref<128x128xf32, #tpu.memory_space<vmem_shared>>) target(%dma_start3A_431 : memref<128x128xf32, #tpu.memory_space<vmem>>) target_semaphore(%arg12 : memref<!tpu.dma_semaphore, #tpu.memory_space<semaphore_mem>>)
    %mul3A_434 = arith.constant 320 : i32
    %mul3A_435 = arith.muli %arg1, %mul3A_434 : i32
    %add3A_436 = arith.constant 128 : i32
    %add3A_437 = arith.addi %mul3A_435, %add3A_436 : i32
    %dma_start3A_438 = arith.constant 0 : i32
    %dma_start3A_439 = arith.constant 0 : i32
    %dma_start3A_440 = tpu.memref_slice %arg9[%dma_start3A_438, %dma_start3A_439] : memref<128x128xf32, #tpu.memory_space<vmem>> -> memref<128x128xf32, #tpu.memory_space<vmem>>
    %dma_start3A_441 = arith.constant 0 : i32
    %dma_start3A_442 = tpu.memref_slice %arg11[%add3A_437, %dma_start3A_441] : memref<5128x128xf32, #tpu.memory_space<vmem_shared>> -> memref<128x128xf32, #tpu.memory_space<vmem_shared>>
    %dma_start3A_443 = arith.constant 0 : i32
    %dma_start3A_444 = arith.constant 0 : i32
    %dma_start3A_445 = tpu.memref_slice %arg9[%dma_start3A_443, %dma_start3A_444] : memref<128x128xf32, #tpu.memory_space<vmem>> -> memref<128x128xf32, #tpu.memory_space<vmem>>
    %dma_start3A_446 = arith.constant 0 : i32
    %dma_start3A_447 = tpu.memref_slice %arg11[%add3A_437, %dma_start3A_446] : memref<5128x128xf32, #tpu.memory_space<vmem_shared>> -> memref<128x128xf32, #tpu.memory_space<vmem_shared>>
    tpu.enqueue_dma source(%dma_start3A_447 : memref<128x128xf32, #tpu.memory_space<vmem_shared>>) target(%dma_start3A_445 : memref<128x128xf32, #tpu.memory_space<vmem>>) target_semaphore(%arg13 : memref<!tpu.dma_semaphore, #tpu.memory_space<semaphore_mem>>)
    %dma_wait3A_448 = arith.constant 0 : i32
    %dma_wait3A_449 = arith.constant 0 : i32
    %dma_wait3A_450 = tpu.memref_slice %arg8[%dma_wait3A_448, %dma_wait3A_449] : memref<128x128xf32, #tpu.memory_space<vmem>> -> memref<128x128xf32, #tpu.memory_space<vmem>>
    %dma_wait3A_451 = arith.constant 0 : i32
    %dma_wait3A_452 = tpu.memref_slice %arg11[%add3A_423, %dma_wait3A_451] : memref<5128x128xf32, #tpu.memory_space<vmem_shared>> -> memref<128x128xf32, #tpu.memory_space<vmem_shared>>
    %dma_wait3A_453 = arith.constant 0 : i32
    %dma_wait3A_454 = arith.constant 0 : i32
    %dma_wait3A_455 = tpu.memref_slice %arg8[%dma_wait3A_453, %dma_wait3A_454] : memref<128x128xf32, #tpu.memory_space<vmem>> -> memref<128x128xf32, #tpu.memory_space<vmem>>
    %dma_wait3A_456 = arith.constant 0 : i32
    %dma_wait3A_457 = tpu.memref_slice %arg11[%add3A_423, %dma_wait3A_456] : memref<5128x128xf32, #tpu.memory_space<vmem_shared>> -> memref<128x128xf32, #tpu.memory_space<vmem_shared>>
    tpu.wait_dma2 semaphore(%arg12 : memref<!tpu.dma_semaphore, #tpu.memory_space<semaphore_mem>>) src(%dma_wait3A_457 : memref<128x128xf32, #tpu.memory_space<vmem_shared>>) dst(%dma_wait3A_455 : memref<128x128xf32, #tpu.memory_space<vmem>>)
    %mul3A_458 = arith.constant 2 : i32
    %mul3A_459 = arith.muli %arg0, %mul3A_458 : i32
    %add3A_460 = arith.constant 0 : i32
    %add3A_461 = arith.addi %mul3A_459, %add3A_460 : i32
    %mul3A_462 = arith.constant 320 : i32
    %mul3A_463 = arith.muli %arg1, %mul3A_462 : i32
    %add3A_464 = arith.constant 0 : i32
    %add3A_465 = arith.addi %mul3A_463, %add3A_464 : i32
    %dma_start3A_466 = arith.constant 0 : i32
    %dma_start3A_467 = arith.constant 0 : i32
    %dma_start3A_468 = tpu.memref_slice %arg8[%dma_start3A_466, %dma_start3A_467] : memref<128x128xf32, #tpu.memory_space<vmem>> -> memref<128x128xf32, #tpu.memory_space<vmem>>
    %dma_start3A_469 = arith.constant 0 : i32
    %dma_start3A_470 = tpu.memref_slice %arg5[%add3A_461, %add3A_465, %dma_start3A_469] : memref<4x5120x128xf32, #tpu.memory_space<hbm>> -> memref<1x128x128xf32, #tpu.memory_space<hbm>>
    %dma_start3A_471 = tpu.memref_squeeze %dma_start3A_470 : memref<1x128x128xf32, #tpu.memory_space<hbm>> -> memref<128x128xf32, #tpu.memory_space<hbm>>
    %dma_start3A_472 = arith.constant 0 : i32
    %dma_start3A_473 = tpu.memref_slice %arg5[%add3A_461, %add3A_465, %dma_start3A_472] : memref<4x5120x128xf32, #tpu.memory_space<hbm>> -> memref<1x128x128xf32, #tpu.memory_space<hbm>>
    %dma_start3A_474 = tpu.memref_squeeze %dma_start3A_473 : memref<1x128x128xf32, #tpu.memory_space<hbm>> -> memref<128x128xf32, #tpu.memory_space<hbm>>
    %dma_start3A_475 = arith.constant 0 : i32
    %dma_start3A_476 = arith.constant 0 : i32
    %dma_start3A_477 = tpu.memref_slice %arg8[%dma_start3A_475, %dma_start3A_476] : memref<128x128xf32, #tpu.memory_space<vmem>> -> memref<128x128xf32, #tpu.memory_space<vmem>>
    tpu.enqueue_dma source(%dma_start3A_477 : memref<128x128xf32, #tpu.memory_space<vmem>>) target(%dma_start3A_474 : memref<128x128xf32, #tpu.memory_space<hbm>>) target_semaphore(%arg14 : memref<!tpu.dma_semaphore, #tpu.memory_space<semaphore_mem>>)
    %dma_wait3A_478 = arith.constant 0 : i32
    %dma_wait3A_479 = arith.constant 0 : i32
    %dma_wait3A_480 = tpu.memref_slice %arg9[%dma_wait3A_478, %dma_wait3A_479] : memref<128x128xf32, #tpu.memory_space<vmem>> -> memref<128x128xf32, #tpu.memory_space<vmem>>
    %dma_wait3A_481 = arith.constant 0 : i32
    %dma_wait3A_482 = tpu.memref_slice %arg11[%add3A_437, %dma_wait3A_481] : memref<5128x128xf32, #tpu.memory_space<vmem_shared>> -> memref<128x128xf32, #tpu.memory_space<vmem_shared>>
    %dma_wait3A_483 = arith.constant 0 : i32
    %dma_wait3A_484 = arith.constant 0 : i32
    %dma_wait3A_485 = tpu.memref_slice %arg9[%dma_wait3A_483, %dma_wait3A_484] : memref<128x128xf32, #tpu.memory_space<vmem>> -> memref<128x128xf32, #tpu.memory_space<vmem>>
    %dma_wait3A_486 = arith.constant 0 : i32
    %dma_wait3A_487 = tpu.memref_slice %arg11[%add3A_437, %dma_wait3A_486] : memref<5128x128xf32, #tpu.memory_space<vmem_shared>> -> memref<128x128xf32, #tpu.memory_space<vmem_shared>>
    tpu.wait_dma2 semaphore(%arg13 : memref<!tpu.dma_semaphore, #tpu.memory_space<semaphore_mem>>) src(%dma_wait3A_487 : memref<128x128xf32, #tpu.memory_space<vmem_shared>>) dst(%dma_wait3A_485 : memref<128x128xf32, #tpu.memory_space<vmem>>)
    %mul3A_488 = arith.constant 2 : i32
    %mul3A_489 = arith.muli %arg0, %mul3A_488 : i32
    %add3A_490 = arith.constant 0 : i32
    %add3A_491 = arith.addi %mul3A_489, %add3A_490 : i32
    %mul3A_492 = arith.constant 320 : i32
    %mul3A_493 = arith.muli %arg1, %mul3A_492 : i32
    %add3A_494 = arith.constant 128 : i32
    %add3A_495 = arith.addi %mul3A_493, %add3A_494 : i32
    %dma_start3A_496 = arith.constant 0 : i32
    %dma_start3A_497 = arith.constant 0 : i32
    %dma_start3A_498 = tpu.memref_slice %arg9[%dma_start3A_496, %dma_start3A_497] : memref<128x128xf32, #tpu.memory_space<vmem>> -> memref<128x128xf32, #tpu.memory_space<vmem>>
    %dma_start3A_499 = arith.constant 0 : i32
    %dma_start3A_500 = tpu.memref_slice %arg5[%add3A_491, %add3A_495, %dma_start3A_499] : memref<4x5120x128xf32, #tpu.memory_space<hbm>> -> memref<1x128x128xf32, #tpu.memory_space<hbm>>
    %dma_start3A_501 = tpu.memref_squeeze %dma_start3A_500 : memref<1x128x128xf32, #tpu.memory_space<hbm>> -> memref<128x128xf32, #tpu.memory_space<hbm>>
    %dma_start3A_502 = arith.constant 0 : i32
    %dma_start3A_503 = tpu.memref_slice %arg5[%add3A_491, %add3A_495, %dma_start3A_502] : memref<4x5120x128xf32, #tpu.memory_space<hbm>> -> memref<1x128x128xf32, #tpu.memory_space<hbm>>
    %dma_start3A_504 = tpu.memref_squeeze %dma_start3A_503 : memref<1x128x128xf32, #tpu.memory_space<hbm>> -> memref<128x128xf32, #tpu.memory_space<hbm>>
    %dma_start3A_505 = arith.constant 0 : i32
    %dma_start3A_506 = arith.constant 0 : i32
    %dma_start3A_507 = tpu.memref_slice %arg9[%dma_start3A_505, %dma_start3A_506] : memref<128x128xf32, #tpu.memory_space<vmem>> -> memref<128x128xf32, #tpu.memory_space<vmem>>
    tpu.enqueue_dma source(%dma_start3A_507 : memref<128x128xf32, #tpu.memory_space<vmem>>) target(%dma_start3A_504 : memref<128x128xf32, #tpu.memory_space<hbm>>) target_semaphore(%arg15 : memref<!tpu.dma_semaphore, #tpu.memory_space<semaphore_mem>>)
    %dma_wait3A_508 = arith.constant 0 : i32
    %dma_wait3A_509 = arith.constant 0 : i32
    %dma_wait3A_510 = tpu.memref_slice %arg8[%dma_wait3A_508, %dma_wait3A_509] : memref<128x128xf32, #tpu.memory_space<vmem>> -> memref<128x128xf32, #tpu.memory_space<vmem>>
    %dma_wait3A_511 = arith.constant 0 : i32
    %dma_wait3A_512 = tpu.memref_slice %arg5[%add3A_461, %add3A_465, %dma_wait3A_511] : memref<4x5120x128xf32, #tpu.memory_space<hbm>> -> memref<1x128x128xf32, #tpu.memory_space<hbm>>
    %dma_wait3A_513 = tpu.memref_squeeze %dma_wait3A_512 : memref<1x128x128xf32, #tpu.memory_space<hbm>> -> memref<128x128xf32, #tpu.memory_space<hbm>>
    %dma_wait3A_514 = arith.constant 0 : i32
    %dma_wait3A_515 = tpu.memref_slice %arg5[%add3A_461, %add3A_465, %dma_wait3A_514] : memref<4x5120x128xf32, #tpu.memory_space<hbm>> -> memref<1x128x128xf32, #tpu.memory_space<hbm>>
    %dma_wait3A_516 = tpu.memref_squeeze %dma_wait3A_515 : memref<1x128x128xf32, #tpu.memory_space<hbm>> -> memref<128x128xf32, #tpu.memory_space<hbm>>
    %dma_wait3A_517 = arith.constant 0 : i32
    %dma_wait3A_518 = arith.constant 0 : i32
    %dma_wait3A_519 = tpu.memref_slice %arg8[%dma_wait3A_517, %dma_wait3A_518] : memref<128x128xf32, #tpu.memory_space<vmem>> -> memref<128x128xf32, #tpu.memory_space<vmem>>
    tpu.wait_dma2 semaphore(%arg14 : memref<!tpu.dma_semaphore, #tpu.memory_space<semaphore_mem>>) src(%dma_wait3A_519 : memref<128x128xf32, #tpu.memory_space<vmem>>) dst(%dma_wait3A_516 : memref<128x128xf32, #tpu.memory_space<hbm>>)
    %mul3A_520 = arith.constant 320 : i32
    %mul3A_521 = arith.muli %arg1, %mul3A_520 : i32
    %add3A_522 = arith.constant 256 : i32
    %add3A_523 = arith.addi %mul3A_521, %add3A_522 : i32
    %dma_start3A_524 = arith.constant 0 : i32
    %dma_start3A_525 = arith.constant 0 : i32
    %dma_start3A_526 = tpu.memref_slice %arg8[%dma_start3A_524, %dma_start3A_525] : memref<128x128xf32, #tpu.memory_space<vmem>> -> memref<64x128xf32, #tpu.memory_space<vmem>>
    %dma_start3A_527 = arith.constant 0 : i32
    %dma_start3A_528 = tpu.memref_slice %arg11[%add3A_523, %dma_start3A_527] : memref<5128x128xf32, #tpu.memory_space<vmem_shared>> -> memref<64x128xf32, #tpu.memory_space<vmem_shared>>
    %dma_start3A_529 = arith.constant 0 : i32
    %dma_start3A_530 = arith.constant 0 : i32
    %dma_start3A_531 = tpu.memref_slice %arg8[%dma_start3A_529, %dma_start3A_530] : memref<128x128xf32, #tpu.memory_space<vmem>> -> memref<64x128xf32, #tpu.memory_space<vmem>>
    %dma_start3A_532 = arith.constant 0 : i32
    %dma_start3A_533 = tpu.memref_slice %arg11[%add3A_523, %dma_start3A_532] : memref<5128x128xf32, #tpu.memory_space<vmem_shared>> -> memref<64x128xf32, #tpu.memory_space<vmem_shared>>
    tpu.enqueue_dma source(%dma_start3A_533 : memref<64x128xf32, #tpu.memory_space<vmem_shared>>) target(%dma_start3A_531 : memref<64x128xf32, #tpu.memory_space<vmem>>) target_semaphore(%arg12 : memref<!tpu.dma_semaphore, #tpu.memory_space<semaphore_mem>>)
    %dma_wait3A_534 = arith.constant 0 : i32
    %dma_wait3A_535 = arith.constant 0 : i32
    %dma_wait3A_536 = tpu.memref_slice %arg8[%dma_wait3A_534, %dma_wait3A_535] : memref<128x128xf32, #tpu.memory_space<vmem>> -> memref<64x128xf32, #tpu.memory_space<vmem>>
    %dma_wait3A_537 = arith.constant 0 : i32
    %dma_wait3A_538 = tpu.memref_slice %arg11[%add3A_523, %dma_wait3A_537] : memref<5128x128xf32, #tpu.memory_space<vmem_shared>> -> memref<64x128xf32, #tpu.memory_space<vmem_shared>>
    %dma_wait3A_539 = arith.constant 0 : i32
    %dma_wait3A_540 = arith.constant 0 : i32
    %dma_wait3A_541 = tpu.memref_slice %arg8[%dma_wait3A_539, %dma_wait3A_540] : memref<128x128xf32, #tpu.memory_space<vmem>> -> memref<64x128xf32, #tpu.memory_space<vmem>>
    %dma_wait3A_542 = arith.constant 0 : i32
    %dma_wait3A_543 = tpu.memref_slice %arg11[%add3A_523, %dma_wait3A_542] : memref<5128x128xf32, #tpu.memory_space<vmem_shared>> -> memref<64x128xf32, #tpu.memory_space<vmem_shared>>
    tpu.wait_dma2 semaphore(%arg12 : memref<!tpu.dma_semaphore, #tpu.memory_space<semaphore_mem>>) src(%dma_wait3A_543 : memref<64x128xf32, #tpu.memory_space<vmem_shared>>) dst(%dma_wait3A_541 : memref<64x128xf32, #tpu.memory_space<vmem>>)
    %mul3A_544 = arith.constant 2 : i32
    %mul3A_545 = arith.muli %arg0, %mul3A_544 : i32
    %add3A_546 = arith.constant 0 : i32
    %add3A_547 = arith.addi %mul3A_545, %add3A_546 : i32
    %mul3A_548 = arith.constant 320 : i32
    %mul3A_549 = arith.muli %arg1, %mul3A_548 : i32
    %add3A_550 = arith.constant 256 : i32
    %add3A_551 = arith.addi %mul3A_549, %add3A_550 : i32
    %dma_start3A_552 = arith.constant 0 : i32
    %dma_start3A_553 = arith.constant 0 : i32
    %dma_start3A_554 = tpu.memref_slice %arg8[%dma_start3A_552, %dma_start3A_553] : memref<128x128xf32, #tpu.memory_space<vmem>> -> memref<64x128xf32, #tpu.memory_space<vmem>>
    %dma_start3A_555 = arith.constant 0 : i32
    %dma_start3A_556 = tpu.memref_slice %arg5[%add3A_547, %add3A_551, %dma_start3A_555] : memref<4x5120x128xf32, #tpu.memory_space<hbm>> -> memref<1x64x128xf32, #tpu.memory_space<hbm>>
    %dma_start3A_557 = tpu.memref_squeeze %dma_start3A_556 : memref<1x64x128xf32, #tpu.memory_space<hbm>> -> memref<64x128xf32, #tpu.memory_space<hbm>>
    %dma_start3A_558 = arith.constant 0 : i32
    %dma_start3A_559 = tpu.memref_slice %arg5[%add3A_547, %add3A_551, %dma_start3A_558] : memref<4x5120x128xf32, #tpu.memory_space<hbm>> -> memref<1x64x128xf32, #tpu.memory_space<hbm>>
    %dma_start3A_560 = tpu.memref_squeeze %dma_start3A_559 : memref<1x64x128xf32, #tpu.memory_space<hbm>> -> memref<64x128xf32, #tpu.memory_space<hbm>>
    %dma_start3A_561 = arith.constant 0 : i32
    %dma_start3A_562 = arith.constant 0 : i32
    %dma_start3A_563 = tpu.memref_slice %arg8[%dma_start3A_561, %dma_start3A_562] : memref<128x128xf32, #tpu.memory_space<vmem>> -> memref<64x128xf32, #tpu.memory_space<vmem>>
    tpu.enqueue_dma source(%dma_start3A_563 : memref<64x128xf32, #tpu.memory_space<vmem>>) target(%dma_start3A_560 : memref<64x128xf32, #tpu.memory_space<hbm>>) target_semaphore(%arg14 : memref<!tpu.dma_semaphore, #tpu.memory_space<semaphore_mem>>)
    %dma_wait3A_564 = arith.constant 0 : i32
    %dma_wait3A_565 = arith.constant 0 : i32
    %dma_wait3A_566 = tpu.memref_slice %arg9[%dma_wait3A_564, %dma_wait3A_565] : memref<128x128xf32, #tpu.memory_space<vmem>> -> memref<128x128xf32, #tpu.memory_space<vmem>>
    %dma_wait3A_567 = arith.constant 0 : i32
    %dma_wait3A_568 = tpu.memref_slice %arg5[%add3A_491, %add3A_495, %dma_wait3A_567] : memref<4x5120x128xf32, #tpu.memory_space<hbm>> -> memref<1x128x128xf32, #tpu.memory_space<hbm>>
    %dma_wait3A_569 = tpu.memref_squeeze %dma_wait3A_568 : memref<1x128x128xf32, #tpu.memory_space<hbm>> -> memref<128x128xf32, #tpu.memory_space<hbm>>
    %dma_wait3A_570 = arith.constant 0 : i32
    %dma_wait3A_571 = tpu.memref_slice %arg5[%add3A_491, %add3A_495, %dma_wait3A_570] : memref<4x5120x128xf32, #tpu.memory_space<hbm>> -> memref<1x128x128xf32, #tpu.memory_space<hbm>>
    %dma_wait3A_572 = tpu.memref_squeeze %dma_wait3A_571 : memref<1x128x128xf32, #tpu.memory_space<hbm>> -> memref<128x128xf32, #tpu.memory_space<hbm>>
    %dma_wait3A_573 = arith.constant 0 : i32
    %dma_wait3A_574 = arith.constant 0 : i32
    %dma_wait3A_575 = tpu.memref_slice %arg9[%dma_wait3A_573, %dma_wait3A_574] : memref<128x128xf32, #tpu.memory_space<vmem>> -> memref<128x128xf32, #tpu.memory_space<vmem>>
    tpu.wait_dma2 semaphore(%arg15 : memref<!tpu.dma_semaphore, #tpu.memory_space<semaphore_mem>>) src(%dma_wait3A_575 : memref<128x128xf32, #tpu.memory_space<vmem>>) dst(%dma_wait3A_572 : memref<128x128xf32, #tpu.memory_space<hbm>>)
    %dma_wait3A_576 = arith.constant 0 : i32
    %dma_wait3A_577 = arith.constant 0 : i32
    %dma_wait3A_578 = tpu.memref_slice %arg8[%dma_wait3A_576, %dma_wait3A_577] : memref<128x128xf32, #tpu.memory_space<vmem>> -> memref<64x128xf32, #tpu.memory_space<vmem>>
    %dma_wait3A_579 = arith.constant 0 : i32
    %dma_wait3A_580 = tpu.memref_slice %arg5[%add3A_547, %add3A_551, %dma_wait3A_579] : memref<4x5120x128xf32, #tpu.memory_space<hbm>> -> memref<1x64x128xf32, #tpu.memory_space<hbm>>
    %dma_wait3A_581 = tpu.memref_squeeze %dma_wait3A_580 : memref<1x64x128xf32, #tpu.memory_space<hbm>> -> memref<64x128xf32, #tpu.memory_space<hbm>>
    %dma_wait3A_582 = arith.constant 0 : i32
    %dma_wait3A_583 = tpu.memref_slice %arg5[%add3A_547, %add3A_551, %dma_wait3A_582] : memref<4x5120x128xf32, #tpu.memory_space<hbm>> -> memref<1x64x128xf32, #tpu.memory_space<hbm>>
    %dma_wait3A_584 = tpu.memref_squeeze %dma_wait3A_583 : memref<1x64x128xf32, #tpu.memory_space<hbm>> -> memref<64x128xf32, #tpu.memory_space<hbm>>
    %dma_wait3A_585 = arith.constant 0 : i32
    %dma_wait3A_586 = arith.constant 0 : i32
    %dma_wait3A_587 = tpu.memref_slice %arg8[%dma_wait3A_585, %dma_wait3A_586] : memref<128x128xf32, #tpu.memory_space<vmem>> -> memref<64x128xf32, #tpu.memory_space<vmem>>
    tpu.wait_dma2 semaphore(%arg14 : memref<!tpu.dma_semaphore, #tpu.memory_space<semaphore_mem>>) src(%dma_wait3A_587 : memref<64x128xf32, #tpu.memory_space<vmem>>) dst(%dma_wait3A_584 : memref<64x128xf32, #tpu.memory_space<hbm>>)
    %barrier3A_588 = arith.constant 0 : index
    tpu.barrier barrier_id(%barrier3A_588)
    "tpu.region"() ({
      %run_scoped3A = tpu.sem_alloc : memref<!tpu.dma_semaphore, #tpu.memory_space<semaphore_mem>>
      tpu.enqueue_dma source(%arg4 : memref<128x128xf32, #tpu.memory_space<hbm>>) target(%arg8 : memref<128x128xf32, #tpu.memory_space<vmem>>) target_semaphore(%run_scoped3A : memref<!tpu.dma_semaphore, #tpu.memory_space<semaphore_mem>>)
      tpu.wait_dma2 semaphore(%run_scoped3A : memref<!tpu.dma_semaphore, #tpu.memory_space<semaphore_mem>>) src(%arg4 : memref<128x128xf32, #tpu.memory_space<hbm>>) dst(%arg8 : memref<128x128xf32, #tpu.memory_space<vmem>>)
      tpu.yield
    }) : () -> ()
    %mul3A_589 = arith.constant 320 : i32
    %mul3A_590 = arith.muli %arg1, %mul3A_589 : i32
    %add3A_591 = arith.constant 0 : i32
    %add3A_592 = arith.addi %mul3A_590, %add3A_591 : i32
    %dma_start3A_593 = arith.constant 0 : i32
    %dma_start3A_594 = arith.constant 0 : i32
    %dma_start3A_595 = tpu.memref_slice %arg8[%dma_start3A_593, %dma_start3A_594] : memref<128x128xf32, #tpu.memory_space<vmem>> -> memref<128x128xf32, #tpu.memory_space<vmem>>
    %dma_start3A_596 = arith.constant 0 : i32
    %dma_start3A_597 = tpu.memref_slice %arg11[%add3A_592, %dma_start3A_596] : memref<5128x128xf32, #tpu.memory_space<vmem_shared>> -> memref<128x128xf32, #tpu.memory_space<vmem_shared>>
    %dma_start3A_598 = arith.constant 0 : i32
    %dma_start3A_599 = tpu.memref_slice %arg11[%add3A_592, %dma_start3A_598] : memref<5128x128xf32, #tpu.memory_space<vmem_shared>> -> memref<128x128xf32, #tpu.memory_space<vmem_shared>>
    %dma_start3A_600 = arith.constant 0 : i32
    %dma_start3A_601 = arith.constant 0 : i32
    %dma_start3A_602 = tpu.memref_slice %arg8[%dma_start3A_600, %dma_start3A_601] : memref<128x128xf32, #tpu.memory_space<vmem>> -> memref<128x128xf32, #tpu.memory_space<vmem>>
    tpu.enqueue_dma source(%dma_start3A_602 : memref<128x128xf32, #tpu.memory_space<vmem>>) target(%dma_start3A_599 : memref<128x128xf32, #tpu.memory_space<vmem_shared>>) target_semaphore(%arg14 : memref<!tpu.dma_semaphore, #tpu.memory_space<semaphore_mem>>)
    %mul3A_603 = arith.constant 320 : i32
    %mul3A_604 = arith.muli %arg1, %mul3A_603 : i32
    %add3A_605 = arith.constant 128 : i32
    %add3A_606 = arith.addi %mul3A_604, %add3A_605 : i32
    %dma_start3A_607 = arith.constant 0 : i32
    %dma_start3A_608 = arith.constant 0 : i32
    %dma_start3A_609 = tpu.memref_slice %arg8[%dma_start3A_607, %dma_start3A_608] : memref<128x128xf32, #tpu.memory_space<vmem>> -> memref<128x128xf32, #tpu.memory_space<vmem>>
    %dma_start3A_610 = arith.constant 0 : i32
    %dma_start3A_611 = tpu.memref_slice %arg11[%add3A_606, %dma_start3A_610] : memref<5128x128xf32, #tpu.memory_space<vmem_shared>> -> memref<128x128xf32, #tpu.memory_space<vmem_shared>>
    %dma_start3A_612 = arith.constant 0 : i32
    %dma_start3A_613 = tpu.memref_slice %arg11[%add3A_606, %dma_start3A_612] : memref<5128x128xf32, #tpu.memory_space<vmem_shared>> -> memref<128x128xf32, #tpu.memory_space<vmem_shared>>
    %dma_start3A_614 = arith.constant 0 : i32
    %dma_start3A_615 = arith.constant 0 : i32
    %dma_start3A_616 = tpu.memref_slice %arg8[%dma_start3A_614, %dma_start3A_615] : memref<128x128xf32, #tpu.memory_space<vmem>> -> memref<128x128xf32, #tpu.memory_space<vmem>>
    tpu.enqueue_dma source(%dma_start3A_616 : memref<128x128xf32, #tpu.memory_space<vmem>>) target(%dma_start3A_613 : memref<128x128xf32, #tpu.memory_space<vmem_shared>>) target_semaphore(%arg14 : memref<!tpu.dma_semaphore, #tpu.memory_space<semaphore_mem>>)
    %mul3A_617 = arith.constant 320 : i32
    %mul3A_618 = arith.muli %arg1, %mul3A_617 : i32
    %add3A_619 = arith.constant 256 : i32
    %add3A_620 = arith.addi %mul3A_618, %add3A_619 : i32
    %dma_start3A_621 = arith.constant 0 : i32
    %dma_start3A_622 = arith.constant 0 : i32
    %dma_start3A_623 = tpu.memref_slice %arg8[%dma_start3A_621, %dma_start3A_622] : memref<128x128xf32, #tpu.memory_space<vmem>> -> memref<64x128xf32, #tpu.memory_space<vmem>>
    %dma_start3A_624 = arith.constant 0 : i32
    %dma_start3A_625 = tpu.memref_slice %arg11[%add3A_620, %dma_start3A_624] : memref<5128x128xf32, #tpu.memory_space<vmem_shared>> -> memref<64x128xf32, #tpu.memory_space<vmem_shared>>
    %dma_start3A_626 = arith.constant 0 : i32
    %dma_start3A_627 = tpu.memref_slice %arg11[%add3A_620, %dma_start3A_626] : memref<5128x128xf32, #tpu.memory_space<vmem_shared>> -> memref<64x128xf32, #tpu.memory_space<vmem_shared>>
    %dma_start3A_628 = arith.constant 0 : i32
    %dma_start3A_629 = arith.constant 0 : i32
    %dma_start3A_630 = tpu.memref_slice %arg8[%dma_start3A_628, %dma_start3A_629] : memref<128x128xf32, #tpu.memory_space<vmem>> -> memref<64x128xf32, #tpu.memory_space<vmem>>
    tpu.enqueue_dma source(%dma_start3A_630 : memref<64x128xf32, #tpu.memory_space<vmem>>) target(%dma_start3A_627 : memref<64x128xf32, #tpu.memory_space<vmem_shared>>) target_semaphore(%arg14 : memref<!tpu.dma_semaphore, #tpu.memory_space<semaphore_mem>>)
    %eq3A_631 = arith.constant 15 : i32
    %eq3A_632 = arith.cmpi eq, %arg1, %eq3A_631 : i32
    %convert_element_type3A_633 = arith.extui %eq3A_632 : i1 to i32
    %cond3A_634 = arith.constant 0 : i32
    %cond3A_635 = arith.cmpi ne, %convert_element_type3A_633, %cond3A_634 : i32
    scf.if %cond3A_635 {
      %dma_start3A_1184 = arith.constant 0 : i32
      %dma_start3A_1185 = arith.constant 0 : i32
      %dma_start3A_1186 = tpu.memref_slice %arg8[%dma_start3A_1184, %dma_start3A_1185] : memref<128x128xf32, #tpu.memory_space<vmem>> -> memref<8x128xf32, #tpu.memory_space<vmem>>
      %dma_start3A_1187 = arith.constant 5120 : i32
      %dma_start3A_1188 = arith.constant 0 : i32
      %dma_start3A_1189 = tpu.memref_slice %arg11[%dma_start3A_1187, %dma_start3A_1188] : memref<5128x128xf32, #tpu.memory_space<vmem_shared>> -> memref<8x128xf32, #tpu.memory_space<vmem_shared>>
      %dma_start3A_1190 = arith.constant 5120 : i32
      %dma_start3A_1191 = arith.constant 0 : i32
      %dma_start3A_1192 = tpu.memref_slice %arg11[%dma_start3A_1190, %dma_start3A_1191] : memref<5128x128xf32, #tpu.memory_space<vmem_shared>> -> memref<8x128xf32, #tpu.memory_space<vmem_shared>>
      %dma_start3A_1193 = arith.constant 0 : i32
      %dma_start3A_1194 = arith.constant 0 : i32
      %dma_start3A_1195 = tpu.memref_slice %arg8[%dma_start3A_1193, %dma_start3A_1194] : memref<128x128xf32, #tpu.memory_space<vmem>> -> memref<8x128xf32, #tpu.memory_space<vmem>>
      tpu.enqueue_dma source(%dma_start3A_1195 : memref<8x128xf32, #tpu.memory_space<vmem>>) target(%dma_start3A_1192 : memref<8x128xf32, #tpu.memory_space<vmem_shared>>) target_semaphore(%arg15 : memref<!tpu.dma_semaphore, #tpu.memory_space<semaphore_mem>>)
      %dma_wait3A_1196 = arith.constant 0 : i32
      %dma_wait3A_1197 = arith.constant 0 : i32
      %dma_wait3A_1198 = tpu.memref_slice %arg8[%dma_wait3A_1196, %dma_wait3A_1197] : memref<128x128xf32, #tpu.memory_space<vmem>> -> memref<8x128xf32, #tpu.memory_space<vmem>>
      %dma_wait3A_1199 = arith.constant 5120 : i32
      %dma_wait3A_1200 = arith.constant 0 : i32
      %dma_wait3A_1201 = tpu.memref_slice %arg11[%dma_wait3A_1199, %dma_wait3A_1200] : memref<5128x128xf32, #tpu.memory_space<vmem_shared>> -> memref<8x128xf32, #tpu.memory_space<vmem_shared>>
      %dma_wait3A_1202 = arith.constant 5120 : i32
      %dma_wait3A_1203 = arith.constant 0 : i32
      %dma_wait3A_1204 = tpu.memref_slice %arg11[%dma_wait3A_1202, %dma_wait3A_1203] : memref<5128x128xf32, #tpu.memory_space<vmem_shared>> -> memref<8x128xf32, #tpu.memory_space<vmem_shared>>
      %dma_wait3A_1205 = arith.constant 0 : i32
      %dma_wait3A_1206 = arith.constant 0 : i32
      %dma_wait3A_1207 = tpu.memref_slice %arg8[%dma_wait3A_1205, %dma_wait3A_1206] : memref<128x128xf32, #tpu.memory_space<vmem>> -> memref<8x128xf32, #tpu.memory_space<vmem>>
      tpu.wait_dma2 semaphore(%arg15 : memref<!tpu.dma_semaphore, #tpu.memory_space<semaphore_mem>>) src(%dma_wait3A_1207 : memref<8x128xf32, #tpu.memory_space<vmem>>) dst(%dma_wait3A_1204 : memref<8x128xf32, #tpu.memory_space<vmem_shared>>)
    } else {
    }
    %dma_wait3A_636 = arith.constant 0 : i32
    %dma_wait3A_637 = arith.constant 0 : i32
    %dma_wait3A_638 = tpu.memref_slice %arg8[%dma_wait3A_636, %dma_wait3A_637] : memref<128x128xf32, #tpu.memory_space<vmem>> -> memref<128x128xf32, #tpu.memory_space<vmem>>
    %dma_wait3A_639 = arith.constant 0 : i32
    %dma_wait3A_640 = tpu.memref_slice %arg11[%add3A_592, %dma_wait3A_639] : memref<5128x128xf32, #tpu.memory_space<vmem_shared>> -> memref<128x128xf32, #tpu.memory_space<vmem_shared>>
    %dma_wait3A_641 = arith.constant 0 : i32
    %dma_wait3A_642 = tpu.memref_slice %arg11[%add3A_592, %dma_wait3A_641] : memref<5128x128xf32, #tpu.memory_space<vmem_shared>> -> memref<128x128xf32, #tpu.memory_space<vmem_shared>>
    %dma_wait3A_643 = arith.constant 0 : i32
    %dma_wait3A_644 = arith.constant 0 : i32
    %dma_wait3A_645 = tpu.memref_slice %arg8[%dma_wait3A_643, %dma_wait3A_644] : memref<128x128xf32, #tpu.memory_space<vmem>> -> memref<128x128xf32, #tpu.memory_space<vmem>>
    tpu.wait_dma2 semaphore(%arg14 : memref<!tpu.dma_semaphore, #tpu.memory_space<semaphore_mem>>) src(%dma_wait3A_645 : memref<128x128xf32, #tpu.memory_space<vmem>>) dst(%dma_wait3A_642 : memref<128x128xf32, #tpu.memory_space<vmem_shared>>)
    %dma_wait3A_646 = arith.constant 0 : i32
    %dma_wait3A_647 = arith.constant 0 : i32
    %dma_wait3A_648 = tpu.memref_slice %arg8[%dma_wait3A_646, %dma_wait3A_647] : memref<128x128xf32, #tpu.memory_space<vmem>> -> memref<128x128xf32, #tpu.memory_space<vmem>>
    %dma_wait3A_649 = arith.constant 0 : i32
    %dma_wait3A_650 = tpu.memref_slice %arg11[%add3A_606, %dma_wait3A_649] : memref<5128x128xf32, #tpu.memory_space<vmem_shared>> -> memref<128x128xf32, #tpu.memory_space<vmem_shared>>
    %dma_wait3A_651 = arith.constant 0 : i32
    %dma_wait3A_652 = tpu.memref_slice %arg11[%add3A_606, %dma_wait3A_651] : memref<5128x128xf32, #tpu.memory_space<vmem_shared>> -> memref<128x128xf32, #tpu.memory_space<vmem_shared>>
    %dma_wait3A_653 = arith.constant 0 : i32
    %dma_wait3A_654 = arith.constant 0 : i32
    %dma_wait3A_655 = tpu.memref_slice %arg8[%dma_wait3A_653, %dma_wait3A_654] : memref<128x128xf32, #tpu.memory_space<vmem>> -> memref<128x128xf32, #tpu.memory_space<vmem>>
    tpu.wait_dma2 semaphore(%arg14 : memref<!tpu.dma_semaphore, #tpu.memory_space<semaphore_mem>>) src(%dma_wait3A_655 : memref<128x128xf32, #tpu.memory_space<vmem>>) dst(%dma_wait3A_652 : memref<128x128xf32, #tpu.memory_space<vmem_shared>>)
    %dma_wait3A_656 = arith.constant 0 : i32
    %dma_wait3A_657 = arith.constant 0 : i32
    %dma_wait3A_658 = tpu.memref_slice %arg8[%dma_wait3A_656, %dma_wait3A_657] : memref<128x128xf32, #tpu.memory_space<vmem>> -> memref<64x128xf32, #tpu.memory_space<vmem>>
    %dma_wait3A_659 = arith.constant 0 : i32
    %dma_wait3A_660 = tpu.memref_slice %arg11[%add3A_620, %dma_wait3A_659] : memref<5128x128xf32, #tpu.memory_space<vmem_shared>> -> memref<64x128xf32, #tpu.memory_space<vmem_shared>>
    %dma_wait3A_661 = arith.constant 0 : i32
    %dma_wait3A_662 = tpu.memref_slice %arg11[%add3A_620, %dma_wait3A_661] : memref<5128x128xf32, #tpu.memory_space<vmem_shared>> -> memref<64x128xf32, #tpu.memory_space<vmem_shared>>
    %dma_wait3A_663 = arith.constant 0 : i32
    %dma_wait3A_664 = arith.constant 0 : i32
    %dma_wait3A_665 = tpu.memref_slice %arg8[%dma_wait3A_663, %dma_wait3A_664] : memref<128x128xf32, #tpu.memory_space<vmem>> -> memref<64x128xf32, #tpu.memory_space<vmem>>
    tpu.wait_dma2 semaphore(%arg14 : memref<!tpu.dma_semaphore, #tpu.memory_space<semaphore_mem>>) src(%dma_wait3A_665 : memref<64x128xf32, #tpu.memory_space<vmem>>) dst(%dma_wait3A_662 : memref<64x128xf32, #tpu.memory_space<vmem_shared>>)
    %barrier3A_666 = arith.constant 0 : index
    tpu.barrier barrier_id(%barrier3A_666)
    %mul3A_667 = arith.constant 320 : i32
    %mul3A_668 = arith.muli %arg1, %mul3A_667 : i32
    %add3A_669 = arith.constant 0 : i32
    %add3A_670 = arith.addi %add3A_669, %mul3A_668 : i32
    %add3A_671 = arith.constant 0 : i32
    %add3A_672 = arith.addi %add3A_670, %add3A_671 : i32
    %dma_start3A_673 = arith.constant 0 : i32
    %dma_start3A_674 = arith.constant 0 : i32
    %dma_start3A_675 = tpu.memref_slice %arg8[%dma_start3A_673, %dma_start3A_674] : memref<128x128xf32, #tpu.memory_space<vmem>> -> memref<128x128xf32, #tpu.memory_space<vmem>>
    %dma_start3A_676 = arith.constant 0 : i32
    %dma_start3A_677 = tpu.memref_slice %arg2[%add3A_672, %dma_start3A_676] : memref<10240x128xf32, #tpu.memory_space<hbm>> -> memref<128x128xf32, #tpu.memory_space<hbm>>
    %dma_start3A_678 = arith.constant 0 : i32
    %dma_start3A_679 = arith.constant 0 : i32
    %dma_start3A_680 = tpu.memref_slice %arg8[%dma_start3A_678, %dma_start3A_679] : memref<128x128xf32, #tpu.memory_space<vmem>> -> memref<128x128xf32, #tpu.memory_space<vmem>>
    %dma_start3A_681 = arith.constant 0 : i32
    %dma_start3A_682 = tpu.memref_slice %arg2[%add3A_672, %dma_start3A_681] : memref<10240x128xf32, #tpu.memory_space<hbm>> -> memref<128x128xf32, #tpu.memory_space<hbm>>
    tpu.enqueue_dma source(%dma_start3A_682 : memref<128x128xf32, #tpu.memory_space<hbm>>) target(%dma_start3A_680 : memref<128x128xf32, #tpu.memory_space<vmem>>) target_semaphore(%arg12 : memref<!tpu.dma_semaphore, #tpu.memory_space<semaphore_mem>>)
    %add3A_683 = arith.constant 128 : i32
    %add3A_684 = arith.addi %add3A_670, %add3A_683 : i32
    %dma_start3A_685 = arith.constant 0 : i32
    %dma_start3A_686 = arith.constant 0 : i32
    %dma_start3A_687 = tpu.memref_slice %arg9[%dma_start3A_685, %dma_start3A_686] : memref<128x128xf32, #tpu.memory_space<vmem>> -> memref<128x128xf32, #tpu.memory_space<vmem>>
    %dma_start3A_688 = arith.constant 0 : i32
    %dma_start3A_689 = tpu.memref_slice %arg2[%add3A_684, %dma_start3A_688] : memref<10240x128xf32, #tpu.memory_space<hbm>> -> memref<128x128xf32, #tpu.memory_space<hbm>>
    %dma_start3A_690 = arith.constant 0 : i32
    %dma_start3A_691 = arith.constant 0 : i32
    %dma_start3A_692 = tpu.memref_slice %arg9[%dma_start3A_690, %dma_start3A_691] : memref<128x128xf32, #tpu.memory_space<vmem>> -> memref<128x128xf32, #tpu.memory_space<vmem>>
    %dma_start3A_693 = arith.constant 0 : i32
    %dma_start3A_694 = tpu.memref_slice %arg2[%add3A_684, %dma_start3A_693] : memref<10240x128xf32, #tpu.memory_space<hbm>> -> memref<128x128xf32, #tpu.memory_space<hbm>>
    tpu.enqueue_dma source(%dma_start3A_694 : memref<128x128xf32, #tpu.memory_space<hbm>>) target(%dma_start3A_692 : memref<128x128xf32, #tpu.memory_space<vmem>>) target_semaphore(%arg13 : memref<!tpu.dma_semaphore, #tpu.memory_space<semaphore_mem>>)
    %dma_wait3A_695 = arith.constant 0 : i32
    %dma_wait3A_696 = arith.constant 0 : i32
    %dma_wait3A_697 = tpu.memref_slice %arg8[%dma_wait3A_695, %dma_wait3A_696] : memref<128x128xf32, #tpu.memory_space<vmem>> -> memref<128x128xf32, #tpu.memory_space<vmem>>
    %dma_wait3A_698 = arith.constant 0 : i32
    %dma_wait3A_699 = tpu.memref_slice %arg2[%add3A_672, %dma_wait3A_698] : memref<10240x128xf32, #tpu.memory_space<hbm>> -> memref<128x128xf32, #tpu.memory_space<hbm>>
    %dma_wait3A_700 = arith.constant 0 : i32
    %dma_wait3A_701 = arith.constant 0 : i32
    %dma_wait3A_702 = tpu.memref_slice %arg8[%dma_wait3A_700, %dma_wait3A_701] : memref<128x128xf32, #tpu.memory_space<vmem>> -> memref<128x128xf32, #tpu.memory_space<vmem>>
    %dma_wait3A_703 = arith.constant 0 : i32
    %dma_wait3A_704 = tpu.memref_slice %arg2[%add3A_672, %dma_wait3A_703] : memref<10240x128xf32, #tpu.memory_space<hbm>> -> memref<128x128xf32, #tpu.memory_space<hbm>>
    tpu.wait_dma2 semaphore(%arg12 : memref<!tpu.dma_semaphore, #tpu.memory_space<semaphore_mem>>) src(%dma_wait3A_704 : memref<128x128xf32, #tpu.memory_space<hbm>>) dst(%dma_wait3A_702 : memref<128x128xf32, #tpu.memory_space<vmem>>)
    %mul3A_705 = arith.constant 320 : i32
    %mul3A_706 = arith.muli %arg1, %mul3A_705 : i32
    %add3A_707 = arith.constant 0 : i32
    %add3A_708 = arith.addi %mul3A_706, %add3A_707 : i32
    %dma_start3A_709 = arith.constant 0 : i32
    %dma_start3A_710 = arith.constant 0 : i32
    %dma_start3A_711 = tpu.memref_slice %arg8[%dma_start3A_709, %dma_start3A_710] : memref<128x128xf32, #tpu.memory_space<vmem>> -> memref<128x128xf32, #tpu.memory_space<vmem>>
    %dma_start3A_712 = arith.constant 0 : i32
    %dma_start3A_713 = tpu.memref_slice %arg10[%add3A_708, %dma_start3A_712] : memref<5120x128xf32, #tpu.memory_space<vmem_shared>> -> memref<128x128xf32, #tpu.memory_space<vmem_shared>>
    %dma_start3A_714 = arith.constant 0 : i32
    %dma_start3A_715 = tpu.memref_slice %arg10[%add3A_708, %dma_start3A_714] : memref<5120x128xf32, #tpu.memory_space<vmem_shared>> -> memref<128x128xf32, #tpu.memory_space<vmem_shared>>
    %dma_start3A_716 = arith.constant 0 : i32
    %dma_start3A_717 = arith.constant 0 : i32
    %dma_start3A_718 = tpu.memref_slice %arg8[%dma_start3A_716, %dma_start3A_717] : memref<128x128xf32, #tpu.memory_space<vmem>> -> memref<128x128xf32, #tpu.memory_space<vmem>>
    tpu.enqueue_dma source(%dma_start3A_718 : memref<128x128xf32, #tpu.memory_space<vmem>>) target(%dma_start3A_715 : memref<128x128xf32, #tpu.memory_space<vmem_shared>>) target_semaphore(%arg14 : memref<!tpu.dma_semaphore, #tpu.memory_space<semaphore_mem>>)
    %dma_wait3A_719 = arith.constant 0 : i32
    %dma_wait3A_720 = arith.constant 0 : i32
    %dma_wait3A_721 = tpu.memref_slice %arg9[%dma_wait3A_719, %dma_wait3A_720] : memref<128x128xf32, #tpu.memory_space<vmem>> -> memref<128x128xf32, #tpu.memory_space<vmem>>
    %dma_wait3A_722 = arith.constant 0 : i32
    %dma_wait3A_723 = tpu.memref_slice %arg2[%add3A_684, %dma_wait3A_722] : memref<10240x128xf32, #tpu.memory_space<hbm>> -> memref<128x128xf32, #tpu.memory_space<hbm>>
    %dma_wait3A_724 = arith.constant 0 : i32
    %dma_wait3A_725 = arith.constant 0 : i32
    %dma_wait3A_726 = tpu.memref_slice %arg9[%dma_wait3A_724, %dma_wait3A_725] : memref<128x128xf32, #tpu.memory_space<vmem>> -> memref<128x128xf32, #tpu.memory_space<vmem>>
    %dma_wait3A_727 = arith.constant 0 : i32
    %dma_wait3A_728 = tpu.memref_slice %arg2[%add3A_684, %dma_wait3A_727] : memref<10240x128xf32, #tpu.memory_space<hbm>> -> memref<128x128xf32, #tpu.memory_space<hbm>>
    tpu.wait_dma2 semaphore(%arg13 : memref<!tpu.dma_semaphore, #tpu.memory_space<semaphore_mem>>) src(%dma_wait3A_728 : memref<128x128xf32, #tpu.memory_space<hbm>>) dst(%dma_wait3A_726 : memref<128x128xf32, #tpu.memory_space<vmem>>)
    %mul3A_729 = arith.constant 320 : i32
    %mul3A_730 = arith.muli %arg1, %mul3A_729 : i32
    %add3A_731 = arith.constant 128 : i32
    %add3A_732 = arith.addi %mul3A_730, %add3A_731 : i32
    %dma_start3A_733 = arith.constant 0 : i32
    %dma_start3A_734 = arith.constant 0 : i32
    %dma_start3A_735 = tpu.memref_slice %arg9[%dma_start3A_733, %dma_start3A_734] : memref<128x128xf32, #tpu.memory_space<vmem>> -> memref<128x128xf32, #tpu.memory_space<vmem>>
    %dma_start3A_736 = arith.constant 0 : i32
    %dma_start3A_737 = tpu.memref_slice %arg10[%add3A_732, %dma_start3A_736] : memref<5120x128xf32, #tpu.memory_space<vmem_shared>> -> memref<128x128xf32, #tpu.memory_space<vmem_shared>>
    %dma_start3A_738 = arith.constant 0 : i32
    %dma_start3A_739 = tpu.memref_slice %arg10[%add3A_732, %dma_start3A_738] : memref<5120x128xf32, #tpu.memory_space<vmem_shared>> -> memref<128x128xf32, #tpu.memory_space<vmem_shared>>
    %dma_start3A_740 = arith.constant 0 : i32
    %dma_start3A_741 = arith.constant 0 : i32
    %dma_start3A_742 = tpu.memref_slice %arg9[%dma_start3A_740, %dma_start3A_741] : memref<128x128xf32, #tpu.memory_space<vmem>> -> memref<128x128xf32, #tpu.memory_space<vmem>>
    tpu.enqueue_dma source(%dma_start3A_742 : memref<128x128xf32, #tpu.memory_space<vmem>>) target(%dma_start3A_739 : memref<128x128xf32, #tpu.memory_space<vmem_shared>>) target_semaphore(%arg15 : memref<!tpu.dma_semaphore, #tpu.memory_space<semaphore_mem>>)
    %dma_wait3A_743 = arith.constant 0 : i32
    %dma_wait3A_744 = arith.constant 0 : i32
    %dma_wait3A_745 = tpu.memref_slice %arg8[%dma_wait3A_743, %dma_wait3A_744] : memref<128x128xf32, #tpu.memory_space<vmem>> -> memref<128x128xf32, #tpu.memory_space<vmem>>
    %dma_wait3A_746 = arith.constant 0 : i32
    %dma_wait3A_747 = tpu.memref_slice %arg10[%add3A_708, %dma_wait3A_746] : memref<5120x128xf32, #tpu.memory_space<vmem_shared>> -> memref<128x128xf32, #tpu.memory_space<vmem_shared>>
    %dma_wait3A_748 = arith.constant 0 : i32
    %dma_wait3A_749 = tpu.memref_slice %arg10[%add3A_708, %dma_wait3A_748] : memref<5120x128xf32, #tpu.memory_space<vmem_shared>> -> memref<128x128xf32, #tpu.memory_space<vmem_shared>>
    %dma_wait3A_750 = arith.constant 0 : i32
    %dma_wait3A_751 = arith.constant 0 : i32
    %dma_wait3A_752 = tpu.memref_slice %arg8[%dma_wait3A_750, %dma_wait3A_751] : memref<128x128xf32, #tpu.memory_space<vmem>> -> memref<128x128xf32, #tpu.memory_space<vmem>>
    tpu.wait_dma2 semaphore(%arg14 : memref<!tpu.dma_semaphore, #tpu.memory_space<semaphore_mem>>) src(%dma_wait3A_752 : memref<128x128xf32, #tpu.memory_space<vmem>>) dst(%dma_wait3A_749 : memref<128x128xf32, #tpu.memory_space<vmem_shared>>)
    %add3A_753 = arith.constant 256 : i32
    %add3A_754 = arith.addi %add3A_670, %add3A_753 : i32
    %dma_start3A_755 = arith.constant 0 : i32
    %dma_start3A_756 = arith.constant 0 : i32
    %dma_start3A_757 = tpu.memref_slice %arg8[%dma_start3A_755, %dma_start3A_756] : memref<128x128xf32, #tpu.memory_space<vmem>> -> memref<64x128xf32, #tpu.memory_space<vmem>>
    %dma_start3A_758 = arith.constant 0 : i32
    %dma_start3A_759 = tpu.memref_slice %arg2[%add3A_754, %dma_start3A_758] : memref<10240x128xf32, #tpu.memory_space<hbm>> -> memref<64x128xf32, #tpu.memory_space<hbm>>
    %dma_start3A_760 = arith.constant 0 : i32
    %dma_start3A_761 = arith.constant 0 : i32
    %dma_start3A_762 = tpu.memref_slice %arg8[%dma_start3A_760, %dma_start3A_761] : memref<128x128xf32, #tpu.memory_space<vmem>> -> memref<64x128xf32, #tpu.memory_space<vmem>>
    %dma_start3A_763 = arith.constant 0 : i32
    %dma_start3A_764 = tpu.memref_slice %arg2[%add3A_754, %dma_start3A_763] : memref<10240x128xf32, #tpu.memory_space<hbm>> -> memref<64x128xf32, #tpu.memory_space<hbm>>
    tpu.enqueue_dma source(%dma_start3A_764 : memref<64x128xf32, #tpu.memory_space<hbm>>) target(%dma_start3A_762 : memref<64x128xf32, #tpu.memory_space<vmem>>) target_semaphore(%arg12 : memref<!tpu.dma_semaphore, #tpu.memory_space<semaphore_mem>>)
    %dma_wait3A_765 = arith.constant 0 : i32
    %dma_wait3A_766 = arith.constant 0 : i32
    %dma_wait3A_767 = tpu.memref_slice %arg8[%dma_wait3A_765, %dma_wait3A_766] : memref<128x128xf32, #tpu.memory_space<vmem>> -> memref<64x128xf32, #tpu.memory_space<vmem>>
    %dma_wait3A_768 = arith.constant 0 : i32
    %dma_wait3A_769 = tpu.memref_slice %arg2[%add3A_754, %dma_wait3A_768] : memref<10240x128xf32, #tpu.memory_space<hbm>> -> memref<64x128xf32, #tpu.memory_space<hbm>>
    %dma_wait3A_770 = arith.constant 0 : i32
    %dma_wait3A_771 = arith.constant 0 : i32
    %dma_wait3A_772 = tpu.memref_slice %arg8[%dma_wait3A_770, %dma_wait3A_771] : memref<128x128xf32, #tpu.memory_space<vmem>> -> memref<64x128xf32, #tpu.memory_space<vmem>>
    %dma_wait3A_773 = arith.constant 0 : i32
    %dma_wait3A_774 = tpu.memref_slice %arg2[%add3A_754, %dma_wait3A_773] : memref<10240x128xf32, #tpu.memory_space<hbm>> -> memref<64x128xf32, #tpu.memory_space<hbm>>
    tpu.wait_dma2 semaphore(%arg12 : memref<!tpu.dma_semaphore, #tpu.memory_space<semaphore_mem>>) src(%dma_wait3A_774 : memref<64x128xf32, #tpu.memory_space<hbm>>) dst(%dma_wait3A_772 : memref<64x128xf32, #tpu.memory_space<vmem>>)
    %mul3A_775 = arith.constant 320 : i32
    %mul3A_776 = arith.muli %arg1, %mul3A_775 : i32
    %add3A_777 = arith.constant 256 : i32
    %add3A_778 = arith.addi %mul3A_776, %add3A_777 : i32
    %dma_start3A_779 = arith.constant 0 : i32
    %dma_start3A_780 = arith.constant 0 : i32
    %dma_start3A_781 = tpu.memref_slice %arg8[%dma_start3A_779, %dma_start3A_780] : memref<128x128xf32, #tpu.memory_space<vmem>> -> memref<64x128xf32, #tpu.memory_space<vmem>>
    %dma_start3A_782 = arith.constant 0 : i32
    %dma_start3A_783 = tpu.memref_slice %arg10[%add3A_778, %dma_start3A_782] : memref<5120x128xf32, #tpu.memory_space<vmem_shared>> -> memref<64x128xf32, #tpu.memory_space<vmem_shared>>
    %dma_start3A_784 = arith.constant 0 : i32
    %dma_start3A_785 = tpu.memref_slice %arg10[%add3A_778, %dma_start3A_784] : memref<5120x128xf32, #tpu.memory_space<vmem_shared>> -> memref<64x128xf32, #tpu.memory_space<vmem_shared>>
    %dma_start3A_786 = arith.constant 0 : i32
    %dma_start3A_787 = arith.constant 0 : i32
    %dma_start3A_788 = tpu.memref_slice %arg8[%dma_start3A_786, %dma_start3A_787] : memref<128x128xf32, #tpu.memory_space<vmem>> -> memref<64x128xf32, #tpu.memory_space<vmem>>
    tpu.enqueue_dma source(%dma_start3A_788 : memref<64x128xf32, #tpu.memory_space<vmem>>) target(%dma_start3A_785 : memref<64x128xf32, #tpu.memory_space<vmem_shared>>) target_semaphore(%arg14 : memref<!tpu.dma_semaphore, #tpu.memory_space<semaphore_mem>>)
    %dma_wait3A_789 = arith.constant 0 : i32
    %dma_wait3A_790 = arith.constant 0 : i32
    %dma_wait3A_791 = tpu.memref_slice %arg9[%dma_wait3A_789, %dma_wait3A_790] : memref<128x128xf32, #tpu.memory_space<vmem>> -> memref<128x128xf32, #tpu.memory_space<vmem>>
    %dma_wait3A_792 = arith.constant 0 : i32
    %dma_wait3A_793 = tpu.memref_slice %arg10[%add3A_732, %dma_wait3A_792] : memref<5120x128xf32, #tpu.memory_space<vmem_shared>> -> memref<128x128xf32, #tpu.memory_space<vmem_shared>>
    %dma_wait3A_794 = arith.constant 0 : i32
    %dma_wait3A_795 = tpu.memref_slice %arg10[%add3A_732, %dma_wait3A_794] : memref<5120x128xf32, #tpu.memory_space<vmem_shared>> -> memref<128x128xf32, #tpu.memory_space<vmem_shared>>
    %dma_wait3A_796 = arith.constant 0 : i32
    %dma_wait3A_797 = arith.constant 0 : i32
    %dma_wait3A_798 = tpu.memref_slice %arg9[%dma_wait3A_796, %dma_wait3A_797] : memref<128x128xf32, #tpu.memory_space<vmem>> -> memref<128x128xf32, #tpu.memory_space<vmem>>
    tpu.wait_dma2 semaphore(%arg15 : memref<!tpu.dma_semaphore, #tpu.memory_space<semaphore_mem>>) src(%dma_wait3A_798 : memref<128x128xf32, #tpu.memory_space<vmem>>) dst(%dma_wait3A_795 : memref<128x128xf32, #tpu.memory_space<vmem_shared>>)
    %dma_wait3A_799 = arith.constant 0 : i32
    %dma_wait3A_800 = arith.constant 0 : i32
    %dma_wait3A_801 = tpu.memref_slice %arg8[%dma_wait3A_799, %dma_wait3A_800] : memref<128x128xf32, #tpu.memory_space<vmem>> -> memref<64x128xf32, #tpu.memory_space<vmem>>
    %dma_wait3A_802 = arith.constant 0 : i32
    %dma_wait3A_803 = tpu.memref_slice %arg10[%add3A_778, %dma_wait3A_802] : memref<5120x128xf32, #tpu.memory_space<vmem_shared>> -> memref<64x128xf32, #tpu.memory_space<vmem_shared>>
    %dma_wait3A_804 = arith.constant 0 : i32
    %dma_wait3A_805 = tpu.memref_slice %arg10[%add3A_778, %dma_wait3A_804] : memref<5120x128xf32, #tpu.memory_space<vmem_shared>> -> memref<64x128xf32, #tpu.memory_space<vmem_shared>>
    %dma_wait3A_806 = arith.constant 0 : i32
    %dma_wait3A_807 = arith.constant 0 : i32
    %dma_wait3A_808 = tpu.memref_slice %arg8[%dma_wait3A_806, %dma_wait3A_807] : memref<128x128xf32, #tpu.memory_space<vmem>> -> memref<64x128xf32, #tpu.memory_space<vmem>>
    tpu.wait_dma2 semaphore(%arg14 : memref<!tpu.dma_semaphore, #tpu.memory_space<semaphore_mem>>) src(%dma_wait3A_808 : memref<64x128xf32, #tpu.memory_space<vmem>>) dst(%dma_wait3A_805 : memref<64x128xf32, #tpu.memory_space<vmem_shared>>)
    %barrier3A_809 = arith.constant 0 : index
    tpu.barrier barrier_id(%barrier3A_809)
    %mul3A_810 = arith.constant 8 : i32
    %mul3A_811 = arith.muli %add3A, %mul3A_810 : i32
    %add3A_812 = arith.constant 4 : i32
    %add3A_813 = arith.addi %mul3A_811, %add3A_812 : i32
    "tpu.region"() ({
      %run_scoped3A = tpu.sem_alloc : memref<!tpu.dma_semaphore, #tpu.memory_space<semaphore_mem>>
      %dma_start3A_1184 = arith.constant 0 : i32
      %dma_start3A_1185 = arith.constant 0 : i32
      %dma_start3A_1186 = tpu.memref_slice %arg3[%add3A_813, %dma_start3A_1184, %dma_start3A_1185] : memref<256x24x128xi32, #tpu.memory_space<hbm>> -> memref<1x24x128xi32, #tpu.memory_space<hbm>>
      %dma_start3A_1187 = tpu.memref_squeeze %dma_start3A_1186 : memref<1x24x128xi32, #tpu.memory_space<hbm>> -> memref<24x128xi32, #tpu.memory_space<hbm>>
      %dma_start3A_1188 = arith.constant 0 : i32
      %dma_start3A_1189 = arith.constant 0 : i32
      %dma_start3A_1190 = tpu.memref_slice %arg3[%add3A_813, %dma_start3A_1188, %dma_start3A_1189] : memref<256x24x128xi32, #tpu.memory_space<hbm>> -> memref<1x24x128xi32, #tpu.memory_space<hbm>>
      %dma_start3A_1191 = tpu.memref_squeeze %dma_start3A_1190 : memref<1x24x128xi32, #tpu.memory_space<hbm>> -> memref<24x128xi32, #tpu.memory_space<hbm>>
      tpu.enqueue_dma source(%dma_start3A_1191 : memref<24x128xi32, #tpu.memory_space<hbm>>) target(%arg6 : memref<24x128xi32, #tpu.memory_space<vmem>>) target_semaphore(%run_scoped3A : memref<!tpu.dma_semaphore, #tpu.memory_space<semaphore_mem>>)
      %dma_wait3A_1192 = arith.constant 0 : i32
      %dma_wait3A_1193 = arith.constant 0 : i32
      %dma_wait3A_1194 = tpu.memref_slice %arg3[%add3A_813, %dma_wait3A_1192, %dma_wait3A_1193] : memref<256x24x128xi32, #tpu.memory_space<hbm>> -> memref<1x24x128xi32, #tpu.memory_space<hbm>>
      %dma_wait3A_1195 = tpu.memref_squeeze %dma_wait3A_1194 : memref<1x24x128xi32, #tpu.memory_space<hbm>> -> memref<24x128xi32, #tpu.memory_space<hbm>>
      %dma_wait3A_1196 = arith.constant 0 : i32
      %dma_wait3A_1197 = arith.constant 0 : i32
      %dma_wait3A_1198 = tpu.memref_slice %arg3[%add3A_813, %dma_wait3A_1196, %dma_wait3A_1197] : memref<256x24x128xi32, #tpu.memory_space<hbm>> -> memref<1x24x128xi32, #tpu.memory_space<hbm>>
      %dma_wait3A_1199 = tpu.memref_squeeze %dma_wait3A_1198 : memref<1x24x128xi32, #tpu.memory_space<hbm>> -> memref<24x128xi32, #tpu.memory_space<hbm>>
      tpu.wait_dma2 semaphore(%run_scoped3A : memref<!tpu.dma_semaphore, #tpu.memory_space<semaphore_mem>>) src(%dma_wait3A_1199 : memref<24x128xi32, #tpu.memory_space<hbm>>) dst(%arg6 : memref<24x128xi32, #tpu.memory_space<vmem>>)
      tpu.yield
    }) : () -> ()
    %mul3A_814 = arith.constant 8 : i32
    %mul3A_815 = arith.muli %add3A, %mul3A_814 : i32
    %add3A_816 = arith.constant 4 : i32
    %add3A_817 = arith.addi %mul3A_815, %add3A_816 : i32
    %add3A_818 = arith.constant 1 : i32
    %add3A_819 = arith.addi %add3A_817, %add3A_818 : i32
    "tpu.region"() ({
      %run_scoped3A = tpu.sem_alloc : memref<!tpu.dma_semaphore, #tpu.memory_space<semaphore_mem>>
      %dma_start3A_1184 = arith.constant 0 : i32
      %dma_start3A_1185 = arith.constant 0 : i32
      %dma_start3A_1186 = tpu.memref_slice %arg3[%add3A_819, %dma_start3A_1184, %dma_start3A_1185] : memref<256x24x128xi32, #tpu.memory_space<hbm>> -> memref<1x24x128xi32, #tpu.memory_space<hbm>>
      %dma_start3A_1187 = tpu.memref_squeeze %dma_start3A_1186 : memref<1x24x128xi32, #tpu.memory_space<hbm>> -> memref<24x128xi32, #tpu.memory_space<hbm>>
      %dma_start3A_1188 = arith.constant 0 : i32
      %dma_start3A_1189 = arith.constant 0 : i32
      %dma_start3A_1190 = tpu.memref_slice %arg3[%add3A_819, %dma_start3A_1188, %dma_start3A_1189] : memref<256x24x128xi32, #tpu.memory_space<hbm>> -> memref<1x24x128xi32, #tpu.memory_space<hbm>>
      %dma_start3A_1191 = tpu.memref_squeeze %dma_start3A_1190 : memref<1x24x128xi32, #tpu.memory_space<hbm>> -> memref<24x128xi32, #tpu.memory_space<hbm>>
      tpu.enqueue_dma source(%dma_start3A_1191 : memref<24x128xi32, #tpu.memory_space<hbm>>) target(%arg7 : memref<24x128xi32, #tpu.memory_space<vmem>>) target_semaphore(%run_scoped3A : memref<!tpu.dma_semaphore, #tpu.memory_space<semaphore_mem>>)
      %dma_wait3A_1192 = arith.constant 0 : i32
      %dma_wait3A_1193 = arith.constant 0 : i32
      %dma_wait3A_1194 = tpu.memref_slice %arg3[%add3A_819, %dma_wait3A_1192, %dma_wait3A_1193] : memref<256x24x128xi32, #tpu.memory_space<hbm>> -> memref<1x24x128xi32, #tpu.memory_space<hbm>>
      %dma_wait3A_1195 = tpu.memref_squeeze %dma_wait3A_1194 : memref<1x24x128xi32, #tpu.memory_space<hbm>> -> memref<24x128xi32, #tpu.memory_space<hbm>>
      %dma_wait3A_1196 = arith.constant 0 : i32
      %dma_wait3A_1197 = arith.constant 0 : i32
      %dma_wait3A_1198 = tpu.memref_slice %arg3[%add3A_819, %dma_wait3A_1196, %dma_wait3A_1197] : memref<256x24x128xi32, #tpu.memory_space<hbm>> -> memref<1x24x128xi32, #tpu.memory_space<hbm>>
      %dma_wait3A_1199 = tpu.memref_squeeze %dma_wait3A_1198 : memref<1x24x128xi32, #tpu.memory_space<hbm>> -> memref<24x128xi32, #tpu.memory_space<hbm>>
      tpu.wait_dma2 semaphore(%run_scoped3A : memref<!tpu.dma_semaphore, #tpu.memory_space<semaphore_mem>>) src(%dma_wait3A_1199 : memref<24x128xi32, #tpu.memory_space<hbm>>) dst(%arg7 : memref<24x128xi32, #tpu.memory_space<vmem>>)
      tpu.yield
    }) : () -> ()
    %dma_start3A_820 = arith.constant 0 : i32
    %dma_start3A_821 = arith.constant 0 : i32
    %dma_start3A_822 = tpu.memref_slice %arg6[%dma_start3A_820, %dma_start3A_821] : memref<24x128xi32, #tpu.memory_space<vmem>> -> memref<1x128xi32, #tpu.memory_space<vmem>>
    %dma_start3A_823 = tpu.memref_squeeze %dma_start3A_822 : memref<1x128xi32, #tpu.memory_space<vmem>> -> memref<128xi32, #tpu.memory_space<vmem>>
    %dma_start3A_824 = arith.constant 0 : i32
    %dma_start3A_825 = arith.constant 0 : i32
    %dma_start3A_826 = tpu.memref_slice %arg10[%dma_start3A_824, %dma_start3A_825] : memref<5120x128xf32, #tpu.memory_space<vmem_shared>> -> memref<5120x128xf32, #tpu.memory_space<vmem_shared>>
    tpu.enqueue_indirect_dma source(%dma_start3A_826 : memref<5120x128xf32, #tpu.memory_space<vmem_shared>>) target(%arg8 : memref<128x128xf32, #tpu.memory_space<vmem>>) offsets(%dma_start3A_823 : memref<128xi32, #tpu.memory_space<vmem>>) semaphore(%arg12 : memref<!tpu.dma_semaphore, #tpu.memory_space<semaphore_mem>>)
    %dma_start3A_827 = arith.constant 1 : i32
    %dma_start3A_828 = arith.constant 0 : i32
    %dma_start3A_829 = tpu.memref_slice %arg6[%dma_start3A_827, %dma_start3A_828] : memref<24x128xi32, #tpu.memory_space<vmem>> -> memref<1x128xi32, #tpu.memory_space<vmem>>
    %dma_start3A_830 = tpu.memref_squeeze %dma_start3A_829 : memref<1x128xi32, #tpu.memory_space<vmem>> -> memref<128xi32, #tpu.memory_space<vmem>>
    %dma_start3A_831 = arith.constant 0 : i32
    %dma_start3A_832 = arith.constant 0 : i32
    %dma_start3A_833 = tpu.memref_slice %arg10[%dma_start3A_831, %dma_start3A_832] : memref<5120x128xf32, #tpu.memory_space<vmem_shared>> -> memref<5120x128xf32, #tpu.memory_space<vmem_shared>>
    tpu.enqueue_indirect_dma source(%dma_start3A_833 : memref<5120x128xf32, #tpu.memory_space<vmem_shared>>) target(%arg9 : memref<128x128xf32, #tpu.memory_space<vmem>>) offsets(%dma_start3A_830 : memref<128xi32, #tpu.memory_space<vmem>>) semaphore(%arg13 : memref<!tpu.dma_semaphore, #tpu.memory_space<semaphore_mem>>)
    %scan3A_834 = arith.constant 0 : i32
    %scan3A_835 = arith.constant 0 : i32
    %scan3A_836 = arith.constant 12 : i32
    %scan3A_837 = arith.addi %scan3A_835, %scan3A_836 : i32
    %scan3A_838 = arith.constant 1 : i32
    scf.for %scan3A_1184 = %scan3A_835 to %scan3A_837 step %scan3A_838  : i32 {
      %mul3A_1185 = arith.constant 2 : i32
      %mul3A_1186 = arith.muli %mul3A_1185, %scan3A_1184 : i32
      %dma_wait3A_1187 = arith.constant 0 : i32
      %dma_wait3A_1188 = tpu.memref_slice %arg6[%mul3A_1186, %dma_wait3A_1187] : memref<24x128xi32, #tpu.memory_space<vmem>> -> memref<1x128xi32, #tpu.memory_space<vmem>>
      %dma_wait3A_1189 = tpu.memref_squeeze %dma_wait3A_1188 : memref<1x128xi32, #tpu.memory_space<vmem>> -> memref<128xi32, #tpu.memory_space<vmem>>
      %dma_wait3A_1190 = arith.constant 0 : i32
      %dma_wait3A_1191 = arith.constant 0 : i32
      %dma_wait3A_1192 = tpu.memref_slice %arg10[%dma_wait3A_1190, %dma_wait3A_1191] : memref<5120x128xf32, #tpu.memory_space<vmem_shared>> -> memref<5120x128xf32, #tpu.memory_space<vmem_shared>>
      tpu.wait_indirect_dma semaphore(%arg12 : memref<!tpu.dma_semaphore, #tpu.memory_space<semaphore_mem>>) src(%dma_wait3A_1192 : memref<5120x128xf32, #tpu.memory_space<vmem_shared>>) dst(%arg8 : memref<128x128xf32, #tpu.memory_space<vmem>>)
      "tpu.region"() ({
        %run_scoped3A = tpu.sem_alloc : memref<!tpu.dma_semaphore, #tpu.memory_space<semaphore_mem>>
        %dma_start3A_1216 = arith.constant 0 : i32
        %dma_start3A_1217 = tpu.memref_slice %arg7[%mul3A_1186, %dma_start3A_1216] : memref<24x128xi32, #tpu.memory_space<vmem>> -> memref<1x128xi32, #tpu.memory_space<vmem>>
        %dma_start3A_1218 = tpu.memref_squeeze %dma_start3A_1217 : memref<1x128xi32, #tpu.memory_space<vmem>> -> memref<128xi32, #tpu.memory_space<vmem>>
        %dma_start3A_1219 = arith.constant 0 : i32
        %dma_start3A_1220 = arith.constant 0 : i32
        %dma_start3A_1221 = tpu.memref_slice %arg11[%dma_start3A_1219, %dma_start3A_1220] : memref<5128x128xf32, #tpu.memory_space<vmem_shared>> -> memref<5128x128xf32, #tpu.memory_space<vmem_shared>>
        tpu.enqueue_indirect_dma source(%arg8 : memref<128x128xf32, #tpu.memory_space<vmem>>) target(%dma_start3A_1221 : memref<5128x128xf32, #tpu.memory_space<vmem_shared>>) offsets(%dma_start3A_1218 : memref<128xi32, #tpu.memory_space<vmem>>) semaphore(%run_scoped3A : memref<!tpu.dma_semaphore, #tpu.memory_space<semaphore_mem>>) {add = true}
        %dma_wait3A_1222 = arith.constant 0 : i32
        %dma_wait3A_1223 = tpu.memref_slice %arg7[%mul3A_1186, %dma_wait3A_1222] : memref<24x128xi32, #tpu.memory_space<vmem>> -> memref<1x128xi32, #tpu.memory_space<vmem>>
        %dma_wait3A_1224 = tpu.memref_squeeze %dma_wait3A_1223 : memref<1x128xi32, #tpu.memory_space<vmem>> -> memref<128xi32, #tpu.memory_space<vmem>>
        %dma_wait3A_1225 = arith.constant 0 : i32
        %dma_wait3A_1226 = arith.constant 0 : i32
        %dma_wait3A_1227 = tpu.memref_slice %arg11[%dma_wait3A_1225, %dma_wait3A_1226] : memref<5128x128xf32, #tpu.memory_space<vmem_shared>> -> memref<5128x128xf32, #tpu.memory_space<vmem_shared>>
        tpu.wait_indirect_dma semaphore(%run_scoped3A : memref<!tpu.dma_semaphore, #tpu.memory_space<semaphore_mem>>) src(%arg8 : memref<128x128xf32, #tpu.memory_space<vmem>>) dst(%dma_wait3A_1227 : memref<5128x128xf32, #tpu.memory_space<vmem_shared>>)
        tpu.yield
      }) : () -> ()
      %add3A_1193 = arith.constant 1 : i32
      %add3A_1194 = arith.addi %scan3A_1184, %add3A_1193 : i32
      %lt3A = arith.constant 12 : i32
      %lt3A_1195 = arith.cmpi slt, %add3A_1194, %lt3A : i32
      %convert_element_type3A_1196 = arith.extui %lt3A_1195 : i1 to i32
      %cond3A_1197 = arith.constant 0 : i32
      %cond3A_1198 = arith.cmpi ne, %convert_element_type3A_1196, %cond3A_1197 : i32
      scf.if %cond3A_1198 {
        %add3A_1216 = arith.constant 2 : i32
        %add3A_1217 = arith.addi %mul3A_1186, %add3A_1216 : i32
        %dma_start3A_1218 = arith.constant 0 : i32
        %dma_start3A_1219 = tpu.memref_slice %arg6[%add3A_1217, %dma_start3A_1218] : memref<24x128xi32, #tpu.memory_space<vmem>> -> memref<1x128xi32, #tpu.memory_space<vmem>>
        %dma_start3A_1220 = tpu.memref_squeeze %dma_start3A_1219 : memref<1x128xi32, #tpu.memory_space<vmem>> -> memref<128xi32, #tpu.memory_space<vmem>>
        %dma_start3A_1221 = arith.constant 0 : i32
        %dma_start3A_1222 = arith.constant 0 : i32
        %dma_start3A_1223 = tpu.memref_slice %arg10[%dma_start3A_1221, %dma_start3A_1222] : memref<5120x128xf32, #tpu.memory_space<vmem_shared>> -> memref<5120x128xf32, #tpu.memory_space<vmem_shared>>
        tpu.enqueue_indirect_dma source(%dma_start3A_1223 : memref<5120x128xf32, #tpu.memory_space<vmem_shared>>) target(%arg8 : memref<128x128xf32, #tpu.memory_space<vmem>>) offsets(%dma_start3A_1220 : memref<128xi32, #tpu.memory_space<vmem>>) semaphore(%arg12 : memref<!tpu.dma_semaphore, #tpu.memory_space<semaphore_mem>>)
      } else {
      }
      %add3A_1199 = arith.constant 1 : i32
      %add3A_1200 = arith.addi %mul3A_1186, %add3A_1199 : i32
      %dma_wait3A_1201 = arith.constant 0 : i32
      %dma_wait3A_1202 = tpu.memref_slice %arg6[%add3A_1200, %dma_wait3A_1201] : memref<24x128xi32, #tpu.memory_space<vmem>> -> memref<1x128xi32, #tpu.memory_space<vmem>>
      %dma_wait3A_1203 = tpu.memref_squeeze %dma_wait3A_1202 : memref<1x128xi32, #tpu.memory_space<vmem>> -> memref<128xi32, #tpu.memory_space<vmem>>
      %dma_wait3A_1204 = arith.constant 0 : i32
      %dma_wait3A_1205 = arith.constant 0 : i32
      %dma_wait3A_1206 = tpu.memref_slice %arg10[%dma_wait3A_1204, %dma_wait3A_1205] : memref<5120x128xf32, #tpu.memory_space<vmem_shared>> -> memref<5120x128xf32, #tpu.memory_space<vmem_shared>>
      tpu.wait_indirect_dma semaphore(%arg13 : memref<!tpu.dma_semaphore, #tpu.memory_space<semaphore_mem>>) src(%dma_wait3A_1206 : memref<5120x128xf32, #tpu.memory_space<vmem_shared>>) dst(%arg9 : memref<128x128xf32, #tpu.memory_space<vmem>>)
      %add3A_1207 = arith.constant 1 : i32
      %add3A_1208 = arith.addi %mul3A_1186, %add3A_1207 : i32
      "tpu.region"() ({
        %run_scoped3A = tpu.sem_alloc : memref<!tpu.dma_semaphore, #tpu.memory_space<semaphore_mem>>
        %dma_start3A_1216 = arith.constant 0 : i32
        %dma_start3A_1217 = tpu.memref_slice %arg7[%add3A_1208, %dma_start3A_1216] : memref<24x128xi32, #tpu.memory_space<vmem>> -> memref<1x128xi32, #tpu.memory_space<vmem>>
        %dma_start3A_1218 = tpu.memref_squeeze %dma_start3A_1217 : memref<1x128xi32, #tpu.memory_space<vmem>> -> memref<128xi32, #tpu.memory_space<vmem>>
        %dma_start3A_1219 = arith.constant 0 : i32
        %dma_start3A_1220 = arith.constant 0 : i32
        %dma_start3A_1221 = tpu.memref_slice %arg11[%dma_start3A_1219, %dma_start3A_1220] : memref<5128x128xf32, #tpu.memory_space<vmem_shared>> -> memref<5128x128xf32, #tpu.memory_space<vmem_shared>>
        tpu.enqueue_indirect_dma source(%arg9 : memref<128x128xf32, #tpu.memory_space<vmem>>) target(%dma_start3A_1221 : memref<5128x128xf32, #tpu.memory_space<vmem_shared>>) offsets(%dma_start3A_1218 : memref<128xi32, #tpu.memory_space<vmem>>) semaphore(%run_scoped3A : memref<!tpu.dma_semaphore, #tpu.memory_space<semaphore_mem>>) {add = true}
        %dma_wait3A_1222 = arith.constant 0 : i32
        %dma_wait3A_1223 = tpu.memref_slice %arg7[%add3A_1208, %dma_wait3A_1222] : memref<24x128xi32, #tpu.memory_space<vmem>> -> memref<1x128xi32, #tpu.memory_space<vmem>>
        %dma_wait3A_1224 = tpu.memref_squeeze %dma_wait3A_1223 : memref<1x128xi32, #tpu.memory_space<vmem>> -> memref<128xi32, #tpu.memory_space<vmem>>
        %dma_wait3A_1225 = arith.constant 0 : i32
        %dma_wait3A_1226 = arith.constant 0 : i32
        %dma_wait3A_1227 = tpu.memref_slice %arg11[%dma_wait3A_1225, %dma_wait3A_1226] : memref<5128x128xf32, #tpu.memory_space<vmem_shared>> -> memref<5128x128xf32, #tpu.memory_space<vmem_shared>>
        tpu.wait_indirect_dma semaphore(%run_scoped3A : memref<!tpu.dma_semaphore, #tpu.memory_space<semaphore_mem>>) src(%arg9 : memref<128x128xf32, #tpu.memory_space<vmem>>) dst(%dma_wait3A_1227 : memref<5128x128xf32, #tpu.memory_space<vmem_shared>>)
        tpu.yield
      }) : () -> ()
      %add3A_1209 = arith.constant 1 : i32
      %add3A_1210 = arith.addi %scan3A_1184, %add3A_1209 : i32
      %lt3A_1211 = arith.constant 12 : i32
      %lt3A_1212 = arith.cmpi slt, %add3A_1210, %lt3A_1211 : i32
      %convert_element_type3A_1213 = arith.extui %lt3A_1212 : i1 to i32
      %cond3A_1214 = arith.constant 0 : i32
      %cond3A_1215 = arith.cmpi ne, %convert_element_type3A_1213, %cond3A_1214 : i32
      scf.if %cond3A_1215 {
        %add3A_1216 = arith.constant 3 : i32
        %add3A_1217 = arith.addi %mul3A_1186, %add3A_1216 : i32
        %dma_start3A_1218 = arith.constant 0 : i32
        %dma_start3A_1219 = tpu.memref_slice %arg6[%add3A_1217, %dma_start3A_1218] : memref<24x128xi32, #tpu.memory_space<vmem>> -> memref<1x128xi32, #tpu.memory_space<vmem>>
        %dma_start3A_1220 = tpu.memref_squeeze %dma_start3A_1219 : memref<1x128xi32, #tpu.memory_space<vmem>> -> memref<128xi32, #tpu.memory_space<vmem>>
        %dma_start3A_1221 = arith.constant 0 : i32
        %dma_start3A_1222 = arith.constant 0 : i32
        %dma_start3A_1223 = tpu.memref_slice %arg10[%dma_start3A_1221, %dma_start3A_1222] : memref<5120x128xf32, #tpu.memory_space<vmem_shared>> -> memref<5120x128xf32, #tpu.memory_space<vmem_shared>>
        tpu.enqueue_indirect_dma source(%dma_start3A_1223 : memref<5120x128xf32, #tpu.memory_space<vmem_shared>>) target(%arg9 : memref<128x128xf32, #tpu.memory_space<vmem>>) offsets(%dma_start3A_1220 : memref<128xi32, #tpu.memory_space<vmem>>) semaphore(%arg13 : memref<!tpu.dma_semaphore, #tpu.memory_space<semaphore_mem>>)
      } else {
      }
    }
    %scan3A_839 = arith.constant 12 : i32
    %barrier3A_840 = arith.constant 0 : index
    tpu.barrier barrier_id(%barrier3A_840)
    %mul3A_841 = arith.constant 320 : i32
    %mul3A_842 = arith.muli %arg1, %mul3A_841 : i32
    %add3A_843 = arith.constant 5120 : i32
    %add3A_844 = arith.addi %add3A_843, %mul3A_842 : i32
    %add3A_845 = arith.constant 0 : i32
    %add3A_846 = arith.addi %add3A_844, %add3A_845 : i32
    %dma_start3A_847 = arith.constant 0 : i32
    %dma_start3A_848 = arith.constant 0 : i32
    %dma_start3A_849 = tpu.memref_slice %arg8[%dma_start3A_847, %dma_start3A_848] : memref<128x128xf32, #tpu.memory_space<vmem>> -> memref<128x128xf32, #tpu.memory_space<vmem>>
    %dma_start3A_850 = arith.constant 0 : i32
    %dma_start3A_851 = tpu.memref_slice %arg2[%add3A_846, %dma_start3A_850] : memref<10240x128xf32, #tpu.memory_space<hbm>> -> memref<128x128xf32, #tpu.memory_space<hbm>>
    %dma_start3A_852 = arith.constant 0 : i32
    %dma_start3A_853 = arith.constant 0 : i32
    %dma_start3A_854 = tpu.memref_slice %arg8[%dma_start3A_852, %dma_start3A_853] : memref<128x128xf32, #tpu.memory_space<vmem>> -> memref<128x128xf32, #tpu.memory_space<vmem>>
    %dma_start3A_855 = arith.constant 0 : i32
    %dma_start3A_856 = tpu.memref_slice %arg2[%add3A_846, %dma_start3A_855] : memref<10240x128xf32, #tpu.memory_space<hbm>> -> memref<128x128xf32, #tpu.memory_space<hbm>>
    tpu.enqueue_dma source(%dma_start3A_856 : memref<128x128xf32, #tpu.memory_space<hbm>>) target(%dma_start3A_854 : memref<128x128xf32, #tpu.memory_space<vmem>>) target_semaphore(%arg12 : memref<!tpu.dma_semaphore, #tpu.memory_space<semaphore_mem>>)
    %add3A_857 = arith.constant 128 : i32
    %add3A_858 = arith.addi %add3A_844, %add3A_857 : i32
    %dma_start3A_859 = arith.constant 0 : i32
    %dma_start3A_860 = arith.constant 0 : i32
    %dma_start3A_861 = tpu.memref_slice %arg9[%dma_start3A_859, %dma_start3A_860] : memref<128x128xf32, #tpu.memory_space<vmem>> -> memref<128x128xf32, #tpu.memory_space<vmem>>
    %dma_start3A_862 = arith.constant 0 : i32
    %dma_start3A_863 = tpu.memref_slice %arg2[%add3A_858, %dma_start3A_862] : memref<10240x128xf32, #tpu.memory_space<hbm>> -> memref<128x128xf32, #tpu.memory_space<hbm>>
    %dma_start3A_864 = arith.constant 0 : i32
    %dma_start3A_865 = arith.constant 0 : i32
    %dma_start3A_866 = tpu.memref_slice %arg9[%dma_start3A_864, %dma_start3A_865] : memref<128x128xf32, #tpu.memory_space<vmem>> -> memref<128x128xf32, #tpu.memory_space<vmem>>
    %dma_start3A_867 = arith.constant 0 : i32
    %dma_start3A_868 = tpu.memref_slice %arg2[%add3A_858, %dma_start3A_867] : memref<10240x128xf32, #tpu.memory_space<hbm>> -> memref<128x128xf32, #tpu.memory_space<hbm>>
    tpu.enqueue_dma source(%dma_start3A_868 : memref<128x128xf32, #tpu.memory_space<hbm>>) target(%dma_start3A_866 : memref<128x128xf32, #tpu.memory_space<vmem>>) target_semaphore(%arg13 : memref<!tpu.dma_semaphore, #tpu.memory_space<semaphore_mem>>)
    %dma_wait3A_869 = arith.constant 0 : i32
    %dma_wait3A_870 = arith.constant 0 : i32
    %dma_wait3A_871 = tpu.memref_slice %arg8[%dma_wait3A_869, %dma_wait3A_870] : memref<128x128xf32, #tpu.memory_space<vmem>> -> memref<128x128xf32, #tpu.memory_space<vmem>>
    %dma_wait3A_872 = arith.constant 0 : i32
    %dma_wait3A_873 = tpu.memref_slice %arg2[%add3A_846, %dma_wait3A_872] : memref<10240x128xf32, #tpu.memory_space<hbm>> -> memref<128x128xf32, #tpu.memory_space<hbm>>
    %dma_wait3A_874 = arith.constant 0 : i32
    %dma_wait3A_875 = arith.constant 0 : i32
    %dma_wait3A_876 = tpu.memref_slice %arg8[%dma_wait3A_874, %dma_wait3A_875] : memref<128x128xf32, #tpu.memory_space<vmem>> -> memref<128x128xf32, #tpu.memory_space<vmem>>
    %dma_wait3A_877 = arith.constant 0 : i32
    %dma_wait3A_878 = tpu.memref_slice %arg2[%add3A_846, %dma_wait3A_877] : memref<10240x128xf32, #tpu.memory_space<hbm>> -> memref<128x128xf32, #tpu.memory_space<hbm>>
    tpu.wait_dma2 semaphore(%arg12 : memref<!tpu.dma_semaphore, #tpu.memory_space<semaphore_mem>>) src(%dma_wait3A_878 : memref<128x128xf32, #tpu.memory_space<hbm>>) dst(%dma_wait3A_876 : memref<128x128xf32, #tpu.memory_space<vmem>>)
    %mul3A_879 = arith.constant 320 : i32
    %mul3A_880 = arith.muli %arg1, %mul3A_879 : i32
    %add3A_881 = arith.constant 0 : i32
    %add3A_882 = arith.addi %mul3A_880, %add3A_881 : i32
    %dma_start3A_883 = arith.constant 0 : i32
    %dma_start3A_884 = arith.constant 0 : i32
    %dma_start3A_885 = tpu.memref_slice %arg8[%dma_start3A_883, %dma_start3A_884] : memref<128x128xf32, #tpu.memory_space<vmem>> -> memref<128x128xf32, #tpu.memory_space<vmem>>
    %dma_start3A_886 = arith.constant 0 : i32
    %dma_start3A_887 = tpu.memref_slice %arg10[%add3A_882, %dma_start3A_886] : memref<5120x128xf32, #tpu.memory_space<vmem_shared>> -> memref<128x128xf32, #tpu.memory_space<vmem_shared>>
    %dma_start3A_888 = arith.constant 0 : i32
    %dma_start3A_889 = tpu.memref_slice %arg10[%add3A_882, %dma_start3A_888] : memref<5120x128xf32, #tpu.memory_space<vmem_shared>> -> memref<128x128xf32, #tpu.memory_space<vmem_shared>>
    %dma_start3A_890 = arith.constant 0 : i32
    %dma_start3A_891 = arith.constant 0 : i32
    %dma_start3A_892 = tpu.memref_slice %arg8[%dma_start3A_890, %dma_start3A_891] : memref<128x128xf32, #tpu.memory_space<vmem>> -> memref<128x128xf32, #tpu.memory_space<vmem>>
    tpu.enqueue_dma source(%dma_start3A_892 : memref<128x128xf32, #tpu.memory_space<vmem>>) target(%dma_start3A_889 : memref<128x128xf32, #tpu.memory_space<vmem_shared>>) target_semaphore(%arg14 : memref<!tpu.dma_semaphore, #tpu.memory_space<semaphore_mem>>)
    %dma_wait3A_893 = arith.constant 0 : i32
    %dma_wait3A_894 = arith.constant 0 : i32
    %dma_wait3A_895 = tpu.memref_slice %arg9[%dma_wait3A_893, %dma_wait3A_894] : memref<128x128xf32, #tpu.memory_space<vmem>> -> memref<128x128xf32, #tpu.memory_space<vmem>>
    %dma_wait3A_896 = arith.constant 0 : i32
    %dma_wait3A_897 = tpu.memref_slice %arg2[%add3A_858, %dma_wait3A_896] : memref<10240x128xf32, #tpu.memory_space<hbm>> -> memref<128x128xf32, #tpu.memory_space<hbm>>
    %dma_wait3A_898 = arith.constant 0 : i32
    %dma_wait3A_899 = arith.constant 0 : i32
    %dma_wait3A_900 = tpu.memref_slice %arg9[%dma_wait3A_898, %dma_wait3A_899] : memref<128x128xf32, #tpu.memory_space<vmem>> -> memref<128x128xf32, #tpu.memory_space<vmem>>
    %dma_wait3A_901 = arith.constant 0 : i32
    %dma_wait3A_902 = tpu.memref_slice %arg2[%add3A_858, %dma_wait3A_901] : memref<10240x128xf32, #tpu.memory_space<hbm>> -> memref<128x128xf32, #tpu.memory_space<hbm>>
    tpu.wait_dma2 semaphore(%arg13 : memref<!tpu.dma_semaphore, #tpu.memory_space<semaphore_mem>>) src(%dma_wait3A_902 : memref<128x128xf32, #tpu.memory_space<hbm>>) dst(%dma_wait3A_900 : memref<128x128xf32, #tpu.memory_space<vmem>>)
    %mul3A_903 = arith.constant 320 : i32
    %mul3A_904 = arith.muli %arg1, %mul3A_903 : i32
    %add3A_905 = arith.constant 128 : i32
    %add3A_906 = arith.addi %mul3A_904, %add3A_905 : i32
    %dma_start3A_907 = arith.constant 0 : i32
    %dma_start3A_908 = arith.constant 0 : i32
    %dma_start3A_909 = tpu.memref_slice %arg9[%dma_start3A_907, %dma_start3A_908] : memref<128x128xf32, #tpu.memory_space<vmem>> -> memref<128x128xf32, #tpu.memory_space<vmem>>
    %dma_start3A_910 = arith.constant 0 : i32
    %dma_start3A_911 = tpu.memref_slice %arg10[%add3A_906, %dma_start3A_910] : memref<5120x128xf32, #tpu.memory_space<vmem_shared>> -> memref<128x128xf32, #tpu.memory_space<vmem_shared>>
    %dma_start3A_912 = arith.constant 0 : i32
    %dma_start3A_913 = tpu.memref_slice %arg10[%add3A_906, %dma_start3A_912] : memref<5120x128xf32, #tpu.memory_space<vmem_shared>> -> memref<128x128xf32, #tpu.memory_space<vmem_shared>>
    %dma_start3A_914 = arith.constant 0 : i32
    %dma_start3A_915 = arith.constant 0 : i32
    %dma_start3A_916 = tpu.memref_slice %arg9[%dma_start3A_914, %dma_start3A_915] : memref<128x128xf32, #tpu.memory_space<vmem>> -> memref<128x128xf32, #tpu.memory_space<vmem>>
    tpu.enqueue_dma source(%dma_start3A_916 : memref<128x128xf32, #tpu.memory_space<vmem>>) target(%dma_start3A_913 : memref<128x128xf32, #tpu.memory_space<vmem_shared>>) target_semaphore(%arg15 : memref<!tpu.dma_semaphore, #tpu.memory_space<semaphore_mem>>)
    %dma_wait3A_917 = arith.constant 0 : i32
    %dma_wait3A_918 = arith.constant 0 : i32
    %dma_wait3A_919 = tpu.memref_slice %arg8[%dma_wait3A_917, %dma_wait3A_918] : memref<128x128xf32, #tpu.memory_space<vmem>> -> memref<128x128xf32, #tpu.memory_space<vmem>>
    %dma_wait3A_920 = arith.constant 0 : i32
    %dma_wait3A_921 = tpu.memref_slice %arg10[%add3A_882, %dma_wait3A_920] : memref<5120x128xf32, #tpu.memory_space<vmem_shared>> -> memref<128x128xf32, #tpu.memory_space<vmem_shared>>
    %dma_wait3A_922 = arith.constant 0 : i32
    %dma_wait3A_923 = tpu.memref_slice %arg10[%add3A_882, %dma_wait3A_922] : memref<5120x128xf32, #tpu.memory_space<vmem_shared>> -> memref<128x128xf32, #tpu.memory_space<vmem_shared>>
    %dma_wait3A_924 = arith.constant 0 : i32
    %dma_wait3A_925 = arith.constant 0 : i32
    %dma_wait3A_926 = tpu.memref_slice %arg8[%dma_wait3A_924, %dma_wait3A_925] : memref<128x128xf32, #tpu.memory_space<vmem>> -> memref<128x128xf32, #tpu.memory_space<vmem>>
    tpu.wait_dma2 semaphore(%arg14 : memref<!tpu.dma_semaphore, #tpu.memory_space<semaphore_mem>>) src(%dma_wait3A_926 : memref<128x128xf32, #tpu.memory_space<vmem>>) dst(%dma_wait3A_923 : memref<128x128xf32, #tpu.memory_space<vmem_shared>>)
    %add3A_927 = arith.constant 256 : i32
    %add3A_928 = arith.addi %add3A_844, %add3A_927 : i32
    %dma_start3A_929 = arith.constant 0 : i32
    %dma_start3A_930 = arith.constant 0 : i32
    %dma_start3A_931 = tpu.memref_slice %arg8[%dma_start3A_929, %dma_start3A_930] : memref<128x128xf32, #tpu.memory_space<vmem>> -> memref<64x128xf32, #tpu.memory_space<vmem>>
    %dma_start3A_932 = arith.constant 0 : i32
    %dma_start3A_933 = tpu.memref_slice %arg2[%add3A_928, %dma_start3A_932] : memref<10240x128xf32, #tpu.memory_space<hbm>> -> memref<64x128xf32, #tpu.memory_space<hbm>>
    %dma_start3A_934 = arith.constant 0 : i32
    %dma_start3A_935 = arith.constant 0 : i32
    %dma_start3A_936 = tpu.memref_slice %arg8[%dma_start3A_934, %dma_start3A_935] : memref<128x128xf32, #tpu.memory_space<vmem>> -> memref<64x128xf32, #tpu.memory_space<vmem>>
    %dma_start3A_937 = arith.constant 0 : i32
    %dma_start3A_938 = tpu.memref_slice %arg2[%add3A_928, %dma_start3A_937] : memref<10240x128xf32, #tpu.memory_space<hbm>> -> memref<64x128xf32, #tpu.memory_space<hbm>>
    tpu.enqueue_dma source(%dma_start3A_938 : memref<64x128xf32, #tpu.memory_space<hbm>>) target(%dma_start3A_936 : memref<64x128xf32, #tpu.memory_space<vmem>>) target_semaphore(%arg12 : memref<!tpu.dma_semaphore, #tpu.memory_space<semaphore_mem>>)
    %dma_wait3A_939 = arith.constant 0 : i32
    %dma_wait3A_940 = arith.constant 0 : i32
    %dma_wait3A_941 = tpu.memref_slice %arg8[%dma_wait3A_939, %dma_wait3A_940] : memref<128x128xf32, #tpu.memory_space<vmem>> -> memref<64x128xf32, #tpu.memory_space<vmem>>
    %dma_wait3A_942 = arith.constant 0 : i32
    %dma_wait3A_943 = tpu.memref_slice %arg2[%add3A_928, %dma_wait3A_942] : memref<10240x128xf32, #tpu.memory_space<hbm>> -> memref<64x128xf32, #tpu.memory_space<hbm>>
    %dma_wait3A_944 = arith.constant 0 : i32
    %dma_wait3A_945 = arith.constant 0 : i32
    %dma_wait3A_946 = tpu.memref_slice %arg8[%dma_wait3A_944, %dma_wait3A_945] : memref<128x128xf32, #tpu.memory_space<vmem>> -> memref<64x128xf32, #tpu.memory_space<vmem>>
    %dma_wait3A_947 = arith.constant 0 : i32
    %dma_wait3A_948 = tpu.memref_slice %arg2[%add3A_928, %dma_wait3A_947] : memref<10240x128xf32, #tpu.memory_space<hbm>> -> memref<64x128xf32, #tpu.memory_space<hbm>>
    tpu.wait_dma2 semaphore(%arg12 : memref<!tpu.dma_semaphore, #tpu.memory_space<semaphore_mem>>) src(%dma_wait3A_948 : memref<64x128xf32, #tpu.memory_space<hbm>>) dst(%dma_wait3A_946 : memref<64x128xf32, #tpu.memory_space<vmem>>)
    %mul3A_949 = arith.constant 320 : i32
    %mul3A_950 = arith.muli %arg1, %mul3A_949 : i32
    %add3A_951 = arith.constant 256 : i32
    %add3A_952 = arith.addi %mul3A_950, %add3A_951 : i32
    %dma_start3A_953 = arith.constant 0 : i32
    %dma_start3A_954 = arith.constant 0 : i32
    %dma_start3A_955 = tpu.memref_slice %arg8[%dma_start3A_953, %dma_start3A_954] : memref<128x128xf32, #tpu.memory_space<vmem>> -> memref<64x128xf32, #tpu.memory_space<vmem>>
    %dma_start3A_956 = arith.constant 0 : i32
    %dma_start3A_957 = tpu.memref_slice %arg10[%add3A_952, %dma_start3A_956] : memref<5120x128xf32, #tpu.memory_space<vmem_shared>> -> memref<64x128xf32, #tpu.memory_space<vmem_shared>>
    %dma_start3A_958 = arith.constant 0 : i32
    %dma_start3A_959 = tpu.memref_slice %arg10[%add3A_952, %dma_start3A_958] : memref<5120x128xf32, #tpu.memory_space<vmem_shared>> -> memref<64x128xf32, #tpu.memory_space<vmem_shared>>
    %dma_start3A_960 = arith.constant 0 : i32
    %dma_start3A_961 = arith.constant 0 : i32
    %dma_start3A_962 = tpu.memref_slice %arg8[%dma_start3A_960, %dma_start3A_961] : memref<128x128xf32, #tpu.memory_space<vmem>> -> memref<64x128xf32, #tpu.memory_space<vmem>>
    tpu.enqueue_dma source(%dma_start3A_962 : memref<64x128xf32, #tpu.memory_space<vmem>>) target(%dma_start3A_959 : memref<64x128xf32, #tpu.memory_space<vmem_shared>>) target_semaphore(%arg14 : memref<!tpu.dma_semaphore, #tpu.memory_space<semaphore_mem>>)
    %dma_wait3A_963 = arith.constant 0 : i32
    %dma_wait3A_964 = arith.constant 0 : i32
    %dma_wait3A_965 = tpu.memref_slice %arg9[%dma_wait3A_963, %dma_wait3A_964] : memref<128x128xf32, #tpu.memory_space<vmem>> -> memref<128x128xf32, #tpu.memory_space<vmem>>
    %dma_wait3A_966 = arith.constant 0 : i32
    %dma_wait3A_967 = tpu.memref_slice %arg10[%add3A_906, %dma_wait3A_966] : memref<5120x128xf32, #tpu.memory_space<vmem_shared>> -> memref<128x128xf32, #tpu.memory_space<vmem_shared>>
    %dma_wait3A_968 = arith.constant 0 : i32
    %dma_wait3A_969 = tpu.memref_slice %arg10[%add3A_906, %dma_wait3A_968] : memref<5120x128xf32, #tpu.memory_space<vmem_shared>> -> memref<128x128xf32, #tpu.memory_space<vmem_shared>>
    %dma_wait3A_970 = arith.constant 0 : i32
    %dma_wait3A_971 = arith.constant 0 : i32
    %dma_wait3A_972 = tpu.memref_slice %arg9[%dma_wait3A_970, %dma_wait3A_971] : memref<128x128xf32, #tpu.memory_space<vmem>> -> memref<128x128xf32, #tpu.memory_space<vmem>>
    tpu.wait_dma2 semaphore(%arg15 : memref<!tpu.dma_semaphore, #tpu.memory_space<semaphore_mem>>) src(%dma_wait3A_972 : memref<128x128xf32, #tpu.memory_space<vmem>>) dst(%dma_wait3A_969 : memref<128x128xf32, #tpu.memory_space<vmem_shared>>)
    %dma_wait3A_973 = arith.constant 0 : i32
    %dma_wait3A_974 = arith.constant 0 : i32
    %dma_wait3A_975 = tpu.memref_slice %arg8[%dma_wait3A_973, %dma_wait3A_974] : memref<128x128xf32, #tpu.memory_space<vmem>> -> memref<64x128xf32, #tpu.memory_space<vmem>>
    %dma_wait3A_976 = arith.constant 0 : i32
    %dma_wait3A_977 = tpu.memref_slice %arg10[%add3A_952, %dma_wait3A_976] : memref<5120x128xf32, #tpu.memory_space<vmem_shared>> -> memref<64x128xf32, #tpu.memory_space<vmem_shared>>
    %dma_wait3A_978 = arith.constant 0 : i32
    %dma_wait3A_979 = tpu.memref_slice %arg10[%add3A_952, %dma_wait3A_978] : memref<5120x128xf32, #tpu.memory_space<vmem_shared>> -> memref<64x128xf32, #tpu.memory_space<vmem_shared>>
    %dma_wait3A_980 = arith.constant 0 : i32
    %dma_wait3A_981 = arith.constant 0 : i32
    %dma_wait3A_982 = tpu.memref_slice %arg8[%dma_wait3A_980, %dma_wait3A_981] : memref<128x128xf32, #tpu.memory_space<vmem>> -> memref<64x128xf32, #tpu.memory_space<vmem>>
    tpu.wait_dma2 semaphore(%arg14 : memref<!tpu.dma_semaphore, #tpu.memory_space<semaphore_mem>>) src(%dma_wait3A_982 : memref<64x128xf32, #tpu.memory_space<vmem>>) dst(%dma_wait3A_979 : memref<64x128xf32, #tpu.memory_space<vmem_shared>>)
    %barrier3A_983 = arith.constant 0 : index
    tpu.barrier barrier_id(%barrier3A_983)
    %mul3A_984 = arith.constant 8 : i32
    %mul3A_985 = arith.muli %add3A, %mul3A_984 : i32
    %add3A_986 = arith.constant 6 : i32
    %add3A_987 = arith.addi %mul3A_985, %add3A_986 : i32
    "tpu.region"() ({
      %run_scoped3A = tpu.sem_alloc : memref<!tpu.dma_semaphore, #tpu.memory_space<semaphore_mem>>
      %dma_start3A_1184 = arith.constant 0 : i32
      %dma_start3A_1185 = arith.constant 0 : i32
      %dma_start3A_1186 = tpu.memref_slice %arg3[%add3A_987, %dma_start3A_1184, %dma_start3A_1185] : memref<256x24x128xi32, #tpu.memory_space<hbm>> -> memref<1x24x128xi32, #tpu.memory_space<hbm>>
      %dma_start3A_1187 = tpu.memref_squeeze %dma_start3A_1186 : memref<1x24x128xi32, #tpu.memory_space<hbm>> -> memref<24x128xi32, #tpu.memory_space<hbm>>
      %dma_start3A_1188 = arith.constant 0 : i32
      %dma_start3A_1189 = arith.constant 0 : i32
      %dma_start3A_1190 = tpu.memref_slice %arg3[%add3A_987, %dma_start3A_1188, %dma_start3A_1189] : memref<256x24x128xi32, #tpu.memory_space<hbm>> -> memref<1x24x128xi32, #tpu.memory_space<hbm>>
      %dma_start3A_1191 = tpu.memref_squeeze %dma_start3A_1190 : memref<1x24x128xi32, #tpu.memory_space<hbm>> -> memref<24x128xi32, #tpu.memory_space<hbm>>
      tpu.enqueue_dma source(%dma_start3A_1191 : memref<24x128xi32, #tpu.memory_space<hbm>>) target(%arg6 : memref<24x128xi32, #tpu.memory_space<vmem>>) target_semaphore(%run_scoped3A : memref<!tpu.dma_semaphore, #tpu.memory_space<semaphore_mem>>)
      %dma_wait3A_1192 = arith.constant 0 : i32
      %dma_wait3A_1193 = arith.constant 0 : i32
      %dma_wait3A_1194 = tpu.memref_slice %arg3[%add3A_987, %dma_wait3A_1192, %dma_wait3A_1193] : memref<256x24x128xi32, #tpu.memory_space<hbm>> -> memref<1x24x128xi32, #tpu.memory_space<hbm>>
      %dma_wait3A_1195 = tpu.memref_squeeze %dma_wait3A_1194 : memref<1x24x128xi32, #tpu.memory_space<hbm>> -> memref<24x128xi32, #tpu.memory_space<hbm>>
      %dma_wait3A_1196 = arith.constant 0 : i32
      %dma_wait3A_1197 = arith.constant 0 : i32
      %dma_wait3A_1198 = tpu.memref_slice %arg3[%add3A_987, %dma_wait3A_1196, %dma_wait3A_1197] : memref<256x24x128xi32, #tpu.memory_space<hbm>> -> memref<1x24x128xi32, #tpu.memory_space<hbm>>
      %dma_wait3A_1199 = tpu.memref_squeeze %dma_wait3A_1198 : memref<1x24x128xi32, #tpu.memory_space<hbm>> -> memref<24x128xi32, #tpu.memory_space<hbm>>
      tpu.wait_dma2 semaphore(%run_scoped3A : memref<!tpu.dma_semaphore, #tpu.memory_space<semaphore_mem>>) src(%dma_wait3A_1199 : memref<24x128xi32, #tpu.memory_space<hbm>>) dst(%arg6 : memref<24x128xi32, #tpu.memory_space<vmem>>)
      tpu.yield
    }) : () -> ()
    %mul3A_988 = arith.constant 8 : i32
    %mul3A_989 = arith.muli %add3A, %mul3A_988 : i32
    %add3A_990 = arith.constant 6 : i32
    %add3A_991 = arith.addi %mul3A_989, %add3A_990 : i32
    %add3A_992 = arith.constant 1 : i32
    %add3A_993 = arith.addi %add3A_991, %add3A_992 : i32
    "tpu.region"() ({
      %run_scoped3A = tpu.sem_alloc : memref<!tpu.dma_semaphore, #tpu.memory_space<semaphore_mem>>
      %dma_start3A_1184 = arith.constant 0 : i32
      %dma_start3A_1185 = arith.constant 0 : i32
      %dma_start3A_1186 = tpu.memref_slice %arg3[%add3A_993, %dma_start3A_1184, %dma_start3A_1185] : memref<256x24x128xi32, #tpu.memory_space<hbm>> -> memref<1x24x128xi32, #tpu.memory_space<hbm>>
      %dma_start3A_1187 = tpu.memref_squeeze %dma_start3A_1186 : memref<1x24x128xi32, #tpu.memory_space<hbm>> -> memref<24x128xi32, #tpu.memory_space<hbm>>
      %dma_start3A_1188 = arith.constant 0 : i32
      %dma_start3A_1189 = arith.constant 0 : i32
      %dma_start3A_1190 = tpu.memref_slice %arg3[%add3A_993, %dma_start3A_1188, %dma_start3A_1189] : memref<256x24x128xi32, #tpu.memory_space<hbm>> -> memref<1x24x128xi32, #tpu.memory_space<hbm>>
      %dma_start3A_1191 = tpu.memref_squeeze %dma_start3A_1190 : memref<1x24x128xi32, #tpu.memory_space<hbm>> -> memref<24x128xi32, #tpu.memory_space<hbm>>
      tpu.enqueue_dma source(%dma_start3A_1191 : memref<24x128xi32, #tpu.memory_space<hbm>>) target(%arg7 : memref<24x128xi32, #tpu.memory_space<vmem>>) target_semaphore(%run_scoped3A : memref<!tpu.dma_semaphore, #tpu.memory_space<semaphore_mem>>)
      %dma_wait3A_1192 = arith.constant 0 : i32
      %dma_wait3A_1193 = arith.constant 0 : i32
      %dma_wait3A_1194 = tpu.memref_slice %arg3[%add3A_993, %dma_wait3A_1192, %dma_wait3A_1193] : memref<256x24x128xi32, #tpu.memory_space<hbm>> -> memref<1x24x128xi32, #tpu.memory_space<hbm>>
      %dma_wait3A_1195 = tpu.memref_squeeze %dma_wait3A_1194 : memref<1x24x128xi32, #tpu.memory_space<hbm>> -> memref<24x128xi32, #tpu.memory_space<hbm>>
      %dma_wait3A_1196 = arith.constant 0 : i32
      %dma_wait3A_1197 = arith.constant 0 : i32
      %dma_wait3A_1198 = tpu.memref_slice %arg3[%add3A_993, %dma_wait3A_1196, %dma_wait3A_1197] : memref<256x24x128xi32, #tpu.memory_space<hbm>> -> memref<1x24x128xi32, #tpu.memory_space<hbm>>
      %dma_wait3A_1199 = tpu.memref_squeeze %dma_wait3A_1198 : memref<1x24x128xi32, #tpu.memory_space<hbm>> -> memref<24x128xi32, #tpu.memory_space<hbm>>
      tpu.wait_dma2 semaphore(%run_scoped3A : memref<!tpu.dma_semaphore, #tpu.memory_space<semaphore_mem>>) src(%dma_wait3A_1199 : memref<24x128xi32, #tpu.memory_space<hbm>>) dst(%arg7 : memref<24x128xi32, #tpu.memory_space<vmem>>)
      tpu.yield
    }) : () -> ()
    %dma_start3A_994 = arith.constant 0 : i32
    %dma_start3A_995 = arith.constant 0 : i32
    %dma_start3A_996 = tpu.memref_slice %arg6[%dma_start3A_994, %dma_start3A_995] : memref<24x128xi32, #tpu.memory_space<vmem>> -> memref<1x128xi32, #tpu.memory_space<vmem>>
    %dma_start3A_997 = tpu.memref_squeeze %dma_start3A_996 : memref<1x128xi32, #tpu.memory_space<vmem>> -> memref<128xi32, #tpu.memory_space<vmem>>
    %dma_start3A_998 = arith.constant 0 : i32
    %dma_start3A_999 = arith.constant 0 : i32
    %dma_start3A_1000 = tpu.memref_slice %arg10[%dma_start3A_998, %dma_start3A_999] : memref<5120x128xf32, #tpu.memory_space<vmem_shared>> -> memref<5120x128xf32, #tpu.memory_space<vmem_shared>>
    tpu.enqueue_indirect_dma source(%dma_start3A_1000 : memref<5120x128xf32, #tpu.memory_space<vmem_shared>>) target(%arg8 : memref<128x128xf32, #tpu.memory_space<vmem>>) offsets(%dma_start3A_997 : memref<128xi32, #tpu.memory_space<vmem>>) semaphore(%arg12 : memref<!tpu.dma_semaphore, #tpu.memory_space<semaphore_mem>>)
    %dma_start3A_1001 = arith.constant 1 : i32
    %dma_start3A_1002 = arith.constant 0 : i32
    %dma_start3A_1003 = tpu.memref_slice %arg6[%dma_start3A_1001, %dma_start3A_1002] : memref<24x128xi32, #tpu.memory_space<vmem>> -> memref<1x128xi32, #tpu.memory_space<vmem>>
    %dma_start3A_1004 = tpu.memref_squeeze %dma_start3A_1003 : memref<1x128xi32, #tpu.memory_space<vmem>> -> memref<128xi32, #tpu.memory_space<vmem>>
    %dma_start3A_1005 = arith.constant 0 : i32
    %dma_start3A_1006 = arith.constant 0 : i32
    %dma_start3A_1007 = tpu.memref_slice %arg10[%dma_start3A_1005, %dma_start3A_1006] : memref<5120x128xf32, #tpu.memory_space<vmem_shared>> -> memref<5120x128xf32, #tpu.memory_space<vmem_shared>>
    tpu.enqueue_indirect_dma source(%dma_start3A_1007 : memref<5120x128xf32, #tpu.memory_space<vmem_shared>>) target(%arg9 : memref<128x128xf32, #tpu.memory_space<vmem>>) offsets(%dma_start3A_1004 : memref<128xi32, #tpu.memory_space<vmem>>) semaphore(%arg13 : memref<!tpu.dma_semaphore, #tpu.memory_space<semaphore_mem>>)
    %scan3A_1008 = arith.constant 0 : i32
    %scan3A_1009 = arith.constant 0 : i32
    %scan3A_1010 = arith.constant 12 : i32
    %scan3A_1011 = arith.addi %scan3A_1009, %scan3A_1010 : i32
    %scan3A_1012 = arith.constant 1 : i32
    scf.for %scan3A_1184 = %scan3A_1009 to %scan3A_1011 step %scan3A_1012  : i32 {
      %mul3A_1185 = arith.constant 2 : i32
      %mul3A_1186 = arith.muli %mul3A_1185, %scan3A_1184 : i32
      %dma_wait3A_1187 = arith.constant 0 : i32
      %dma_wait3A_1188 = tpu.memref_slice %arg6[%mul3A_1186, %dma_wait3A_1187] : memref<24x128xi32, #tpu.memory_space<vmem>> -> memref<1x128xi32, #tpu.memory_space<vmem>>
      %dma_wait3A_1189 = tpu.memref_squeeze %dma_wait3A_1188 : memref<1x128xi32, #tpu.memory_space<vmem>> -> memref<128xi32, #tpu.memory_space<vmem>>
      %dma_wait3A_1190 = arith.constant 0 : i32
      %dma_wait3A_1191 = arith.constant 0 : i32
      %dma_wait3A_1192 = tpu.memref_slice %arg10[%dma_wait3A_1190, %dma_wait3A_1191] : memref<5120x128xf32, #tpu.memory_space<vmem_shared>> -> memref<5120x128xf32, #tpu.memory_space<vmem_shared>>
      tpu.wait_indirect_dma semaphore(%arg12 : memref<!tpu.dma_semaphore, #tpu.memory_space<semaphore_mem>>) src(%dma_wait3A_1192 : memref<5120x128xf32, #tpu.memory_space<vmem_shared>>) dst(%arg8 : memref<128x128xf32, #tpu.memory_space<vmem>>)
      "tpu.region"() ({
        %run_scoped3A = tpu.sem_alloc : memref<!tpu.dma_semaphore, #tpu.memory_space<semaphore_mem>>
        %dma_start3A_1216 = arith.constant 0 : i32
        %dma_start3A_1217 = tpu.memref_slice %arg7[%mul3A_1186, %dma_start3A_1216] : memref<24x128xi32, #tpu.memory_space<vmem>> -> memref<1x128xi32, #tpu.memory_space<vmem>>
        %dma_start3A_1218 = tpu.memref_squeeze %dma_start3A_1217 : memref<1x128xi32, #tpu.memory_space<vmem>> -> memref<128xi32, #tpu.memory_space<vmem>>
        %dma_start3A_1219 = arith.constant 0 : i32
        %dma_start3A_1220 = arith.constant 0 : i32
        %dma_start3A_1221 = tpu.memref_slice %arg11[%dma_start3A_1219, %dma_start3A_1220] : memref<5128x128xf32, #tpu.memory_space<vmem_shared>> -> memref<5128x128xf32, #tpu.memory_space<vmem_shared>>
        tpu.enqueue_indirect_dma source(%arg8 : memref<128x128xf32, #tpu.memory_space<vmem>>) target(%dma_start3A_1221 : memref<5128x128xf32, #tpu.memory_space<vmem_shared>>) offsets(%dma_start3A_1218 : memref<128xi32, #tpu.memory_space<vmem>>) semaphore(%run_scoped3A : memref<!tpu.dma_semaphore, #tpu.memory_space<semaphore_mem>>) {add = true}
        %dma_wait3A_1222 = arith.constant 0 : i32
        %dma_wait3A_1223 = tpu.memref_slice %arg7[%mul3A_1186, %dma_wait3A_1222] : memref<24x128xi32, #tpu.memory_space<vmem>> -> memref<1x128xi32, #tpu.memory_space<vmem>>
        %dma_wait3A_1224 = tpu.memref_squeeze %dma_wait3A_1223 : memref<1x128xi32, #tpu.memory_space<vmem>> -> memref<128xi32, #tpu.memory_space<vmem>>
        %dma_wait3A_1225 = arith.constant 0 : i32
        %dma_wait3A_1226 = arith.constant 0 : i32
        %dma_wait3A_1227 = tpu.memref_slice %arg11[%dma_wait3A_1225, %dma_wait3A_1226] : memref<5128x128xf32, #tpu.memory_space<vmem_shared>> -> memref<5128x128xf32, #tpu.memory_space<vmem_shared>>
        tpu.wait_indirect_dma semaphore(%run_scoped3A : memref<!tpu.dma_semaphore, #tpu.memory_space<semaphore_mem>>) src(%arg8 : memref<128x128xf32, #tpu.memory_space<vmem>>) dst(%dma_wait3A_1227 : memref<5128x128xf32, #tpu.memory_space<vmem_shared>>)
        tpu.yield
      }) : () -> ()
      %add3A_1193 = arith.constant 1 : i32
      %add3A_1194 = arith.addi %scan3A_1184, %add3A_1193 : i32
      %lt3A = arith.constant 12 : i32
      %lt3A_1195 = arith.cmpi slt, %add3A_1194, %lt3A : i32
      %convert_element_type3A_1196 = arith.extui %lt3A_1195 : i1 to i32
      %cond3A_1197 = arith.constant 0 : i32
      %cond3A_1198 = arith.cmpi ne, %convert_element_type3A_1196, %cond3A_1197 : i32
      scf.if %cond3A_1198 {
        %add3A_1216 = arith.constant 2 : i32
        %add3A_1217 = arith.addi %mul3A_1186, %add3A_1216 : i32
        %dma_start3A_1218 = arith.constant 0 : i32
        %dma_start3A_1219 = tpu.memref_slice %arg6[%add3A_1217, %dma_start3A_1218] : memref<24x128xi32, #tpu.memory_space<vmem>> -> memref<1x128xi32, #tpu.memory_space<vmem>>
        %dma_start3A_1220 = tpu.memref_squeeze %dma_start3A_1219 : memref<1x128xi32, #tpu.memory_space<vmem>> -> memref<128xi32, #tpu.memory_space<vmem>>
        %dma_start3A_1221 = arith.constant 0 : i32
        %dma_start3A_1222 = arith.constant 0 : i32
        %dma_start3A_1223 = tpu.memref_slice %arg10[%dma_start3A_1221, %dma_start3A_1222] : memref<5120x128xf32, #tpu.memory_space<vmem_shared>> -> memref<5120x128xf32, #tpu.memory_space<vmem_shared>>
        tpu.enqueue_indirect_dma source(%dma_start3A_1223 : memref<5120x128xf32, #tpu.memory_space<vmem_shared>>) target(%arg8 : memref<128x128xf32, #tpu.memory_space<vmem>>) offsets(%dma_start3A_1220 : memref<128xi32, #tpu.memory_space<vmem>>) semaphore(%arg12 : memref<!tpu.dma_semaphore, #tpu.memory_space<semaphore_mem>>)
      } else {
      }
      %add3A_1199 = arith.constant 1 : i32
      %add3A_1200 = arith.addi %mul3A_1186, %add3A_1199 : i32
      %dma_wait3A_1201 = arith.constant 0 : i32
      %dma_wait3A_1202 = tpu.memref_slice %arg6[%add3A_1200, %dma_wait3A_1201] : memref<24x128xi32, #tpu.memory_space<vmem>> -> memref<1x128xi32, #tpu.memory_space<vmem>>
      %dma_wait3A_1203 = tpu.memref_squeeze %dma_wait3A_1202 : memref<1x128xi32, #tpu.memory_space<vmem>> -> memref<128xi32, #tpu.memory_space<vmem>>
      %dma_wait3A_1204 = arith.constant 0 : i32
      %dma_wait3A_1205 = arith.constant 0 : i32
      %dma_wait3A_1206 = tpu.memref_slice %arg10[%dma_wait3A_1204, %dma_wait3A_1205] : memref<5120x128xf32, #tpu.memory_space<vmem_shared>> -> memref<5120x128xf32, #tpu.memory_space<vmem_shared>>
      tpu.wait_indirect_dma semaphore(%arg13 : memref<!tpu.dma_semaphore, #tpu.memory_space<semaphore_mem>>) src(%dma_wait3A_1206 : memref<5120x128xf32, #tpu.memory_space<vmem_shared>>) dst(%arg9 : memref<128x128xf32, #tpu.memory_space<vmem>>)
      %add3A_1207 = arith.constant 1 : i32
      %add3A_1208 = arith.addi %mul3A_1186, %add3A_1207 : i32
      "tpu.region"() ({
        %run_scoped3A = tpu.sem_alloc : memref<!tpu.dma_semaphore, #tpu.memory_space<semaphore_mem>>
        %dma_start3A_1216 = arith.constant 0 : i32
        %dma_start3A_1217 = tpu.memref_slice %arg7[%add3A_1208, %dma_start3A_1216] : memref<24x128xi32, #tpu.memory_space<vmem>> -> memref<1x128xi32, #tpu.memory_space<vmem>>
        %dma_start3A_1218 = tpu.memref_squeeze %dma_start3A_1217 : memref<1x128xi32, #tpu.memory_space<vmem>> -> memref<128xi32, #tpu.memory_space<vmem>>
        %dma_start3A_1219 = arith.constant 0 : i32
        %dma_start3A_1220 = arith.constant 0 : i32
        %dma_start3A_1221 = tpu.memref_slice %arg11[%dma_start3A_1219, %dma_start3A_1220] : memref<5128x128xf32, #tpu.memory_space<vmem_shared>> -> memref<5128x128xf32, #tpu.memory_space<vmem_shared>>
        tpu.enqueue_indirect_dma source(%arg9 : memref<128x128xf32, #tpu.memory_space<vmem>>) target(%dma_start3A_1221 : memref<5128x128xf32, #tpu.memory_space<vmem_shared>>) offsets(%dma_start3A_1218 : memref<128xi32, #tpu.memory_space<vmem>>) semaphore(%run_scoped3A : memref<!tpu.dma_semaphore, #tpu.memory_space<semaphore_mem>>) {add = true}
        %dma_wait3A_1222 = arith.constant 0 : i32
        %dma_wait3A_1223 = tpu.memref_slice %arg7[%add3A_1208, %dma_wait3A_1222] : memref<24x128xi32, #tpu.memory_space<vmem>> -> memref<1x128xi32, #tpu.memory_space<vmem>>
        %dma_wait3A_1224 = tpu.memref_squeeze %dma_wait3A_1223 : memref<1x128xi32, #tpu.memory_space<vmem>> -> memref<128xi32, #tpu.memory_space<vmem>>
        %dma_wait3A_1225 = arith.constant 0 : i32
        %dma_wait3A_1226 = arith.constant 0 : i32
        %dma_wait3A_1227 = tpu.memref_slice %arg11[%dma_wait3A_1225, %dma_wait3A_1226] : memref<5128x128xf32, #tpu.memory_space<vmem_shared>> -> memref<5128x128xf32, #tpu.memory_space<vmem_shared>>
        tpu.wait_indirect_dma semaphore(%run_scoped3A : memref<!tpu.dma_semaphore, #tpu.memory_space<semaphore_mem>>) src(%arg9 : memref<128x128xf32, #tpu.memory_space<vmem>>) dst(%dma_wait3A_1227 : memref<5128x128xf32, #tpu.memory_space<vmem_shared>>)
        tpu.yield
      }) : () -> ()
      %add3A_1209 = arith.constant 1 : i32
      %add3A_1210 = arith.addi %scan3A_1184, %add3A_1209 : i32
      %lt3A_1211 = arith.constant 12 : i32
      %lt3A_1212 = arith.cmpi slt, %add3A_1210, %lt3A_1211 : i32
      %convert_element_type3A_1213 = arith.extui %lt3A_1212 : i1 to i32
      %cond3A_1214 = arith.constant 0 : i32
      %cond3A_1215 = arith.cmpi ne, %convert_element_type3A_1213, %cond3A_1214 : i32
      scf.if %cond3A_1215 {
        %add3A_1216 = arith.constant 3 : i32
        %add3A_1217 = arith.addi %mul3A_1186, %add3A_1216 : i32
        %dma_start3A_1218 = arith.constant 0 : i32
        %dma_start3A_1219 = tpu.memref_slice %arg6[%add3A_1217, %dma_start3A_1218] : memref<24x128xi32, #tpu.memory_space<vmem>> -> memref<1x128xi32, #tpu.memory_space<vmem>>
        %dma_start3A_1220 = tpu.memref_squeeze %dma_start3A_1219 : memref<1x128xi32, #tpu.memory_space<vmem>> -> memref<128xi32, #tpu.memory_space<vmem>>
        %dma_start3A_1221 = arith.constant 0 : i32
        %dma_start3A_1222 = arith.constant 0 : i32
        %dma_start3A_1223 = tpu.memref_slice %arg10[%dma_start3A_1221, %dma_start3A_1222] : memref<5120x128xf32, #tpu.memory_space<vmem_shared>> -> memref<5120x128xf32, #tpu.memory_space<vmem_shared>>
        tpu.enqueue_indirect_dma source(%dma_start3A_1223 : memref<5120x128xf32, #tpu.memory_space<vmem_shared>>) target(%arg9 : memref<128x128xf32, #tpu.memory_space<vmem>>) offsets(%dma_start3A_1220 : memref<128xi32, #tpu.memory_space<vmem>>) semaphore(%arg13 : memref<!tpu.dma_semaphore, #tpu.memory_space<semaphore_mem>>)
      } else {
      }
    }
    %scan3A_1013 = arith.constant 12 : i32
    %barrier3A_1014 = arith.constant 0 : index
    tpu.barrier barrier_id(%barrier3A_1014)
    %mul3A_1015 = arith.constant 320 : i32
    %mul3A_1016 = arith.muli %arg1, %mul3A_1015 : i32
    %add3A_1017 = arith.constant 0 : i32
    %add3A_1018 = arith.addi %mul3A_1016, %add3A_1017 : i32
    %dma_start3A_1019 = arith.constant 0 : i32
    %dma_start3A_1020 = arith.constant 0 : i32
    %dma_start3A_1021 = tpu.memref_slice %arg8[%dma_start3A_1019, %dma_start3A_1020] : memref<128x128xf32, #tpu.memory_space<vmem>> -> memref<128x128xf32, #tpu.memory_space<vmem>>
    %dma_start3A_1022 = arith.constant 0 : i32
    %dma_start3A_1023 = tpu.memref_slice %arg11[%add3A_1018, %dma_start3A_1022] : memref<5128x128xf32, #tpu.memory_space<vmem_shared>> -> memref<128x128xf32, #tpu.memory_space<vmem_shared>>
    %dma_start3A_1024 = arith.constant 0 : i32
    %dma_start3A_1025 = arith.constant 0 : i32
    %dma_start3A_1026 = tpu.memref_slice %arg8[%dma_start3A_1024, %dma_start3A_1025] : memref<128x128xf32, #tpu.memory_space<vmem>> -> memref<128x128xf32, #tpu.memory_space<vmem>>
    %dma_start3A_1027 = arith.constant 0 : i32
    %dma_start3A_1028 = tpu.memref_slice %arg11[%add3A_1018, %dma_start3A_1027] : memref<5128x128xf32, #tpu.memory_space<vmem_shared>> -> memref<128x128xf32, #tpu.memory_space<vmem_shared>>
    tpu.enqueue_dma source(%dma_start3A_1028 : memref<128x128xf32, #tpu.memory_space<vmem_shared>>) target(%dma_start3A_1026 : memref<128x128xf32, #tpu.memory_space<vmem>>) target_semaphore(%arg12 : memref<!tpu.dma_semaphore, #tpu.memory_space<semaphore_mem>>)
    %mul3A_1029 = arith.constant 320 : i32
    %mul3A_1030 = arith.muli %arg1, %mul3A_1029 : i32
    %add3A_1031 = arith.constant 128 : i32
    %add3A_1032 = arith.addi %mul3A_1030, %add3A_1031 : i32
    %dma_start3A_1033 = arith.constant 0 : i32
    %dma_start3A_1034 = arith.constant 0 : i32
    %dma_start3A_1035 = tpu.memref_slice %arg9[%dma_start3A_1033, %dma_start3A_1034] : memref<128x128xf32, #tpu.memory_space<vmem>> -> memref<128x128xf32, #tpu.memory_space<vmem>>
    %dma_start3A_1036 = arith.constant 0 : i32
    %dma_start3A_1037 = tpu.memref_slice %arg11[%add3A_1032, %dma_start3A_1036] : memref<5128x128xf32, #tpu.memory_space<vmem_shared>> -> memref<128x128xf32, #tpu.memory_space<vmem_shared>>
    %dma_start3A_1038 = arith.constant 0 : i32
    %dma_start3A_1039 = arith.constant 0 : i32
    %dma_start3A_1040 = tpu.memref_slice %arg9[%dma_start3A_1038, %dma_start3A_1039] : memref<128x128xf32, #tpu.memory_space<vmem>> -> memref<128x128xf32, #tpu.memory_space<vmem>>
    %dma_start3A_1041 = arith.constant 0 : i32
    %dma_start3A_1042 = tpu.memref_slice %arg11[%add3A_1032, %dma_start3A_1041] : memref<5128x128xf32, #tpu.memory_space<vmem_shared>> -> memref<128x128xf32, #tpu.memory_space<vmem_shared>>
    tpu.enqueue_dma source(%dma_start3A_1042 : memref<128x128xf32, #tpu.memory_space<vmem_shared>>) target(%dma_start3A_1040 : memref<128x128xf32, #tpu.memory_space<vmem>>) target_semaphore(%arg13 : memref<!tpu.dma_semaphore, #tpu.memory_space<semaphore_mem>>)
    %dma_wait3A_1043 = arith.constant 0 : i32
    %dma_wait3A_1044 = arith.constant 0 : i32
    %dma_wait3A_1045 = tpu.memref_slice %arg8[%dma_wait3A_1043, %dma_wait3A_1044] : memref<128x128xf32, #tpu.memory_space<vmem>> -> memref<128x128xf32, #tpu.memory_space<vmem>>
    %dma_wait3A_1046 = arith.constant 0 : i32
    %dma_wait3A_1047 = tpu.memref_slice %arg11[%add3A_1018, %dma_wait3A_1046] : memref<5128x128xf32, #tpu.memory_space<vmem_shared>> -> memref<128x128xf32, #tpu.memory_space<vmem_shared>>
    %dma_wait3A_1048 = arith.constant 0 : i32
    %dma_wait3A_1049 = arith.constant 0 : i32
    %dma_wait3A_1050 = tpu.memref_slice %arg8[%dma_wait3A_1048, %dma_wait3A_1049] : memref<128x128xf32, #tpu.memory_space<vmem>> -> memref<128x128xf32, #tpu.memory_space<vmem>>
    %dma_wait3A_1051 = arith.constant 0 : i32
    %dma_wait3A_1052 = tpu.memref_slice %arg11[%add3A_1018, %dma_wait3A_1051] : memref<5128x128xf32, #tpu.memory_space<vmem_shared>> -> memref<128x128xf32, #tpu.memory_space<vmem_shared>>
    tpu.wait_dma2 semaphore(%arg12 : memref<!tpu.dma_semaphore, #tpu.memory_space<semaphore_mem>>) src(%dma_wait3A_1052 : memref<128x128xf32, #tpu.memory_space<vmem_shared>>) dst(%dma_wait3A_1050 : memref<128x128xf32, #tpu.memory_space<vmem>>)
    %mul3A_1053 = arith.constant 2 : i32
    %mul3A_1054 = arith.muli %arg0, %mul3A_1053 : i32
    %add3A_1055 = arith.constant 1 : i32
    %add3A_1056 = arith.addi %mul3A_1054, %add3A_1055 : i32
    %mul3A_1057 = arith.constant 320 : i32
    %mul3A_1058 = arith.muli %arg1, %mul3A_1057 : i32
    %add3A_1059 = arith.constant 0 : i32
    %add3A_1060 = arith.addi %mul3A_1058, %add3A_1059 : i32
    %dma_start3A_1061 = arith.constant 0 : i32
    %dma_start3A_1062 = arith.constant 0 : i32
    %dma_start3A_1063 = tpu.memref_slice %arg8[%dma_start3A_1061, %dma_start3A_1062] : memref<128x128xf32, #tpu.memory_space<vmem>> -> memref<128x128xf32, #tpu.memory_space<vmem>>
    %dma_start3A_1064 = arith.constant 0 : i32
    %dma_start3A_1065 = tpu.memref_slice %arg5[%add3A_1056, %add3A_1060, %dma_start3A_1064] : memref<4x5120x128xf32, #tpu.memory_space<hbm>> -> memref<1x128x128xf32, #tpu.memory_space<hbm>>
    %dma_start3A_1066 = tpu.memref_squeeze %dma_start3A_1065 : memref<1x128x128xf32, #tpu.memory_space<hbm>> -> memref<128x128xf32, #tpu.memory_space<hbm>>
    %dma_start3A_1067 = arith.constant 0 : i32
    %dma_start3A_1068 = tpu.memref_slice %arg5[%add3A_1056, %add3A_1060, %dma_start3A_1067] : memref<4x5120x128xf32, #tpu.memory_space<hbm>> -> memref<1x128x128xf32, #tpu.memory_space<hbm>>
    %dma_start3A_1069 = tpu.memref_squeeze %dma_start3A_1068 : memref<1x128x128xf32, #tpu.memory_space<hbm>> -> memref<128x128xf32, #tpu.memory_space<hbm>>
    %dma_start3A_1070 = arith.constant 0 : i32
    %dma_start3A_1071 = arith.constant 0 : i32
    %dma_start3A_1072 = tpu.memref_slice %arg8[%dma_start3A_1070, %dma_start3A_1071] : memref<128x128xf32, #tpu.memory_space<vmem>> -> memref<128x128xf32, #tpu.memory_space<vmem>>
    tpu.enqueue_dma source(%dma_start3A_1072 : memref<128x128xf32, #tpu.memory_space<vmem>>) target(%dma_start3A_1069 : memref<128x128xf32, #tpu.memory_space<hbm>>) target_semaphore(%arg14 : memref<!tpu.dma_semaphore, #tpu.memory_space<semaphore_mem>>)
    %dma_wait3A_1073 = arith.constant 0 : i32
    %dma_wait3A_1074 = arith.constant 0 : i32
    %dma_wait3A_1075 = tpu.memref_slice %arg9[%dma_wait3A_1073, %dma_wait3A_1074] : memref<128x128xf32, #tpu.memory_space<vmem>> -> memref<128x128xf32, #tpu.memory_space<vmem>>
    %dma_wait3A_1076 = arith.constant 0 : i32
    %dma_wait3A_1077 = tpu.memref_slice %arg11[%add3A_1032, %dma_wait3A_1076] : memref<5128x128xf32, #tpu.memory_space<vmem_shared>> -> memref<128x128xf32, #tpu.memory_space<vmem_shared>>
    %dma_wait3A_1078 = arith.constant 0 : i32
    %dma_wait3A_1079 = arith.constant 0 : i32
    %dma_wait3A_1080 = tpu.memref_slice %arg9[%dma_wait3A_1078, %dma_wait3A_1079] : memref<128x128xf32, #tpu.memory_space<vmem>> -> memref<128x128xf32, #tpu.memory_space<vmem>>
    %dma_wait3A_1081 = arith.constant 0 : i32
    %dma_wait3A_1082 = tpu.memref_slice %arg11[%add3A_1032, %dma_wait3A_1081] : memref<5128x128xf32, #tpu.memory_space<vmem_shared>> -> memref<128x128xf32, #tpu.memory_space<vmem_shared>>
    tpu.wait_dma2 semaphore(%arg13 : memref<!tpu.dma_semaphore, #tpu.memory_space<semaphore_mem>>) src(%dma_wait3A_1082 : memref<128x128xf32, #tpu.memory_space<vmem_shared>>) dst(%dma_wait3A_1080 : memref<128x128xf32, #tpu.memory_space<vmem>>)
    %mul3A_1083 = arith.constant 2 : i32
    %mul3A_1084 = arith.muli %arg0, %mul3A_1083 : i32
    %add3A_1085 = arith.constant 1 : i32
    %add3A_1086 = arith.addi %mul3A_1084, %add3A_1085 : i32
    %mul3A_1087 = arith.constant 320 : i32
    %mul3A_1088 = arith.muli %arg1, %mul3A_1087 : i32
    %add3A_1089 = arith.constant 128 : i32
    %add3A_1090 = arith.addi %mul3A_1088, %add3A_1089 : i32
    %dma_start3A_1091 = arith.constant 0 : i32
    %dma_start3A_1092 = arith.constant 0 : i32
    %dma_start3A_1093 = tpu.memref_slice %arg9[%dma_start3A_1091, %dma_start3A_1092] : memref<128x128xf32, #tpu.memory_space<vmem>> -> memref<128x128xf32, #tpu.memory_space<vmem>>
    %dma_start3A_1094 = arith.constant 0 : i32
    %dma_start3A_1095 = tpu.memref_slice %arg5[%add3A_1086, %add3A_1090, %dma_start3A_1094] : memref<4x5120x128xf32, #tpu.memory_space<hbm>> -> memref<1x128x128xf32, #tpu.memory_space<hbm>>
    %dma_start3A_1096 = tpu.memref_squeeze %dma_start3A_1095 : memref<1x128x128xf32, #tpu.memory_space<hbm>> -> memref<128x128xf32, #tpu.memory_space<hbm>>
    %dma_start3A_1097 = arith.constant 0 : i32
    %dma_start3A_1098 = tpu.memref_slice %arg5[%add3A_1086, %add3A_1090, %dma_start3A_1097] : memref<4x5120x128xf32, #tpu.memory_space<hbm>> -> memref<1x128x128xf32, #tpu.memory_space<hbm>>
    %dma_start3A_1099 = tpu.memref_squeeze %dma_start3A_1098 : memref<1x128x128xf32, #tpu.memory_space<hbm>> -> memref<128x128xf32, #tpu.memory_space<hbm>>
    %dma_start3A_1100 = arith.constant 0 : i32
    %dma_start3A_1101 = arith.constant 0 : i32
    %dma_start3A_1102 = tpu.memref_slice %arg9[%dma_start3A_1100, %dma_start3A_1101] : memref<128x128xf32, #tpu.memory_space<vmem>> -> memref<128x128xf32, #tpu.memory_space<vmem>>
    tpu.enqueue_dma source(%dma_start3A_1102 : memref<128x128xf32, #tpu.memory_space<vmem>>) target(%dma_start3A_1099 : memref<128x128xf32, #tpu.memory_space<hbm>>) target_semaphore(%arg15 : memref<!tpu.dma_semaphore, #tpu.memory_space<semaphore_mem>>)
    %dma_wait3A_1103 = arith.constant 0 : i32
    %dma_wait3A_1104 = arith.constant 0 : i32
    %dma_wait3A_1105 = tpu.memref_slice %arg8[%dma_wait3A_1103, %dma_wait3A_1104] : memref<128x128xf32, #tpu.memory_space<vmem>> -> memref<128x128xf32, #tpu.memory_space<vmem>>
    %dma_wait3A_1106 = arith.constant 0 : i32
    %dma_wait3A_1107 = tpu.memref_slice %arg5[%add3A_1056, %add3A_1060, %dma_wait3A_1106] : memref<4x5120x128xf32, #tpu.memory_space<hbm>> -> memref<1x128x128xf32, #tpu.memory_space<hbm>>
    %dma_wait3A_1108 = tpu.memref_squeeze %dma_wait3A_1107 : memref<1x128x128xf32, #tpu.memory_space<hbm>> -> memref<128x128xf32, #tpu.memory_space<hbm>>
    %dma_wait3A_1109 = arith.constant 0 : i32
    %dma_wait3A_1110 = tpu.memref_slice %arg5[%add3A_1056, %add3A_1060, %dma_wait3A_1109] : memref<4x5120x128xf32, #tpu.memory_space<hbm>> -> memref<1x128x128xf32, #tpu.memory_space<hbm>>
    %dma_wait3A_1111 = tpu.memref_squeeze %dma_wait3A_1110 : memref<1x128x128xf32, #tpu.memory_space<hbm>> -> memref<128x128xf32, #tpu.memory_space<hbm>>
    %dma_wait3A_1112 = arith.constant 0 : i32
    %dma_wait3A_1113 = arith.constant 0 : i32
    %dma_wait3A_1114 = tpu.memref_slice %arg8[%dma_wait3A_1112, %dma_wait3A_1113] : memref<128x128xf32, #tpu.memory_space<vmem>> -> memref<128x128xf32, #tpu.memory_space<vmem>>
    tpu.wait_dma2 semaphore(%arg14 : memref<!tpu.dma_semaphore, #tpu.memory_space<semaphore_mem>>) src(%dma_wait3A_1114 : memref<128x128xf32, #tpu.memory_space<vmem>>) dst(%dma_wait3A_1111 : memref<128x128xf32, #tpu.memory_space<hbm>>)
    %mul3A_1115 = arith.constant 320 : i32
    %mul3A_1116 = arith.muli %arg1, %mul3A_1115 : i32
    %add3A_1117 = arith.constant 256 : i32
    %add3A_1118 = arith.addi %mul3A_1116, %add3A_1117 : i32
    %dma_start3A_1119 = arith.constant 0 : i32
    %dma_start3A_1120 = arith.constant 0 : i32
    %dma_start3A_1121 = tpu.memref_slice %arg8[%dma_start3A_1119, %dma_start3A_1120] : memref<128x128xf32, #tpu.memory_space<vmem>> -> memref<64x128xf32, #tpu.memory_space<vmem>>
    %dma_start3A_1122 = arith.constant 0 : i32
    %dma_start3A_1123 = tpu.memref_slice %arg11[%add3A_1118, %dma_start3A_1122] : memref<5128x128xf32, #tpu.memory_space<vmem_shared>> -> memref<64x128xf32, #tpu.memory_space<vmem_shared>>
    %dma_start3A_1124 = arith.constant 0 : i32
    %dma_start3A_1125 = arith.constant 0 : i32
    %dma_start3A_1126 = tpu.memref_slice %arg8[%dma_start3A_1124, %dma_start3A_1125] : memref<128x128xf32, #tpu.memory_space<vmem>> -> memref<64x128xf32, #tpu.memory_space<vmem>>
    %dma_start3A_1127 = arith.constant 0 : i32
    %dma_start3A_1128 = tpu.memref_slice %arg11[%add3A_1118, %dma_start3A_1127] : memref<5128x128xf32, #tpu.memory_space<vmem_shared>> -> memref<64x128xf32, #tpu.memory_space<vmem_shared>>
    tpu.enqueue_dma source(%dma_start3A_1128 : memref<64x128xf32, #tpu.memory_space<vmem_shared>>) target(%dma_start3A_1126 : memref<64x128xf32, #tpu.memory_space<vmem>>) target_semaphore(%arg12 : memref<!tpu.dma_semaphore, #tpu.memory_space<semaphore_mem>>)
    %dma_wait3A_1129 = arith.constant 0 : i32
    %dma_wait3A_1130 = arith.constant 0 : i32
    %dma_wait3A_1131 = tpu.memref_slice %arg8[%dma_wait3A_1129, %dma_wait3A_1130] : memref<128x128xf32, #tpu.memory_space<vmem>> -> memref<64x128xf32, #tpu.memory_space<vmem>>
    %dma_wait3A_1132 = arith.constant 0 : i32
    %dma_wait3A_1133 = tpu.memref_slice %arg11[%add3A_1118, %dma_wait3A_1132] : memref<5128x128xf32, #tpu.memory_space<vmem_shared>> -> memref<64x128xf32, #tpu.memory_space<vmem_shared>>
    %dma_wait3A_1134 = arith.constant 0 : i32
    %dma_wait3A_1135 = arith.constant 0 : i32
    %dma_wait3A_1136 = tpu.memref_slice %arg8[%dma_wait3A_1134, %dma_wait3A_1135] : memref<128x128xf32, #tpu.memory_space<vmem>> -> memref<64x128xf32, #tpu.memory_space<vmem>>
    %dma_wait3A_1137 = arith.constant 0 : i32
    %dma_wait3A_1138 = tpu.memref_slice %arg11[%add3A_1118, %dma_wait3A_1137] : memref<5128x128xf32, #tpu.memory_space<vmem_shared>> -> memref<64x128xf32, #tpu.memory_space<vmem_shared>>
    tpu.wait_dma2 semaphore(%arg12 : memref<!tpu.dma_semaphore, #tpu.memory_space<semaphore_mem>>) src(%dma_wait3A_1138 : memref<64x128xf32, #tpu.memory_space<vmem_shared>>) dst(%dma_wait3A_1136 : memref<64x128xf32, #tpu.memory_space<vmem>>)
    %mul3A_1139 = arith.constant 2 : i32
    %mul3A_1140 = arith.muli %arg0, %mul3A_1139 : i32
    %add3A_1141 = arith.constant 1 : i32
    %add3A_1142 = arith.addi %mul3A_1140, %add3A_1141 : i32
    %mul3A_1143 = arith.constant 320 : i32
    %mul3A_1144 = arith.muli %arg1, %mul3A_1143 : i32
    %add3A_1145 = arith.constant 256 : i32
    %add3A_1146 = arith.addi %mul3A_1144, %add3A_1145 : i32
    %dma_start3A_1147 = arith.constant 0 : i32
    %dma_start3A_1148 = arith.constant 0 : i32
    %dma_start3A_1149 = tpu.memref_slice %arg8[%dma_start3A_1147, %dma_start3A_1148] : memref<128x128xf32, #tpu.memory_space<vmem>> -> memref<64x128xf32, #tpu.memory_space<vmem>>
    %dma_start3A_1150 = arith.constant 0 : i32
    %dma_start3A_1151 = tpu.memref_slice %arg5[%add3A_1142, %add3A_1146, %dma_start3A_1150] : memref<4x5120x128xf32, #tpu.memory_space<hbm>> -> memref<1x64x128xf32, #tpu.memory_space<hbm>>
    %dma_start3A_1152 = tpu.memref_squeeze %dma_start3A_1151 : memref<1x64x128xf32, #tpu.memory_space<hbm>> -> memref<64x128xf32, #tpu.memory_space<hbm>>
    %dma_start3A_1153 = arith.constant 0 : i32
    %dma_start3A_1154 = tpu.memref_slice %arg5[%add3A_1142, %add3A_1146, %dma_start3A_1153] : memref<4x5120x128xf32, #tpu.memory_space<hbm>> -> memref<1x64x128xf32, #tpu.memory_space<hbm>>
    %dma_start3A_1155 = tpu.memref_squeeze %dma_start3A_1154 : memref<1x64x128xf32, #tpu.memory_space<hbm>> -> memref<64x128xf32, #tpu.memory_space<hbm>>
    %dma_start3A_1156 = arith.constant 0 : i32
    %dma_start3A_1157 = arith.constant 0 : i32
    %dma_start3A_1158 = tpu.memref_slice %arg8[%dma_start3A_1156, %dma_start3A_1157] : memref<128x128xf32, #tpu.memory_space<vmem>> -> memref<64x128xf32, #tpu.memory_space<vmem>>
    tpu.enqueue_dma source(%dma_start3A_1158 : memref<64x128xf32, #tpu.memory_space<vmem>>) target(%dma_start3A_1155 : memref<64x128xf32, #tpu.memory_space<hbm>>) target_semaphore(%arg14 : memref<!tpu.dma_semaphore, #tpu.memory_space<semaphore_mem>>)
    %dma_wait3A_1159 = arith.constant 0 : i32
    %dma_wait3A_1160 = arith.constant 0 : i32
    %dma_wait3A_1161 = tpu.memref_slice %arg9[%dma_wait3A_1159, %dma_wait3A_1160] : memref<128x128xf32, #tpu.memory_space<vmem>> -> memref<128x128xf32, #tpu.memory_space<vmem>>
    %dma_wait3A_1162 = arith.constant 0 : i32
    %dma_wait3A_1163 = tpu.memref_slice %arg5[%add3A_1086, %add3A_1090, %dma_wait3A_1162] : memref<4x5120x128xf32, #tpu.memory_space<hbm>> -> memref<1x128x128xf32, #tpu.memory_space<hbm>>
    %dma_wait3A_1164 = tpu.memref_squeeze %dma_wait3A_1163 : memref<1x128x128xf32, #tpu.memory_space<hbm>> -> memref<128x128xf32, #tpu.memory_space<hbm>>
    %dma_wait3A_1165 = arith.constant 0 : i32
    %dma_wait3A_1166 = tpu.memref_slice %arg5[%add3A_1086, %add3A_1090, %dma_wait3A_1165] : memref<4x5120x128xf32, #tpu.memory_space<hbm>> -> memref<1x128x128xf32, #tpu.memory_space<hbm>>
    %dma_wait3A_1167 = tpu.memref_squeeze %dma_wait3A_1166 : memref<1x128x128xf32, #tpu.memory_space<hbm>> -> memref<128x128xf32, #tpu.memory_space<hbm>>
    %dma_wait3A_1168 = arith.constant 0 : i32
    %dma_wait3A_1169 = arith.constant 0 : i32
    %dma_wait3A_1170 = tpu.memref_slice %arg9[%dma_wait3A_1168, %dma_wait3A_1169] : memref<128x128xf32, #tpu.memory_space<vmem>> -> memref<128x128xf32, #tpu.memory_space<vmem>>
    tpu.wait_dma2 semaphore(%arg15 : memref<!tpu.dma_semaphore, #tpu.memory_space<semaphore_mem>>) src(%dma_wait3A_1170 : memref<128x128xf32, #tpu.memory_space<vmem>>) dst(%dma_wait3A_1167 : memref<128x128xf32, #tpu.memory_space<hbm>>)
    %dma_wait3A_1171 = arith.constant 0 : i32
    %dma_wait3A_1172 = arith.constant 0 : i32
    %dma_wait3A_1173 = tpu.memref_slice %arg8[%dma_wait3A_1171, %dma_wait3A_1172] : memref<128x128xf32, #tpu.memory_space<vmem>> -> memref<64x128xf32, #tpu.memory_space<vmem>>
    %dma_wait3A_1174 = arith.constant 0 : i32
    %dma_wait3A_1175 = tpu.memref_slice %arg5[%add3A_1142, %add3A_1146, %dma_wait3A_1174] : memref<4x5120x128xf32, #tpu.memory_space<hbm>> -> memref<1x64x128xf32, #tpu.memory_space<hbm>>
    %dma_wait3A_1176 = tpu.memref_squeeze %dma_wait3A_1175 : memref<1x64x128xf32, #tpu.memory_space<hbm>> -> memref<64x128xf32, #tpu.memory_space<hbm>>
    %dma_wait3A_1177 = arith.constant 0 : i32
    %dma_wait3A_1178 = tpu.memref_slice %arg5[%add3A_1142, %add3A_1146, %dma_wait3A_1177] : memref<4x5120x128xf32, #tpu.memory_space<hbm>> -> memref<1x64x128xf32, #tpu.memory_space<hbm>>
    %dma_wait3A_1179 = tpu.memref_squeeze %dma_wait3A_1178 : memref<1x64x128xf32, #tpu.memory_space<hbm>> -> memref<64x128xf32, #tpu.memory_space<hbm>>
    %dma_wait3A_1180 = arith.constant 0 : i32
    %dma_wait3A_1181 = arith.constant 0 : i32
    %dma_wait3A_1182 = tpu.memref_slice %arg8[%dma_wait3A_1180, %dma_wait3A_1181] : memref<128x128xf32, #tpu.memory_space<vmem>> -> memref<64x128xf32, #tpu.memory_space<vmem>>
    tpu.wait_dma2 semaphore(%arg14 : memref<!tpu.dma_semaphore, #tpu.memory_space<semaphore_mem>>) src(%dma_wait3A_1182 : memref<64x128xf32, #tpu.memory_space<vmem>>) dst(%dma_wait3A_1179 : memref<64x128xf32, #tpu.memory_space<hbm>>)
    %barrier3A_1183 = arith.constant 0 : index
    tpu.barrier barrier_id(%barrier3A_1183)
    return
  }
}

#map = affine_map<(d0, d1) -> (0, 0, 0)>
#map1 = affine_map<(d0, d1) -> (0)>
#map2 = affine_map<(d0, d1) -> (0, 0)>
module attributes {stable_mosaic.version = 14 : i64} {
  func.func @_deg_kernel(%arg0: i32, %arg1: i32, %arg2: memref<32x80x128xi32, #tpu.memory_space<hbm>>, %arg3: memref<32x80x128xi32, #tpu.memory_space<hbm>>, %arg4: memref<10240xf32, #tpu.memory_space<hbm>>, %arg5: memref<2x10240xf32, #tpu.memory_space<hbm>>, %arg6: memref<256x3072xi32, #tpu.memory_space<hbm>>, %arg7: memref<80x128xi32, #tpu.memory_space<vmem>>, %arg8: memref<80x128xi32, #tpu.memory_space<vmem>>, %arg9: memref<10240xf32, #tpu.memory_space<vmem>>, %arg10: memref<16x640xf32, #tpu.memory_space<vmem>>, %arg11: memref<640xf32, #tpu.memory_space<vmem>>, %arg12: memref<3072xi32, #tpu.memory_space<vmem>>, %arg13: memref<3072xi32, #tpu.memory_space<vmem>>, %arg14: memref<3072xi32, #tpu.memory_space<vmem>>, %arg15: memref<3072xi32, #tpu.memory_space<vmem>>, %arg16: memref<3072xi32, #tpu.memory_space<vmem>>, %arg17: memref<3072xi32, #tpu.memory_space<vmem>>, %arg18: memref<3072xi32, #tpu.memory_space<vmem>>, %arg19: memref<3072xi32, #tpu.memory_space<vmem>>, %arg20: memref<16x10240xf32, #tpu.memory_space<vmem_shared>>) attributes {dimension_semantics = [#tpu.dimension_semantics<core_parallel>, #tpu.dimension_semantics<subcore_parallel>], iteration_bounds = array<i64: 2, 16>, scalar_prefetch = 0 : i64, scratch_operands = 14 : i64, tpu.core_type = #tpu.core_type<sc_vector_subcore>, window_params = [{transform_indices = #map}, {transform_indices = #map}, {transform_indices = #map1}, {transform_indices = #map2}, {transform_indices = #map2}]} {
    %mul3A = arith.constant 16 : i32
    %mul3A_0 = arith.muli %arg0, %mul3A : i32
    %add3A = arith.addi %mul3A_0, %arg1 : i32
    "tpu.region"() ({
      %run_scoped3A_132 = tpu.sem_alloc : memref<!tpu.dma_semaphore, #tpu.memory_space<semaphore_mem>>
      %dma_start3A = arith.constant 0 : i32
      %dma_start3A_133 = arith.constant 0 : i32
      %dma_start3A_134 = tpu.memref_slice %arg2[%add3A, %dma_start3A, %dma_start3A_133] : memref<32x80x128xi32, #tpu.memory_space<hbm>> -> memref<1x80x128xi32, #tpu.memory_space<hbm>>
      %dma_start3A_135 = tpu.memref_squeeze %dma_start3A_134 : memref<1x80x128xi32, #tpu.memory_space<hbm>> -> memref<80x128xi32, #tpu.memory_space<hbm>>
      %dma_start3A_136 = arith.constant 0 : i32
      %dma_start3A_137 = arith.constant 0 : i32
      %dma_start3A_138 = tpu.memref_slice %arg2[%add3A, %dma_start3A_136, %dma_start3A_137] : memref<32x80x128xi32, #tpu.memory_space<hbm>> -> memref<1x80x128xi32, #tpu.memory_space<hbm>>
      %dma_start3A_139 = tpu.memref_squeeze %dma_start3A_138 : memref<1x80x128xi32, #tpu.memory_space<hbm>> -> memref<80x128xi32, #tpu.memory_space<hbm>>
      tpu.enqueue_dma source(%dma_start3A_139 : memref<80x128xi32, #tpu.memory_space<hbm>>) target(%arg7 : memref<80x128xi32, #tpu.memory_space<vmem>>) target_semaphore(%run_scoped3A_132 : memref<!tpu.dma_semaphore, #tpu.memory_space<semaphore_mem>>)
      %dma_wait3A = arith.constant 0 : i32
      %dma_wait3A_140 = arith.constant 0 : i32
      %dma_wait3A_141 = tpu.memref_slice %arg2[%add3A, %dma_wait3A, %dma_wait3A_140] : memref<32x80x128xi32, #tpu.memory_space<hbm>> -> memref<1x80x128xi32, #tpu.memory_space<hbm>>
      %dma_wait3A_142 = tpu.memref_squeeze %dma_wait3A_141 : memref<1x80x128xi32, #tpu.memory_space<hbm>> -> memref<80x128xi32, #tpu.memory_space<hbm>>
      %dma_wait3A_143 = arith.constant 0 : i32
      %dma_wait3A_144 = arith.constant 0 : i32
      %dma_wait3A_145 = tpu.memref_slice %arg2[%add3A, %dma_wait3A_143, %dma_wait3A_144] : memref<32x80x128xi32, #tpu.memory_space<hbm>> -> memref<1x80x128xi32, #tpu.memory_space<hbm>>
      %dma_wait3A_146 = tpu.memref_squeeze %dma_wait3A_145 : memref<1x80x128xi32, #tpu.memory_space<hbm>> -> memref<80x128xi32, #tpu.memory_space<hbm>>
      tpu.wait_dma2 semaphore(%run_scoped3A_132 : memref<!tpu.dma_semaphore, #tpu.memory_space<semaphore_mem>>) src(%dma_wait3A_146 : memref<80x128xi32, #tpu.memory_space<hbm>>) dst(%arg7 : memref<80x128xi32, #tpu.memory_space<vmem>>)
      tpu.yield
    }) : () -> ()
    "tpu.region"() ({
      %run_scoped3A_132 = tpu.sem_alloc : memref<!tpu.dma_semaphore, #tpu.memory_space<semaphore_mem>>
      %dma_start3A = arith.constant 0 : i32
      %dma_start3A_133 = arith.constant 0 : i32
      %dma_start3A_134 = tpu.memref_slice %arg3[%add3A, %dma_start3A, %dma_start3A_133] : memref<32x80x128xi32, #tpu.memory_space<hbm>> -> memref<1x80x128xi32, #tpu.memory_space<hbm>>
      %dma_start3A_135 = tpu.memref_squeeze %dma_start3A_134 : memref<1x80x128xi32, #tpu.memory_space<hbm>> -> memref<80x128xi32, #tpu.memory_space<hbm>>
      %dma_start3A_136 = arith.constant 0 : i32
      %dma_start3A_137 = arith.constant 0 : i32
      %dma_start3A_138 = tpu.memref_slice %arg3[%add3A, %dma_start3A_136, %dma_start3A_137] : memref<32x80x128xi32, #tpu.memory_space<hbm>> -> memref<1x80x128xi32, #tpu.memory_space<hbm>>
      %dma_start3A_139 = tpu.memref_squeeze %dma_start3A_138 : memref<1x80x128xi32, #tpu.memory_space<hbm>> -> memref<80x128xi32, #tpu.memory_space<hbm>>
      tpu.enqueue_dma source(%dma_start3A_139 : memref<80x128xi32, #tpu.memory_space<hbm>>) target(%arg8 : memref<80x128xi32, #tpu.memory_space<vmem>>) target_semaphore(%run_scoped3A_132 : memref<!tpu.dma_semaphore, #tpu.memory_space<semaphore_mem>>)
      %dma_wait3A = arith.constant 0 : i32
      %dma_wait3A_140 = arith.constant 0 : i32
      %dma_wait3A_141 = tpu.memref_slice %arg3[%add3A, %dma_wait3A, %dma_wait3A_140] : memref<32x80x128xi32, #tpu.memory_space<hbm>> -> memref<1x80x128xi32, #tpu.memory_space<hbm>>
      %dma_wait3A_142 = tpu.memref_squeeze %dma_wait3A_141 : memref<1x80x128xi32, #tpu.memory_space<hbm>> -> memref<80x128xi32, #tpu.memory_space<hbm>>
      %dma_wait3A_143 = arith.constant 0 : i32
      %dma_wait3A_144 = arith.constant 0 : i32
      %dma_wait3A_145 = tpu.memref_slice %arg3[%add3A, %dma_wait3A_143, %dma_wait3A_144] : memref<32x80x128xi32, #tpu.memory_space<hbm>> -> memref<1x80x128xi32, #tpu.memory_space<hbm>>
      %dma_wait3A_146 = tpu.memref_squeeze %dma_wait3A_145 : memref<1x80x128xi32, #tpu.memory_space<hbm>> -> memref<80x128xi32, #tpu.memory_space<hbm>>
      tpu.wait_dma2 semaphore(%run_scoped3A_132 : memref<!tpu.dma_semaphore, #tpu.memory_space<semaphore_mem>>) src(%dma_wait3A_146 : memref<80x128xi32, #tpu.memory_space<hbm>>) dst(%arg8 : memref<80x128xi32, #tpu.memory_space<vmem>>)
      tpu.yield
    }) : () -> ()
    "tpu.region"() ({
      %run_scoped3A_132 = tpu.sem_alloc : memref<!tpu.dma_semaphore, #tpu.memory_space<semaphore_mem>>
      tpu.enqueue_dma source(%arg4 : memref<10240xf32, #tpu.memory_space<hbm>>) target(%arg9 : memref<10240xf32, #tpu.memory_space<vmem>>) target_semaphore(%run_scoped3A_132 : memref<!tpu.dma_semaphore, #tpu.memory_space<semaphore_mem>>)
      tpu.wait_dma2 semaphore(%run_scoped3A_132 : memref<!tpu.dma_semaphore, #tpu.memory_space<semaphore_mem>>) src(%arg4 : memref<10240xf32, #tpu.memory_space<hbm>>) dst(%arg9 : memref<10240xf32, #tpu.memory_space<vmem>>)
      tpu.yield
    }) : () -> ()
    %broadcast_in_dim3A = arith.constant 0 : i32
    %broadcast_in_dim3A_1 = vector.broadcast %broadcast_in_dim3A : i32 to vector<16xi32>
    %broadcast_in_dim3A_2 = arith.constant 5120 : i32
    %broadcast_in_dim3A_3 = vector.broadcast %broadcast_in_dim3A_2 : i32 to vector<16xi32>
    %scan3A = arith.constant 0 : i32
    %scan3A_4 = arith.constant 0 : i32
    %scan3A_5 = arith.constant 192 : i32
    %scan3A_6 = arith.addi %scan3A_4, %scan3A_5 : i32
    %scan3A_7 = arith.constant 1 : i32
    scf.for %scan3A_132 = %scan3A_4 to %scan3A_6 step %scan3A_7  : i32 {
      %mul3A_133 = arith.constant 16 : i32
      %mul3A_134 = arith.muli %scan3A_132, %mul3A_133 : i32
      %swap3A = arith.index_cast %mul3A_134 : i32 to index
      %swap3A_135 = tpu.vector_load %arg12[%swap3A] {strides = array<i32>} : memref<3072xi32, #tpu.memory_space<vmem>>, vector<16xi32>,
      tpu.vector_store %arg12[%swap3A], %broadcast_in_dim3A_1 {strides = array<i32>} : memref<3072xi32, #tpu.memory_space<vmem>>, vector<16xi32>,
      %mul3A_136 = arith.constant 16 : i32
      %mul3A_137 = arith.muli %scan3A_132, %mul3A_136 : i32
      %swap3A_138 = arith.index_cast %mul3A_137 : i32 to index
      %swap3A_139 = tpu.vector_load %arg13[%swap3A_138] {strides = array<i32>} : memref<3072xi32, #tpu.memory_space<vmem>>, vector<16xi32>,
      tpu.vector_store %arg13[%swap3A_138], %broadcast_in_dim3A_3 {strides = array<i32>} : memref<3072xi32, #tpu.memory_space<vmem>>, vector<16xi32>,
      %mul3A_140 = arith.constant 16 : i32
      %mul3A_141 = arith.muli %scan3A_132, %mul3A_140 : i32
      %swap3A_142 = arith.index_cast %mul3A_141 : i32 to index
      %swap3A_143 = tpu.vector_load %arg14[%swap3A_142] {strides = array<i32>} : memref<3072xi32, #tpu.memory_space<vmem>>, vector<16xi32>,
      tpu.vector_store %arg14[%swap3A_142], %broadcast_in_dim3A_1 {strides = array<i32>} : memref<3072xi32, #tpu.memory_space<vmem>>, vector<16xi32>,
      %mul3A_144 = arith.constant 16 : i32
      %mul3A_145 = arith.muli %scan3A_132, %mul3A_144 : i32
      %swap3A_146 = arith.index_cast %mul3A_145 : i32 to index
      %swap3A_147 = tpu.vector_load %arg15[%swap3A_146] {strides = array<i32>} : memref<3072xi32, #tpu.memory_space<vmem>>, vector<16xi32>,
      tpu.vector_store %arg15[%swap3A_146], %broadcast_in_dim3A_3 {strides = array<i32>} : memref<3072xi32, #tpu.memory_space<vmem>>, vector<16xi32>,
      %mul3A_148 = arith.constant 16 : i32
      %mul3A_149 = arith.muli %scan3A_132, %mul3A_148 : i32
      %swap3A_150 = arith.index_cast %mul3A_149 : i32 to index
      %swap3A_151 = tpu.vector_load %arg16[%swap3A_150] {strides = array<i32>} : memref<3072xi32, #tpu.memory_space<vmem>>, vector<16xi32>,
      tpu.vector_store %arg16[%swap3A_150], %broadcast_in_dim3A_1 {strides = array<i32>} : memref<3072xi32, #tpu.memory_space<vmem>>, vector<16xi32>,
      %mul3A_152 = arith.constant 16 : i32
      %mul3A_153 = arith.muli %scan3A_132, %mul3A_152 : i32
      %swap3A_154 = arith.index_cast %mul3A_153 : i32 to index
      %swap3A_155 = tpu.vector_load %arg17[%swap3A_154] {strides = array<i32>} : memref<3072xi32, #tpu.memory_space<vmem>>, vector<16xi32>,
      tpu.vector_store %arg17[%swap3A_154], %broadcast_in_dim3A_3 {strides = array<i32>} : memref<3072xi32, #tpu.memory_space<vmem>>, vector<16xi32>,
      %mul3A_156 = arith.constant 16 : i32
      %mul3A_157 = arith.muli %scan3A_132, %mul3A_156 : i32
      %swap3A_158 = arith.index_cast %mul3A_157 : i32 to index
      %swap3A_159 = tpu.vector_load %arg18[%swap3A_158] {strides = array<i32>} : memref<3072xi32, #tpu.memory_space<vmem>>, vector<16xi32>,
      tpu.vector_store %arg18[%swap3A_158], %broadcast_in_dim3A_1 {strides = array<i32>} : memref<3072xi32, #tpu.memory_space<vmem>>, vector<16xi32>,
      %mul3A_160 = arith.constant 16 : i32
      %mul3A_161 = arith.muli %scan3A_132, %mul3A_160 : i32
      %swap3A_162 = arith.index_cast %mul3A_161 : i32 to index
      %swap3A_163 = tpu.vector_load %arg19[%swap3A_162] {strides = array<i32>} : memref<3072xi32, #tpu.memory_space<vmem>>, vector<16xi32>,
      tpu.vector_store %arg19[%swap3A_162], %broadcast_in_dim3A_3 {strides = array<i32>} : memref<3072xi32, #tpu.memory_space<vmem>>, vector<16xi32>,
    }
    %scan3A_8 = arith.constant 192 : i32
    %broadcast_in_dim3A_9 = arith.constant 1.000000e+00 : f32
    %broadcast_in_dim3A_10 = vector.broadcast %broadcast_in_dim3A_9 : f32 to vector<16xf32>
    %scan3A_11 = arith.constant 0 : i32
    %scan3A_12 = arith.constant 0 : i32
    %scan3A_13 = arith.constant 0 : i32
    %scan3A_14 = arith.constant 0 : i32
    %scan3A_15 = arith.constant 0 : i32
    %scan3A_16 = arith.constant 80 : i32
    %scan3A_17 = arith.addi %scan3A_15, %scan3A_16 : i32
    %scan3A_18 = arith.constant 1 : i32
    %scan3A_19:4 = scf.for %scan3A_132 = %scan3A_15 to %scan3A_17 step %scan3A_18 iter_args(%scan3A_133 = %scan3A_11, %scan3A_134 = %scan3A_12, %scan3A_135 = %scan3A_13, %scan3A_136 = %scan3A_14) -> (i32, i32, i32, i32)  : i32 {
      %get3A = arith.index_cast %scan3A_132 : i32 to index
      %get3A_137 = arith.constant 0 : index
      %get3A_138 = tpu.vector_load %arg8[%get3A, %get3A_137] {strides = array<i32>} : memref<80x128xi32, #tpu.memory_space<vmem>>, vector<16xi32>,
      %get3A_139 = arith.index_cast %scan3A_132 : i32 to index
      %get3A_140 = arith.constant 0 : index
      %get3A_141 = tpu.vector_load %arg7[%get3A_139, %get3A_140] {strides = array<i32>} : memref<80x128xi32, #tpu.memory_space<vmem>>, vector<16xi32>,
      tpu.vector_store_idx %arg9[%get3A_138], %broadcast_in_dim3A_10 {add = true} : memref<10240xf32, #tpu.memory_space<vmem>>[vector<16xi32>], vector<16xf32>,
      %lt3A = arith.constant 10000 : i32
      %lt3A_142 = vector.broadcast %lt3A : i32 to vector<16xi32>
      %lt3A_143 = arith.cmpi slt, %get3A_138, %lt3A_142 : vector<16xi32>
      %ge3A = arith.constant 5120 : i32
      %ge3A_144 = vector.broadcast %ge3A : i32 to vector<16xi32>
      %ge3A_145 = arith.cmpi sge, %get3A_141, %ge3A_144 : vector<16xi32>
      %ge3A_146 = arith.constant 5120 : i32
      %ge3A_147 = vector.broadcast %ge3A_146 : i32 to vector<16xi32>
      %ge3A_148 = arith.cmpi sge, %get3A_138, %ge3A_147 : vector<16xi32>
      %not3A = arith.constant dense<true> : vector<16xi1>
      %not3A_149 = arith.xori %ge3A_145, %not3A : vector<16xi1>
      %and3A = arith.andi %lt3A_143, %not3A_149 : vector<16xi1>
      %not3A_150 = arith.constant dense<true> : vector<16xi1>
      %not3A_151 = arith.xori %ge3A_148, %not3A_150 : vector<16xi1>
      %and3A_152 = arith.andi %and3A, %not3A_151 : vector<16xi1>
      %convert_element_type3A = arith.extui %and3A_152 : vector<16xi1> to vector<16xi32>
      %broadcast_in_dim3A_153 = arith.constant true
      %broadcast_in_dim3A_154 = vector.broadcast %broadcast_in_dim3A_153 : i1 to vector<16xi1>
      %masked_cumsum3A = tpu.scan <sum>, %convert_element_type3A masked %broadcast_in_dim3A_154 : vector<16xi32>, vector<16xi1> -> vector<16xi32>
      %sub3A = arith.constant 1 : i32
      %sub3A_155 = vector.broadcast %sub3A : i32 to vector<16xi32>
      %sub3A_156 = arith.subi %masked_cumsum3A, %sub3A_155 : vector<16xi32>
      %add3A_157 = vector.broadcast %scan3A_133 : i32 to vector<16xi32>
      %add3A_158 = arith.addi %sub3A_156, %add3A_157 : vector<16xi32>
      %sub3A_159 = arith.constant 0 : i32
      %sub3A_160 = vector.broadcast %sub3A_159 : i32 to vector<16xi32>
      %sub3A_161 = arith.subi %get3A_141, %sub3A_160 : vector<16xi32>
      tpu.vector_store_idx %arg12[%add3A_158], %sub3A_161 masked %and3A_152 : memref<3072xi32, #tpu.memory_space<vmem>>[vector<16xi32>], vector<16xi32>, vector<16xi1>
      %sub3A_162 = arith.constant 0 : i32
      %sub3A_163 = vector.broadcast %sub3A_162 : i32 to vector<16xi32>
      %sub3A_164 = arith.subi %get3A_138, %sub3A_163 : vector<16xi32>
      tpu.vector_store_idx %arg13[%add3A_158], %sub3A_164 masked %and3A_152 : memref<3072xi32, #tpu.memory_space<vmem>>[vector<16xi32>], vector<16xi32>, vector<16xi1>
      %reduce_sum3A = arith.constant true
      %reduce_sum3A_165 = vector.broadcast %reduce_sum3A : i1 to vector<16xi1>
      %reduce_sum3A_166 = tpu.scan <sum>, %convert_element_type3A masked %reduce_sum3A_165 : vector<16xi32>, vector<16xi1> -> vector<16xi32>
      %reduce_sum3A_167 = vector.extract %reduce_sum3A_166[15] : i32 from vector<16xi32>
      %add3A_168 = arith.addi %scan3A_133, %reduce_sum3A_167 : i32
      %and3A_169 = arith.andi %lt3A_143, %ge3A_145 : vector<16xi1>
      %not3A_170 = arith.constant dense<true> : vector<16xi1>
      %not3A_171 = arith.xori %ge3A_148, %not3A_170 : vector<16xi1>
      %and3A_172 = arith.andi %and3A_169, %not3A_171 : vector<16xi1>
      %convert_element_type3A_173 = arith.extui %and3A_172 : vector<16xi1> to vector<16xi32>
      %broadcast_in_dim3A_174 = arith.constant true
      %broadcast_in_dim3A_175 = vector.broadcast %broadcast_in_dim3A_174 : i1 to vector<16xi1>
      %masked_cumsum3A_176 = tpu.scan <sum>, %convert_element_type3A_173 masked %broadcast_in_dim3A_175 : vector<16xi32>, vector<16xi1> -> vector<16xi32>
      %sub3A_177 = arith.constant 1 : i32
      %sub3A_178 = vector.broadcast %sub3A_177 : i32 to vector<16xi32>
      %sub3A_179 = arith.subi %masked_cumsum3A_176, %sub3A_178 : vector<16xi32>
      %add3A_180 = vector.broadcast %scan3A_134 : i32 to vector<16xi32>
      %add3A_181 = arith.addi %sub3A_179, %add3A_180 : vector<16xi32>
      %sub3A_182 = arith.constant 5120 : i32
      %sub3A_183 = vector.broadcast %sub3A_182 : i32 to vector<16xi32>
      %sub3A_184 = arith.subi %get3A_141, %sub3A_183 : vector<16xi32>
      tpu.vector_store_idx %arg14[%add3A_181], %sub3A_184 masked %and3A_172 : memref<3072xi32, #tpu.memory_space<vmem>>[vector<16xi32>], vector<16xi32>, vector<16xi1>
      %sub3A_185 = arith.constant 0 : i32
      %sub3A_186 = vector.broadcast %sub3A_185 : i32 to vector<16xi32>
      %sub3A_187 = arith.subi %get3A_138, %sub3A_186 : vector<16xi32>
      tpu.vector_store_idx %arg15[%add3A_181], %sub3A_187 masked %and3A_172 : memref<3072xi32, #tpu.memory_space<vmem>>[vector<16xi32>], vector<16xi32>, vector<16xi1>
      %reduce_sum3A_188 = arith.constant true
      %reduce_sum3A_189 = vector.broadcast %reduce_sum3A_188 : i1 to vector<16xi1>
      %reduce_sum3A_190 = tpu.scan <sum>, %convert_element_type3A_173 masked %reduce_sum3A_189 : vector<16xi32>, vector<16xi1> -> vector<16xi32>
      %reduce_sum3A_191 = vector.extract %reduce_sum3A_190[15] : i32 from vector<16xi32>
      %add3A_192 = arith.addi %scan3A_134, %reduce_sum3A_191 : i32
      %not3A_193 = arith.constant dense<true> : vector<16xi1>
      %not3A_194 = arith.xori %ge3A_145, %not3A_193 : vector<16xi1>
      %and3A_195 = arith.andi %lt3A_143, %not3A_194 : vector<16xi1>
      %and3A_196 = arith.andi %and3A_195, %ge3A_148 : vector<16xi1>
      %convert_element_type3A_197 = arith.extui %and3A_196 : vector<16xi1> to vector<16xi32>
      %broadcast_in_dim3A_198 = arith.constant true
      %broadcast_in_dim3A_199 = vector.broadcast %broadcast_in_dim3A_198 : i1 to vector<16xi1>
      %masked_cumsum3A_200 = tpu.scan <sum>, %convert_element_type3A_197 masked %broadcast_in_dim3A_199 : vector<16xi32>, vector<16xi1> -> vector<16xi32>
      %sub3A_201 = arith.constant 1 : i32
      %sub3A_202 = vector.broadcast %sub3A_201 : i32 to vector<16xi32>
      %sub3A_203 = arith.subi %masked_cumsum3A_200, %sub3A_202 : vector<16xi32>
      %add3A_204 = vector.broadcast %scan3A_135 : i32 to vector<16xi32>
      %add3A_205 = arith.addi %sub3A_203, %add3A_204 : vector<16xi32>
      %sub3A_206 = arith.constant 0 : i32
      %sub3A_207 = vector.broadcast %sub3A_206 : i32 to vector<16xi32>
      %sub3A_208 = arith.subi %get3A_141, %sub3A_207 : vector<16xi32>
      tpu.vector_store_idx %arg16[%add3A_205], %sub3A_208 masked %and3A_196 : memref<3072xi32, #tpu.memory_space<vmem>>[vector<16xi32>], vector<16xi32>, vector<16xi1>
      %sub3A_209 = arith.constant 5120 : i32
      %sub3A_210 = vector.broadcast %sub3A_209 : i32 to vector<16xi32>
      %sub3A_211 = arith.subi %get3A_138, %sub3A_210 : vector<16xi32>
      tpu.vector_store_idx %arg17[%add3A_205], %sub3A_211 masked %and3A_196 : memref<3072xi32, #tpu.memory_space<vmem>>[vector<16xi32>], vector<16xi32>, vector<16xi1>
      %reduce_sum3A_212 = arith.constant true
      %reduce_sum3A_213 = vector.broadcast %reduce_sum3A_212 : i1 to vector<16xi1>
      %reduce_sum3A_214 = tpu.scan <sum>, %convert_element_type3A_197 masked %reduce_sum3A_213 : vector<16xi32>, vector<16xi1> -> vector<16xi32>
      %reduce_sum3A_215 = vector.extract %reduce_sum3A_214[15] : i32 from vector<16xi32>
      %add3A_216 = arith.addi %scan3A_135, %reduce_sum3A_215 : i32
      %and3A_217 = arith.andi %lt3A_143, %ge3A_145 : vector<16xi1>
      %and3A_218 = arith.andi %and3A_217, %ge3A_148 : vector<16xi1>
      %convert_element_type3A_219 = arith.extui %and3A_218 : vector<16xi1> to vector<16xi32>
      %broadcast_in_dim3A_220 = arith.constant true
      %broadcast_in_dim3A_221 = vector.broadcast %broadcast_in_dim3A_220 : i1 to vector<16xi1>
      %masked_cumsum3A_222 = tpu.scan <sum>, %convert_element_type3A_219 masked %broadcast_in_dim3A_221 : vector<16xi32>, vector<16xi1> -> vector<16xi32>
      %sub3A_223 = arith.constant 1 : i32
      %sub3A_224 = vector.broadcast %sub3A_223 : i32 to vector<16xi32>
      %sub3A_225 = arith.subi %masked_cumsum3A_222, %sub3A_224 : vector<16xi32>
      %add3A_226 = vector.broadcast %scan3A_136 : i32 to vector<16xi32>
      %add3A_227 = arith.addi %sub3A_225, %add3A_226 : vector<16xi32>
      %sub3A_228 = arith.constant 5120 : i32
      %sub3A_229 = vector.broadcast %sub3A_228 : i32 to vector<16xi32>
      %sub3A_230 = arith.subi %get3A_141, %sub3A_229 : vector<16xi32>
      tpu.vector_store_idx %arg18[%add3A_227], %sub3A_230 masked %and3A_218 : memref<3072xi32, #tpu.memory_space<vmem>>[vector<16xi32>], vector<16xi32>, vector<16xi1>
      %sub3A_231 = arith.constant 5120 : i32
      %sub3A_232 = vector.broadcast %sub3A_231 : i32 to vector<16xi32>
      %sub3A_233 = arith.subi %get3A_138, %sub3A_232 : vector<16xi32>
      tpu.vector_store_idx %arg19[%add3A_227], %sub3A_233 masked %and3A_218 : memref<3072xi32, #tpu.memory_space<vmem>>[vector<16xi32>], vector<16xi32>, vector<16xi1>
      %reduce_sum3A_234 = arith.constant true
      %reduce_sum3A_235 = vector.broadcast %reduce_sum3A_234 : i1 to vector<16xi1>
      %reduce_sum3A_236 = tpu.scan <sum>, %convert_element_type3A_219 masked %reduce_sum3A_235 : vector<16xi32>, vector<16xi1> -> vector<16xi32>
      %reduce_sum3A_237 = vector.extract %reduce_sum3A_236[15] : i32 from vector<16xi32>
      %add3A_238 = arith.addi %scan3A_136, %reduce_sum3A_237 : i32
      %get3A_239 = arith.index_cast %scan3A_132 : i32 to index
      %get3A_240 = arith.constant 16 : index
      %get3A_241 = tpu.vector_load %arg8[%get3A_239, %get3A_240] {strides = array<i32>} : memref<80x128xi32, #tpu.memory_space<vmem>>, vector<16xi32>,
      %get3A_242 = arith.index_cast %scan3A_132 : i32 to index
      %get3A_243 = arith.constant 16 : index
      %get3A_244 = tpu.vector_load %arg7[%get3A_242, %get3A_243] {strides = array<i32>} : memref<80x128xi32, #tpu.memory_space<vmem>>, vector<16xi32>,
      tpu.vector_store_idx %arg9[%get3A_241], %broadcast_in_dim3A_10 {add = true} : memref<10240xf32, #tpu.memory_space<vmem>>[vector<16xi32>], vector<16xf32>,
      %lt3A_245 = arith.constant 10000 : i32
      %lt3A_246 = vector.broadcast %lt3A_245 : i32 to vector<16xi32>
      %lt3A_247 = arith.cmpi slt, %get3A_241, %lt3A_246 : vector<16xi32>
      %ge3A_248 = arith.constant 5120 : i32
      %ge3A_249 = vector.broadcast %ge3A_248 : i32 to vector<16xi32>
      %ge3A_250 = arith.cmpi sge, %get3A_244, %ge3A_249 : vector<16xi32>
      %ge3A_251 = arith.constant 5120 : i32
      %ge3A_252 = vector.broadcast %ge3A_251 : i32 to vector<16xi32>
      %ge3A_253 = arith.cmpi sge, %get3A_241, %ge3A_252 : vector<16xi32>
      %not3A_254 = arith.constant dense<true> : vector<16xi1>
      %not3A_255 = arith.xori %ge3A_250, %not3A_254 : vector<16xi1>
      %and3A_256 = arith.andi %lt3A_247, %not3A_255 : vector<16xi1>
      %not3A_257 = arith.constant dense<true> : vector<16xi1>
      %not3A_258 = arith.xori %ge3A_253, %not3A_257 : vector<16xi1>
      %and3A_259 = arith.andi %and3A_256, %not3A_258 : vector<16xi1>
      %convert_element_type3A_260 = arith.extui %and3A_259 : vector<16xi1> to vector<16xi32>
      %broadcast_in_dim3A_261 = arith.constant true
      %broadcast_in_dim3A_262 = vector.broadcast %broadcast_in_dim3A_261 : i1 to vector<16xi1>
      %masked_cumsum3A_263 = tpu.scan <sum>, %convert_element_type3A_260 masked %broadcast_in_dim3A_262 : vector<16xi32>, vector<16xi1> -> vector<16xi32>
      %sub3A_264 = arith.constant 1 : i32
      %sub3A_265 = vector.broadcast %sub3A_264 : i32 to vector<16xi32>
      %sub3A_266 = arith.subi %masked_cumsum3A_263, %sub3A_265 : vector<16xi32>
      %add3A_267 = vector.broadcast %add3A_168 : i32 to vector<16xi32>
      %add3A_268 = arith.addi %sub3A_266, %add3A_267 : vector<16xi32>
      %sub3A_269 = arith.constant 0 : i32
      %sub3A_270 = vector.broadcast %sub3A_269 : i32 to vector<16xi32>
      %sub3A_271 = arith.subi %get3A_244, %sub3A_270 : vector<16xi32>
      tpu.vector_store_idx %arg12[%add3A_268], %sub3A_271 masked %and3A_259 : memref<3072xi32, #tpu.memory_space<vmem>>[vector<16xi32>], vector<16xi32>, vector<16xi1>
      %sub3A_272 = arith.constant 0 : i32
      %sub3A_273 = vector.broadcast %sub3A_272 : i32 to vector<16xi32>
      %sub3A_274 = arith.subi %get3A_241, %sub3A_273 : vector<16xi32>
      tpu.vector_store_idx %arg13[%add3A_268], %sub3A_274 masked %and3A_259 : memref<3072xi32, #tpu.memory_space<vmem>>[vector<16xi32>], vector<16xi32>, vector<16xi1>
      %reduce_sum3A_275 = arith.constant true
      %reduce_sum3A_276 = vector.broadcast %reduce_sum3A_275 : i1 to vector<16xi1>
      %reduce_sum3A_277 = tpu.scan <sum>, %convert_element_type3A_260 masked %reduce_sum3A_276 : vector<16xi32>, vector<16xi1> -> vector<16xi32>
      %reduce_sum3A_278 = vector.extract %reduce_sum3A_277[15] : i32 from vector<16xi32>
      %add3A_279 = arith.addi %add3A_168, %reduce_sum3A_278 : i32
      %and3A_280 = arith.andi %lt3A_247, %ge3A_250 : vector<16xi1>
      %not3A_281 = arith.constant dense<true> : vector<16xi1>
      %not3A_282 = arith.xori %ge3A_253, %not3A_281 : vector<16xi1>
      %and3A_283 = arith.andi %and3A_280, %not3A_282 : vector<16xi1>
      %convert_element_type3A_284 = arith.extui %and3A_283 : vector<16xi1> to vector<16xi32>
      %broadcast_in_dim3A_285 = arith.constant true
      %broadcast_in_dim3A_286 = vector.broadcast %broadcast_in_dim3A_285 : i1 to vector<16xi1>
      %masked_cumsum3A_287 = tpu.scan <sum>, %convert_element_type3A_284 masked %broadcast_in_dim3A_286 : vector<16xi32>, vector<16xi1> -> vector<16xi32>
      %sub3A_288 = arith.constant 1 : i32
      %sub3A_289 = vector.broadcast %sub3A_288 : i32 to vector<16xi32>
      %sub3A_290 = arith.subi %masked_cumsum3A_287, %sub3A_289 : vector<16xi32>
      %add3A_291 = vector.broadcast %add3A_192 : i32 to vector<16xi32>
      %add3A_292 = arith.addi %sub3A_290, %add3A_291 : vector<16xi32>
      %sub3A_293 = arith.constant 5120 : i32
      %sub3A_294 = vector.broadcast %sub3A_293 : i32 to vector<16xi32>
      %sub3A_295 = arith.subi %get3A_244, %sub3A_294 : vector<16xi32>
      tpu.vector_store_idx %arg14[%add3A_292], %sub3A_295 masked %and3A_283 : memref<3072xi32, #tpu.memory_space<vmem>>[vector<16xi32>], vector<16xi32>, vector<16xi1>
      %sub3A_296 = arith.constant 0 : i32
      %sub3A_297 = vector.broadcast %sub3A_296 : i32 to vector<16xi32>
      %sub3A_298 = arith.subi %get3A_241, %sub3A_297 : vector<16xi32>
      tpu.vector_store_idx %arg15[%add3A_292], %sub3A_298 masked %and3A_283 : memref<3072xi32, #tpu.memory_space<vmem>>[vector<16xi32>], vector<16xi32>, vector<16xi1>
      %reduce_sum3A_299 = arith.constant true
      %reduce_sum3A_300 = vector.broadcast %reduce_sum3A_299 : i1 to vector<16xi1>
      %reduce_sum3A_301 = tpu.scan <sum>, %convert_element_type3A_284 masked %reduce_sum3A_300 : vector<16xi32>, vector<16xi1> -> vector<16xi32>
      %reduce_sum3A_302 = vector.extract %reduce_sum3A_301[15] : i32 from vector<16xi32>
      %add3A_303 = arith.addi %add3A_192, %reduce_sum3A_302 : i32
      %not3A_304 = arith.constant dense<true> : vector<16xi1>
      %not3A_305 = arith.xori %ge3A_250, %not3A_304 : vector<16xi1>
      %and3A_306 = arith.andi %lt3A_247, %not3A_305 : vector<16xi1>
      %and3A_307 = arith.andi %and3A_306, %ge3A_253 : vector<16xi1>
      %convert_element_type3A_308 = arith.extui %and3A_307 : vector<16xi1> to vector<16xi32>
      %broadcast_in_dim3A_309 = arith.constant true
      %broadcast_in_dim3A_310 = vector.broadcast %broadcast_in_dim3A_309 : i1 to vector<16xi1>
      %masked_cumsum3A_311 = tpu.scan <sum>, %convert_element_type3A_308 masked %broadcast_in_dim3A_310 : vector<16xi32>, vector<16xi1> -> vector<16xi32>
      %sub3A_312 = arith.constant 1 : i32
      %sub3A_313 = vector.broadcast %sub3A_312 : i32 to vector<16xi32>
      %sub3A_314 = arith.subi %masked_cumsum3A_311, %sub3A_313 : vector<16xi32>
      %add3A_315 = vector.broadcast %add3A_216 : i32 to vector<16xi32>
      %add3A_316 = arith.addi %sub3A_314, %add3A_315 : vector<16xi32>
      %sub3A_317 = arith.constant 0 : i32
      %sub3A_318 = vector.broadcast %sub3A_317 : i32 to vector<16xi32>
      %sub3A_319 = arith.subi %get3A_244, %sub3A_318 : vector<16xi32>
      tpu.vector_store_idx %arg16[%add3A_316], %sub3A_319 masked %and3A_307 : memref<3072xi32, #tpu.memory_space<vmem>>[vector<16xi32>], vector<16xi32>, vector<16xi1>
      %sub3A_320 = arith.constant 5120 : i32
      %sub3A_321 = vector.broadcast %sub3A_320 : i32 to vector<16xi32>
      %sub3A_322 = arith.subi %get3A_241, %sub3A_321 : vector<16xi32>
      tpu.vector_store_idx %arg17[%add3A_316], %sub3A_322 masked %and3A_307 : memref<3072xi32, #tpu.memory_space<vmem>>[vector<16xi32>], vector<16xi32>, vector<16xi1>
      %reduce_sum3A_323 = arith.constant true
      %reduce_sum3A_324 = vector.broadcast %reduce_sum3A_323 : i1 to vector<16xi1>
      %reduce_sum3A_325 = tpu.scan <sum>, %convert_element_type3A_308 masked %reduce_sum3A_324 : vector<16xi32>, vector<16xi1> -> vector<16xi32>
      %reduce_sum3A_326 = vector.extract %reduce_sum3A_325[15] : i32 from vector<16xi32>
      %add3A_327 = arith.addi %add3A_216, %reduce_sum3A_326 : i32
      %and3A_328 = arith.andi %lt3A_247, %ge3A_250 : vector<16xi1>
      %and3A_329 = arith.andi %and3A_328, %ge3A_253 : vector<16xi1>
      %convert_element_type3A_330 = arith.extui %and3A_329 : vector<16xi1> to vector<16xi32>
      %broadcast_in_dim3A_331 = arith.constant true
      %broadcast_in_dim3A_332 = vector.broadcast %broadcast_in_dim3A_331 : i1 to vector<16xi1>
      %masked_cumsum3A_333 = tpu.scan <sum>, %convert_element_type3A_330 masked %broadcast_in_dim3A_332 : vector<16xi32>, vector<16xi1> -> vector<16xi32>
      %sub3A_334 = arith.constant 1 : i32
      %sub3A_335 = vector.broadcast %sub3A_334 : i32 to vector<16xi32>
      %sub3A_336 = arith.subi %masked_cumsum3A_333, %sub3A_335 : vector<16xi32>
      %add3A_337 = vector.broadcast %add3A_238 : i32 to vector<16xi32>
      %add3A_338 = arith.addi %sub3A_336, %add3A_337 : vector<16xi32>
      %sub3A_339 = arith.constant 5120 : i32
      %sub3A_340 = vector.broadcast %sub3A_339 : i32 to vector<16xi32>
      %sub3A_341 = arith.subi %get3A_244, %sub3A_340 : vector<16xi32>
      tpu.vector_store_idx %arg18[%add3A_338], %sub3A_341 masked %and3A_329 : memref<3072xi32, #tpu.memory_space<vmem>>[vector<16xi32>], vector<16xi32>, vector<16xi1>
      %sub3A_342 = arith.constant 5120 : i32
      %sub3A_343 = vector.broadcast %sub3A_342 : i32 to vector<16xi32>
      %sub3A_344 = arith.subi %get3A_241, %sub3A_343 : vector<16xi32>
      tpu.vector_store_idx %arg19[%add3A_338], %sub3A_344 masked %and3A_329 : memref<3072xi32, #tpu.memory_space<vmem>>[vector<16xi32>], vector<16xi32>, vector<16xi1>
      %reduce_sum3A_345 = arith.constant true
      %reduce_sum3A_346 = vector.broadcast %reduce_sum3A_345 : i1 to vector<16xi1>
      %reduce_sum3A_347 = tpu.scan <sum>, %convert_element_type3A_330 masked %reduce_sum3A_346 : vector<16xi32>, vector<16xi1> -> vector<16xi32>
      %reduce_sum3A_348 = vector.extract %reduce_sum3A_347[15] : i32 from vector<16xi32>
      %add3A_349 = arith.addi %add3A_238, %reduce_sum3A_348 : i32
      %get3A_350 = arith.index_cast %scan3A_132 : i32 to index
      %get3A_351 = arith.constant 32 : index
      %get3A_352 = tpu.vector_load %arg8[%get3A_350, %get3A_351] {strides = array<i32>} : memref<80x128xi32, #tpu.memory_space<vmem>>, vector<16xi32>,
      %get3A_353 = arith.index_cast %scan3A_132 : i32 to index
      %get3A_354 = arith.constant 32 : index
      %get3A_355 = tpu.vector_load %arg7[%get3A_353, %get3A_354] {strides = array<i32>} : memref<80x128xi32, #tpu.memory_space<vmem>>, vector<16xi32>,
      tpu.vector_store_idx %arg9[%get3A_352], %broadcast_in_dim3A_10 {add = true} : memref<10240xf32, #tpu.memory_space<vmem>>[vector<16xi32>], vector<16xf32>,
      %lt3A_356 = arith.constant 10000 : i32
      %lt3A_357 = vector.broadcast %lt3A_356 : i32 to vector<16xi32>
      %lt3A_358 = arith.cmpi slt, %get3A_352, %lt3A_357 : vector<16xi32>
      %ge3A_359 = arith.constant 5120 : i32
      %ge3A_360 = vector.broadcast %ge3A_359 : i32 to vector<16xi32>
      %ge3A_361 = arith.cmpi sge, %get3A_355, %ge3A_360 : vector<16xi32>
      %ge3A_362 = arith.constant 5120 : i32
      %ge3A_363 = vector.broadcast %ge3A_362 : i32 to vector<16xi32>
      %ge3A_364 = arith.cmpi sge, %get3A_352, %ge3A_363 : vector<16xi32>
      %not3A_365 = arith.constant dense<true> : vector<16xi1>
      %not3A_366 = arith.xori %ge3A_361, %not3A_365 : vector<16xi1>
      %and3A_367 = arith.andi %lt3A_358, %not3A_366 : vector<16xi1>
      %not3A_368 = arith.constant dense<true> : vector<16xi1>
      %not3A_369 = arith.xori %ge3A_364, %not3A_368 : vector<16xi1>
      %and3A_370 = arith.andi %and3A_367, %not3A_369 : vector<16xi1>
      %convert_element_type3A_371 = arith.extui %and3A_370 : vector<16xi1> to vector<16xi32>
      %broadcast_in_dim3A_372 = arith.constant true
      %broadcast_in_dim3A_373 = vector.broadcast %broadcast_in_dim3A_372 : i1 to vector<16xi1>
      %masked_cumsum3A_374 = tpu.scan <sum>, %convert_element_type3A_371 masked %broadcast_in_dim3A_373 : vector<16xi32>, vector<16xi1> -> vector<16xi32>
      %sub3A_375 = arith.constant 1 : i32
      %sub3A_376 = vector.broadcast %sub3A_375 : i32 to vector<16xi32>
      %sub3A_377 = arith.subi %masked_cumsum3A_374, %sub3A_376 : vector<16xi32>
      %add3A_378 = vector.broadcast %add3A_279 : i32 to vector<16xi32>
      %add3A_379 = arith.addi %sub3A_377, %add3A_378 : vector<16xi32>
      %sub3A_380 = arith.constant 0 : i32
      %sub3A_381 = vector.broadcast %sub3A_380 : i32 to vector<16xi32>
      %sub3A_382 = arith.subi %get3A_355, %sub3A_381 : vector<16xi32>
      tpu.vector_store_idx %arg12[%add3A_379], %sub3A_382 masked %and3A_370 : memref<3072xi32, #tpu.memory_space<vmem>>[vector<16xi32>], vector<16xi32>, vector<16xi1>
      %sub3A_383 = arith.constant 0 : i32
      %sub3A_384 = vector.broadcast %sub3A_383 : i32 to vector<16xi32>
      %sub3A_385 = arith.subi %get3A_352, %sub3A_384 : vector<16xi32>
      tpu.vector_store_idx %arg13[%add3A_379], %sub3A_385 masked %and3A_370 : memref<3072xi32, #tpu.memory_space<vmem>>[vector<16xi32>], vector<16xi32>, vector<16xi1>
      %reduce_sum3A_386 = arith.constant true
      %reduce_sum3A_387 = vector.broadcast %reduce_sum3A_386 : i1 to vector<16xi1>
      %reduce_sum3A_388 = tpu.scan <sum>, %convert_element_type3A_371 masked %reduce_sum3A_387 : vector<16xi32>, vector<16xi1> -> vector<16xi32>
      %reduce_sum3A_389 = vector.extract %reduce_sum3A_388[15] : i32 from vector<16xi32>
      %add3A_390 = arith.addi %add3A_279, %reduce_sum3A_389 : i32
      %and3A_391 = arith.andi %lt3A_358, %ge3A_361 : vector<16xi1>
      %not3A_392 = arith.constant dense<true> : vector<16xi1>
      %not3A_393 = arith.xori %ge3A_364, %not3A_392 : vector<16xi1>
      %and3A_394 = arith.andi %and3A_391, %not3A_393 : vector<16xi1>
      %convert_element_type3A_395 = arith.extui %and3A_394 : vector<16xi1> to vector<16xi32>
      %broadcast_in_dim3A_396 = arith.constant true
      %broadcast_in_dim3A_397 = vector.broadcast %broadcast_in_dim3A_396 : i1 to vector<16xi1>
      %masked_cumsum3A_398 = tpu.scan <sum>, %convert_element_type3A_395 masked %broadcast_in_dim3A_397 : vector<16xi32>, vector<16xi1> -> vector<16xi32>
      %sub3A_399 = arith.constant 1 : i32
      %sub3A_400 = vector.broadcast %sub3A_399 : i32 to vector<16xi32>
      %sub3A_401 = arith.subi %masked_cumsum3A_398, %sub3A_400 : vector<16xi32>
      %add3A_402 = vector.broadcast %add3A_303 : i32 to vector<16xi32>
      %add3A_403 = arith.addi %sub3A_401, %add3A_402 : vector<16xi32>
      %sub3A_404 = arith.constant 5120 : i32
      %sub3A_405 = vector.broadcast %sub3A_404 : i32 to vector<16xi32>
      %sub3A_406 = arith.subi %get3A_355, %sub3A_405 : vector<16xi32>
      tpu.vector_store_idx %arg14[%add3A_403], %sub3A_406 masked %and3A_394 : memref<3072xi32, #tpu.memory_space<vmem>>[vector<16xi32>], vector<16xi32>, vector<16xi1>
      %sub3A_407 = arith.constant 0 : i32
      %sub3A_408 = vector.broadcast %sub3A_407 : i32 to vector<16xi32>
      %sub3A_409 = arith.subi %get3A_352, %sub3A_408 : vector<16xi32>
      tpu.vector_store_idx %arg15[%add3A_403], %sub3A_409 masked %and3A_394 : memref<3072xi32, #tpu.memory_space<vmem>>[vector<16xi32>], vector<16xi32>, vector<16xi1>
      %reduce_sum3A_410 = arith.constant true
      %reduce_sum3A_411 = vector.broadcast %reduce_sum3A_410 : i1 to vector<16xi1>
      %reduce_sum3A_412 = tpu.scan <sum>, %convert_element_type3A_395 masked %reduce_sum3A_411 : vector<16xi32>, vector<16xi1> -> vector<16xi32>
      %reduce_sum3A_413 = vector.extract %reduce_sum3A_412[15] : i32 from vector<16xi32>
      %add3A_414 = arith.addi %add3A_303, %reduce_sum3A_413 : i32
      %not3A_415 = arith.constant dense<true> : vector<16xi1>
      %not3A_416 = arith.xori %ge3A_361, %not3A_415 : vector<16xi1>
      %and3A_417 = arith.andi %lt3A_358, %not3A_416 : vector<16xi1>
      %and3A_418 = arith.andi %and3A_417, %ge3A_364 : vector<16xi1>
      %convert_element_type3A_419 = arith.extui %and3A_418 : vector<16xi1> to vector<16xi32>
      %broadcast_in_dim3A_420 = arith.constant true
      %broadcast_in_dim3A_421 = vector.broadcast %broadcast_in_dim3A_420 : i1 to vector<16xi1>
      %masked_cumsum3A_422 = tpu.scan <sum>, %convert_element_type3A_419 masked %broadcast_in_dim3A_421 : vector<16xi32>, vector<16xi1> -> vector<16xi32>
      %sub3A_423 = arith.constant 1 : i32
      %sub3A_424 = vector.broadcast %sub3A_423 : i32 to vector<16xi32>
      %sub3A_425 = arith.subi %masked_cumsum3A_422, %sub3A_424 : vector<16xi32>
      %add3A_426 = vector.broadcast %add3A_327 : i32 to vector<16xi32>
      %add3A_427 = arith.addi %sub3A_425, %add3A_426 : vector<16xi32>
      %sub3A_428 = arith.constant 0 : i32
      %sub3A_429 = vector.broadcast %sub3A_428 : i32 to vector<16xi32>
      %sub3A_430 = arith.subi %get3A_355, %sub3A_429 : vector<16xi32>
      tpu.vector_store_idx %arg16[%add3A_427], %sub3A_430 masked %and3A_418 : memref<3072xi32, #tpu.memory_space<vmem>>[vector<16xi32>], vector<16xi32>, vector<16xi1>
      %sub3A_431 = arith.constant 5120 : i32
      %sub3A_432 = vector.broadcast %sub3A_431 : i32 to vector<16xi32>
      %sub3A_433 = arith.subi %get3A_352, %sub3A_432 : vector<16xi32>
      tpu.vector_store_idx %arg17[%add3A_427], %sub3A_433 masked %and3A_418 : memref<3072xi32, #tpu.memory_space<vmem>>[vector<16xi32>], vector<16xi32>, vector<16xi1>
      %reduce_sum3A_434 = arith.constant true
      %reduce_sum3A_435 = vector.broadcast %reduce_sum3A_434 : i1 to vector<16xi1>
      %reduce_sum3A_436 = tpu.scan <sum>, %convert_element_type3A_419 masked %reduce_sum3A_435 : vector<16xi32>, vector<16xi1> -> vector<16xi32>
      %reduce_sum3A_437 = vector.extract %reduce_sum3A_436[15] : i32 from vector<16xi32>
      %add3A_438 = arith.addi %add3A_327, %reduce_sum3A_437 : i32
      %and3A_439 = arith.andi %lt3A_358, %ge3A_361 : vector<16xi1>
      %and3A_440 = arith.andi %and3A_439, %ge3A_364 : vector<16xi1>
      %convert_element_type3A_441 = arith.extui %and3A_440 : vector<16xi1> to vector<16xi32>
      %broadcast_in_dim3A_442 = arith.constant true
      %broadcast_in_dim3A_443 = vector.broadcast %broadcast_in_dim3A_442 : i1 to vector<16xi1>
      %masked_cumsum3A_444 = tpu.scan <sum>, %convert_element_type3A_441 masked %broadcast_in_dim3A_443 : vector<16xi32>, vector<16xi1> -> vector<16xi32>
      %sub3A_445 = arith.constant 1 : i32
      %sub3A_446 = vector.broadcast %sub3A_445 : i32 to vector<16xi32>
      %sub3A_447 = arith.subi %masked_cumsum3A_444, %sub3A_446 : vector<16xi32>
      %add3A_448 = vector.broadcast %add3A_349 : i32 to vector<16xi32>
      %add3A_449 = arith.addi %sub3A_447, %add3A_448 : vector<16xi32>
      %sub3A_450 = arith.constant 5120 : i32
      %sub3A_451 = vector.broadcast %sub3A_450 : i32 to vector<16xi32>
      %sub3A_452 = arith.subi %get3A_355, %sub3A_451 : vector<16xi32>
      tpu.vector_store_idx %arg18[%add3A_449], %sub3A_452 masked %and3A_440 : memref<3072xi32, #tpu.memory_space<vmem>>[vector<16xi32>], vector<16xi32>, vector<16xi1>
      %sub3A_453 = arith.constant 5120 : i32
      %sub3A_454 = vector.broadcast %sub3A_453 : i32 to vector<16xi32>
      %sub3A_455 = arith.subi %get3A_352, %sub3A_454 : vector<16xi32>
      tpu.vector_store_idx %arg19[%add3A_449], %sub3A_455 masked %and3A_440 : memref<3072xi32, #tpu.memory_space<vmem>>[vector<16xi32>], vector<16xi32>, vector<16xi1>
      %reduce_sum3A_456 = arith.constant true
      %reduce_sum3A_457 = vector.broadcast %reduce_sum3A_456 : i1 to vector<16xi1>
      %reduce_sum3A_458 = tpu.scan <sum>, %convert_element_type3A_441 masked %reduce_sum3A_457 : vector<16xi32>, vector<16xi1> -> vector<16xi32>
      %reduce_sum3A_459 = vector.extract %reduce_sum3A_458[15] : i32 from vector<16xi32>
      %add3A_460 = arith.addi %add3A_349, %reduce_sum3A_459 : i32
      %get3A_461 = arith.index_cast %scan3A_132 : i32 to index
      %get3A_462 = arith.constant 48 : index
      %get3A_463 = tpu.vector_load %arg8[%get3A_461, %get3A_462] {strides = array<i32>} : memref<80x128xi32, #tpu.memory_space<vmem>>, vector<16xi32>,
      %get3A_464 = arith.index_cast %scan3A_132 : i32 to index
      %get3A_465 = arith.constant 48 : index
      %get3A_466 = tpu.vector_load %arg7[%get3A_464, %get3A_465] {strides = array<i32>} : memref<80x128xi32, #tpu.memory_space<vmem>>, vector<16xi32>,
      tpu.vector_store_idx %arg9[%get3A_463], %broadcast_in_dim3A_10 {add = true} : memref<10240xf32, #tpu.memory_space<vmem>>[vector<16xi32>], vector<16xf32>,
      %lt3A_467 = arith.constant 10000 : i32
      %lt3A_468 = vector.broadcast %lt3A_467 : i32 to vector<16xi32>
      %lt3A_469 = arith.cmpi slt, %get3A_463, %lt3A_468 : vector<16xi32>
      %ge3A_470 = arith.constant 5120 : i32
      %ge3A_471 = vector.broadcast %ge3A_470 : i32 to vector<16xi32>
      %ge3A_472 = arith.cmpi sge, %get3A_466, %ge3A_471 : vector<16xi32>
      %ge3A_473 = arith.constant 5120 : i32
      %ge3A_474 = vector.broadcast %ge3A_473 : i32 to vector<16xi32>
      %ge3A_475 = arith.cmpi sge, %get3A_463, %ge3A_474 : vector<16xi32>
      %not3A_476 = arith.constant dense<true> : vector<16xi1>
      %not3A_477 = arith.xori %ge3A_472, %not3A_476 : vector<16xi1>
      %and3A_478 = arith.andi %lt3A_469, %not3A_477 : vector<16xi1>
      %not3A_479 = arith.constant dense<true> : vector<16xi1>
      %not3A_480 = arith.xori %ge3A_475, %not3A_479 : vector<16xi1>
      %and3A_481 = arith.andi %and3A_478, %not3A_480 : vector<16xi1>
      %convert_element_type3A_482 = arith.extui %and3A_481 : vector<16xi1> to vector<16xi32>
      %broadcast_in_dim3A_483 = arith.constant true
      %broadcast_in_dim3A_484 = vector.broadcast %broadcast_in_dim3A_483 : i1 to vector<16xi1>
      %masked_cumsum3A_485 = tpu.scan <sum>, %convert_element_type3A_482 masked %broadcast_in_dim3A_484 : vector<16xi32>, vector<16xi1> -> vector<16xi32>
      %sub3A_486 = arith.constant 1 : i32
      %sub3A_487 = vector.broadcast %sub3A_486 : i32 to vector<16xi32>
      %sub3A_488 = arith.subi %masked_cumsum3A_485, %sub3A_487 : vector<16xi32>
      %add3A_489 = vector.broadcast %add3A_390 : i32 to vector<16xi32>
      %add3A_490 = arith.addi %sub3A_488, %add3A_489 : vector<16xi32>
      %sub3A_491 = arith.constant 0 : i32
      %sub3A_492 = vector.broadcast %sub3A_491 : i32 to vector<16xi32>
      %sub3A_493 = arith.subi %get3A_466, %sub3A_492 : vector<16xi32>
      tpu.vector_store_idx %arg12[%add3A_490], %sub3A_493 masked %and3A_481 : memref<3072xi32, #tpu.memory_space<vmem>>[vector<16xi32>], vector<16xi32>, vector<16xi1>
      %sub3A_494 = arith.constant 0 : i32
      %sub3A_495 = vector.broadcast %sub3A_494 : i32 to vector<16xi32>
      %sub3A_496 = arith.subi %get3A_463, %sub3A_495 : vector<16xi32>
      tpu.vector_store_idx %arg13[%add3A_490], %sub3A_496 masked %and3A_481 : memref<3072xi32, #tpu.memory_space<vmem>>[vector<16xi32>], vector<16xi32>, vector<16xi1>
      %reduce_sum3A_497 = arith.constant true
      %reduce_sum3A_498 = vector.broadcast %reduce_sum3A_497 : i1 to vector<16xi1>
      %reduce_sum3A_499 = tpu.scan <sum>, %convert_element_type3A_482 masked %reduce_sum3A_498 : vector<16xi32>, vector<16xi1> -> vector<16xi32>
      %reduce_sum3A_500 = vector.extract %reduce_sum3A_499[15] : i32 from vector<16xi32>
      %add3A_501 = arith.addi %add3A_390, %reduce_sum3A_500 : i32
      %and3A_502 = arith.andi %lt3A_469, %ge3A_472 : vector<16xi1>
      %not3A_503 = arith.constant dense<true> : vector<16xi1>
      %not3A_504 = arith.xori %ge3A_475, %not3A_503 : vector<16xi1>
      %and3A_505 = arith.andi %and3A_502, %not3A_504 : vector<16xi1>
      %convert_element_type3A_506 = arith.extui %and3A_505 : vector<16xi1> to vector<16xi32>
      %broadcast_in_dim3A_507 = arith.constant true
      %broadcast_in_dim3A_508 = vector.broadcast %broadcast_in_dim3A_507 : i1 to vector<16xi1>
      %masked_cumsum3A_509 = tpu.scan <sum>, %convert_element_type3A_506 masked %broadcast_in_dim3A_508 : vector<16xi32>, vector<16xi1> -> vector<16xi32>
      %sub3A_510 = arith.constant 1 : i32
      %sub3A_511 = vector.broadcast %sub3A_510 : i32 to vector<16xi32>
      %sub3A_512 = arith.subi %masked_cumsum3A_509, %sub3A_511 : vector<16xi32>
      %add3A_513 = vector.broadcast %add3A_414 : i32 to vector<16xi32>
      %add3A_514 = arith.addi %sub3A_512, %add3A_513 : vector<16xi32>
      %sub3A_515 = arith.constant 5120 : i32
      %sub3A_516 = vector.broadcast %sub3A_515 : i32 to vector<16xi32>
      %sub3A_517 = arith.subi %get3A_466, %sub3A_516 : vector<16xi32>
      tpu.vector_store_idx %arg14[%add3A_514], %sub3A_517 masked %and3A_505 : memref<3072xi32, #tpu.memory_space<vmem>>[vector<16xi32>], vector<16xi32>, vector<16xi1>
      %sub3A_518 = arith.constant 0 : i32
      %sub3A_519 = vector.broadcast %sub3A_518 : i32 to vector<16xi32>
      %sub3A_520 = arith.subi %get3A_463, %sub3A_519 : vector<16xi32>
      tpu.vector_store_idx %arg15[%add3A_514], %sub3A_520 masked %and3A_505 : memref<3072xi32, #tpu.memory_space<vmem>>[vector<16xi32>], vector<16xi32>, vector<16xi1>
      %reduce_sum3A_521 = arith.constant true
      %reduce_sum3A_522 = vector.broadcast %reduce_sum3A_521 : i1 to vector<16xi1>
      %reduce_sum3A_523 = tpu.scan <sum>, %convert_element_type3A_506 masked %reduce_sum3A_522 : vector<16xi32>, vector<16xi1> -> vector<16xi32>
      %reduce_sum3A_524 = vector.extract %reduce_sum3A_523[15] : i32 from vector<16xi32>
      %add3A_525 = arith.addi %add3A_414, %reduce_sum3A_524 : i32
      %not3A_526 = arith.constant dense<true> : vector<16xi1>
      %not3A_527 = arith.xori %ge3A_472, %not3A_526 : vector<16xi1>
      %and3A_528 = arith.andi %lt3A_469, %not3A_527 : vector<16xi1>
      %and3A_529 = arith.andi %and3A_528, %ge3A_475 : vector<16xi1>
      %convert_element_type3A_530 = arith.extui %and3A_529 : vector<16xi1> to vector<16xi32>
      %broadcast_in_dim3A_531 = arith.constant true
      %broadcast_in_dim3A_532 = vector.broadcast %broadcast_in_dim3A_531 : i1 to vector<16xi1>
      %masked_cumsum3A_533 = tpu.scan <sum>, %convert_element_type3A_530 masked %broadcast_in_dim3A_532 : vector<16xi32>, vector<16xi1> -> vector<16xi32>
      %sub3A_534 = arith.constant 1 : i32
      %sub3A_535 = vector.broadcast %sub3A_534 : i32 to vector<16xi32>
      %sub3A_536 = arith.subi %masked_cumsum3A_533, %sub3A_535 : vector<16xi32>
      %add3A_537 = vector.broadcast %add3A_438 : i32 to vector<16xi32>
      %add3A_538 = arith.addi %sub3A_536, %add3A_537 : vector<16xi32>
      %sub3A_539 = arith.constant 0 : i32
      %sub3A_540 = vector.broadcast %sub3A_539 : i32 to vector<16xi32>
      %sub3A_541 = arith.subi %get3A_466, %sub3A_540 : vector<16xi32>
      tpu.vector_store_idx %arg16[%add3A_538], %sub3A_541 masked %and3A_529 : memref<3072xi32, #tpu.memory_space<vmem>>[vector<16xi32>], vector<16xi32>, vector<16xi1>
      %sub3A_542 = arith.constant 5120 : i32
      %sub3A_543 = vector.broadcast %sub3A_542 : i32 to vector<16xi32>
      %sub3A_544 = arith.subi %get3A_463, %sub3A_543 : vector<16xi32>
      tpu.vector_store_idx %arg17[%add3A_538], %sub3A_544 masked %and3A_529 : memref<3072xi32, #tpu.memory_space<vmem>>[vector<16xi32>], vector<16xi32>, vector<16xi1>
      %reduce_sum3A_545 = arith.constant true
      %reduce_sum3A_546 = vector.broadcast %reduce_sum3A_545 : i1 to vector<16xi1>
      %reduce_sum3A_547 = tpu.scan <sum>, %convert_element_type3A_530 masked %reduce_sum3A_546 : vector<16xi32>, vector<16xi1> -> vector<16xi32>
      %reduce_sum3A_548 = vector.extract %reduce_sum3A_547[15] : i32 from vector<16xi32>
      %add3A_549 = arith.addi %add3A_438, %reduce_sum3A_548 : i32
      %and3A_550 = arith.andi %lt3A_469, %ge3A_472 : vector<16xi1>
      %and3A_551 = arith.andi %and3A_550, %ge3A_475 : vector<16xi1>
      %convert_element_type3A_552 = arith.extui %and3A_551 : vector<16xi1> to vector<16xi32>
      %broadcast_in_dim3A_553 = arith.constant true
      %broadcast_in_dim3A_554 = vector.broadcast %broadcast_in_dim3A_553 : i1 to vector<16xi1>
      %masked_cumsum3A_555 = tpu.scan <sum>, %convert_element_type3A_552 masked %broadcast_in_dim3A_554 : vector<16xi32>, vector<16xi1> -> vector<16xi32>
      %sub3A_556 = arith.constant 1 : i32
      %sub3A_557 = vector.broadcast %sub3A_556 : i32 to vector<16xi32>
      %sub3A_558 = arith.subi %masked_cumsum3A_555, %sub3A_557 : vector<16xi32>
      %add3A_559 = vector.broadcast %add3A_460 : i32 to vector<16xi32>
      %add3A_560 = arith.addi %sub3A_558, %add3A_559 : vector<16xi32>
      %sub3A_561 = arith.constant 5120 : i32
      %sub3A_562 = vector.broadcast %sub3A_561 : i32 to vector<16xi32>
      %sub3A_563 = arith.subi %get3A_466, %sub3A_562 : vector<16xi32>
      tpu.vector_store_idx %arg18[%add3A_560], %sub3A_563 masked %and3A_551 : memref<3072xi32, #tpu.memory_space<vmem>>[vector<16xi32>], vector<16xi32>, vector<16xi1>
      %sub3A_564 = arith.constant 5120 : i32
      %sub3A_565 = vector.broadcast %sub3A_564 : i32 to vector<16xi32>
      %sub3A_566 = arith.subi %get3A_463, %sub3A_565 : vector<16xi32>
      tpu.vector_store_idx %arg19[%add3A_560], %sub3A_566 masked %and3A_551 : memref<3072xi32, #tpu.memory_space<vmem>>[vector<16xi32>], vector<16xi32>, vector<16xi1>
      %reduce_sum3A_567 = arith.constant true
      %reduce_sum3A_568 = vector.broadcast %reduce_sum3A_567 : i1 to vector<16xi1>
      %reduce_sum3A_569 = tpu.scan <sum>, %convert_element_type3A_552 masked %reduce_sum3A_568 : vector<16xi32>, vector<16xi1> -> vector<16xi32>
      %reduce_sum3A_570 = vector.extract %reduce_sum3A_569[15] : i32 from vector<16xi32>
      %add3A_571 = arith.addi %add3A_460, %reduce_sum3A_570 : i32
      %get3A_572 = arith.index_cast %scan3A_132 : i32 to index
      %get3A_573 = arith.constant 64 : index
      %get3A_574 = tpu.vector_load %arg8[%get3A_572, %get3A_573] {strides = array<i32>} : memref<80x128xi32, #tpu.memory_space<vmem>>, vector<16xi32>,
      %get3A_575 = arith.index_cast %scan3A_132 : i32 to index
      %get3A_576 = arith.constant 64 : index
      %get3A_577 = tpu.vector_load %arg7[%get3A_575, %get3A_576] {strides = array<i32>} : memref<80x128xi32, #tpu.memory_space<vmem>>, vector<16xi32>,
      tpu.vector_store_idx %arg9[%get3A_574], %broadcast_in_dim3A_10 {add = true} : memref<10240xf32, #tpu.memory_space<vmem>>[vector<16xi32>], vector<16xf32>,
      %lt3A_578 = arith.constant 10000 : i32
      %lt3A_579 = vector.broadcast %lt3A_578 : i32 to vector<16xi32>
      %lt3A_580 = arith.cmpi slt, %get3A_574, %lt3A_579 : vector<16xi32>
      %ge3A_581 = arith.constant 5120 : i32
      %ge3A_582 = vector.broadcast %ge3A_581 : i32 to vector<16xi32>
      %ge3A_583 = arith.cmpi sge, %get3A_577, %ge3A_582 : vector<16xi32>
      %ge3A_584 = arith.constant 5120 : i32
      %ge3A_585 = vector.broadcast %ge3A_584 : i32 to vector<16xi32>
      %ge3A_586 = arith.cmpi sge, %get3A_574, %ge3A_585 : vector<16xi32>
      %not3A_587 = arith.constant dense<true> : vector<16xi1>
      %not3A_588 = arith.xori %ge3A_583, %not3A_587 : vector<16xi1>
      %and3A_589 = arith.andi %lt3A_580, %not3A_588 : vector<16xi1>
      %not3A_590 = arith.constant dense<true> : vector<16xi1>
      %not3A_591 = arith.xori %ge3A_586, %not3A_590 : vector<16xi1>
      %and3A_592 = arith.andi %and3A_589, %not3A_591 : vector<16xi1>
      %convert_element_type3A_593 = arith.extui %and3A_592 : vector<16xi1> to vector<16xi32>
      %broadcast_in_dim3A_594 = arith.constant true
      %broadcast_in_dim3A_595 = vector.broadcast %broadcast_in_dim3A_594 : i1 to vector<16xi1>
      %masked_cumsum3A_596 = tpu.scan <sum>, %convert_element_type3A_593 masked %broadcast_in_dim3A_595 : vector<16xi32>, vector<16xi1> -> vector<16xi32>
      %sub3A_597 = arith.constant 1 : i32
      %sub3A_598 = vector.broadcast %sub3A_597 : i32 to vector<16xi32>
      %sub3A_599 = arith.subi %masked_cumsum3A_596, %sub3A_598 : vector<16xi32>
      %add3A_600 = vector.broadcast %add3A_501 : i32 to vector<16xi32>
      %add3A_601 = arith.addi %sub3A_599, %add3A_600 : vector<16xi32>
      %sub3A_602 = arith.constant 0 : i32
      %sub3A_603 = vector.broadcast %sub3A_602 : i32 to vector<16xi32>
      %sub3A_604 = arith.subi %get3A_577, %sub3A_603 : vector<16xi32>
      tpu.vector_store_idx %arg12[%add3A_601], %sub3A_604 masked %and3A_592 : memref<3072xi32, #tpu.memory_space<vmem>>[vector<16xi32>], vector<16xi32>, vector<16xi1>
      %sub3A_605 = arith.constant 0 : i32
      %sub3A_606 = vector.broadcast %sub3A_605 : i32 to vector<16xi32>
      %sub3A_607 = arith.subi %get3A_574, %sub3A_606 : vector<16xi32>
      tpu.vector_store_idx %arg13[%add3A_601], %sub3A_607 masked %and3A_592 : memref<3072xi32, #tpu.memory_space<vmem>>[vector<16xi32>], vector<16xi32>, vector<16xi1>
      %reduce_sum3A_608 = arith.constant true
      %reduce_sum3A_609 = vector.broadcast %reduce_sum3A_608 : i1 to vector<16xi1>
      %reduce_sum3A_610 = tpu.scan <sum>, %convert_element_type3A_593 masked %reduce_sum3A_609 : vector<16xi32>, vector<16xi1> -> vector<16xi32>
      %reduce_sum3A_611 = vector.extract %reduce_sum3A_610[15] : i32 from vector<16xi32>
      %add3A_612 = arith.addi %add3A_501, %reduce_sum3A_611 : i32
      %and3A_613 = arith.andi %lt3A_580, %ge3A_583 : vector<16xi1>
      %not3A_614 = arith.constant dense<true> : vector<16xi1>
      %not3A_615 = arith.xori %ge3A_586, %not3A_614 : vector<16xi1>
      %and3A_616 = arith.andi %and3A_613, %not3A_615 : vector<16xi1>
      %convert_element_type3A_617 = arith.extui %and3A_616 : vector<16xi1> to vector<16xi32>
      %broadcast_in_dim3A_618 = arith.constant true
      %broadcast_in_dim3A_619 = vector.broadcast %broadcast_in_dim3A_618 : i1 to vector<16xi1>
      %masked_cumsum3A_620 = tpu.scan <sum>, %convert_element_type3A_617 masked %broadcast_in_dim3A_619 : vector<16xi32>, vector<16xi1> -> vector<16xi32>
      %sub3A_621 = arith.constant 1 : i32
      %sub3A_622 = vector.broadcast %sub3A_621 : i32 to vector<16xi32>
      %sub3A_623 = arith.subi %masked_cumsum3A_620, %sub3A_622 : vector<16xi32>
      %add3A_624 = vector.broadcast %add3A_525 : i32 to vector<16xi32>
      %add3A_625 = arith.addi %sub3A_623, %add3A_624 : vector<16xi32>
      %sub3A_626 = arith.constant 5120 : i32
      %sub3A_627 = vector.broadcast %sub3A_626 : i32 to vector<16xi32>
      %sub3A_628 = arith.subi %get3A_577, %sub3A_627 : vector<16xi32>
      tpu.vector_store_idx %arg14[%add3A_625], %sub3A_628 masked %and3A_616 : memref<3072xi32, #tpu.memory_space<vmem>>[vector<16xi32>], vector<16xi32>, vector<16xi1>
      %sub3A_629 = arith.constant 0 : i32
      %sub3A_630 = vector.broadcast %sub3A_629 : i32 to vector<16xi32>
      %sub3A_631 = arith.subi %get3A_574, %sub3A_630 : vector<16xi32>
      tpu.vector_store_idx %arg15[%add3A_625], %sub3A_631 masked %and3A_616 : memref<3072xi32, #tpu.memory_space<vmem>>[vector<16xi32>], vector<16xi32>, vector<16xi1>
      %reduce_sum3A_632 = arith.constant true
      %reduce_sum3A_633 = vector.broadcast %reduce_sum3A_632 : i1 to vector<16xi1>
      %reduce_sum3A_634 = tpu.scan <sum>, %convert_element_type3A_617 masked %reduce_sum3A_633 : vector<16xi32>, vector<16xi1> -> vector<16xi32>
      %reduce_sum3A_635 = vector.extract %reduce_sum3A_634[15] : i32 from vector<16xi32>
      %add3A_636 = arith.addi %add3A_525, %reduce_sum3A_635 : i32
      %not3A_637 = arith.constant dense<true> : vector<16xi1>
      %not3A_638 = arith.xori %ge3A_583, %not3A_637 : vector<16xi1>
      %and3A_639 = arith.andi %lt3A_580, %not3A_638 : vector<16xi1>
      %and3A_640 = arith.andi %and3A_639, %ge3A_586 : vector<16xi1>
      %convert_element_type3A_641 = arith.extui %and3A_640 : vector<16xi1> to vector<16xi32>
      %broadcast_in_dim3A_642 = arith.constant true
      %broadcast_in_dim3A_643 = vector.broadcast %broadcast_in_dim3A_642 : i1 to vector<16xi1>
      %masked_cumsum3A_644 = tpu.scan <sum>, %convert_element_type3A_641 masked %broadcast_in_dim3A_643 : vector<16xi32>, vector<16xi1> -> vector<16xi32>
      %sub3A_645 = arith.constant 1 : i32
      %sub3A_646 = vector.broadcast %sub3A_645 : i32 to vector<16xi32>
      %sub3A_647 = arith.subi %masked_cumsum3A_644, %sub3A_646 : vector<16xi32>
      %add3A_648 = vector.broadcast %add3A_549 : i32 to vector<16xi32>
      %add3A_649 = arith.addi %sub3A_647, %add3A_648 : vector<16xi32>
      %sub3A_650 = arith.constant 0 : i32
      %sub3A_651 = vector.broadcast %sub3A_650 : i32 to vector<16xi32>
      %sub3A_652 = arith.subi %get3A_577, %sub3A_651 : vector<16xi32>
      tpu.vector_store_idx %arg16[%add3A_649], %sub3A_652 masked %and3A_640 : memref<3072xi32, #tpu.memory_space<vmem>>[vector<16xi32>], vector<16xi32>, vector<16xi1>
      %sub3A_653 = arith.constant 5120 : i32
      %sub3A_654 = vector.broadcast %sub3A_653 : i32 to vector<16xi32>
      %sub3A_655 = arith.subi %get3A_574, %sub3A_654 : vector<16xi32>
      tpu.vector_store_idx %arg17[%add3A_649], %sub3A_655 masked %and3A_640 : memref<3072xi32, #tpu.memory_space<vmem>>[vector<16xi32>], vector<16xi32>, vector<16xi1>
      %reduce_sum3A_656 = arith.constant true
      %reduce_sum3A_657 = vector.broadcast %reduce_sum3A_656 : i1 to vector<16xi1>
      %reduce_sum3A_658 = tpu.scan <sum>, %convert_element_type3A_641 masked %reduce_sum3A_657 : vector<16xi32>, vector<16xi1> -> vector<16xi32>
      %reduce_sum3A_659 = vector.extract %reduce_sum3A_658[15] : i32 from vector<16xi32>
      %add3A_660 = arith.addi %add3A_549, %reduce_sum3A_659 : i32
      %and3A_661 = arith.andi %lt3A_580, %ge3A_583 : vector<16xi1>
      %and3A_662 = arith.andi %and3A_661, %ge3A_586 : vector<16xi1>
      %convert_element_type3A_663 = arith.extui %and3A_662 : vector<16xi1> to vector<16xi32>
      %broadcast_in_dim3A_664 = arith.constant true
      %broadcast_in_dim3A_665 = vector.broadcast %broadcast_in_dim3A_664 : i1 to vector<16xi1>
      %masked_cumsum3A_666 = tpu.scan <sum>, %convert_element_type3A_663 masked %broadcast_in_dim3A_665 : vector<16xi32>, vector<16xi1> -> vector<16xi32>
      %sub3A_667 = arith.constant 1 : i32
      %sub3A_668 = vector.broadcast %sub3A_667 : i32 to vector<16xi32>
      %sub3A_669 = arith.subi %masked_cumsum3A_666, %sub3A_668 : vector<16xi32>
      %add3A_670 = vector.broadcast %add3A_571 : i32 to vector<16xi32>
      %add3A_671 = arith.addi %sub3A_669, %add3A_670 : vector<16xi32>
      %sub3A_672 = arith.constant 5120 : i32
      %sub3A_673 = vector.broadcast %sub3A_672 : i32 to vector<16xi32>
      %sub3A_674 = arith.subi %get3A_577, %sub3A_673 : vector<16xi32>
      tpu.vector_store_idx %arg18[%add3A_671], %sub3A_674 masked %and3A_662 : memref<3072xi32, #tpu.memory_space<vmem>>[vector<16xi32>], vector<16xi32>, vector<16xi1>
      %sub3A_675 = arith.constant 5120 : i32
      %sub3A_676 = vector.broadcast %sub3A_675 : i32 to vector<16xi32>
      %sub3A_677 = arith.subi %get3A_574, %sub3A_676 : vector<16xi32>
      tpu.vector_store_idx %arg19[%add3A_671], %sub3A_677 masked %and3A_662 : memref<3072xi32, #tpu.memory_space<vmem>>[vector<16xi32>], vector<16xi32>, vector<16xi1>
      %reduce_sum3A_678 = arith.constant true
      %reduce_sum3A_679 = vector.broadcast %reduce_sum3A_678 : i1 to vector<16xi1>
      %reduce_sum3A_680 = tpu.scan <sum>, %convert_element_type3A_663 masked %reduce_sum3A_679 : vector<16xi32>, vector<16xi1> -> vector<16xi32>
      %reduce_sum3A_681 = vector.extract %reduce_sum3A_680[15] : i32 from vector<16xi32>
      %add3A_682 = arith.addi %add3A_571, %reduce_sum3A_681 : i32
      %get3A_683 = arith.index_cast %scan3A_132 : i32 to index
      %get3A_684 = arith.constant 80 : index
      %get3A_685 = tpu.vector_load %arg8[%get3A_683, %get3A_684] {strides = array<i32>} : memref<80x128xi32, #tpu.memory_space<vmem>>, vector<16xi32>,
      %get3A_686 = arith.index_cast %scan3A_132 : i32 to index
      %get3A_687 = arith.constant 80 : index
      %get3A_688 = tpu.vector_load %arg7[%get3A_686, %get3A_687] {strides = array<i32>} : memref<80x128xi32, #tpu.memory_space<vmem>>, vector<16xi32>,
      tpu.vector_store_idx %arg9[%get3A_685], %broadcast_in_dim3A_10 {add = true} : memref<10240xf32, #tpu.memory_space<vmem>>[vector<16xi32>], vector<16xf32>,
      %lt3A_689 = arith.constant 10000 : i32
      %lt3A_690 = vector.broadcast %lt3A_689 : i32 to vector<16xi32>
      %lt3A_691 = arith.cmpi slt, %get3A_685, %lt3A_690 : vector<16xi32>
      %ge3A_692 = arith.constant 5120 : i32
      %ge3A_693 = vector.broadcast %ge3A_692 : i32 to vector<16xi32>
      %ge3A_694 = arith.cmpi sge, %get3A_688, %ge3A_693 : vector<16xi32>
      %ge3A_695 = arith.constant 5120 : i32
      %ge3A_696 = vector.broadcast %ge3A_695 : i32 to vector<16xi32>
      %ge3A_697 = arith.cmpi sge, %get3A_685, %ge3A_696 : vector<16xi32>
      %not3A_698 = arith.constant dense<true> : vector<16xi1>
      %not3A_699 = arith.xori %ge3A_694, %not3A_698 : vector<16xi1>
      %and3A_700 = arith.andi %lt3A_691, %not3A_699 : vector<16xi1>
      %not3A_701 = arith.constant dense<true> : vector<16xi1>
      %not3A_702 = arith.xori %ge3A_697, %not3A_701 : vector<16xi1>
      %and3A_703 = arith.andi %and3A_700, %not3A_702 : vector<16xi1>
      %convert_element_type3A_704 = arith.extui %and3A_703 : vector<16xi1> to vector<16xi32>
      %broadcast_in_dim3A_705 = arith.constant true
      %broadcast_in_dim3A_706 = vector.broadcast %broadcast_in_dim3A_705 : i1 to vector<16xi1>
      %masked_cumsum3A_707 = tpu.scan <sum>, %convert_element_type3A_704 masked %broadcast_in_dim3A_706 : vector<16xi32>, vector<16xi1> -> vector<16xi32>
      %sub3A_708 = arith.constant 1 : i32
      %sub3A_709 = vector.broadcast %sub3A_708 : i32 to vector<16xi32>
      %sub3A_710 = arith.subi %masked_cumsum3A_707, %sub3A_709 : vector<16xi32>
      %add3A_711 = vector.broadcast %add3A_612 : i32 to vector<16xi32>
      %add3A_712 = arith.addi %sub3A_710, %add3A_711 : vector<16xi32>
      %sub3A_713 = arith.constant 0 : i32
      %sub3A_714 = vector.broadcast %sub3A_713 : i32 to vector<16xi32>
      %sub3A_715 = arith.subi %get3A_688, %sub3A_714 : vector<16xi32>
      tpu.vector_store_idx %arg12[%add3A_712], %sub3A_715 masked %and3A_703 : memref<3072xi32, #tpu.memory_space<vmem>>[vector<16xi32>], vector<16xi32>, vector<16xi1>
      %sub3A_716 = arith.constant 0 : i32
      %sub3A_717 = vector.broadcast %sub3A_716 : i32 to vector<16xi32>
      %sub3A_718 = arith.subi %get3A_685, %sub3A_717 : vector<16xi32>
      tpu.vector_store_idx %arg13[%add3A_712], %sub3A_718 masked %and3A_703 : memref<3072xi32, #tpu.memory_space<vmem>>[vector<16xi32>], vector<16xi32>, vector<16xi1>
      %reduce_sum3A_719 = arith.constant true
      %reduce_sum3A_720 = vector.broadcast %reduce_sum3A_719 : i1 to vector<16xi1>
      %reduce_sum3A_721 = tpu.scan <sum>, %convert_element_type3A_704 masked %reduce_sum3A_720 : vector<16xi32>, vector<16xi1> -> vector<16xi32>
      %reduce_sum3A_722 = vector.extract %reduce_sum3A_721[15] : i32 from vector<16xi32>
      %add3A_723 = arith.addi %add3A_612, %reduce_sum3A_722 : i32
      %and3A_724 = arith.andi %lt3A_691, %ge3A_694 : vector<16xi1>
      %not3A_725 = arith.constant dense<true> : vector<16xi1>
      %not3A_726 = arith.xori %ge3A_697, %not3A_725 : vector<16xi1>
      %and3A_727 = arith.andi %and3A_724, %not3A_726 : vector<16xi1>
      %convert_element_type3A_728 = arith.extui %and3A_727 : vector<16xi1> to vector<16xi32>
      %broadcast_in_dim3A_729 = arith.constant true
      %broadcast_in_dim3A_730 = vector.broadcast %broadcast_in_dim3A_729 : i1 to vector<16xi1>
      %masked_cumsum3A_731 = tpu.scan <sum>, %convert_element_type3A_728 masked %broadcast_in_dim3A_730 : vector<16xi32>, vector<16xi1> -> vector<16xi32>
      %sub3A_732 = arith.constant 1 : i32
      %sub3A_733 = vector.broadcast %sub3A_732 : i32 to vector<16xi32>
      %sub3A_734 = arith.subi %masked_cumsum3A_731, %sub3A_733 : vector<16xi32>
      %add3A_735 = vector.broadcast %add3A_636 : i32 to vector<16xi32>
      %add3A_736 = arith.addi %sub3A_734, %add3A_735 : vector<16xi32>
      %sub3A_737 = arith.constant 5120 : i32
      %sub3A_738 = vector.broadcast %sub3A_737 : i32 to vector<16xi32>
      %sub3A_739 = arith.subi %get3A_688, %sub3A_738 : vector<16xi32>
      tpu.vector_store_idx %arg14[%add3A_736], %sub3A_739 masked %and3A_727 : memref<3072xi32, #tpu.memory_space<vmem>>[vector<16xi32>], vector<16xi32>, vector<16xi1>
      %sub3A_740 = arith.constant 0 : i32
      %sub3A_741 = vector.broadcast %sub3A_740 : i32 to vector<16xi32>
      %sub3A_742 = arith.subi %get3A_685, %sub3A_741 : vector<16xi32>
      tpu.vector_store_idx %arg15[%add3A_736], %sub3A_742 masked %and3A_727 : memref<3072xi32, #tpu.memory_space<vmem>>[vector<16xi32>], vector<16xi32>, vector<16xi1>
      %reduce_sum3A_743 = arith.constant true
      %reduce_sum3A_744 = vector.broadcast %reduce_sum3A_743 : i1 to vector<16xi1>
      %reduce_sum3A_745 = tpu.scan <sum>, %convert_element_type3A_728 masked %reduce_sum3A_744 : vector<16xi32>, vector<16xi1> -> vector<16xi32>
      %reduce_sum3A_746 = vector.extract %reduce_sum3A_745[15] : i32 from vector<16xi32>
      %add3A_747 = arith.addi %add3A_636, %reduce_sum3A_746 : i32
      %not3A_748 = arith.constant dense<true> : vector<16xi1>
      %not3A_749 = arith.xori %ge3A_694, %not3A_748 : vector<16xi1>
      %and3A_750 = arith.andi %lt3A_691, %not3A_749 : vector<16xi1>
      %and3A_751 = arith.andi %and3A_750, %ge3A_697 : vector<16xi1>
      %convert_element_type3A_752 = arith.extui %and3A_751 : vector<16xi1> to vector<16xi32>
      %broadcast_in_dim3A_753 = arith.constant true
      %broadcast_in_dim3A_754 = vector.broadcast %broadcast_in_dim3A_753 : i1 to vector<16xi1>
      %masked_cumsum3A_755 = tpu.scan <sum>, %convert_element_type3A_752 masked %broadcast_in_dim3A_754 : vector<16xi32>, vector<16xi1> -> vector<16xi32>
      %sub3A_756 = arith.constant 1 : i32
      %sub3A_757 = vector.broadcast %sub3A_756 : i32 to vector<16xi32>
      %sub3A_758 = arith.subi %masked_cumsum3A_755, %sub3A_757 : vector<16xi32>
      %add3A_759 = vector.broadcast %add3A_660 : i32 to vector<16xi32>
      %add3A_760 = arith.addi %sub3A_758, %add3A_759 : vector<16xi32>
      %sub3A_761 = arith.constant 0 : i32
      %sub3A_762 = vector.broadcast %sub3A_761 : i32 to vector<16xi32>
      %sub3A_763 = arith.subi %get3A_688, %sub3A_762 : vector<16xi32>
      tpu.vector_store_idx %arg16[%add3A_760], %sub3A_763 masked %and3A_751 : memref<3072xi32, #tpu.memory_space<vmem>>[vector<16xi32>], vector<16xi32>, vector<16xi1>
      %sub3A_764 = arith.constant 5120 : i32
      %sub3A_765 = vector.broadcast %sub3A_764 : i32 to vector<16xi32>
      %sub3A_766 = arith.subi %get3A_685, %sub3A_765 : vector<16xi32>
      tpu.vector_store_idx %arg17[%add3A_760], %sub3A_766 masked %and3A_751 : memref<3072xi32, #tpu.memory_space<vmem>>[vector<16xi32>], vector<16xi32>, vector<16xi1>
      %reduce_sum3A_767 = arith.constant true
      %reduce_sum3A_768 = vector.broadcast %reduce_sum3A_767 : i1 to vector<16xi1>
      %reduce_sum3A_769 = tpu.scan <sum>, %convert_element_type3A_752 masked %reduce_sum3A_768 : vector<16xi32>, vector<16xi1> -> vector<16xi32>
      %reduce_sum3A_770 = vector.extract %reduce_sum3A_769[15] : i32 from vector<16xi32>
      %add3A_771 = arith.addi %add3A_660, %reduce_sum3A_770 : i32
      %and3A_772 = arith.andi %lt3A_691, %ge3A_694 : vector<16xi1>
      %and3A_773 = arith.andi %and3A_772, %ge3A_697 : vector<16xi1>
      %convert_element_type3A_774 = arith.extui %and3A_773 : vector<16xi1> to vector<16xi32>
      %broadcast_in_dim3A_775 = arith.constant true
      %broadcast_in_dim3A_776 = vector.broadcast %broadcast_in_dim3A_775 : i1 to vector<16xi1>
      %masked_cumsum3A_777 = tpu.scan <sum>, %convert_element_type3A_774 masked %broadcast_in_dim3A_776 : vector<16xi32>, vector<16xi1> -> vector<16xi32>
      %sub3A_778 = arith.constant 1 : i32
      %sub3A_779 = vector.broadcast %sub3A_778 : i32 to vector<16xi32>
      %sub3A_780 = arith.subi %masked_cumsum3A_777, %sub3A_779 : vector<16xi32>
      %add3A_781 = vector.broadcast %add3A_682 : i32 to vector<16xi32>
      %add3A_782 = arith.addi %sub3A_780, %add3A_781 : vector<16xi32>
      %sub3A_783 = arith.constant 5120 : i32
      %sub3A_784 = vector.broadcast %sub3A_783 : i32 to vector<16xi32>
      %sub3A_785 = arith.subi %get3A_688, %sub3A_784 : vector<16xi32>
      tpu.vector_store_idx %arg18[%add3A_782], %sub3A_785 masked %and3A_773 : memref<3072xi32, #tpu.memory_space<vmem>>[vector<16xi32>], vector<16xi32>, vector<16xi1>
      %sub3A_786 = arith.constant 5120 : i32
      %sub3A_787 = vector.broadcast %sub3A_786 : i32 to vector<16xi32>
      %sub3A_788 = arith.subi %get3A_685, %sub3A_787 : vector<16xi32>
      tpu.vector_store_idx %arg19[%add3A_782], %sub3A_788 masked %and3A_773 : memref<3072xi32, #tpu.memory_space<vmem>>[vector<16xi32>], vector<16xi32>, vector<16xi1>
      %reduce_sum3A_789 = arith.constant true
      %reduce_sum3A_790 = vector.broadcast %reduce_sum3A_789 : i1 to vector<16xi1>
      %reduce_sum3A_791 = tpu.scan <sum>, %convert_element_type3A_774 masked %reduce_sum3A_790 : vector<16xi32>, vector<16xi1> -> vector<16xi32>
      %reduce_sum3A_792 = vector.extract %reduce_sum3A_791[15] : i32 from vector<16xi32>
      %add3A_793 = arith.addi %add3A_682, %reduce_sum3A_792 : i32
      %get3A_794 = arith.index_cast %scan3A_132 : i32 to index
      %get3A_795 = arith.constant 96 : index
      %get3A_796 = tpu.vector_load %arg8[%get3A_794, %get3A_795] {strides = array<i32>} : memref<80x128xi32, #tpu.memory_space<vmem>>, vector<16xi32>,
      %get3A_797 = arith.index_cast %scan3A_132 : i32 to index
      %get3A_798 = arith.constant 96 : index
      %get3A_799 = tpu.vector_load %arg7[%get3A_797, %get3A_798] {strides = array<i32>} : memref<80x128xi32, #tpu.memory_space<vmem>>, vector<16xi32>,
      tpu.vector_store_idx %arg9[%get3A_796], %broadcast_in_dim3A_10 {add = true} : memref<10240xf32, #tpu.memory_space<vmem>>[vector<16xi32>], vector<16xf32>,
      %lt3A_800 = arith.constant 10000 : i32
      %lt3A_801 = vector.broadcast %lt3A_800 : i32 to vector<16xi32>
      %lt3A_802 = arith.cmpi slt, %get3A_796, %lt3A_801 : vector<16xi32>
      %ge3A_803 = arith.constant 5120 : i32
      %ge3A_804 = vector.broadcast %ge3A_803 : i32 to vector<16xi32>
      %ge3A_805 = arith.cmpi sge, %get3A_799, %ge3A_804 : vector<16xi32>
      %ge3A_806 = arith.constant 5120 : i32
      %ge3A_807 = vector.broadcast %ge3A_806 : i32 to vector<16xi32>
      %ge3A_808 = arith.cmpi sge, %get3A_796, %ge3A_807 : vector<16xi32>
      %not3A_809 = arith.constant dense<true> : vector<16xi1>
      %not3A_810 = arith.xori %ge3A_805, %not3A_809 : vector<16xi1>
      %and3A_811 = arith.andi %lt3A_802, %not3A_810 : vector<16xi1>
      %not3A_812 = arith.constant dense<true> : vector<16xi1>
      %not3A_813 = arith.xori %ge3A_808, %not3A_812 : vector<16xi1>
      %and3A_814 = arith.andi %and3A_811, %not3A_813 : vector<16xi1>
      %convert_element_type3A_815 = arith.extui %and3A_814 : vector<16xi1> to vector<16xi32>
      %broadcast_in_dim3A_816 = arith.constant true
      %broadcast_in_dim3A_817 = vector.broadcast %broadcast_in_dim3A_816 : i1 to vector<16xi1>
      %masked_cumsum3A_818 = tpu.scan <sum>, %convert_element_type3A_815 masked %broadcast_in_dim3A_817 : vector<16xi32>, vector<16xi1> -> vector<16xi32>
      %sub3A_819 = arith.constant 1 : i32
      %sub3A_820 = vector.broadcast %sub3A_819 : i32 to vector<16xi32>
      %sub3A_821 = arith.subi %masked_cumsum3A_818, %sub3A_820 : vector<16xi32>
      %add3A_822 = vector.broadcast %add3A_723 : i32 to vector<16xi32>
      %add3A_823 = arith.addi %sub3A_821, %add3A_822 : vector<16xi32>
      %sub3A_824 = arith.constant 0 : i32
      %sub3A_825 = vector.broadcast %sub3A_824 : i32 to vector<16xi32>
      %sub3A_826 = arith.subi %get3A_799, %sub3A_825 : vector<16xi32>
      tpu.vector_store_idx %arg12[%add3A_823], %sub3A_826 masked %and3A_814 : memref<3072xi32, #tpu.memory_space<vmem>>[vector<16xi32>], vector<16xi32>, vector<16xi1>
      %sub3A_827 = arith.constant 0 : i32
      %sub3A_828 = vector.broadcast %sub3A_827 : i32 to vector<16xi32>
      %sub3A_829 = arith.subi %get3A_796, %sub3A_828 : vector<16xi32>
      tpu.vector_store_idx %arg13[%add3A_823], %sub3A_829 masked %and3A_814 : memref<3072xi32, #tpu.memory_space<vmem>>[vector<16xi32>], vector<16xi32>, vector<16xi1>
      %reduce_sum3A_830 = arith.constant true
      %reduce_sum3A_831 = vector.broadcast %reduce_sum3A_830 : i1 to vector<16xi1>
      %reduce_sum3A_832 = tpu.scan <sum>, %convert_element_type3A_815 masked %reduce_sum3A_831 : vector<16xi32>, vector<16xi1> -> vector<16xi32>
      %reduce_sum3A_833 = vector.extract %reduce_sum3A_832[15] : i32 from vector<16xi32>
      %add3A_834 = arith.addi %add3A_723, %reduce_sum3A_833 : i32
      %and3A_835 = arith.andi %lt3A_802, %ge3A_805 : vector<16xi1>
      %not3A_836 = arith.constant dense<true> : vector<16xi1>
      %not3A_837 = arith.xori %ge3A_808, %not3A_836 : vector<16xi1>
      %and3A_838 = arith.andi %and3A_835, %not3A_837 : vector<16xi1>
      %convert_element_type3A_839 = arith.extui %and3A_838 : vector<16xi1> to vector<16xi32>
      %broadcast_in_dim3A_840 = arith.constant true
      %broadcast_in_dim3A_841 = vector.broadcast %broadcast_in_dim3A_840 : i1 to vector<16xi1>
      %masked_cumsum3A_842 = tpu.scan <sum>, %convert_element_type3A_839 masked %broadcast_in_dim3A_841 : vector<16xi32>, vector<16xi1> -> vector<16xi32>
      %sub3A_843 = arith.constant 1 : i32
      %sub3A_844 = vector.broadcast %sub3A_843 : i32 to vector<16xi32>
      %sub3A_845 = arith.subi %masked_cumsum3A_842, %sub3A_844 : vector<16xi32>
      %add3A_846 = vector.broadcast %add3A_747 : i32 to vector<16xi32>
      %add3A_847 = arith.addi %sub3A_845, %add3A_846 : vector<16xi32>
      %sub3A_848 = arith.constant 5120 : i32
      %sub3A_849 = vector.broadcast %sub3A_848 : i32 to vector<16xi32>
      %sub3A_850 = arith.subi %get3A_799, %sub3A_849 : vector<16xi32>
      tpu.vector_store_idx %arg14[%add3A_847], %sub3A_850 masked %and3A_838 : memref<3072xi32, #tpu.memory_space<vmem>>[vector<16xi32>], vector<16xi32>, vector<16xi1>
      %sub3A_851 = arith.constant 0 : i32
      %sub3A_852 = vector.broadcast %sub3A_851 : i32 to vector<16xi32>
      %sub3A_853 = arith.subi %get3A_796, %sub3A_852 : vector<16xi32>
      tpu.vector_store_idx %arg15[%add3A_847], %sub3A_853 masked %and3A_838 : memref<3072xi32, #tpu.memory_space<vmem>>[vector<16xi32>], vector<16xi32>, vector<16xi1>
      %reduce_sum3A_854 = arith.constant true
      %reduce_sum3A_855 = vector.broadcast %reduce_sum3A_854 : i1 to vector<16xi1>
      %reduce_sum3A_856 = tpu.scan <sum>, %convert_element_type3A_839 masked %reduce_sum3A_855 : vector<16xi32>, vector<16xi1> -> vector<16xi32>
      %reduce_sum3A_857 = vector.extract %reduce_sum3A_856[15] : i32 from vector<16xi32>
      %add3A_858 = arith.addi %add3A_747, %reduce_sum3A_857 : i32
      %not3A_859 = arith.constant dense<true> : vector<16xi1>
      %not3A_860 = arith.xori %ge3A_805, %not3A_859 : vector<16xi1>
      %and3A_861 = arith.andi %lt3A_802, %not3A_860 : vector<16xi1>
      %and3A_862 = arith.andi %and3A_861, %ge3A_808 : vector<16xi1>
      %convert_element_type3A_863 = arith.extui %and3A_862 : vector<16xi1> to vector<16xi32>
      %broadcast_in_dim3A_864 = arith.constant true
      %broadcast_in_dim3A_865 = vector.broadcast %broadcast_in_dim3A_864 : i1 to vector<16xi1>
      %masked_cumsum3A_866 = tpu.scan <sum>, %convert_element_type3A_863 masked %broadcast_in_dim3A_865 : vector<16xi32>, vector<16xi1> -> vector<16xi32>
      %sub3A_867 = arith.constant 1 : i32
      %sub3A_868 = vector.broadcast %sub3A_867 : i32 to vector<16xi32>
      %sub3A_869 = arith.subi %masked_cumsum3A_866, %sub3A_868 : vector<16xi32>
      %add3A_870 = vector.broadcast %add3A_771 : i32 to vector<16xi32>
      %add3A_871 = arith.addi %sub3A_869, %add3A_870 : vector<16xi32>
      %sub3A_872 = arith.constant 0 : i32
      %sub3A_873 = vector.broadcast %sub3A_872 : i32 to vector<16xi32>
      %sub3A_874 = arith.subi %get3A_799, %sub3A_873 : vector<16xi32>
      tpu.vector_store_idx %arg16[%add3A_871], %sub3A_874 masked %and3A_862 : memref<3072xi32, #tpu.memory_space<vmem>>[vector<16xi32>], vector<16xi32>, vector<16xi1>
      %sub3A_875 = arith.constant 5120 : i32
      %sub3A_876 = vector.broadcast %sub3A_875 : i32 to vector<16xi32>
      %sub3A_877 = arith.subi %get3A_796, %sub3A_876 : vector<16xi32>
      tpu.vector_store_idx %arg17[%add3A_871], %sub3A_877 masked %and3A_862 : memref<3072xi32, #tpu.memory_space<vmem>>[vector<16xi32>], vector<16xi32>, vector<16xi1>
      %reduce_sum3A_878 = arith.constant true
      %reduce_sum3A_879 = vector.broadcast %reduce_sum3A_878 : i1 to vector<16xi1>
      %reduce_sum3A_880 = tpu.scan <sum>, %convert_element_type3A_863 masked %reduce_sum3A_879 : vector<16xi32>, vector<16xi1> -> vector<16xi32>
      %reduce_sum3A_881 = vector.extract %reduce_sum3A_880[15] : i32 from vector<16xi32>
      %add3A_882 = arith.addi %add3A_771, %reduce_sum3A_881 : i32
      %and3A_883 = arith.andi %lt3A_802, %ge3A_805 : vector<16xi1>
      %and3A_884 = arith.andi %and3A_883, %ge3A_808 : vector<16xi1>
      %convert_element_type3A_885 = arith.extui %and3A_884 : vector<16xi1> to vector<16xi32>
      %broadcast_in_dim3A_886 = arith.constant true
      %broadcast_in_dim3A_887 = vector.broadcast %broadcast_in_dim3A_886 : i1 to vector<16xi1>
      %masked_cumsum3A_888 = tpu.scan <sum>, %convert_element_type3A_885 masked %broadcast_in_dim3A_887 : vector<16xi32>, vector<16xi1> -> vector<16xi32>
      %sub3A_889 = arith.constant 1 : i32
      %sub3A_890 = vector.broadcast %sub3A_889 : i32 to vector<16xi32>
      %sub3A_891 = arith.subi %masked_cumsum3A_888, %sub3A_890 : vector<16xi32>
      %add3A_892 = vector.broadcast %add3A_793 : i32 to vector<16xi32>
      %add3A_893 = arith.addi %sub3A_891, %add3A_892 : vector<16xi32>
      %sub3A_894 = arith.constant 5120 : i32
      %sub3A_895 = vector.broadcast %sub3A_894 : i32 to vector<16xi32>
      %sub3A_896 = arith.subi %get3A_799, %sub3A_895 : vector<16xi32>
      tpu.vector_store_idx %arg18[%add3A_893], %sub3A_896 masked %and3A_884 : memref<3072xi32, #tpu.memory_space<vmem>>[vector<16xi32>], vector<16xi32>, vector<16xi1>
      %sub3A_897 = arith.constant 5120 : i32
      %sub3A_898 = vector.broadcast %sub3A_897 : i32 to vector<16xi32>
      %sub3A_899 = arith.subi %get3A_796, %sub3A_898 : vector<16xi32>
      tpu.vector_store_idx %arg19[%add3A_893], %sub3A_899 masked %and3A_884 : memref<3072xi32, #tpu.memory_space<vmem>>[vector<16xi32>], vector<16xi32>, vector<16xi1>
      %reduce_sum3A_900 = arith.constant true
      %reduce_sum3A_901 = vector.broadcast %reduce_sum3A_900 : i1 to vector<16xi1>
      %reduce_sum3A_902 = tpu.scan <sum>, %convert_element_type3A_885 masked %reduce_sum3A_901 : vector<16xi32>, vector<16xi1> -> vector<16xi32>
      %reduce_sum3A_903 = vector.extract %reduce_sum3A_902[15] : i32 from vector<16xi32>
      %add3A_904 = arith.addi %add3A_793, %reduce_sum3A_903 : i32
      %get3A_905 = arith.index_cast %scan3A_132 : i32 to index
      %get3A_906 = arith.constant 112 : index
      %get3A_907 = tpu.vector_load %arg8[%get3A_905, %get3A_906] {strides = array<i32>} : memref<80x128xi32, #tpu.memory_space<vmem>>, vector<16xi32>,
      %get3A_908 = arith.index_cast %scan3A_132 : i32 to index
      %get3A_909 = arith.constant 112 : index
      %get3A_910 = tpu.vector_load %arg7[%get3A_908, %get3A_909] {strides = array<i32>} : memref<80x128xi32, #tpu.memory_space<vmem>>, vector<16xi32>,
      tpu.vector_store_idx %arg9[%get3A_907], %broadcast_in_dim3A_10 {add = true} : memref<10240xf32, #tpu.memory_space<vmem>>[vector<16xi32>], vector<16xf32>,
      %lt3A_911 = arith.constant 10000 : i32
      %lt3A_912 = vector.broadcast %lt3A_911 : i32 to vector<16xi32>
      %lt3A_913 = arith.cmpi slt, %get3A_907, %lt3A_912 : vector<16xi32>
      %ge3A_914 = arith.constant 5120 : i32
      %ge3A_915 = vector.broadcast %ge3A_914 : i32 to vector<16xi32>
      %ge3A_916 = arith.cmpi sge, %get3A_910, %ge3A_915 : vector<16xi32>
      %ge3A_917 = arith.constant 5120 : i32
      %ge3A_918 = vector.broadcast %ge3A_917 : i32 to vector<16xi32>
      %ge3A_919 = arith.cmpi sge, %get3A_907, %ge3A_918 : vector<16xi32>
      %not3A_920 = arith.constant dense<true> : vector<16xi1>
      %not3A_921 = arith.xori %ge3A_916, %not3A_920 : vector<16xi1>
      %and3A_922 = arith.andi %lt3A_913, %not3A_921 : vector<16xi1>
      %not3A_923 = arith.constant dense<true> : vector<16xi1>
      %not3A_924 = arith.xori %ge3A_919, %not3A_923 : vector<16xi1>
      %and3A_925 = arith.andi %and3A_922, %not3A_924 : vector<16xi1>
      %convert_element_type3A_926 = arith.extui %and3A_925 : vector<16xi1> to vector<16xi32>
      %broadcast_in_dim3A_927 = arith.constant true
      %broadcast_in_dim3A_928 = vector.broadcast %broadcast_in_dim3A_927 : i1 to vector<16xi1>
      %masked_cumsum3A_929 = tpu.scan <sum>, %convert_element_type3A_926 masked %broadcast_in_dim3A_928 : vector<16xi32>, vector<16xi1> -> vector<16xi32>
      %sub3A_930 = arith.constant 1 : i32
      %sub3A_931 = vector.broadcast %sub3A_930 : i32 to vector<16xi32>
      %sub3A_932 = arith.subi %masked_cumsum3A_929, %sub3A_931 : vector<16xi32>
      %add3A_933 = vector.broadcast %add3A_834 : i32 to vector<16xi32>
      %add3A_934 = arith.addi %sub3A_932, %add3A_933 : vector<16xi32>
      %sub3A_935 = arith.constant 0 : i32
      %sub3A_936 = vector.broadcast %sub3A_935 : i32 to vector<16xi32>
      %sub3A_937 = arith.subi %get3A_910, %sub3A_936 : vector<16xi32>
      tpu.vector_store_idx %arg12[%add3A_934], %sub3A_937 masked %and3A_925 : memref<3072xi32, #tpu.memory_space<vmem>>[vector<16xi32>], vector<16xi32>, vector<16xi1>
      %sub3A_938 = arith.constant 0 : i32
      %sub3A_939 = vector.broadcast %sub3A_938 : i32 to vector<16xi32>
      %sub3A_940 = arith.subi %get3A_907, %sub3A_939 : vector<16xi32>
      tpu.vector_store_idx %arg13[%add3A_934], %sub3A_940 masked %and3A_925 : memref<3072xi32, #tpu.memory_space<vmem>>[vector<16xi32>], vector<16xi32>, vector<16xi1>
      %reduce_sum3A_941 = arith.constant true
      %reduce_sum3A_942 = vector.broadcast %reduce_sum3A_941 : i1 to vector<16xi1>
      %reduce_sum3A_943 = tpu.scan <sum>, %convert_element_type3A_926 masked %reduce_sum3A_942 : vector<16xi32>, vector<16xi1> -> vector<16xi32>
      %reduce_sum3A_944 = vector.extract %reduce_sum3A_943[15] : i32 from vector<16xi32>
      %add3A_945 = arith.addi %add3A_834, %reduce_sum3A_944 : i32
      %and3A_946 = arith.andi %lt3A_913, %ge3A_916 : vector<16xi1>
      %not3A_947 = arith.constant dense<true> : vector<16xi1>
      %not3A_948 = arith.xori %ge3A_919, %not3A_947 : vector<16xi1>
      %and3A_949 = arith.andi %and3A_946, %not3A_948 : vector<16xi1>
      %convert_element_type3A_950 = arith.extui %and3A_949 : vector<16xi1> to vector<16xi32>
      %broadcast_in_dim3A_951 = arith.constant true
      %broadcast_in_dim3A_952 = vector.broadcast %broadcast_in_dim3A_951 : i1 to vector<16xi1>
      %masked_cumsum3A_953 = tpu.scan <sum>, %convert_element_type3A_950 masked %broadcast_in_dim3A_952 : vector<16xi32>, vector<16xi1> -> vector<16xi32>
      %sub3A_954 = arith.constant 1 : i32
      %sub3A_955 = vector.broadcast %sub3A_954 : i32 to vector<16xi32>
      %sub3A_956 = arith.subi %masked_cumsum3A_953, %sub3A_955 : vector<16xi32>
      %add3A_957 = vector.broadcast %add3A_858 : i32 to vector<16xi32>
      %add3A_958 = arith.addi %sub3A_956, %add3A_957 : vector<16xi32>
      %sub3A_959 = arith.constant 5120 : i32
      %sub3A_960 = vector.broadcast %sub3A_959 : i32 to vector<16xi32>
      %sub3A_961 = arith.subi %get3A_910, %sub3A_960 : vector<16xi32>
      tpu.vector_store_idx %arg14[%add3A_958], %sub3A_961 masked %and3A_949 : memref<3072xi32, #tpu.memory_space<vmem>>[vector<16xi32>], vector<16xi32>, vector<16xi1>
      %sub3A_962 = arith.constant 0 : i32
      %sub3A_963 = vector.broadcast %sub3A_962 : i32 to vector<16xi32>
      %sub3A_964 = arith.subi %get3A_907, %sub3A_963 : vector<16xi32>
      tpu.vector_store_idx %arg15[%add3A_958], %sub3A_964 masked %and3A_949 : memref<3072xi32, #tpu.memory_space<vmem>>[vector<16xi32>], vector<16xi32>, vector<16xi1>
      %reduce_sum3A_965 = arith.constant true
      %reduce_sum3A_966 = vector.broadcast %reduce_sum3A_965 : i1 to vector<16xi1>
      %reduce_sum3A_967 = tpu.scan <sum>, %convert_element_type3A_950 masked %reduce_sum3A_966 : vector<16xi32>, vector<16xi1> -> vector<16xi32>
      %reduce_sum3A_968 = vector.extract %reduce_sum3A_967[15] : i32 from vector<16xi32>
      %add3A_969 = arith.addi %add3A_858, %reduce_sum3A_968 : i32
      %not3A_970 = arith.constant dense<true> : vector<16xi1>
      %not3A_971 = arith.xori %ge3A_916, %not3A_970 : vector<16xi1>
      %and3A_972 = arith.andi %lt3A_913, %not3A_971 : vector<16xi1>
      %and3A_973 = arith.andi %and3A_972, %ge3A_919 : vector<16xi1>
      %convert_element_type3A_974 = arith.extui %and3A_973 : vector<16xi1> to vector<16xi32>
      %broadcast_in_dim3A_975 = arith.constant true
      %broadcast_in_dim3A_976 = vector.broadcast %broadcast_in_dim3A_975 : i1 to vector<16xi1>
      %masked_cumsum3A_977 = tpu.scan <sum>, %convert_element_type3A_974 masked %broadcast_in_dim3A_976 : vector<16xi32>, vector<16xi1> -> vector<16xi32>
      %sub3A_978 = arith.constant 1 : i32
      %sub3A_979 = vector.broadcast %sub3A_978 : i32 to vector<16xi32>
      %sub3A_980 = arith.subi %masked_cumsum3A_977, %sub3A_979 : vector<16xi32>
      %add3A_981 = vector.broadcast %add3A_882 : i32 to vector<16xi32>
      %add3A_982 = arith.addi %sub3A_980, %add3A_981 : vector<16xi32>
      %sub3A_983 = arith.constant 0 : i32
      %sub3A_984 = vector.broadcast %sub3A_983 : i32 to vector<16xi32>
      %sub3A_985 = arith.subi %get3A_910, %sub3A_984 : vector<16xi32>
      tpu.vector_store_idx %arg16[%add3A_982], %sub3A_985 masked %and3A_973 : memref<3072xi32, #tpu.memory_space<vmem>>[vector<16xi32>], vector<16xi32>, vector<16xi1>
      %sub3A_986 = arith.constant 5120 : i32
      %sub3A_987 = vector.broadcast %sub3A_986 : i32 to vector<16xi32>
      %sub3A_988 = arith.subi %get3A_907, %sub3A_987 : vector<16xi32>
      tpu.vector_store_idx %arg17[%add3A_982], %sub3A_988 masked %and3A_973 : memref<3072xi32, #tpu.memory_space<vmem>>[vector<16xi32>], vector<16xi32>, vector<16xi1>
      %reduce_sum3A_989 = arith.constant true
      %reduce_sum3A_990 = vector.broadcast %reduce_sum3A_989 : i1 to vector<16xi1>
      %reduce_sum3A_991 = tpu.scan <sum>, %convert_element_type3A_974 masked %reduce_sum3A_990 : vector<16xi32>, vector<16xi1> -> vector<16xi32>
      %reduce_sum3A_992 = vector.extract %reduce_sum3A_991[15] : i32 from vector<16xi32>
      %add3A_993 = arith.addi %add3A_882, %reduce_sum3A_992 : i32
      %and3A_994 = arith.andi %lt3A_913, %ge3A_916 : vector<16xi1>
      %and3A_995 = arith.andi %and3A_994, %ge3A_919 : vector<16xi1>
      %convert_element_type3A_996 = arith.extui %and3A_995 : vector<16xi1> to vector<16xi32>
      %broadcast_in_dim3A_997 = arith.constant true
      %broadcast_in_dim3A_998 = vector.broadcast %broadcast_in_dim3A_997 : i1 to vector<16xi1>
      %masked_cumsum3A_999 = tpu.scan <sum>, %convert_element_type3A_996 masked %broadcast_in_dim3A_998 : vector<16xi32>, vector<16xi1> -> vector<16xi32>
      %sub3A_1000 = arith.constant 1 : i32
      %sub3A_1001 = vector.broadcast %sub3A_1000 : i32 to vector<16xi32>
      %sub3A_1002 = arith.subi %masked_cumsum3A_999, %sub3A_1001 : vector<16xi32>
      %add3A_1003 = vector.broadcast %add3A_904 : i32 to vector<16xi32>
      %add3A_1004 = arith.addi %sub3A_1002, %add3A_1003 : vector<16xi32>
      %sub3A_1005 = arith.constant 5120 : i32
      %sub3A_1006 = vector.broadcast %sub3A_1005 : i32 to vector<16xi32>
      %sub3A_1007 = arith.subi %get3A_910, %sub3A_1006 : vector<16xi32>
      tpu.vector_store_idx %arg18[%add3A_1004], %sub3A_1007 masked %and3A_995 : memref<3072xi32, #tpu.memory_space<vmem>>[vector<16xi32>], vector<16xi32>, vector<16xi1>
      %sub3A_1008 = arith.constant 5120 : i32
      %sub3A_1009 = vector.broadcast %sub3A_1008 : i32 to vector<16xi32>
      %sub3A_1010 = arith.subi %get3A_907, %sub3A_1009 : vector<16xi32>
      tpu.vector_store_idx %arg19[%add3A_1004], %sub3A_1010 masked %and3A_995 : memref<3072xi32, #tpu.memory_space<vmem>>[vector<16xi32>], vector<16xi32>, vector<16xi1>
      %reduce_sum3A_1011 = arith.constant true
      %reduce_sum3A_1012 = vector.broadcast %reduce_sum3A_1011 : i1 to vector<16xi1>
      %reduce_sum3A_1013 = tpu.scan <sum>, %convert_element_type3A_996 masked %reduce_sum3A_1012 : vector<16xi32>, vector<16xi1> -> vector<16xi32>
      %reduce_sum3A_1014 = vector.extract %reduce_sum3A_1013[15] : i32 from vector<16xi32>
      %add3A_1015 = arith.addi %add3A_904, %reduce_sum3A_1014 : i32
      scf.yield %add3A_945, %add3A_969, %add3A_993, %add3A_1015 : i32, i32, i32, i32
    }
    %scan3A_20 = arith.constant 80 : i32
    %mul3A_21 = arith.constant 8 : i32
    %mul3A_22 = arith.muli %add3A, %mul3A_21 : i32
    %add3A_23 = arith.constant 0 : i32
    %add3A_24 = arith.addi %mul3A_22, %add3A_23 : i32
    "tpu.region"() ({
      %run_scoped3A_132 = tpu.sem_alloc : memref<!tpu.dma_semaphore, #tpu.memory_space<semaphore_mem>>
      %dma_start3A = arith.constant 0 : i32
      %dma_start3A_133 = tpu.memref_slice %arg6[%add3A_24, %dma_start3A] : memref<256x3072xi32, #tpu.memory_space<hbm>> -> memref<1x3072xi32, #tpu.memory_space<hbm>>
      %dma_start3A_134 = tpu.memref_squeeze %dma_start3A_133 : memref<1x3072xi32, #tpu.memory_space<hbm>> -> memref<3072xi32, #tpu.memory_space<hbm>>
      %dma_start3A_135 = arith.constant 0 : i32
      %dma_start3A_136 = tpu.memref_slice %arg6[%add3A_24, %dma_start3A_135] : memref<256x3072xi32, #tpu.memory_space<hbm>> -> memref<1x3072xi32, #tpu.memory_space<hbm>>
      %dma_start3A_137 = tpu.memref_squeeze %dma_start3A_136 : memref<1x3072xi32, #tpu.memory_space<hbm>> -> memref<3072xi32, #tpu.memory_space<hbm>>
      tpu.enqueue_dma source(%arg12 : memref<3072xi32, #tpu.memory_space<vmem>>) target(%dma_start3A_137 : memref<3072xi32, #tpu.memory_space<hbm>>) target_semaphore(%run_scoped3A_132 : memref<!tpu.dma_semaphore, #tpu.memory_space<semaphore_mem>>)
      %dma_wait3A = arith.constant 0 : i32
      %dma_wait3A_138 = tpu.memref_slice %arg6[%add3A_24, %dma_wait3A] : memref<256x3072xi32, #tpu.memory_space<hbm>> -> memref<1x3072xi32, #tpu.memory_space<hbm>>
      %dma_wait3A_139 = tpu.memref_squeeze %dma_wait3A_138 : memref<1x3072xi32, #tpu.memory_space<hbm>> -> memref<3072xi32, #tpu.memory_space<hbm>>
      %dma_wait3A_140 = arith.constant 0 : i32
      %dma_wait3A_141 = tpu.memref_slice %arg6[%add3A_24, %dma_wait3A_140] : memref<256x3072xi32, #tpu.memory_space<hbm>> -> memref<1x3072xi32, #tpu.memory_space<hbm>>
      %dma_wait3A_142 = tpu.memref_squeeze %dma_wait3A_141 : memref<1x3072xi32, #tpu.memory_space<hbm>> -> memref<3072xi32, #tpu.memory_space<hbm>>
      tpu.wait_dma2 semaphore(%run_scoped3A_132 : memref<!tpu.dma_semaphore, #tpu.memory_space<semaphore_mem>>) src(%arg12 : memref<3072xi32, #tpu.memory_space<vmem>>) dst(%dma_wait3A_142 : memref<3072xi32, #tpu.memory_space<hbm>>)
      tpu.yield
    }) : () -> ()
    %mul3A_25 = arith.constant 8 : i32
    %mul3A_26 = arith.muli %add3A, %mul3A_25 : i32
    %add3A_27 = arith.constant 0 : i32
    %add3A_28 = arith.addi %mul3A_26, %add3A_27 : i32
    %add3A_29 = arith.constant 1 : i32
    %add3A_30 = arith.addi %add3A_28, %add3A_29 : i32
    "tpu.region"() ({
      %run_scoped3A_132 = tpu.sem_alloc : memref<!tpu.dma_semaphore, #tpu.memory_space<semaphore_mem>>
      %dma_start3A = arith.constant 0 : i32
      %dma_start3A_133 = tpu.memref_slice %arg6[%add3A_30, %dma_start3A] : memref<256x3072xi32, #tpu.memory_space<hbm>> -> memref<1x3072xi32, #tpu.memory_space<hbm>>
      %dma_start3A_134 = tpu.memref_squeeze %dma_start3A_133 : memref<1x3072xi32, #tpu.memory_space<hbm>> -> memref<3072xi32, #tpu.memory_space<hbm>>
      %dma_start3A_135 = arith.constant 0 : i32
      %dma_start3A_136 = tpu.memref_slice %arg6[%add3A_30, %dma_start3A_135] : memref<256x3072xi32, #tpu.memory_space<hbm>> -> memref<1x3072xi32, #tpu.memory_space<hbm>>
      %dma_start3A_137 = tpu.memref_squeeze %dma_start3A_136 : memref<1x3072xi32, #tpu.memory_space<hbm>> -> memref<3072xi32, #tpu.memory_space<hbm>>
      tpu.enqueue_dma source(%arg13 : memref<3072xi32, #tpu.memory_space<vmem>>) target(%dma_start3A_137 : memref<3072xi32, #tpu.memory_space<hbm>>) target_semaphore(%run_scoped3A_132 : memref<!tpu.dma_semaphore, #tpu.memory_space<semaphore_mem>>)
      %dma_wait3A = arith.constant 0 : i32
      %dma_wait3A_138 = tpu.memref_slice %arg6[%add3A_30, %dma_wait3A] : memref<256x3072xi32, #tpu.memory_space<hbm>> -> memref<1x3072xi32, #tpu.memory_space<hbm>>
      %dma_wait3A_139 = tpu.memref_squeeze %dma_wait3A_138 : memref<1x3072xi32, #tpu.memory_space<hbm>> -> memref<3072xi32, #tpu.memory_space<hbm>>
      %dma_wait3A_140 = arith.constant 0 : i32
      %dma_wait3A_141 = tpu.memref_slice %arg6[%add3A_30, %dma_wait3A_140] : memref<256x3072xi32, #tpu.memory_space<hbm>> -> memref<1x3072xi32, #tpu.memory_space<hbm>>
      %dma_wait3A_142 = tpu.memref_squeeze %dma_wait3A_141 : memref<1x3072xi32, #tpu.memory_space<hbm>> -> memref<3072xi32, #tpu.memory_space<hbm>>
      tpu.wait_dma2 semaphore(%run_scoped3A_132 : memref<!tpu.dma_semaphore, #tpu.memory_space<semaphore_mem>>) src(%arg13 : memref<3072xi32, #tpu.memory_space<vmem>>) dst(%dma_wait3A_142 : memref<3072xi32, #tpu.memory_space<hbm>>)
      tpu.yield
    }) : () -> ()
    %mul3A_31 = arith.constant 8 : i32
    %mul3A_32 = arith.muli %add3A, %mul3A_31 : i32
    %add3A_33 = arith.constant 2 : i32
    %add3A_34 = arith.addi %mul3A_32, %add3A_33 : i32
    "tpu.region"() ({
      %run_scoped3A_132 = tpu.sem_alloc : memref<!tpu.dma_semaphore, #tpu.memory_space<semaphore_mem>>
      %dma_start3A = arith.constant 0 : i32
      %dma_start3A_133 = tpu.memref_slice %arg6[%add3A_34, %dma_start3A] : memref<256x3072xi32, #tpu.memory_space<hbm>> -> memref<1x3072xi32, #tpu.memory_space<hbm>>
      %dma_start3A_134 = tpu.memref_squeeze %dma_start3A_133 : memref<1x3072xi32, #tpu.memory_space<hbm>> -> memref<3072xi32, #tpu.memory_space<hbm>>
      %dma_start3A_135 = arith.constant 0 : i32
      %dma_start3A_136 = tpu.memref_slice %arg6[%add3A_34, %dma_start3A_135] : memref<256x3072xi32, #tpu.memory_space<hbm>> -> memref<1x3072xi32, #tpu.memory_space<hbm>>
      %dma_start3A_137 = tpu.memref_squeeze %dma_start3A_136 : memref<1x3072xi32, #tpu.memory_space<hbm>> -> memref<3072xi32, #tpu.memory_space<hbm>>
      tpu.enqueue_dma source(%arg14 : memref<3072xi32, #tpu.memory_space<vmem>>) target(%dma_start3A_137 : memref<3072xi32, #tpu.memory_space<hbm>>) target_semaphore(%run_scoped3A_132 : memref<!tpu.dma_semaphore, #tpu.memory_space<semaphore_mem>>)
      %dma_wait3A = arith.constant 0 : i32
      %dma_wait3A_138 = tpu.memref_slice %arg6[%add3A_34, %dma_wait3A] : memref<256x3072xi32, #tpu.memory_space<hbm>> -> memref<1x3072xi32, #tpu.memory_space<hbm>>
      %dma_wait3A_139 = tpu.memref_squeeze %dma_wait3A_138 : memref<1x3072xi32, #tpu.memory_space<hbm>> -> memref<3072xi32, #tpu.memory_space<hbm>>
      %dma_wait3A_140 = arith.constant 0 : i32
      %dma_wait3A_141 = tpu.memref_slice %arg6[%add3A_34, %dma_wait3A_140] : memref<256x3072xi32, #tpu.memory_space<hbm>> -> memref<1x3072xi32, #tpu.memory_space<hbm>>
      %dma_wait3A_142 = tpu.memref_squeeze %dma_wait3A_141 : memref<1x3072xi32, #tpu.memory_space<hbm>> -> memref<3072xi32, #tpu.memory_space<hbm>>
      tpu.wait_dma2 semaphore(%run_scoped3A_132 : memref<!tpu.dma_semaphore, #tpu.memory_space<semaphore_mem>>) src(%arg14 : memref<3072xi32, #tpu.memory_space<vmem>>) dst(%dma_wait3A_142 : memref<3072xi32, #tpu.memory_space<hbm>>)
      tpu.yield
    }) : () -> ()
    %mul3A_35 = arith.constant 8 : i32
    %mul3A_36 = arith.muli %add3A, %mul3A_35 : i32
    %add3A_37 = arith.constant 2 : i32
    %add3A_38 = arith.addi %mul3A_36, %add3A_37 : i32
    %add3A_39 = arith.constant 1 : i32
    %add3A_40 = arith.addi %add3A_38, %add3A_39 : i32
    "tpu.region"() ({
      %run_scoped3A_132 = tpu.sem_alloc : memref<!tpu.dma_semaphore, #tpu.memory_space<semaphore_mem>>
      %dma_start3A = arith.constant 0 : i32
      %dma_start3A_133 = tpu.memref_slice %arg6[%add3A_40, %dma_start3A] : memref<256x3072xi32, #tpu.memory_space<hbm>> -> memref<1x3072xi32, #tpu.memory_space<hbm>>
      %dma_start3A_134 = tpu.memref_squeeze %dma_start3A_133 : memref<1x3072xi32, #tpu.memory_space<hbm>> -> memref<3072xi32, #tpu.memory_space<hbm>>
      %dma_start3A_135 = arith.constant 0 : i32
      %dma_start3A_136 = tpu.memref_slice %arg6[%add3A_40, %dma_start3A_135] : memref<256x3072xi32, #tpu.memory_space<hbm>> -> memref<1x3072xi32, #tpu.memory_space<hbm>>
      %dma_start3A_137 = tpu.memref_squeeze %dma_start3A_136 : memref<1x3072xi32, #tpu.memory_space<hbm>> -> memref<3072xi32, #tpu.memory_space<hbm>>
      tpu.enqueue_dma source(%arg15 : memref<3072xi32, #tpu.memory_space<vmem>>) target(%dma_start3A_137 : memref<3072xi32, #tpu.memory_space<hbm>>) target_semaphore(%run_scoped3A_132 : memref<!tpu.dma_semaphore, #tpu.memory_space<semaphore_mem>>)
      %dma_wait3A = arith.constant 0 : i32
      %dma_wait3A_138 = tpu.memref_slice %arg6[%add3A_40, %dma_wait3A] : memref<256x3072xi32, #tpu.memory_space<hbm>> -> memref<1x3072xi32, #tpu.memory_space<hbm>>
      %dma_wait3A_139 = tpu.memref_squeeze %dma_wait3A_138 : memref<1x3072xi32, #tpu.memory_space<hbm>> -> memref<3072xi32, #tpu.memory_space<hbm>>
      %dma_wait3A_140 = arith.constant 0 : i32
      %dma_wait3A_141 = tpu.memref_slice %arg6[%add3A_40, %dma_wait3A_140] : memref<256x3072xi32, #tpu.memory_space<hbm>> -> memref<1x3072xi32, #tpu.memory_space<hbm>>
      %dma_wait3A_142 = tpu.memref_squeeze %dma_wait3A_141 : memref<1x3072xi32, #tpu.memory_space<hbm>> -> memref<3072xi32, #tpu.memory_space<hbm>>
      tpu.wait_dma2 semaphore(%run_scoped3A_132 : memref<!tpu.dma_semaphore, #tpu.memory_space<semaphore_mem>>) src(%arg15 : memref<3072xi32, #tpu.memory_space<vmem>>) dst(%dma_wait3A_142 : memref<3072xi32, #tpu.memory_space<hbm>>)
      tpu.yield
    }) : () -> ()
    %mul3A_41 = arith.constant 8 : i32
    %mul3A_42 = arith.muli %add3A, %mul3A_41 : i32
    %add3A_43 = arith.constant 4 : i32
    %add3A_44 = arith.addi %mul3A_42, %add3A_43 : i32
    "tpu.region"() ({
      %run_scoped3A_132 = tpu.sem_alloc : memref<!tpu.dma_semaphore, #tpu.memory_space<semaphore_mem>>
      %dma_start3A = arith.constant 0 : i32
      %dma_start3A_133 = tpu.memref_slice %arg6[%add3A_44, %dma_start3A] : memref<256x3072xi32, #tpu.memory_space<hbm>> -> memref<1x3072xi32, #tpu.memory_space<hbm>>
      %dma_start3A_134 = tpu.memref_squeeze %dma_start3A_133 : memref<1x3072xi32, #tpu.memory_space<hbm>> -> memref<3072xi32, #tpu.memory_space<hbm>>
      %dma_start3A_135 = arith.constant 0 : i32
      %dma_start3A_136 = tpu.memref_slice %arg6[%add3A_44, %dma_start3A_135] : memref<256x3072xi32, #tpu.memory_space<hbm>> -> memref<1x3072xi32, #tpu.memory_space<hbm>>
      %dma_start3A_137 = tpu.memref_squeeze %dma_start3A_136 : memref<1x3072xi32, #tpu.memory_space<hbm>> -> memref<3072xi32, #tpu.memory_space<hbm>>
      tpu.enqueue_dma source(%arg16 : memref<3072xi32, #tpu.memory_space<vmem>>) target(%dma_start3A_137 : memref<3072xi32, #tpu.memory_space<hbm>>) target_semaphore(%run_scoped3A_132 : memref<!tpu.dma_semaphore, #tpu.memory_space<semaphore_mem>>)
      %dma_wait3A = arith.constant 0 : i32
      %dma_wait3A_138 = tpu.memref_slice %arg6[%add3A_44, %dma_wait3A] : memref<256x3072xi32, #tpu.memory_space<hbm>> -> memref<1x3072xi32, #tpu.memory_space<hbm>>
      %dma_wait3A_139 = tpu.memref_squeeze %dma_wait3A_138 : memref<1x3072xi32, #tpu.memory_space<hbm>> -> memref<3072xi32, #tpu.memory_space<hbm>>
      %dma_wait3A_140 = arith.constant 0 : i32
      %dma_wait3A_141 = tpu.memref_slice %arg6[%add3A_44, %dma_wait3A_140] : memref<256x3072xi32, #tpu.memory_space<hbm>> -> memref<1x3072xi32, #tpu.memory_space<hbm>>
      %dma_wait3A_142 = tpu.memref_squeeze %dma_wait3A_141 : memref<1x3072xi32, #tpu.memory_space<hbm>> -> memref<3072xi32, #tpu.memory_space<hbm>>
      tpu.wait_dma2 semaphore(%run_scoped3A_132 : memref<!tpu.dma_semaphore, #tpu.memory_space<semaphore_mem>>) src(%arg16 : memref<3072xi32, #tpu.memory_space<vmem>>) dst(%dma_wait3A_142 : memref<3072xi32, #tpu.memory_space<hbm>>)
      tpu.yield
    }) : () -> ()
    %mul3A_45 = arith.constant 8 : i32
    %mul3A_46 = arith.muli %add3A, %mul3A_45 : i32
    %add3A_47 = arith.constant 4 : i32
    %add3A_48 = arith.addi %mul3A_46, %add3A_47 : i32
    %add3A_49 = arith.constant 1 : i32
    %add3A_50 = arith.addi %add3A_48, %add3A_49 : i32
    "tpu.region"() ({
      %run_scoped3A_132 = tpu.sem_alloc : memref<!tpu.dma_semaphore, #tpu.memory_space<semaphore_mem>>
      %dma_start3A = arith.constant 0 : i32
      %dma_start3A_133 = tpu.memref_slice %arg6[%add3A_50, %dma_start3A] : memref<256x3072xi32, #tpu.memory_space<hbm>> -> memref<1x3072xi32, #tpu.memory_space<hbm>>
      %dma_start3A_134 = tpu.memref_squeeze %dma_start3A_133 : memref<1x3072xi32, #tpu.memory_space<hbm>> -> memref<3072xi32, #tpu.memory_space<hbm>>
      %dma_start3A_135 = arith.constant 0 : i32
      %dma_start3A_136 = tpu.memref_slice %arg6[%add3A_50, %dma_start3A_135] : memref<256x3072xi32, #tpu.memory_space<hbm>> -> memref<1x3072xi32, #tpu.memory_space<hbm>>
      %dma_start3A_137 = tpu.memref_squeeze %dma_start3A_136 : memref<1x3072xi32, #tpu.memory_space<hbm>> -> memref<3072xi32, #tpu.memory_space<hbm>>
      tpu.enqueue_dma source(%arg17 : memref<3072xi32, #tpu.memory_space<vmem>>) target(%dma_start3A_137 : memref<3072xi32, #tpu.memory_space<hbm>>) target_semaphore(%run_scoped3A_132 : memref<!tpu.dma_semaphore, #tpu.memory_space<semaphore_mem>>)
      %dma_wait3A = arith.constant 0 : i32
      %dma_wait3A_138 = tpu.memref_slice %arg6[%add3A_50, %dma_wait3A] : memref<256x3072xi32, #tpu.memory_space<hbm>> -> memref<1x3072xi32, #tpu.memory_space<hbm>>
      %dma_wait3A_139 = tpu.memref_squeeze %dma_wait3A_138 : memref<1x3072xi32, #tpu.memory_space<hbm>> -> memref<3072xi32, #tpu.memory_space<hbm>>
      %dma_wait3A_140 = arith.constant 0 : i32
      %dma_wait3A_141 = tpu.memref_slice %arg6[%add3A_50, %dma_wait3A_140] : memref<256x3072xi32, #tpu.memory_space<hbm>> -> memref<1x3072xi32, #tpu.memory_space<hbm>>
      %dma_wait3A_142 = tpu.memref_squeeze %dma_wait3A_141 : memref<1x3072xi32, #tpu.memory_space<hbm>> -> memref<3072xi32, #tpu.memory_space<hbm>>
      tpu.wait_dma2 semaphore(%run_scoped3A_132 : memref<!tpu.dma_semaphore, #tpu.memory_space<semaphore_mem>>) src(%arg17 : memref<3072xi32, #tpu.memory_space<vmem>>) dst(%dma_wait3A_142 : memref<3072xi32, #tpu.memory_space<hbm>>)
      tpu.yield
    }) : () -> ()
    %mul3A_51 = arith.constant 8 : i32
    %mul3A_52 = arith.muli %add3A, %mul3A_51 : i32
    %add3A_53 = arith.constant 6 : i32
    %add3A_54 = arith.addi %mul3A_52, %add3A_53 : i32
    "tpu.region"() ({
      %run_scoped3A_132 = tpu.sem_alloc : memref<!tpu.dma_semaphore, #tpu.memory_space<semaphore_mem>>
      %dma_start3A = arith.constant 0 : i32
      %dma_start3A_133 = tpu.memref_slice %arg6[%add3A_54, %dma_start3A] : memref<256x3072xi32, #tpu.memory_space<hbm>> -> memref<1x3072xi32, #tpu.memory_space<hbm>>
      %dma_start3A_134 = tpu.memref_squeeze %dma_start3A_133 : memref<1x3072xi32, #tpu.memory_space<hbm>> -> memref<3072xi32, #tpu.memory_space<hbm>>
      %dma_start3A_135 = arith.constant 0 : i32
      %dma_start3A_136 = tpu.memref_slice %arg6[%add3A_54, %dma_start3A_135] : memref<256x3072xi32, #tpu.memory_space<hbm>> -> memref<1x3072xi32, #tpu.memory_space<hbm>>
      %dma_start3A_137 = tpu.memref_squeeze %dma_start3A_136 : memref<1x3072xi32, #tpu.memory_space<hbm>> -> memref<3072xi32, #tpu.memory_space<hbm>>
      tpu.enqueue_dma source(%arg18 : memref<3072xi32, #tpu.memory_space<vmem>>) target(%dma_start3A_137 : memref<3072xi32, #tpu.memory_space<hbm>>) target_semaphore(%run_scoped3A_132 : memref<!tpu.dma_semaphore, #tpu.memory_space<semaphore_mem>>)
      %dma_wait3A = arith.constant 0 : i32
      %dma_wait3A_138 = tpu.memref_slice %arg6[%add3A_54, %dma_wait3A] : memref<256x3072xi32, #tpu.memory_space<hbm>> -> memref<1x3072xi32, #tpu.memory_space<hbm>>
      %dma_wait3A_139 = tpu.memref_squeeze %dma_wait3A_138 : memref<1x3072xi32, #tpu.memory_space<hbm>> -> memref<3072xi32, #tpu.memory_space<hbm>>
      %dma_wait3A_140 = arith.constant 0 : i32
      %dma_wait3A_141 = tpu.memref_slice %arg6[%add3A_54, %dma_wait3A_140] : memref<256x3072xi32, #tpu.memory_space<hbm>> -> memref<1x3072xi32, #tpu.memory_space<hbm>>
      %dma_wait3A_142 = tpu.memref_squeeze %dma_wait3A_141 : memref<1x3072xi32, #tpu.memory_space<hbm>> -> memref<3072xi32, #tpu.memory_space<hbm>>
      tpu.wait_dma2 semaphore(%run_scoped3A_132 : memref<!tpu.dma_semaphore, #tpu.memory_space<semaphore_mem>>) src(%arg18 : memref<3072xi32, #tpu.memory_space<vmem>>) dst(%dma_wait3A_142 : memref<3072xi32, #tpu.memory_space<hbm>>)
      tpu.yield
    }) : () -> ()
    %mul3A_55 = arith.constant 8 : i32
    %mul3A_56 = arith.muli %add3A, %mul3A_55 : i32
    %add3A_57 = arith.constant 6 : i32
    %add3A_58 = arith.addi %mul3A_56, %add3A_57 : i32
    %add3A_59 = arith.constant 1 : i32
    %add3A_60 = arith.addi %add3A_58, %add3A_59 : i32
    "tpu.region"() ({
      %run_scoped3A_132 = tpu.sem_alloc : memref<!tpu.dma_semaphore, #tpu.memory_space<semaphore_mem>>
      %dma_start3A = arith.constant 0 : i32
      %dma_start3A_133 = tpu.memref_slice %arg6[%add3A_60, %dma_start3A] : memref<256x3072xi32, #tpu.memory_space<hbm>> -> memref<1x3072xi32, #tpu.memory_space<hbm>>
      %dma_start3A_134 = tpu.memref_squeeze %dma_start3A_133 : memref<1x3072xi32, #tpu.memory_space<hbm>> -> memref<3072xi32, #tpu.memory_space<hbm>>
      %dma_start3A_135 = arith.constant 0 : i32
      %dma_start3A_136 = tpu.memref_slice %arg6[%add3A_60, %dma_start3A_135] : memref<256x3072xi32, #tpu.memory_space<hbm>> -> memref<1x3072xi32, #tpu.memory_space<hbm>>
      %dma_start3A_137 = tpu.memref_squeeze %dma_start3A_136 : memref<1x3072xi32, #tpu.memory_space<hbm>> -> memref<3072xi32, #tpu.memory_space<hbm>>
      tpu.enqueue_dma source(%arg19 : memref<3072xi32, #tpu.memory_space<vmem>>) target(%dma_start3A_137 : memref<3072xi32, #tpu.memory_space<hbm>>) target_semaphore(%run_scoped3A_132 : memref<!tpu.dma_semaphore, #tpu.memory_space<semaphore_mem>>)
      %dma_wait3A = arith.constant 0 : i32
      %dma_wait3A_138 = tpu.memref_slice %arg6[%add3A_60, %dma_wait3A] : memref<256x3072xi32, #tpu.memory_space<hbm>> -> memref<1x3072xi32, #tpu.memory_space<hbm>>
      %dma_wait3A_139 = tpu.memref_squeeze %dma_wait3A_138 : memref<1x3072xi32, #tpu.memory_space<hbm>> -> memref<3072xi32, #tpu.memory_space<hbm>>
      %dma_wait3A_140 = arith.constant 0 : i32
      %dma_wait3A_141 = tpu.memref_slice %arg6[%add3A_60, %dma_wait3A_140] : memref<256x3072xi32, #tpu.memory_space<hbm>> -> memref<1x3072xi32, #tpu.memory_space<hbm>>
      %dma_wait3A_142 = tpu.memref_squeeze %dma_wait3A_141 : memref<1x3072xi32, #tpu.memory_space<hbm>> -> memref<3072xi32, #tpu.memory_space<hbm>>
      tpu.wait_dma2 semaphore(%run_scoped3A_132 : memref<!tpu.dma_semaphore, #tpu.memory_space<semaphore_mem>>) src(%arg19 : memref<3072xi32, #tpu.memory_space<vmem>>) dst(%dma_wait3A_142 : memref<3072xi32, #tpu.memory_space<hbm>>)
      tpu.yield
    }) : () -> ()
    "tpu.region"() ({
      %run_scoped3A_132 = tpu.sem_alloc : memref<!tpu.dma_semaphore, #tpu.memory_space<semaphore_mem>>
      %dma_start3A = arith.constant 0 : i32
      %dma_start3A_133 = tpu.memref_slice %arg20[%arg1, %dma_start3A] : memref<16x10240xf32, #tpu.memory_space<vmem_shared>> -> memref<1x10240xf32, #tpu.memory_space<vmem_shared>>
      %dma_start3A_134 = tpu.memref_squeeze %dma_start3A_133 : memref<1x10240xf32, #tpu.memory_space<vmem_shared>> -> memref<10240xf32, #tpu.memory_space<vmem_shared>>
      %dma_start3A_135 = arith.constant 0 : i32
      %dma_start3A_136 = tpu.memref_slice %arg20[%arg1, %dma_start3A_135] : memref<16x10240xf32, #tpu.memory_space<vmem_shared>> -> memref<1x10240xf32, #tpu.memory_space<vmem_shared>>
      %dma_start3A_137 = tpu.memref_squeeze %dma_start3A_136 : memref<1x10240xf32, #tpu.memory_space<vmem_shared>> -> memref<10240xf32, #tpu.memory_space<vmem_shared>>
      tpu.enqueue_dma source(%arg9 : memref<10240xf32, #tpu.memory_space<vmem>>) target(%dma_start3A_137 : memref<10240xf32, #tpu.memory_space<vmem_shared>>) target_semaphore(%run_scoped3A_132 : memref<!tpu.dma_semaphore, #tpu.memory_space<semaphore_mem>>)
      %dma_wait3A = arith.constant 0 : i32
      %dma_wait3A_138 = tpu.memref_slice %arg20[%arg1, %dma_wait3A] : memref<16x10240xf32, #tpu.memory_space<vmem_shared>> -> memref<1x10240xf32, #tpu.memory_space<vmem_shared>>
      %dma_wait3A_139 = tpu.memref_squeeze %dma_wait3A_138 : memref<1x10240xf32, #tpu.memory_space<vmem_shared>> -> memref<10240xf32, #tpu.memory_space<vmem_shared>>
      %dma_wait3A_140 = arith.constant 0 : i32
      %dma_wait3A_141 = tpu.memref_slice %arg20[%arg1, %dma_wait3A_140] : memref<16x10240xf32, #tpu.memory_space<vmem_shared>> -> memref<1x10240xf32, #tpu.memory_space<vmem_shared>>
      %dma_wait3A_142 = tpu.memref_squeeze %dma_wait3A_141 : memref<1x10240xf32, #tpu.memory_space<vmem_shared>> -> memref<10240xf32, #tpu.memory_space<vmem_shared>>
      tpu.wait_dma2 semaphore(%run_scoped3A_132 : memref<!tpu.dma_semaphore, #tpu.memory_space<semaphore_mem>>) src(%arg9 : memref<10240xf32, #tpu.memory_space<vmem>>) dst(%dma_wait3A_142 : memref<10240xf32, #tpu.memory_space<vmem_shared>>)
      tpu.yield
    }) : () -> ()
    %barrier3A = arith.constant 0 : index
    tpu.barrier barrier_id(%barrier3A)
    %mul3A_61 = arith.constant 640 : i32
    %mul3A_62 = arith.muli %arg1, %mul3A_61 : i32
    %run_scoped3A = arith.constant 0 : i32
    %run_scoped3A_63 = arith.constant 0 : i32
    "tpu.region"() ({
      %run_scoped3A_132 = tpu.sem_alloc : memref<!tpu.dma_semaphore, #tpu.memory_space<semaphore_mem>>
      %dma_start3A = arith.constant 0 : i32
      %dma_start3A_133 = tpu.memref_slice %arg10[%run_scoped3A_63, %dma_start3A] : memref<16x640xf32, #tpu.memory_space<vmem>> -> memref<1x640xf32, #tpu.memory_space<vmem>>
      %dma_start3A_134 = tpu.memref_squeeze %dma_start3A_133 : memref<1x640xf32, #tpu.memory_space<vmem>> -> memref<640xf32, #tpu.memory_space<vmem>>
      %dma_start3A_135 = tpu.memref_slice %arg20[%run_scoped3A, %mul3A_62] : memref<16x10240xf32, #tpu.memory_space<vmem_shared>> -> memref<1x640xf32, #tpu.memory_space<vmem_shared>>
      %dma_start3A_136 = tpu.memref_squeeze %dma_start3A_135 : memref<1x640xf32, #tpu.memory_space<vmem_shared>> -> memref<640xf32, #tpu.memory_space<vmem_shared>>
      %dma_start3A_137 = arith.constant 0 : i32
      %dma_start3A_138 = tpu.memref_slice %arg10[%run_scoped3A_63, %dma_start3A_137] : memref<16x640xf32, #tpu.memory_space<vmem>> -> memref<1x640xf32, #tpu.memory_space<vmem>>
      %dma_start3A_139 = tpu.memref_squeeze %dma_start3A_138 : memref<1x640xf32, #tpu.memory_space<vmem>> -> memref<640xf32, #tpu.memory_space<vmem>>
      %dma_start3A_140 = tpu.memref_slice %arg20[%run_scoped3A, %mul3A_62] : memref<16x10240xf32, #tpu.memory_space<vmem_shared>> -> memref<1x640xf32, #tpu.memory_space<vmem_shared>>
      %dma_start3A_141 = tpu.memref_squeeze %dma_start3A_140 : memref<1x640xf32, #tpu.memory_space<vmem_shared>> -> memref<640xf32, #tpu.memory_space<vmem_shared>>
      tpu.enqueue_dma source(%dma_start3A_141 : memref<640xf32, #tpu.memory_space<vmem_shared>>) target(%dma_start3A_139 : memref<640xf32, #tpu.memory_space<vmem>>) target_semaphore(%run_scoped3A_132 : memref<!tpu.dma_semaphore, #tpu.memory_space<semaphore_mem>>)
      %dma_wait3A = arith.constant 0 : i32
      %dma_wait3A_142 = tpu.memref_slice %arg10[%run_scoped3A_63, %dma_wait3A] : memref<16x640xf32, #tpu.memory_space<vmem>> -> memref<1x640xf32, #tpu.memory_space<vmem>>
      %dma_wait3A_143 = tpu.memref_squeeze %dma_wait3A_142 : memref<1x640xf32, #tpu.memory_space<vmem>> -> memref<640xf32, #tpu.memory_space<vmem>>
      %dma_wait3A_144 = tpu.memref_slice %arg20[%run_scoped3A, %mul3A_62] : memref<16x10240xf32, #tpu.memory_space<vmem_shared>> -> memref<1x640xf32, #tpu.memory_space<vmem_shared>>
      %dma_wait3A_145 = tpu.memref_squeeze %dma_wait3A_144 : memref<1x640xf32, #tpu.memory_space<vmem_shared>> -> memref<640xf32, #tpu.memory_space<vmem_shared>>
      %dma_wait3A_146 = arith.constant 0 : i32
      %dma_wait3A_147 = tpu.memref_slice %arg10[%run_scoped3A_63, %dma_wait3A_146] : memref<16x640xf32, #tpu.memory_space<vmem>> -> memref<1x640xf32, #tpu.memory_space<vmem>>
      %dma_wait3A_148 = tpu.memref_squeeze %dma_wait3A_147 : memref<1x640xf32, #tpu.memory_space<vmem>> -> memref<640xf32, #tpu.memory_space<vmem>>
      %dma_wait3A_149 = tpu.memref_slice %arg20[%run_scoped3A, %mul3A_62] : memref<16x10240xf32, #tpu.memory_space<vmem_shared>> -> memref<1x640xf32, #tpu.memory_space<vmem_shared>>
      %dma_wait3A_150 = tpu.memref_squeeze %dma_wait3A_149 : memref<1x640xf32, #tpu.memory_space<vmem_shared>> -> memref<640xf32, #tpu.memory_space<vmem_shared>>
      tpu.wait_dma2 semaphore(%run_scoped3A_132 : memref<!tpu.dma_semaphore, #tpu.memory_space<semaphore_mem>>) src(%dma_wait3A_150 : memref<640xf32, #tpu.memory_space<vmem_shared>>) dst(%dma_wait3A_148 : memref<640xf32, #tpu.memory_space<vmem>>)
      tpu.yield
    }) : () -> ()
    %mul3A_64 = arith.constant 640 : i32
    %mul3A_65 = arith.muli %arg1, %mul3A_64 : i32
    %run_scoped3A_66 = arith.constant 1 : i32
    %run_scoped3A_67 = arith.constant 1 : i32
    "tpu.region"() ({
      %run_scoped3A_132 = tpu.sem_alloc : memref<!tpu.dma_semaphore, #tpu.memory_space<semaphore_mem>>
      %dma_start3A = arith.constant 0 : i32
      %dma_start3A_133 = tpu.memref_slice %arg10[%run_scoped3A_67, %dma_start3A] : memref<16x640xf32, #tpu.memory_space<vmem>> -> memref<1x640xf32, #tpu.memory_space<vmem>>
      %dma_start3A_134 = tpu.memref_squeeze %dma_start3A_133 : memref<1x640xf32, #tpu.memory_space<vmem>> -> memref<640xf32, #tpu.memory_space<vmem>>
      %dma_start3A_135 = tpu.memref_slice %arg20[%run_scoped3A_66, %mul3A_65] : memref<16x10240xf32, #tpu.memory_space<vmem_shared>> -> memref<1x640xf32, #tpu.memory_space<vmem_shared>>
      %dma_start3A_136 = tpu.memref_squeeze %dma_start3A_135 : memref<1x640xf32, #tpu.memory_space<vmem_shared>> -> memref<640xf32, #tpu.memory_space<vmem_shared>>
      %dma_start3A_137 = arith.constant 0 : i32
      %dma_start3A_138 = tpu.memref_slice %arg10[%run_scoped3A_67, %dma_start3A_137] : memref<16x640xf32, #tpu.memory_space<vmem>> -> memref<1x640xf32, #tpu.memory_space<vmem>>
      %dma_start3A_139 = tpu.memref_squeeze %dma_start3A_138 : memref<1x640xf32, #tpu.memory_space<vmem>> -> memref<640xf32, #tpu.memory_space<vmem>>
      %dma_start3A_140 = tpu.memref_slice %arg20[%run_scoped3A_66, %mul3A_65] : memref<16x10240xf32, #tpu.memory_space<vmem_shared>> -> memref<1x640xf32, #tpu.memory_space<vmem_shared>>
      %dma_start3A_141 = tpu.memref_squeeze %dma_start3A_140 : memref<1x640xf32, #tpu.memory_space<vmem_shared>> -> memref<640xf32, #tpu.memory_space<vmem_shared>>
      tpu.enqueue_dma source(%dma_start3A_141 : memref<640xf32, #tpu.memory_space<vmem_shared>>) target(%dma_start3A_139 : memref<640xf32, #tpu.memory_space<vmem>>) target_semaphore(%run_scoped3A_132 : memref<!tpu.dma_semaphore, #tpu.memory_space<semaphore_mem>>)
      %dma_wait3A = arith.constant 0 : i32
      %dma_wait3A_142 = tpu.memref_slice %arg10[%run_scoped3A_67, %dma_wait3A] : memref<16x640xf32, #tpu.memory_space<vmem>> -> memref<1x640xf32, #tpu.memory_space<vmem>>
      %dma_wait3A_143 = tpu.memref_squeeze %dma_wait3A_142 : memref<1x640xf32, #tpu.memory_space<vmem>> -> memref<640xf32, #tpu.memory_space<vmem>>
      %dma_wait3A_144 = tpu.memref_slice %arg20[%run_scoped3A_66, %mul3A_65] : memref<16x10240xf32, #tpu.memory_space<vmem_shared>> -> memref<1x640xf32, #tpu.memory_space<vmem_shared>>
      %dma_wait3A_145 = tpu.memref_squeeze %dma_wait3A_144 : memref<1x640xf32, #tpu.memory_space<vmem_shared>> -> memref<640xf32, #tpu.memory_space<vmem_shared>>
      %dma_wait3A_146 = arith.constant 0 : i32
      %dma_wait3A_147 = tpu.memref_slice %arg10[%run_scoped3A_67, %dma_wait3A_146] : memref<16x640xf32, #tpu.memory_space<vmem>> -> memref<1x640xf32, #tpu.memory_space<vmem>>
      %dma_wait3A_148 = tpu.memref_squeeze %dma_wait3A_147 : memref<1x640xf32, #tpu.memory_space<vmem>> -> memref<640xf32, #tpu.memory_space<vmem>>
      %dma_wait3A_149 = tpu.memref_slice %arg20[%run_scoped3A_66, %mul3A_65] : memref<16x10240xf32, #tpu.memory_space<vmem_shared>> -> memref<1x640xf32, #tpu.memory_space<vmem_shared>>
      %dma_wait3A_150 = tpu.memref_squeeze %dma_wait3A_149 : memref<1x640xf32, #tpu.memory_space<vmem_shared>> -> memref<640xf32, #tpu.memory_space<vmem_shared>>
      tpu.wait_dma2 semaphore(%run_scoped3A_132 : memref<!tpu.dma_semaphore, #tpu.memory_space<semaphore_mem>>) src(%dma_wait3A_150 : memref<640xf32, #tpu.memory_space<vmem_shared>>) dst(%dma_wait3A_148 : memref<640xf32, #tpu.memory_space<vmem>>)
      tpu.yield
    }) : () -> ()
    %mul3A_68 = arith.constant 640 : i32
    %mul3A_69 = arith.muli %arg1, %mul3A_68 : i32
    %run_scoped3A_70 = arith.constant 2 : i32
    %run_scoped3A_71 = arith.constant 2 : i32
    "tpu.region"() ({
      %run_scoped3A_132 = tpu.sem_alloc : memref<!tpu.dma_semaphore, #tpu.memory_space<semaphore_mem>>
      %dma_start3A = arith.constant 0 : i32
      %dma_start3A_133 = tpu.memref_slice %arg10[%run_scoped3A_71, %dma_start3A] : memref<16x640xf32, #tpu.memory_space<vmem>> -> memref<1x640xf32, #tpu.memory_space<vmem>>
      %dma_start3A_134 = tpu.memref_squeeze %dma_start3A_133 : memref<1x640xf32, #tpu.memory_space<vmem>> -> memref<640xf32, #tpu.memory_space<vmem>>
      %dma_start3A_135 = tpu.memref_slice %arg20[%run_scoped3A_70, %mul3A_69] : memref<16x10240xf32, #tpu.memory_space<vmem_shared>> -> memref<1x640xf32, #tpu.memory_space<vmem_shared>>
      %dma_start3A_136 = tpu.memref_squeeze %dma_start3A_135 : memref<1x640xf32, #tpu.memory_space<vmem_shared>> -> memref<640xf32, #tpu.memory_space<vmem_shared>>
      %dma_start3A_137 = arith.constant 0 : i32
      %dma_start3A_138 = tpu.memref_slice %arg10[%run_scoped3A_71, %dma_start3A_137] : memref<16x640xf32, #tpu.memory_space<vmem>> -> memref<1x640xf32, #tpu.memory_space<vmem>>
      %dma_start3A_139 = tpu.memref_squeeze %dma_start3A_138 : memref<1x640xf32, #tpu.memory_space<vmem>> -> memref<640xf32, #tpu.memory_space<vmem>>
      %dma_start3A_140 = tpu.memref_slice %arg20[%run_scoped3A_70, %mul3A_69] : memref<16x10240xf32, #tpu.memory_space<vmem_shared>> -> memref<1x640xf32, #tpu.memory_space<vmem_shared>>
      %dma_start3A_141 = tpu.memref_squeeze %dma_start3A_140 : memref<1x640xf32, #tpu.memory_space<vmem_shared>> -> memref<640xf32, #tpu.memory_space<vmem_shared>>
      tpu.enqueue_dma source(%dma_start3A_141 : memref<640xf32, #tpu.memory_space<vmem_shared>>) target(%dma_start3A_139 : memref<640xf32, #tpu.memory_space<vmem>>) target_semaphore(%run_scoped3A_132 : memref<!tpu.dma_semaphore, #tpu.memory_space<semaphore_mem>>)
      %dma_wait3A = arith.constant 0 : i32
      %dma_wait3A_142 = tpu.memref_slice %arg10[%run_scoped3A_71, %dma_wait3A] : memref<16x640xf32, #tpu.memory_space<vmem>> -> memref<1x640xf32, #tpu.memory_space<vmem>>
      %dma_wait3A_143 = tpu.memref_squeeze %dma_wait3A_142 : memref<1x640xf32, #tpu.memory_space<vmem>> -> memref<640xf32, #tpu.memory_space<vmem>>
      %dma_wait3A_144 = tpu.memref_slice %arg20[%run_scoped3A_70, %mul3A_69] : memref<16x10240xf32, #tpu.memory_space<vmem_shared>> -> memref<1x640xf32, #tpu.memory_space<vmem_shared>>
      %dma_wait3A_145 = tpu.memref_squeeze %dma_wait3A_144 : memref<1x640xf32, #tpu.memory_space<vmem_shared>> -> memref<640xf32, #tpu.memory_space<vmem_shared>>
      %dma_wait3A_146 = arith.constant 0 : i32
      %dma_wait3A_147 = tpu.memref_slice %arg10[%run_scoped3A_71, %dma_wait3A_146] : memref<16x640xf32, #tpu.memory_space<vmem>> -> memref<1x640xf32, #tpu.memory_space<vmem>>
      %dma_wait3A_148 = tpu.memref_squeeze %dma_wait3A_147 : memref<1x640xf32, #tpu.memory_space<vmem>> -> memref<640xf32, #tpu.memory_space<vmem>>
      %dma_wait3A_149 = tpu.memref_slice %arg20[%run_scoped3A_70, %mul3A_69] : memref<16x10240xf32, #tpu.memory_space<vmem_shared>> -> memref<1x640xf32, #tpu.memory_space<vmem_shared>>
      %dma_wait3A_150 = tpu.memref_squeeze %dma_wait3A_149 : memref<1x640xf32, #tpu.memory_space<vmem_shared>> -> memref<640xf32, #tpu.memory_space<vmem_shared>>
      tpu.wait_dma2 semaphore(%run_scoped3A_132 : memref<!tpu.dma_semaphore, #tpu.memory_space<semaphore_mem>>) src(%dma_wait3A_150 : memref<640xf32, #tpu.memory_space<vmem_shared>>) dst(%dma_wait3A_148 : memref<640xf32, #tpu.memory_space<vmem>>)
      tpu.yield
    }) : () -> ()
    %mul3A_72 = arith.constant 640 : i32
    %mul3A_73 = arith.muli %arg1, %mul3A_72 : i32
    %run_scoped3A_74 = arith.constant 3 : i32
    %run_scoped3A_75 = arith.constant 3 : i32
    "tpu.region"() ({
      %run_scoped3A_132 = tpu.sem_alloc : memref<!tpu.dma_semaphore, #tpu.memory_space<semaphore_mem>>
      %dma_start3A = arith.constant 0 : i32
      %dma_start3A_133 = tpu.memref_slice %arg10[%run_scoped3A_75, %dma_start3A] : memref<16x640xf32, #tpu.memory_space<vmem>> -> memref<1x640xf32, #tpu.memory_space<vmem>>
      %dma_start3A_134 = tpu.memref_squeeze %dma_start3A_133 : memref<1x640xf32, #tpu.memory_space<vmem>> -> memref<640xf32, #tpu.memory_space<vmem>>
      %dma_start3A_135 = tpu.memref_slice %arg20[%run_scoped3A_74, %mul3A_73] : memref<16x10240xf32, #tpu.memory_space<vmem_shared>> -> memref<1x640xf32, #tpu.memory_space<vmem_shared>>
      %dma_start3A_136 = tpu.memref_squeeze %dma_start3A_135 : memref<1x640xf32, #tpu.memory_space<vmem_shared>> -> memref<640xf32, #tpu.memory_space<vmem_shared>>
      %dma_start3A_137 = arith.constant 0 : i32
      %dma_start3A_138 = tpu.memref_slice %arg10[%run_scoped3A_75, %dma_start3A_137] : memref<16x640xf32, #tpu.memory_space<vmem>> -> memref<1x640xf32, #tpu.memory_space<vmem>>
      %dma_start3A_139 = tpu.memref_squeeze %dma_start3A_138 : memref<1x640xf32, #tpu.memory_space<vmem>> -> memref<640xf32, #tpu.memory_space<vmem>>
      %dma_start3A_140 = tpu.memref_slice %arg20[%run_scoped3A_74, %mul3A_73] : memref<16x10240xf32, #tpu.memory_space<vmem_shared>> -> memref<1x640xf32, #tpu.memory_space<vmem_shared>>
      %dma_start3A_141 = tpu.memref_squeeze %dma_start3A_140 : memref<1x640xf32, #tpu.memory_space<vmem_shared>> -> memref<640xf32, #tpu.memory_space<vmem_shared>>
      tpu.enqueue_dma source(%dma_start3A_141 : memref<640xf32, #tpu.memory_space<vmem_shared>>) target(%dma_start3A_139 : memref<640xf32, #tpu.memory_space<vmem>>) target_semaphore(%run_scoped3A_132 : memref<!tpu.dma_semaphore, #tpu.memory_space<semaphore_mem>>)
      %dma_wait3A = arith.constant 0 : i32
      %dma_wait3A_142 = tpu.memref_slice %arg10[%run_scoped3A_75, %dma_wait3A] : memref<16x640xf32, #tpu.memory_space<vmem>> -> memref<1x640xf32, #tpu.memory_space<vmem>>
      %dma_wait3A_143 = tpu.memref_squeeze %dma_wait3A_142 : memref<1x640xf32, #tpu.memory_space<vmem>> -> memref<640xf32, #tpu.memory_space<vmem>>
      %dma_wait3A_144 = tpu.memref_slice %arg20[%run_scoped3A_74, %mul3A_73] : memref<16x10240xf32, #tpu.memory_space<vmem_shared>> -> memref<1x640xf32, #tpu.memory_space<vmem_shared>>
      %dma_wait3A_145 = tpu.memref_squeeze %dma_wait3A_144 : memref<1x640xf32, #tpu.memory_space<vmem_shared>> -> memref<640xf32, #tpu.memory_space<vmem_shared>>
      %dma_wait3A_146 = arith.constant 0 : i32
      %dma_wait3A_147 = tpu.memref_slice %arg10[%run_scoped3A_75, %dma_wait3A_146] : memref<16x640xf32, #tpu.memory_space<vmem>> -> memref<1x640xf32, #tpu.memory_space<vmem>>
      %dma_wait3A_148 = tpu.memref_squeeze %dma_wait3A_147 : memref<1x640xf32, #tpu.memory_space<vmem>> -> memref<640xf32, #tpu.memory_space<vmem>>
      %dma_wait3A_149 = tpu.memref_slice %arg20[%run_scoped3A_74, %mul3A_73] : memref<16x10240xf32, #tpu.memory_space<vmem_shared>> -> memref<1x640xf32, #tpu.memory_space<vmem_shared>>
      %dma_wait3A_150 = tpu.memref_squeeze %dma_wait3A_149 : memref<1x640xf32, #tpu.memory_space<vmem_shared>> -> memref<640xf32, #tpu.memory_space<vmem_shared>>
      tpu.wait_dma2 semaphore(%run_scoped3A_132 : memref<!tpu.dma_semaphore, #tpu.memory_space<semaphore_mem>>) src(%dma_wait3A_150 : memref<640xf32, #tpu.memory_space<vmem_shared>>) dst(%dma_wait3A_148 : memref<640xf32, #tpu.memory_space<vmem>>)
      tpu.yield
    }) : () -> ()
    %mul3A_76 = arith.constant 640 : i32
    %mul3A_77 = arith.muli %arg1, %mul3A_76 : i32
    %run_scoped3A_78 = arith.constant 4 : i32
    %run_scoped3A_79 = arith.constant 4 : i32
    "tpu.region"() ({
      %run_scoped3A_132 = tpu.sem_alloc : memref<!tpu.dma_semaphore, #tpu.memory_space<semaphore_mem>>
      %dma_start3A = arith.constant 0 : i32
      %dma_start3A_133 = tpu.memref_slice %arg10[%run_scoped3A_79, %dma_start3A] : memref<16x640xf32, #tpu.memory_space<vmem>> -> memref<1x640xf32, #tpu.memory_space<vmem>>
      %dma_start3A_134 = tpu.memref_squeeze %dma_start3A_133 : memref<1x640xf32, #tpu.memory_space<vmem>> -> memref<640xf32, #tpu.memory_space<vmem>>
      %dma_start3A_135 = tpu.memref_slice %arg20[%run_scoped3A_78, %mul3A_77] : memref<16x10240xf32, #tpu.memory_space<vmem_shared>> -> memref<1x640xf32, #tpu.memory_space<vmem_shared>>
      %dma_start3A_136 = tpu.memref_squeeze %dma_start3A_135 : memref<1x640xf32, #tpu.memory_space<vmem_shared>> -> memref<640xf32, #tpu.memory_space<vmem_shared>>
      %dma_start3A_137 = arith.constant 0 : i32
      %dma_start3A_138 = tpu.memref_slice %arg10[%run_scoped3A_79, %dma_start3A_137] : memref<16x640xf32, #tpu.memory_space<vmem>> -> memref<1x640xf32, #tpu.memory_space<vmem>>
      %dma_start3A_139 = tpu.memref_squeeze %dma_start3A_138 : memref<1x640xf32, #tpu.memory_space<vmem>> -> memref<640xf32, #tpu.memory_space<vmem>>
      %dma_start3A_140 = tpu.memref_slice %arg20[%run_scoped3A_78, %mul3A_77] : memref<16x10240xf32, #tpu.memory_space<vmem_shared>> -> memref<1x640xf32, #tpu.memory_space<vmem_shared>>
      %dma_start3A_141 = tpu.memref_squeeze %dma_start3A_140 : memref<1x640xf32, #tpu.memory_space<vmem_shared>> -> memref<640xf32, #tpu.memory_space<vmem_shared>>
      tpu.enqueue_dma source(%dma_start3A_141 : memref<640xf32, #tpu.memory_space<vmem_shared>>) target(%dma_start3A_139 : memref<640xf32, #tpu.memory_space<vmem>>) target_semaphore(%run_scoped3A_132 : memref<!tpu.dma_semaphore, #tpu.memory_space<semaphore_mem>>)
      %dma_wait3A = arith.constant 0 : i32
      %dma_wait3A_142 = tpu.memref_slice %arg10[%run_scoped3A_79, %dma_wait3A] : memref<16x640xf32, #tpu.memory_space<vmem>> -> memref<1x640xf32, #tpu.memory_space<vmem>>
      %dma_wait3A_143 = tpu.memref_squeeze %dma_wait3A_142 : memref<1x640xf32, #tpu.memory_space<vmem>> -> memref<640xf32, #tpu.memory_space<vmem>>
      %dma_wait3A_144 = tpu.memref_slice %arg20[%run_scoped3A_78, %mul3A_77] : memref<16x10240xf32, #tpu.memory_space<vmem_shared>> -> memref<1x640xf32, #tpu.memory_space<vmem_shared>>
      %dma_wait3A_145 = tpu.memref_squeeze %dma_wait3A_144 : memref<1x640xf32, #tpu.memory_space<vmem_shared>> -> memref<640xf32, #tpu.memory_space<vmem_shared>>
      %dma_wait3A_146 = arith.constant 0 : i32
      %dma_wait3A_147 = tpu.memref_slice %arg10[%run_scoped3A_79, %dma_wait3A_146] : memref<16x640xf32, #tpu.memory_space<vmem>> -> memref<1x640xf32, #tpu.memory_space<vmem>>
      %dma_wait3A_148 = tpu.memref_squeeze %dma_wait3A_147 : memref<1x640xf32, #tpu.memory_space<vmem>> -> memref<640xf32, #tpu.memory_space<vmem>>
      %dma_wait3A_149 = tpu.memref_slice %arg20[%run_scoped3A_78, %mul3A_77] : memref<16x10240xf32, #tpu.memory_space<vmem_shared>> -> memref<1x640xf32, #tpu.memory_space<vmem_shared>>
      %dma_wait3A_150 = tpu.memref_squeeze %dma_wait3A_149 : memref<1x640xf32, #tpu.memory_space<vmem_shared>> -> memref<640xf32, #tpu.memory_space<vmem_shared>>
      tpu.wait_dma2 semaphore(%run_scoped3A_132 : memref<!tpu.dma_semaphore, #tpu.memory_space<semaphore_mem>>) src(%dma_wait3A_150 : memref<640xf32, #tpu.memory_space<vmem_shared>>) dst(%dma_wait3A_148 : memref<640xf32, #tpu.memory_space<vmem>>)
      tpu.yield
    }) : () -> ()
    %mul3A_80 = arith.constant 640 : i32
    %mul3A_81 = arith.muli %arg1, %mul3A_80 : i32
    %run_scoped3A_82 = arith.constant 5 : i32
    %run_scoped3A_83 = arith.constant 5 : i32
    "tpu.region"() ({
      %run_scoped3A_132 = tpu.sem_alloc : memref<!tpu.dma_semaphore, #tpu.memory_space<semaphore_mem>>
      %dma_start3A = arith.constant 0 : i32
      %dma_start3A_133 = tpu.memref_slice %arg10[%run_scoped3A_83, %dma_start3A] : memref<16x640xf32, #tpu.memory_space<vmem>> -> memref<1x640xf32, #tpu.memory_space<vmem>>
      %dma_start3A_134 = tpu.memref_squeeze %dma_start3A_133 : memref<1x640xf32, #tpu.memory_space<vmem>> -> memref<640xf32, #tpu.memory_space<vmem>>
      %dma_start3A_135 = tpu.memref_slice %arg20[%run_scoped3A_82, %mul3A_81] : memref<16x10240xf32, #tpu.memory_space<vmem_shared>> -> memref<1x640xf32, #tpu.memory_space<vmem_shared>>
      %dma_start3A_136 = tpu.memref_squeeze %dma_start3A_135 : memref<1x640xf32, #tpu.memory_space<vmem_shared>> -> memref<640xf32, #tpu.memory_space<vmem_shared>>
      %dma_start3A_137 = arith.constant 0 : i32
      %dma_start3A_138 = tpu.memref_slice %arg10[%run_scoped3A_83, %dma_start3A_137] : memref<16x640xf32, #tpu.memory_space<vmem>> -> memref<1x640xf32, #tpu.memory_space<vmem>>
      %dma_start3A_139 = tpu.memref_squeeze %dma_start3A_138 : memref<1x640xf32, #tpu.memory_space<vmem>> -> memref<640xf32, #tpu.memory_space<vmem>>
      %dma_start3A_140 = tpu.memref_slice %arg20[%run_scoped3A_82, %mul3A_81] : memref<16x10240xf32, #tpu.memory_space<vmem_shared>> -> memref<1x640xf32, #tpu.memory_space<vmem_shared>>
      %dma_start3A_141 = tpu.memref_squeeze %dma_start3A_140 : memref<1x640xf32, #tpu.memory_space<vmem_shared>> -> memref<640xf32, #tpu.memory_space<vmem_shared>>
      tpu.enqueue_dma source(%dma_start3A_141 : memref<640xf32, #tpu.memory_space<vmem_shared>>) target(%dma_start3A_139 : memref<640xf32, #tpu.memory_space<vmem>>) target_semaphore(%run_scoped3A_132 : memref<!tpu.dma_semaphore, #tpu.memory_space<semaphore_mem>>)
      %dma_wait3A = arith.constant 0 : i32
      %dma_wait3A_142 = tpu.memref_slice %arg10[%run_scoped3A_83, %dma_wait3A] : memref<16x640xf32, #tpu.memory_space<vmem>> -> memref<1x640xf32, #tpu.memory_space<vmem>>
      %dma_wait3A_143 = tpu.memref_squeeze %dma_wait3A_142 : memref<1x640xf32, #tpu.memory_space<vmem>> -> memref<640xf32, #tpu.memory_space<vmem>>
      %dma_wait3A_144 = tpu.memref_slice %arg20[%run_scoped3A_82, %mul3A_81] : memref<16x10240xf32, #tpu.memory_space<vmem_shared>> -> memref<1x640xf32, #tpu.memory_space<vmem_shared>>
      %dma_wait3A_145 = tpu.memref_squeeze %dma_wait3A_144 : memref<1x640xf32, #tpu.memory_space<vmem_shared>> -> memref<640xf32, #tpu.memory_space<vmem_shared>>
      %dma_wait3A_146 = arith.constant 0 : i32
      %dma_wait3A_147 = tpu.memref_slice %arg10[%run_scoped3A_83, %dma_wait3A_146] : memref<16x640xf32, #tpu.memory_space<vmem>> -> memref<1x640xf32, #tpu.memory_space<vmem>>
      %dma_wait3A_148 = tpu.memref_squeeze %dma_wait3A_147 : memref<1x640xf32, #tpu.memory_space<vmem>> -> memref<640xf32, #tpu.memory_space<vmem>>
      %dma_wait3A_149 = tpu.memref_slice %arg20[%run_scoped3A_82, %mul3A_81] : memref<16x10240xf32, #tpu.memory_space<vmem_shared>> -> memref<1x640xf32, #tpu.memory_space<vmem_shared>>
      %dma_wait3A_150 = tpu.memref_squeeze %dma_wait3A_149 : memref<1x640xf32, #tpu.memory_space<vmem_shared>> -> memref<640xf32, #tpu.memory_space<vmem_shared>>
      tpu.wait_dma2 semaphore(%run_scoped3A_132 : memref<!tpu.dma_semaphore, #tpu.memory_space<semaphore_mem>>) src(%dma_wait3A_150 : memref<640xf32, #tpu.memory_space<vmem_shared>>) dst(%dma_wait3A_148 : memref<640xf32, #tpu.memory_space<vmem>>)
      tpu.yield
    }) : () -> ()
    %mul3A_84 = arith.constant 640 : i32
    %mul3A_85 = arith.muli %arg1, %mul3A_84 : i32
    %run_scoped3A_86 = arith.constant 6 : i32
    %run_scoped3A_87 = arith.constant 6 : i32
    "tpu.region"() ({
      %run_scoped3A_132 = tpu.sem_alloc : memref<!tpu.dma_semaphore, #tpu.memory_space<semaphore_mem>>
      %dma_start3A = arith.constant 0 : i32
      %dma_start3A_133 = tpu.memref_slice %arg10[%run_scoped3A_87, %dma_start3A] : memref<16x640xf32, #tpu.memory_space<vmem>> -> memref<1x640xf32, #tpu.memory_space<vmem>>
      %dma_start3A_134 = tpu.memref_squeeze %dma_start3A_133 : memref<1x640xf32, #tpu.memory_space<vmem>> -> memref<640xf32, #tpu.memory_space<vmem>>
      %dma_start3A_135 = tpu.memref_slice %arg20[%run_scoped3A_86, %mul3A_85] : memref<16x10240xf32, #tpu.memory_space<vmem_shared>> -> memref<1x640xf32, #tpu.memory_space<vmem_shared>>
      %dma_start3A_136 = tpu.memref_squeeze %dma_start3A_135 : memref<1x640xf32, #tpu.memory_space<vmem_shared>> -> memref<640xf32, #tpu.memory_space<vmem_shared>>
      %dma_start3A_137 = arith.constant 0 : i32
      %dma_start3A_138 = tpu.memref_slice %arg10[%run_scoped3A_87, %dma_start3A_137] : memref<16x640xf32, #tpu.memory_space<vmem>> -> memref<1x640xf32, #tpu.memory_space<vmem>>
      %dma_start3A_139 = tpu.memref_squeeze %dma_start3A_138 : memref<1x640xf32, #tpu.memory_space<vmem>> -> memref<640xf32, #tpu.memory_space<vmem>>
      %dma_start3A_140 = tpu.memref_slice %arg20[%run_scoped3A_86, %mul3A_85] : memref<16x10240xf32, #tpu.memory_space<vmem_shared>> -> memref<1x640xf32, #tpu.memory_space<vmem_shared>>
      %dma_start3A_141 = tpu.memref_squeeze %dma_start3A_140 : memref<1x640xf32, #tpu.memory_space<vmem_shared>> -> memref<640xf32, #tpu.memory_space<vmem_shared>>
      tpu.enqueue_dma source(%dma_start3A_141 : memref<640xf32, #tpu.memory_space<vmem_shared>>) target(%dma_start3A_139 : memref<640xf32, #tpu.memory_space<vmem>>) target_semaphore(%run_scoped3A_132 : memref<!tpu.dma_semaphore, #tpu.memory_space<semaphore_mem>>)
      %dma_wait3A = arith.constant 0 : i32
      %dma_wait3A_142 = tpu.memref_slice %arg10[%run_scoped3A_87, %dma_wait3A] : memref<16x640xf32, #tpu.memory_space<vmem>> -> memref<1x640xf32, #tpu.memory_space<vmem>>
      %dma_wait3A_143 = tpu.memref_squeeze %dma_wait3A_142 : memref<1x640xf32, #tpu.memory_space<vmem>> -> memref<640xf32, #tpu.memory_space<vmem>>
      %dma_wait3A_144 = tpu.memref_slice %arg20[%run_scoped3A_86, %mul3A_85] : memref<16x10240xf32, #tpu.memory_space<vmem_shared>> -> memref<1x640xf32, #tpu.memory_space<vmem_shared>>
      %dma_wait3A_145 = tpu.memref_squeeze %dma_wait3A_144 : memref<1x640xf32, #tpu.memory_space<vmem_shared>> -> memref<640xf32, #tpu.memory_space<vmem_shared>>
      %dma_wait3A_146 = arith.constant 0 : i32
      %dma_wait3A_147 = tpu.memref_slice %arg10[%run_scoped3A_87, %dma_wait3A_146] : memref<16x640xf32, #tpu.memory_space<vmem>> -> memref<1x640xf32, #tpu.memory_space<vmem>>
      %dma_wait3A_148 = tpu.memref_squeeze %dma_wait3A_147 : memref<1x640xf32, #tpu.memory_space<vmem>> -> memref<640xf32, #tpu.memory_space<vmem>>
      %dma_wait3A_149 = tpu.memref_slice %arg20[%run_scoped3A_86, %mul3A_85] : memref<16x10240xf32, #tpu.memory_space<vmem_shared>> -> memref<1x640xf32, #tpu.memory_space<vmem_shared>>
      %dma_wait3A_150 = tpu.memref_squeeze %dma_wait3A_149 : memref<1x640xf32, #tpu.memory_space<vmem_shared>> -> memref<640xf32, #tpu.memory_space<vmem_shared>>
      tpu.wait_dma2 semaphore(%run_scoped3A_132 : memref<!tpu.dma_semaphore, #tpu.memory_space<semaphore_mem>>) src(%dma_wait3A_150 : memref<640xf32, #tpu.memory_space<vmem_shared>>) dst(%dma_wait3A_148 : memref<640xf32, #tpu.memory_space<vmem>>)
      tpu.yield
    }) : () -> ()
    %mul3A_88 = arith.constant 640 : i32
    %mul3A_89 = arith.muli %arg1, %mul3A_88 : i32
    %run_scoped3A_90 = arith.constant 7 : i32
    %run_scoped3A_91 = arith.constant 7 : i32
    "tpu.region"() ({
      %run_scoped3A_132 = tpu.sem_alloc : memref<!tpu.dma_semaphore, #tpu.memory_space<semaphore_mem>>
      %dma_start3A = arith.constant 0 : i32
      %dma_start3A_133 = tpu.memref_slice %arg10[%run_scoped3A_91, %dma_start3A] : memref<16x640xf32, #tpu.memory_space<vmem>> -> memref<1x640xf32, #tpu.memory_space<vmem>>
      %dma_start3A_134 = tpu.memref_squeeze %dma_start3A_133 : memref<1x640xf32, #tpu.memory_space<vmem>> -> memref<640xf32, #tpu.memory_space<vmem>>
      %dma_start3A_135 = tpu.memref_slice %arg20[%run_scoped3A_90, %mul3A_89] : memref<16x10240xf32, #tpu.memory_space<vmem_shared>> -> memref<1x640xf32, #tpu.memory_space<vmem_shared>>
      %dma_start3A_136 = tpu.memref_squeeze %dma_start3A_135 : memref<1x640xf32, #tpu.memory_space<vmem_shared>> -> memref<640xf32, #tpu.memory_space<vmem_shared>>
      %dma_start3A_137 = arith.constant 0 : i32
      %dma_start3A_138 = tpu.memref_slice %arg10[%run_scoped3A_91, %dma_start3A_137] : memref<16x640xf32, #tpu.memory_space<vmem>> -> memref<1x640xf32, #tpu.memory_space<vmem>>
      %dma_start3A_139 = tpu.memref_squeeze %dma_start3A_138 : memref<1x640xf32, #tpu.memory_space<vmem>> -> memref<640xf32, #tpu.memory_space<vmem>>
      %dma_start3A_140 = tpu.memref_slice %arg20[%run_scoped3A_90, %mul3A_89] : memref<16x10240xf32, #tpu.memory_space<vmem_shared>> -> memref<1x640xf32, #tpu.memory_space<vmem_shared>>
      %dma_start3A_141 = tpu.memref_squeeze %dma_start3A_140 : memref<1x640xf32, #tpu.memory_space<vmem_shared>> -> memref<640xf32, #tpu.memory_space<vmem_shared>>
      tpu.enqueue_dma source(%dma_start3A_141 : memref<640xf32, #tpu.memory_space<vmem_shared>>) target(%dma_start3A_139 : memref<640xf32, #tpu.memory_space<vmem>>) target_semaphore(%run_scoped3A_132 : memref<!tpu.dma_semaphore, #tpu.memory_space<semaphore_mem>>)
      %dma_wait3A = arith.constant 0 : i32
      %dma_wait3A_142 = tpu.memref_slice %arg10[%run_scoped3A_91, %dma_wait3A] : memref<16x640xf32, #tpu.memory_space<vmem>> -> memref<1x640xf32, #tpu.memory_space<vmem>>
      %dma_wait3A_143 = tpu.memref_squeeze %dma_wait3A_142 : memref<1x640xf32, #tpu.memory_space<vmem>> -> memref<640xf32, #tpu.memory_space<vmem>>
      %dma_wait3A_144 = tpu.memref_slice %arg20[%run_scoped3A_90, %mul3A_89] : memref<16x10240xf32, #tpu.memory_space<vmem_shared>> -> memref<1x640xf32, #tpu.memory_space<vmem_shared>>
      %dma_wait3A_145 = tpu.memref_squeeze %dma_wait3A_144 : memref<1x640xf32, #tpu.memory_space<vmem_shared>> -> memref<640xf32, #tpu.memory_space<vmem_shared>>
      %dma_wait3A_146 = arith.constant 0 : i32
      %dma_wait3A_147 = tpu.memref_slice %arg10[%run_scoped3A_91, %dma_wait3A_146] : memref<16x640xf32, #tpu.memory_space<vmem>> -> memref<1x640xf32, #tpu.memory_space<vmem>>
      %dma_wait3A_148 = tpu.memref_squeeze %dma_wait3A_147 : memref<1x640xf32, #tpu.memory_space<vmem>> -> memref<640xf32, #tpu.memory_space<vmem>>
      %dma_wait3A_149 = tpu.memref_slice %arg20[%run_scoped3A_90, %mul3A_89] : memref<16x10240xf32, #tpu.memory_space<vmem_shared>> -> memref<1x640xf32, #tpu.memory_space<vmem_shared>>
      %dma_wait3A_150 = tpu.memref_squeeze %dma_wait3A_149 : memref<1x640xf32, #tpu.memory_space<vmem_shared>> -> memref<640xf32, #tpu.memory_space<vmem_shared>>
      tpu.wait_dma2 semaphore(%run_scoped3A_132 : memref<!tpu.dma_semaphore, #tpu.memory_space<semaphore_mem>>) src(%dma_wait3A_150 : memref<640xf32, #tpu.memory_space<vmem_shared>>) dst(%dma_wait3A_148 : memref<640xf32, #tpu.memory_space<vmem>>)
      tpu.yield
    }) : () -> ()
    %mul3A_92 = arith.constant 640 : i32
    %mul3A_93 = arith.muli %arg1, %mul3A_92 : i32
    %run_scoped3A_94 = arith.constant 8 : i32
    %run_scoped3A_95 = arith.constant 8 : i32
    "tpu.region"() ({
      %run_scoped3A_132 = tpu.sem_alloc : memref<!tpu.dma_semaphore, #tpu.memory_space<semaphore_mem>>
      %dma_start3A = arith.constant 0 : i32
      %dma_start3A_133 = tpu.memref_slice %arg10[%run_scoped3A_95, %dma_start3A] : memref<16x640xf32, #tpu.memory_space<vmem>> -> memref<1x640xf32, #tpu.memory_space<vmem>>
      %dma_start3A_134 = tpu.memref_squeeze %dma_start3A_133 : memref<1x640xf32, #tpu.memory_space<vmem>> -> memref<640xf32, #tpu.memory_space<vmem>>
      %dma_start3A_135 = tpu.memref_slice %arg20[%run_scoped3A_94, %mul3A_93] : memref<16x10240xf32, #tpu.memory_space<vmem_shared>> -> memref<1x640xf32, #tpu.memory_space<vmem_shared>>
      %dma_start3A_136 = tpu.memref_squeeze %dma_start3A_135 : memref<1x640xf32, #tpu.memory_space<vmem_shared>> -> memref<640xf32, #tpu.memory_space<vmem_shared>>
      %dma_start3A_137 = arith.constant 0 : i32
      %dma_start3A_138 = tpu.memref_slice %arg10[%run_scoped3A_95, %dma_start3A_137] : memref<16x640xf32, #tpu.memory_space<vmem>> -> memref<1x640xf32, #tpu.memory_space<vmem>>
      %dma_start3A_139 = tpu.memref_squeeze %dma_start3A_138 : memref<1x640xf32, #tpu.memory_space<vmem>> -> memref<640xf32, #tpu.memory_space<vmem>>
      %dma_start3A_140 = tpu.memref_slice %arg20[%run_scoped3A_94, %mul3A_93] : memref<16x10240xf32, #tpu.memory_space<vmem_shared>> -> memref<1x640xf32, #tpu.memory_space<vmem_shared>>
      %dma_start3A_141 = tpu.memref_squeeze %dma_start3A_140 : memref<1x640xf32, #tpu.memory_space<vmem_shared>> -> memref<640xf32, #tpu.memory_space<vmem_shared>>
      tpu.enqueue_dma source(%dma_start3A_141 : memref<640xf32, #tpu.memory_space<vmem_shared>>) target(%dma_start3A_139 : memref<640xf32, #tpu.memory_space<vmem>>) target_semaphore(%run_scoped3A_132 : memref<!tpu.dma_semaphore, #tpu.memory_space<semaphore_mem>>)
      %dma_wait3A = arith.constant 0 : i32
      %dma_wait3A_142 = tpu.memref_slice %arg10[%run_scoped3A_95, %dma_wait3A] : memref<16x640xf32, #tpu.memory_space<vmem>> -> memref<1x640xf32, #tpu.memory_space<vmem>>
      %dma_wait3A_143 = tpu.memref_squeeze %dma_wait3A_142 : memref<1x640xf32, #tpu.memory_space<vmem>> -> memref<640xf32, #tpu.memory_space<vmem>>
      %dma_wait3A_144 = tpu.memref_slice %arg20[%run_scoped3A_94, %mul3A_93] : memref<16x10240xf32, #tpu.memory_space<vmem_shared>> -> memref<1x640xf32, #tpu.memory_space<vmem_shared>>
      %dma_wait3A_145 = tpu.memref_squeeze %dma_wait3A_144 : memref<1x640xf32, #tpu.memory_space<vmem_shared>> -> memref<640xf32, #tpu.memory_space<vmem_shared>>
      %dma_wait3A_146 = arith.constant 0 : i32
      %dma_wait3A_147 = tpu.memref_slice %arg10[%run_scoped3A_95, %dma_wait3A_146] : memref<16x640xf32, #tpu.memory_space<vmem>> -> memref<1x640xf32, #tpu.memory_space<vmem>>
      %dma_wait3A_148 = tpu.memref_squeeze %dma_wait3A_147 : memref<1x640xf32, #tpu.memory_space<vmem>> -> memref<640xf32, #tpu.memory_space<vmem>>
      %dma_wait3A_149 = tpu.memref_slice %arg20[%run_scoped3A_94, %mul3A_93] : memref<16x10240xf32, #tpu.memory_space<vmem_shared>> -> memref<1x640xf32, #tpu.memory_space<vmem_shared>>
      %dma_wait3A_150 = tpu.memref_squeeze %dma_wait3A_149 : memref<1x640xf32, #tpu.memory_space<vmem_shared>> -> memref<640xf32, #tpu.memory_space<vmem_shared>>
      tpu.wait_dma2 semaphore(%run_scoped3A_132 : memref<!tpu.dma_semaphore, #tpu.memory_space<semaphore_mem>>) src(%dma_wait3A_150 : memref<640xf32, #tpu.memory_space<vmem_shared>>) dst(%dma_wait3A_148 : memref<640xf32, #tpu.memory_space<vmem>>)
      tpu.yield
    }) : () -> ()
    %mul3A_96 = arith.constant 640 : i32
    %mul3A_97 = arith.muli %arg1, %mul3A_96 : i32
    %run_scoped3A_98 = arith.constant 9 : i32
    %run_scoped3A_99 = arith.constant 9 : i32
    "tpu.region"() ({
      %run_scoped3A_132 = tpu.sem_alloc : memref<!tpu.dma_semaphore, #tpu.memory_space<semaphore_mem>>
      %dma_start3A = arith.constant 0 : i32
      %dma_start3A_133 = tpu.memref_slice %arg10[%run_scoped3A_99, %dma_start3A] : memref<16x640xf32, #tpu.memory_space<vmem>> -> memref<1x640xf32, #tpu.memory_space<vmem>>
      %dma_start3A_134 = tpu.memref_squeeze %dma_start3A_133 : memref<1x640xf32, #tpu.memory_space<vmem>> -> memref<640xf32, #tpu.memory_space<vmem>>
      %dma_start3A_135 = tpu.memref_slice %arg20[%run_scoped3A_98, %mul3A_97] : memref<16x10240xf32, #tpu.memory_space<vmem_shared>> -> memref<1x640xf32, #tpu.memory_space<vmem_shared>>
      %dma_start3A_136 = tpu.memref_squeeze %dma_start3A_135 : memref<1x640xf32, #tpu.memory_space<vmem_shared>> -> memref<640xf32, #tpu.memory_space<vmem_shared>>
      %dma_start3A_137 = arith.constant 0 : i32
      %dma_start3A_138 = tpu.memref_slice %arg10[%run_scoped3A_99, %dma_start3A_137] : memref<16x640xf32, #tpu.memory_space<vmem>> -> memref<1x640xf32, #tpu.memory_space<vmem>>
      %dma_start3A_139 = tpu.memref_squeeze %dma_start3A_138 : memref<1x640xf32, #tpu.memory_space<vmem>> -> memref<640xf32, #tpu.memory_space<vmem>>
      %dma_start3A_140 = tpu.memref_slice %arg20[%run_scoped3A_98, %mul3A_97] : memref<16x10240xf32, #tpu.memory_space<vmem_shared>> -> memref<1x640xf32, #tpu.memory_space<vmem_shared>>
      %dma_start3A_141 = tpu.memref_squeeze %dma_start3A_140 : memref<1x640xf32, #tpu.memory_space<vmem_shared>> -> memref<640xf32, #tpu.memory_space<vmem_shared>>
      tpu.enqueue_dma source(%dma_start3A_141 : memref<640xf32, #tpu.memory_space<vmem_shared>>) target(%dma_start3A_139 : memref<640xf32, #tpu.memory_space<vmem>>) target_semaphore(%run_scoped3A_132 : memref<!tpu.dma_semaphore, #tpu.memory_space<semaphore_mem>>)
      %dma_wait3A = arith.constant 0 : i32
      %dma_wait3A_142 = tpu.memref_slice %arg10[%run_scoped3A_99, %dma_wait3A] : memref<16x640xf32, #tpu.memory_space<vmem>> -> memref<1x640xf32, #tpu.memory_space<vmem>>
      %dma_wait3A_143 = tpu.memref_squeeze %dma_wait3A_142 : memref<1x640xf32, #tpu.memory_space<vmem>> -> memref<640xf32, #tpu.memory_space<vmem>>
      %dma_wait3A_144 = tpu.memref_slice %arg20[%run_scoped3A_98, %mul3A_97] : memref<16x10240xf32, #tpu.memory_space<vmem_shared>> -> memref<1x640xf32, #tpu.memory_space<vmem_shared>>
      %dma_wait3A_145 = tpu.memref_squeeze %dma_wait3A_144 : memref<1x640xf32, #tpu.memory_space<vmem_shared>> -> memref<640xf32, #tpu.memory_space<vmem_shared>>
      %dma_wait3A_146 = arith.constant 0 : i32
      %dma_wait3A_147 = tpu.memref_slice %arg10[%run_scoped3A_99, %dma_wait3A_146] : memref<16x640xf32, #tpu.memory_space<vmem>> -> memref<1x640xf32, #tpu.memory_space<vmem>>
      %dma_wait3A_148 = tpu.memref_squeeze %dma_wait3A_147 : memref<1x640xf32, #tpu.memory_space<vmem>> -> memref<640xf32, #tpu.memory_space<vmem>>
      %dma_wait3A_149 = tpu.memref_slice %arg20[%run_scoped3A_98, %mul3A_97] : memref<16x10240xf32, #tpu.memory_space<vmem_shared>> -> memref<1x640xf32, #tpu.memory_space<vmem_shared>>
      %dma_wait3A_150 = tpu.memref_squeeze %dma_wait3A_149 : memref<1x640xf32, #tpu.memory_space<vmem_shared>> -> memref<640xf32, #tpu.memory_space<vmem_shared>>
      tpu.wait_dma2 semaphore(%run_scoped3A_132 : memref<!tpu.dma_semaphore, #tpu.memory_space<semaphore_mem>>) src(%dma_wait3A_150 : memref<640xf32, #tpu.memory_space<vmem_shared>>) dst(%dma_wait3A_148 : memref<640xf32, #tpu.memory_space<vmem>>)
      tpu.yield
    }) : () -> ()
    %mul3A_100 = arith.constant 640 : i32
    %mul3A_101 = arith.muli %arg1, %mul3A_100 : i32
    %run_scoped3A_102 = arith.constant 10 : i32
    %run_scoped3A_103 = arith.constant 10 : i32
    "tpu.region"() ({
      %run_scoped3A_132 = tpu.sem_alloc : memref<!tpu.dma_semaphore, #tpu.memory_space<semaphore_mem>>
      %dma_start3A = arith.constant 0 : i32
      %dma_start3A_133 = tpu.memref_slice %arg10[%run_scoped3A_103, %dma_start3A] : memref<16x640xf32, #tpu.memory_space<vmem>> -> memref<1x640xf32, #tpu.memory_space<vmem>>
      %dma_start3A_134 = tpu.memref_squeeze %dma_start3A_133 : memref<1x640xf32, #tpu.memory_space<vmem>> -> memref<640xf32, #tpu.memory_space<vmem>>
      %dma_start3A_135 = tpu.memref_slice %arg20[%run_scoped3A_102, %mul3A_101] : memref<16x10240xf32, #tpu.memory_space<vmem_shared>> -> memref<1x640xf32, #tpu.memory_space<vmem_shared>>
      %dma_start3A_136 = tpu.memref_squeeze %dma_start3A_135 : memref<1x640xf32, #tpu.memory_space<vmem_shared>> -> memref<640xf32, #tpu.memory_space<vmem_shared>>
      %dma_start3A_137 = arith.constant 0 : i32
      %dma_start3A_138 = tpu.memref_slice %arg10[%run_scoped3A_103, %dma_start3A_137] : memref<16x640xf32, #tpu.memory_space<vmem>> -> memref<1x640xf32, #tpu.memory_space<vmem>>
      %dma_start3A_139 = tpu.memref_squeeze %dma_start3A_138 : memref<1x640xf32, #tpu.memory_space<vmem>> -> memref<640xf32, #tpu.memory_space<vmem>>
      %dma_start3A_140 = tpu.memref_slice %arg20[%run_scoped3A_102, %mul3A_101] : memref<16x10240xf32, #tpu.memory_space<vmem_shared>> -> memref<1x640xf32, #tpu.memory_space<vmem_shared>>
      %dma_start3A_141 = tpu.memref_squeeze %dma_start3A_140 : memref<1x640xf32, #tpu.memory_space<vmem_shared>> -> memref<640xf32, #tpu.memory_space<vmem_shared>>
      tpu.enqueue_dma source(%dma_start3A_141 : memref<640xf32, #tpu.memory_space<vmem_shared>>) target(%dma_start3A_139 : memref<640xf32, #tpu.memory_space<vmem>>) target_semaphore(%run_scoped3A_132 : memref<!tpu.dma_semaphore, #tpu.memory_space<semaphore_mem>>)
      %dma_wait3A = arith.constant 0 : i32
      %dma_wait3A_142 = tpu.memref_slice %arg10[%run_scoped3A_103, %dma_wait3A] : memref<16x640xf32, #tpu.memory_space<vmem>> -> memref<1x640xf32, #tpu.memory_space<vmem>>
      %dma_wait3A_143 = tpu.memref_squeeze %dma_wait3A_142 : memref<1x640xf32, #tpu.memory_space<vmem>> -> memref<640xf32, #tpu.memory_space<vmem>>
      %dma_wait3A_144 = tpu.memref_slice %arg20[%run_scoped3A_102, %mul3A_101] : memref<16x10240xf32, #tpu.memory_space<vmem_shared>> -> memref<1x640xf32, #tpu.memory_space<vmem_shared>>
      %dma_wait3A_145 = tpu.memref_squeeze %dma_wait3A_144 : memref<1x640xf32, #tpu.memory_space<vmem_shared>> -> memref<640xf32, #tpu.memory_space<vmem_shared>>
      %dma_wait3A_146 = arith.constant 0 : i32
      %dma_wait3A_147 = tpu.memref_slice %arg10[%run_scoped3A_103, %dma_wait3A_146] : memref<16x640xf32, #tpu.memory_space<vmem>> -> memref<1x640xf32, #tpu.memory_space<vmem>>
      %dma_wait3A_148 = tpu.memref_squeeze %dma_wait3A_147 : memref<1x640xf32, #tpu.memory_space<vmem>> -> memref<640xf32, #tpu.memory_space<vmem>>
      %dma_wait3A_149 = tpu.memref_slice %arg20[%run_scoped3A_102, %mul3A_101] : memref<16x10240xf32, #tpu.memory_space<vmem_shared>> -> memref<1x640xf32, #tpu.memory_space<vmem_shared>>
      %dma_wait3A_150 = tpu.memref_squeeze %dma_wait3A_149 : memref<1x640xf32, #tpu.memory_space<vmem_shared>> -> memref<640xf32, #tpu.memory_space<vmem_shared>>
      tpu.wait_dma2 semaphore(%run_scoped3A_132 : memref<!tpu.dma_semaphore, #tpu.memory_space<semaphore_mem>>) src(%dma_wait3A_150 : memref<640xf32, #tpu.memory_space<vmem_shared>>) dst(%dma_wait3A_148 : memref<640xf32, #tpu.memory_space<vmem>>)
      tpu.yield
    }) : () -> ()
    %mul3A_104 = arith.constant 640 : i32
    %mul3A_105 = arith.muli %arg1, %mul3A_104 : i32
    %run_scoped3A_106 = arith.constant 11 : i32
    %run_scoped3A_107 = arith.constant 11 : i32
    "tpu.region"() ({
      %run_scoped3A_132 = tpu.sem_alloc : memref<!tpu.dma_semaphore, #tpu.memory_space<semaphore_mem>>
      %dma_start3A = arith.constant 0 : i32
      %dma_start3A_133 = tpu.memref_slice %arg10[%run_scoped3A_107, %dma_start3A] : memref<16x640xf32, #tpu.memory_space<vmem>> -> memref<1x640xf32, #tpu.memory_space<vmem>>
      %dma_start3A_134 = tpu.memref_squeeze %dma_start3A_133 : memref<1x640xf32, #tpu.memory_space<vmem>> -> memref<640xf32, #tpu.memory_space<vmem>>
      %dma_start3A_135 = tpu.memref_slice %arg20[%run_scoped3A_106, %mul3A_105] : memref<16x10240xf32, #tpu.memory_space<vmem_shared>> -> memref<1x640xf32, #tpu.memory_space<vmem_shared>>
      %dma_start3A_136 = tpu.memref_squeeze %dma_start3A_135 : memref<1x640xf32, #tpu.memory_space<vmem_shared>> -> memref<640xf32, #tpu.memory_space<vmem_shared>>
      %dma_start3A_137 = arith.constant 0 : i32
      %dma_start3A_138 = tpu.memref_slice %arg10[%run_scoped3A_107, %dma_start3A_137] : memref<16x640xf32, #tpu.memory_space<vmem>> -> memref<1x640xf32, #tpu.memory_space<vmem>>
      %dma_start3A_139 = tpu.memref_squeeze %dma_start3A_138 : memref<1x640xf32, #tpu.memory_space<vmem>> -> memref<640xf32, #tpu.memory_space<vmem>>
      %dma_start3A_140 = tpu.memref_slice %arg20[%run_scoped3A_106, %mul3A_105] : memref<16x10240xf32, #tpu.memory_space<vmem_shared>> -> memref<1x640xf32, #tpu.memory_space<vmem_shared>>
      %dma_start3A_141 = tpu.memref_squeeze %dma_start3A_140 : memref<1x640xf32, #tpu.memory_space<vmem_shared>> -> memref<640xf32, #tpu.memory_space<vmem_shared>>
      tpu.enqueue_dma source(%dma_start3A_141 : memref<640xf32, #tpu.memory_space<vmem_shared>>) target(%dma_start3A_139 : memref<640xf32, #tpu.memory_space<vmem>>) target_semaphore(%run_scoped3A_132 : memref<!tpu.dma_semaphore, #tpu.memory_space<semaphore_mem>>)
      %dma_wait3A = arith.constant 0 : i32
      %dma_wait3A_142 = tpu.memref_slice %arg10[%run_scoped3A_107, %dma_wait3A] : memref<16x640xf32, #tpu.memory_space<vmem>> -> memref<1x640xf32, #tpu.memory_space<vmem>>
      %dma_wait3A_143 = tpu.memref_squeeze %dma_wait3A_142 : memref<1x640xf32, #tpu.memory_space<vmem>> -> memref<640xf32, #tpu.memory_space<vmem>>
      %dma_wait3A_144 = tpu.memref_slice %arg20[%run_scoped3A_106, %mul3A_105] : memref<16x10240xf32, #tpu.memory_space<vmem_shared>> -> memref<1x640xf32, #tpu.memory_space<vmem_shared>>
      %dma_wait3A_145 = tpu.memref_squeeze %dma_wait3A_144 : memref<1x640xf32, #tpu.memory_space<vmem_shared>> -> memref<640xf32, #tpu.memory_space<vmem_shared>>
      %dma_wait3A_146 = arith.constant 0 : i32
      %dma_wait3A_147 = tpu.memref_slice %arg10[%run_scoped3A_107, %dma_wait3A_146] : memref<16x640xf32, #tpu.memory_space<vmem>> -> memref<1x640xf32, #tpu.memory_space<vmem>>
      %dma_wait3A_148 = tpu.memref_squeeze %dma_wait3A_147 : memref<1x640xf32, #tpu.memory_space<vmem>> -> memref<640xf32, #tpu.memory_space<vmem>>
      %dma_wait3A_149 = tpu.memref_slice %arg20[%run_scoped3A_106, %mul3A_105] : memref<16x10240xf32, #tpu.memory_space<vmem_shared>> -> memref<1x640xf32, #tpu.memory_space<vmem_shared>>
      %dma_wait3A_150 = tpu.memref_squeeze %dma_wait3A_149 : memref<1x640xf32, #tpu.memory_space<vmem_shared>> -> memref<640xf32, #tpu.memory_space<vmem_shared>>
      tpu.wait_dma2 semaphore(%run_scoped3A_132 : memref<!tpu.dma_semaphore, #tpu.memory_space<semaphore_mem>>) src(%dma_wait3A_150 : memref<640xf32, #tpu.memory_space<vmem_shared>>) dst(%dma_wait3A_148 : memref<640xf32, #tpu.memory_space<vmem>>)
      tpu.yield
    }) : () -> ()
    %mul3A_108 = arith.constant 640 : i32
    %mul3A_109 = arith.muli %arg1, %mul3A_108 : i32
    %run_scoped3A_110 = arith.constant 12 : i32
    %run_scoped3A_111 = arith.constant 12 : i32
    "tpu.region"() ({
      %run_scoped3A_132 = tpu.sem_alloc : memref<!tpu.dma_semaphore, #tpu.memory_space<semaphore_mem>>
      %dma_start3A = arith.constant 0 : i32
      %dma_start3A_133 = tpu.memref_slice %arg10[%run_scoped3A_111, %dma_start3A] : memref<16x640xf32, #tpu.memory_space<vmem>> -> memref<1x640xf32, #tpu.memory_space<vmem>>
      %dma_start3A_134 = tpu.memref_squeeze %dma_start3A_133 : memref<1x640xf32, #tpu.memory_space<vmem>> -> memref<640xf32, #tpu.memory_space<vmem>>
      %dma_start3A_135 = tpu.memref_slice %arg20[%run_scoped3A_110, %mul3A_109] : memref<16x10240xf32, #tpu.memory_space<vmem_shared>> -> memref<1x640xf32, #tpu.memory_space<vmem_shared>>
      %dma_start3A_136 = tpu.memref_squeeze %dma_start3A_135 : memref<1x640xf32, #tpu.memory_space<vmem_shared>> -> memref<640xf32, #tpu.memory_space<vmem_shared>>
      %dma_start3A_137 = arith.constant 0 : i32
      %dma_start3A_138 = tpu.memref_slice %arg10[%run_scoped3A_111, %dma_start3A_137] : memref<16x640xf32, #tpu.memory_space<vmem>> -> memref<1x640xf32, #tpu.memory_space<vmem>>
      %dma_start3A_139 = tpu.memref_squeeze %dma_start3A_138 : memref<1x640xf32, #tpu.memory_space<vmem>> -> memref<640xf32, #tpu.memory_space<vmem>>
      %dma_start3A_140 = tpu.memref_slice %arg20[%run_scoped3A_110, %mul3A_109] : memref<16x10240xf32, #tpu.memory_space<vmem_shared>> -> memref<1x640xf32, #tpu.memory_space<vmem_shared>>
      %dma_start3A_141 = tpu.memref_squeeze %dma_start3A_140 : memref<1x640xf32, #tpu.memory_space<vmem_shared>> -> memref<640xf32, #tpu.memory_space<vmem_shared>>
      tpu.enqueue_dma source(%dma_start3A_141 : memref<640xf32, #tpu.memory_space<vmem_shared>>) target(%dma_start3A_139 : memref<640xf32, #tpu.memory_space<vmem>>) target_semaphore(%run_scoped3A_132 : memref<!tpu.dma_semaphore, #tpu.memory_space<semaphore_mem>>)
      %dma_wait3A = arith.constant 0 : i32
      %dma_wait3A_142 = tpu.memref_slice %arg10[%run_scoped3A_111, %dma_wait3A] : memref<16x640xf32, #tpu.memory_space<vmem>> -> memref<1x640xf32, #tpu.memory_space<vmem>>
      %dma_wait3A_143 = tpu.memref_squeeze %dma_wait3A_142 : memref<1x640xf32, #tpu.memory_space<vmem>> -> memref<640xf32, #tpu.memory_space<vmem>>
      %dma_wait3A_144 = tpu.memref_slice %arg20[%run_scoped3A_110, %mul3A_109] : memref<16x10240xf32, #tpu.memory_space<vmem_shared>> -> memref<1x640xf32, #tpu.memory_space<vmem_shared>>
      %dma_wait3A_145 = tpu.memref_squeeze %dma_wait3A_144 : memref<1x640xf32, #tpu.memory_space<vmem_shared>> -> memref<640xf32, #tpu.memory_space<vmem_shared>>
      %dma_wait3A_146 = arith.constant 0 : i32
      %dma_wait3A_147 = tpu.memref_slice %arg10[%run_scoped3A_111, %dma_wait3A_146] : memref<16x640xf32, #tpu.memory_space<vmem>> -> memref<1x640xf32, #tpu.memory_space<vmem>>
      %dma_wait3A_148 = tpu.memref_squeeze %dma_wait3A_147 : memref<1x640xf32, #tpu.memory_space<vmem>> -> memref<640xf32, #tpu.memory_space<vmem>>
      %dma_wait3A_149 = tpu.memref_slice %arg20[%run_scoped3A_110, %mul3A_109] : memref<16x10240xf32, #tpu.memory_space<vmem_shared>> -> memref<1x640xf32, #tpu.memory_space<vmem_shared>>
      %dma_wait3A_150 = tpu.memref_squeeze %dma_wait3A_149 : memref<1x640xf32, #tpu.memory_space<vmem_shared>> -> memref<640xf32, #tpu.memory_space<vmem_shared>>
      tpu.wait_dma2 semaphore(%run_scoped3A_132 : memref<!tpu.dma_semaphore, #tpu.memory_space<semaphore_mem>>) src(%dma_wait3A_150 : memref<640xf32, #tpu.memory_space<vmem_shared>>) dst(%dma_wait3A_148 : memref<640xf32, #tpu.memory_space<vmem>>)
      tpu.yield
    }) : () -> ()
    %mul3A_112 = arith.constant 640 : i32
    %mul3A_113 = arith.muli %arg1, %mul3A_112 : i32
    %run_scoped3A_114 = arith.constant 13 : i32
    %run_scoped3A_115 = arith.constant 13 : i32
    "tpu.region"() ({
      %run_scoped3A_132 = tpu.sem_alloc : memref<!tpu.dma_semaphore, #tpu.memory_space<semaphore_mem>>
      %dma_start3A = arith.constant 0 : i32
      %dma_start3A_133 = tpu.memref_slice %arg10[%run_scoped3A_115, %dma_start3A] : memref<16x640xf32, #tpu.memory_space<vmem>> -> memref<1x640xf32, #tpu.memory_space<vmem>>
      %dma_start3A_134 = tpu.memref_squeeze %dma_start3A_133 : memref<1x640xf32, #tpu.memory_space<vmem>> -> memref<640xf32, #tpu.memory_space<vmem>>
      %dma_start3A_135 = tpu.memref_slice %arg20[%run_scoped3A_114, %mul3A_113] : memref<16x10240xf32, #tpu.memory_space<vmem_shared>> -> memref<1x640xf32, #tpu.memory_space<vmem_shared>>
      %dma_start3A_136 = tpu.memref_squeeze %dma_start3A_135 : memref<1x640xf32, #tpu.memory_space<vmem_shared>> -> memref<640xf32, #tpu.memory_space<vmem_shared>>
      %dma_start3A_137 = arith.constant 0 : i32
      %dma_start3A_138 = tpu.memref_slice %arg10[%run_scoped3A_115, %dma_start3A_137] : memref<16x640xf32, #tpu.memory_space<vmem>> -> memref<1x640xf32, #tpu.memory_space<vmem>>
      %dma_start3A_139 = tpu.memref_squeeze %dma_start3A_138 : memref<1x640xf32, #tpu.memory_space<vmem>> -> memref<640xf32, #tpu.memory_space<vmem>>
      %dma_start3A_140 = tpu.memref_slice %arg20[%run_scoped3A_114, %mul3A_113] : memref<16x10240xf32, #tpu.memory_space<vmem_shared>> -> memref<1x640xf32, #tpu.memory_space<vmem_shared>>
      %dma_start3A_141 = tpu.memref_squeeze %dma_start3A_140 : memref<1x640xf32, #tpu.memory_space<vmem_shared>> -> memref<640xf32, #tpu.memory_space<vmem_shared>>
      tpu.enqueue_dma source(%dma_start3A_141 : memref<640xf32, #tpu.memory_space<vmem_shared>>) target(%dma_start3A_139 : memref<640xf32, #tpu.memory_space<vmem>>) target_semaphore(%run_scoped3A_132 : memref<!tpu.dma_semaphore, #tpu.memory_space<semaphore_mem>>)
      %dma_wait3A = arith.constant 0 : i32
      %dma_wait3A_142 = tpu.memref_slice %arg10[%run_scoped3A_115, %dma_wait3A] : memref<16x640xf32, #tpu.memory_space<vmem>> -> memref<1x640xf32, #tpu.memory_space<vmem>>
      %dma_wait3A_143 = tpu.memref_squeeze %dma_wait3A_142 : memref<1x640xf32, #tpu.memory_space<vmem>> -> memref<640xf32, #tpu.memory_space<vmem>>
      %dma_wait3A_144 = tpu.memref_slice %arg20[%run_scoped3A_114, %mul3A_113] : memref<16x10240xf32, #tpu.memory_space<vmem_shared>> -> memref<1x640xf32, #tpu.memory_space<vmem_shared>>
      %dma_wait3A_145 = tpu.memref_squeeze %dma_wait3A_144 : memref<1x640xf32, #tpu.memory_space<vmem_shared>> -> memref<640xf32, #tpu.memory_space<vmem_shared>>
      %dma_wait3A_146 = arith.constant 0 : i32
      %dma_wait3A_147 = tpu.memref_slice %arg10[%run_scoped3A_115, %dma_wait3A_146] : memref<16x640xf32, #tpu.memory_space<vmem>> -> memref<1x640xf32, #tpu.memory_space<vmem>>
      %dma_wait3A_148 = tpu.memref_squeeze %dma_wait3A_147 : memref<1x640xf32, #tpu.memory_space<vmem>> -> memref<640xf32, #tpu.memory_space<vmem>>
      %dma_wait3A_149 = tpu.memref_slice %arg20[%run_scoped3A_114, %mul3A_113] : memref<16x10240xf32, #tpu.memory_space<vmem_shared>> -> memref<1x640xf32, #tpu.memory_space<vmem_shared>>
      %dma_wait3A_150 = tpu.memref_squeeze %dma_wait3A_149 : memref<1x640xf32, #tpu.memory_space<vmem_shared>> -> memref<640xf32, #tpu.memory_space<vmem_shared>>
      tpu.wait_dma2 semaphore(%run_scoped3A_132 : memref<!tpu.dma_semaphore, #tpu.memory_space<semaphore_mem>>) src(%dma_wait3A_150 : memref<640xf32, #tpu.memory_space<vmem_shared>>) dst(%dma_wait3A_148 : memref<640xf32, #tpu.memory_space<vmem>>)
      tpu.yield
    }) : () -> ()
    %mul3A_116 = arith.constant 640 : i32
    %mul3A_117 = arith.muli %arg1, %mul3A_116 : i32
    %run_scoped3A_118 = arith.constant 14 : i32
    %run_scoped3A_119 = arith.constant 14 : i32
    "tpu.region"() ({
      %run_scoped3A_132 = tpu.sem_alloc : memref<!tpu.dma_semaphore, #tpu.memory_space<semaphore_mem>>
      %dma_start3A = arith.constant 0 : i32
      %dma_start3A_133 = tpu.memref_slice %arg10[%run_scoped3A_119, %dma_start3A] : memref<16x640xf32, #tpu.memory_space<vmem>> -> memref<1x640xf32, #tpu.memory_space<vmem>>
      %dma_start3A_134 = tpu.memref_squeeze %dma_start3A_133 : memref<1x640xf32, #tpu.memory_space<vmem>> -> memref<640xf32, #tpu.memory_space<vmem>>
      %dma_start3A_135 = tpu.memref_slice %arg20[%run_scoped3A_118, %mul3A_117] : memref<16x10240xf32, #tpu.memory_space<vmem_shared>> -> memref<1x640xf32, #tpu.memory_space<vmem_shared>>
      %dma_start3A_136 = tpu.memref_squeeze %dma_start3A_135 : memref<1x640xf32, #tpu.memory_space<vmem_shared>> -> memref<640xf32, #tpu.memory_space<vmem_shared>>
      %dma_start3A_137 = arith.constant 0 : i32
      %dma_start3A_138 = tpu.memref_slice %arg10[%run_scoped3A_119, %dma_start3A_137] : memref<16x640xf32, #tpu.memory_space<vmem>> -> memref<1x640xf32, #tpu.memory_space<vmem>>
      %dma_start3A_139 = tpu.memref_squeeze %dma_start3A_138 : memref<1x640xf32, #tpu.memory_space<vmem>> -> memref<640xf32, #tpu.memory_space<vmem>>
      %dma_start3A_140 = tpu.memref_slice %arg20[%run_scoped3A_118, %mul3A_117] : memref<16x10240xf32, #tpu.memory_space<vmem_shared>> -> memref<1x640xf32, #tpu.memory_space<vmem_shared>>
      %dma_start3A_141 = tpu.memref_squeeze %dma_start3A_140 : memref<1x640xf32, #tpu.memory_space<vmem_shared>> -> memref<640xf32, #tpu.memory_space<vmem_shared>>
      tpu.enqueue_dma source(%dma_start3A_141 : memref<640xf32, #tpu.memory_space<vmem_shared>>) target(%dma_start3A_139 : memref<640xf32, #tpu.memory_space<vmem>>) target_semaphore(%run_scoped3A_132 : memref<!tpu.dma_semaphore, #tpu.memory_space<semaphore_mem>>)
      %dma_wait3A = arith.constant 0 : i32
      %dma_wait3A_142 = tpu.memref_slice %arg10[%run_scoped3A_119, %dma_wait3A] : memref<16x640xf32, #tpu.memory_space<vmem>> -> memref<1x640xf32, #tpu.memory_space<vmem>>
      %dma_wait3A_143 = tpu.memref_squeeze %dma_wait3A_142 : memref<1x640xf32, #tpu.memory_space<vmem>> -> memref<640xf32, #tpu.memory_space<vmem>>
      %dma_wait3A_144 = tpu.memref_slice %arg20[%run_scoped3A_118, %mul3A_117] : memref<16x10240xf32, #tpu.memory_space<vmem_shared>> -> memref<1x640xf32, #tpu.memory_space<vmem_shared>>
      %dma_wait3A_145 = tpu.memref_squeeze %dma_wait3A_144 : memref<1x640xf32, #tpu.memory_space<vmem_shared>> -> memref<640xf32, #tpu.memory_space<vmem_shared>>
      %dma_wait3A_146 = arith.constant 0 : i32
      %dma_wait3A_147 = tpu.memref_slice %arg10[%run_scoped3A_119, %dma_wait3A_146] : memref<16x640xf32, #tpu.memory_space<vmem>> -> memref<1x640xf32, #tpu.memory_space<vmem>>
      %dma_wait3A_148 = tpu.memref_squeeze %dma_wait3A_147 : memref<1x640xf32, #tpu.memory_space<vmem>> -> memref<640xf32, #tpu.memory_space<vmem>>
      %dma_wait3A_149 = tpu.memref_slice %arg20[%run_scoped3A_118, %mul3A_117] : memref<16x10240xf32, #tpu.memory_space<vmem_shared>> -> memref<1x640xf32, #tpu.memory_space<vmem_shared>>
      %dma_wait3A_150 = tpu.memref_squeeze %dma_wait3A_149 : memref<1x640xf32, #tpu.memory_space<vmem_shared>> -> memref<640xf32, #tpu.memory_space<vmem_shared>>
      tpu.wait_dma2 semaphore(%run_scoped3A_132 : memref<!tpu.dma_semaphore, #tpu.memory_space<semaphore_mem>>) src(%dma_wait3A_150 : memref<640xf32, #tpu.memory_space<vmem_shared>>) dst(%dma_wait3A_148 : memref<640xf32, #tpu.memory_space<vmem>>)
      tpu.yield
    }) : () -> ()
    %mul3A_120 = arith.constant 640 : i32
    %mul3A_121 = arith.muli %arg1, %mul3A_120 : i32
    %run_scoped3A_122 = arith.constant 15 : i32
    %run_scoped3A_123 = arith.constant 15 : i32
    "tpu.region"() ({
      %run_scoped3A_132 = tpu.sem_alloc : memref<!tpu.dma_semaphore, #tpu.memory_space<semaphore_mem>>
      %dma_start3A = arith.constant 0 : i32
      %dma_start3A_133 = tpu.memref_slice %arg10[%run_scoped3A_123, %dma_start3A] : memref<16x640xf32, #tpu.memory_space<vmem>> -> memref<1x640xf32, #tpu.memory_space<vmem>>
      %dma_start3A_134 = tpu.memref_squeeze %dma_start3A_133 : memref<1x640xf32, #tpu.memory_space<vmem>> -> memref<640xf32, #tpu.memory_space<vmem>>
      %dma_start3A_135 = tpu.memref_slice %arg20[%run_scoped3A_122, %mul3A_121] : memref<16x10240xf32, #tpu.memory_space<vmem_shared>> -> memref<1x640xf32, #tpu.memory_space<vmem_shared>>
      %dma_start3A_136 = tpu.memref_squeeze %dma_start3A_135 : memref<1x640xf32, #tpu.memory_space<vmem_shared>> -> memref<640xf32, #tpu.memory_space<vmem_shared>>
      %dma_start3A_137 = arith.constant 0 : i32
      %dma_start3A_138 = tpu.memref_slice %arg10[%run_scoped3A_123, %dma_start3A_137] : memref<16x640xf32, #tpu.memory_space<vmem>> -> memref<1x640xf32, #tpu.memory_space<vmem>>
      %dma_start3A_139 = tpu.memref_squeeze %dma_start3A_138 : memref<1x640xf32, #tpu.memory_space<vmem>> -> memref<640xf32, #tpu.memory_space<vmem>>
      %dma_start3A_140 = tpu.memref_slice %arg20[%run_scoped3A_122, %mul3A_121] : memref<16x10240xf32, #tpu.memory_space<vmem_shared>> -> memref<1x640xf32, #tpu.memory_space<vmem_shared>>
      %dma_start3A_141 = tpu.memref_squeeze %dma_start3A_140 : memref<1x640xf32, #tpu.memory_space<vmem_shared>> -> memref<640xf32, #tpu.memory_space<vmem_shared>>
      tpu.enqueue_dma source(%dma_start3A_141 : memref<640xf32, #tpu.memory_space<vmem_shared>>) target(%dma_start3A_139 : memref<640xf32, #tpu.memory_space<vmem>>) target_semaphore(%run_scoped3A_132 : memref<!tpu.dma_semaphore, #tpu.memory_space<semaphore_mem>>)
      %dma_wait3A = arith.constant 0 : i32
      %dma_wait3A_142 = tpu.memref_slice %arg10[%run_scoped3A_123, %dma_wait3A] : memref<16x640xf32, #tpu.memory_space<vmem>> -> memref<1x640xf32, #tpu.memory_space<vmem>>
      %dma_wait3A_143 = tpu.memref_squeeze %dma_wait3A_142 : memref<1x640xf32, #tpu.memory_space<vmem>> -> memref<640xf32, #tpu.memory_space<vmem>>
      %dma_wait3A_144 = tpu.memref_slice %arg20[%run_scoped3A_122, %mul3A_121] : memref<16x10240xf32, #tpu.memory_space<vmem_shared>> -> memref<1x640xf32, #tpu.memory_space<vmem_shared>>
      %dma_wait3A_145 = tpu.memref_squeeze %dma_wait3A_144 : memref<1x640xf32, #tpu.memory_space<vmem_shared>> -> memref<640xf32, #tpu.memory_space<vmem_shared>>
      %dma_wait3A_146 = arith.constant 0 : i32
      %dma_wait3A_147 = tpu.memref_slice %arg10[%run_scoped3A_123, %dma_wait3A_146] : memref<16x640xf32, #tpu.memory_space<vmem>> -> memref<1x640xf32, #tpu.memory_space<vmem>>
      %dma_wait3A_148 = tpu.memref_squeeze %dma_wait3A_147 : memref<1x640xf32, #tpu.memory_space<vmem>> -> memref<640xf32, #tpu.memory_space<vmem>>
      %dma_wait3A_149 = tpu.memref_slice %arg20[%run_scoped3A_122, %mul3A_121] : memref<16x10240xf32, #tpu.memory_space<vmem_shared>> -> memref<1x640xf32, #tpu.memory_space<vmem_shared>>
      %dma_wait3A_150 = tpu.memref_squeeze %dma_wait3A_149 : memref<1x640xf32, #tpu.memory_space<vmem_shared>> -> memref<640xf32, #tpu.memory_space<vmem_shared>>
      tpu.wait_dma2 semaphore(%run_scoped3A_132 : memref<!tpu.dma_semaphore, #tpu.memory_space<semaphore_mem>>) src(%dma_wait3A_150 : memref<640xf32, #tpu.memory_space<vmem_shared>>) dst(%dma_wait3A_148 : memref<640xf32, #tpu.memory_space<vmem>>)
      tpu.yield
    }) : () -> ()
    %scan3A_124 = arith.constant 0 : i32
    %scan3A_125 = arith.constant 0 : i32
    %scan3A_126 = arith.constant 40 : i32
    %scan3A_127 = arith.addi %scan3A_125, %scan3A_126 : i32
    %scan3A_128 = arith.constant 1 : i32
    scf.for %scan3A_132 = %scan3A_125 to %scan3A_127 step %scan3A_128  : i32 {
      %broadcast_in_dim3A_133 = arith.constant 0.000000e+00 : f32
      %broadcast_in_dim3A_134 = vector.broadcast %broadcast_in_dim3A_133 : f32 to vector<16xf32>
      %mul3A_135 = arith.constant 16 : i32
      %mul3A_136 = arith.muli %scan3A_132, %mul3A_135 : i32
      %get3A = arith.constant 0 : i32
      %get3A_137 = arith.index_cast %get3A : i32 to index
      %get3A_138 = arith.index_cast %mul3A_136 : i32 to index
      %get3A_139 = tpu.vector_load %arg10[%get3A_137, %get3A_138] {strides = array<i32>} : memref<16x640xf32, #tpu.memory_space<vmem>>, vector<16xf32>,
      %add3A_140 = arith.addf %broadcast_in_dim3A_134, %get3A_139 : vector<16xf32>
      %mul3A_141 = arith.constant 16 : i32
      %mul3A_142 = arith.muli %scan3A_132, %mul3A_141 : i32
      %get3A_143 = arith.constant 1 : i32
      %get3A_144 = arith.index_cast %get3A_143 : i32 to index
      %get3A_145 = arith.index_cast %mul3A_142 : i32 to index
      %get3A_146 = tpu.vector_load %arg10[%get3A_144, %get3A_145] {strides = array<i32>} : memref<16x640xf32, #tpu.memory_space<vmem>>, vector<16xf32>,
      %add3A_147 = arith.addf %add3A_140, %get3A_146 : vector<16xf32>
      %mul3A_148 = arith.constant 16 : i32
      %mul3A_149 = arith.muli %scan3A_132, %mul3A_148 : i32
      %get3A_150 = arith.constant 2 : i32
      %get3A_151 = arith.index_cast %get3A_150 : i32 to index
      %get3A_152 = arith.index_cast %mul3A_149 : i32 to index
      %get3A_153 = tpu.vector_load %arg10[%get3A_151, %get3A_152] {strides = array<i32>} : memref<16x640xf32, #tpu.memory_space<vmem>>, vector<16xf32>,
      %add3A_154 = arith.addf %add3A_147, %get3A_153 : vector<16xf32>
      %mul3A_155 = arith.constant 16 : i32
      %mul3A_156 = arith.muli %scan3A_132, %mul3A_155 : i32
      %get3A_157 = arith.constant 3 : i32
      %get3A_158 = arith.index_cast %get3A_157 : i32 to index
      %get3A_159 = arith.index_cast %mul3A_156 : i32 to index
      %get3A_160 = tpu.vector_load %arg10[%get3A_158, %get3A_159] {strides = array<i32>} : memref<16x640xf32, #tpu.memory_space<vmem>>, vector<16xf32>,
      %add3A_161 = arith.addf %add3A_154, %get3A_160 : vector<16xf32>
      %mul3A_162 = arith.constant 16 : i32
      %mul3A_163 = arith.muli %scan3A_132, %mul3A_162 : i32
      %get3A_164 = arith.constant 4 : i32
      %get3A_165 = arith.index_cast %get3A_164 : i32 to index
      %get3A_166 = arith.index_cast %mul3A_163 : i32 to index
      %get3A_167 = tpu.vector_load %arg10[%get3A_165, %get3A_166] {strides = array<i32>} : memref<16x640xf32, #tpu.memory_space<vmem>>, vector<16xf32>,
      %add3A_168 = arith.addf %add3A_161, %get3A_167 : vector<16xf32>
      %mul3A_169 = arith.constant 16 : i32
      %mul3A_170 = arith.muli %scan3A_132, %mul3A_169 : i32
      %get3A_171 = arith.constant 5 : i32
      %get3A_172 = arith.index_cast %get3A_171 : i32 to index
      %get3A_173 = arith.index_cast %mul3A_170 : i32 to index
      %get3A_174 = tpu.vector_load %arg10[%get3A_172, %get3A_173] {strides = array<i32>} : memref<16x640xf32, #tpu.memory_space<vmem>>, vector<16xf32>,
      %add3A_175 = arith.addf %add3A_168, %get3A_174 : vector<16xf32>
      %mul3A_176 = arith.constant 16 : i32
      %mul3A_177 = arith.muli %scan3A_132, %mul3A_176 : i32
      %get3A_178 = arith.constant 6 : i32
      %get3A_179 = arith.index_cast %get3A_178 : i32 to index
      %get3A_180 = arith.index_cast %mul3A_177 : i32 to index
      %get3A_181 = tpu.vector_load %arg10[%get3A_179, %get3A_180] {strides = array<i32>} : memref<16x640xf32, #tpu.memory_space<vmem>>, vector<16xf32>,
      %add3A_182 = arith.addf %add3A_175, %get3A_181 : vector<16xf32>
      %mul3A_183 = arith.constant 16 : i32
      %mul3A_184 = arith.muli %scan3A_132, %mul3A_183 : i32
      %get3A_185 = arith.constant 7 : i32
      %get3A_186 = arith.index_cast %get3A_185 : i32 to index
      %get3A_187 = arith.index_cast %mul3A_184 : i32 to index
      %get3A_188 = tpu.vector_load %arg10[%get3A_186, %get3A_187] {strides = array<i32>} : memref<16x640xf32, #tpu.memory_space<vmem>>, vector<16xf32>,
      %add3A_189 = arith.addf %add3A_182, %get3A_188 : vector<16xf32>
      %mul3A_190 = arith.constant 16 : i32
      %mul3A_191 = arith.muli %scan3A_132, %mul3A_190 : i32
      %get3A_192 = arith.constant 8 : i32
      %get3A_193 = arith.index_cast %get3A_192 : i32 to index
      %get3A_194 = arith.index_cast %mul3A_191 : i32 to index
      %get3A_195 = tpu.vector_load %arg10[%get3A_193, %get3A_194] {strides = array<i32>} : memref<16x640xf32, #tpu.memory_space<vmem>>, vector<16xf32>,
      %add3A_196 = arith.addf %add3A_189, %get3A_195 : vector<16xf32>
      %mul3A_197 = arith.constant 16 : i32
      %mul3A_198 = arith.muli %scan3A_132, %mul3A_197 : i32
      %get3A_199 = arith.constant 9 : i32
      %get3A_200 = arith.index_cast %get3A_199 : i32 to index
      %get3A_201 = arith.index_cast %mul3A_198 : i32 to index
      %get3A_202 = tpu.vector_load %arg10[%get3A_200, %get3A_201] {strides = array<i32>} : memref<16x640xf32, #tpu.memory_space<vmem>>, vector<16xf32>,
      %add3A_203 = arith.addf %add3A_196, %get3A_202 : vector<16xf32>
      %mul3A_204 = arith.constant 16 : i32
      %mul3A_205 = arith.muli %scan3A_132, %mul3A_204 : i32
      %get3A_206 = arith.constant 10 : i32
      %get3A_207 = arith.index_cast %get3A_206 : i32 to index
      %get3A_208 = arith.index_cast %mul3A_205 : i32 to index
      %get3A_209 = tpu.vector_load %arg10[%get3A_207, %get3A_208] {strides = array<i32>} : memref<16x640xf32, #tpu.memory_space<vmem>>, vector<16xf32>,
      %add3A_210 = arith.addf %add3A_203, %get3A_209 : vector<16xf32>
      %mul3A_211 = arith.constant 16 : i32
      %mul3A_212 = arith.muli %scan3A_132, %mul3A_211 : i32
      %get3A_213 = arith.constant 11 : i32
      %get3A_214 = arith.index_cast %get3A_213 : i32 to index
      %get3A_215 = arith.index_cast %mul3A_212 : i32 to index
      %get3A_216 = tpu.vector_load %arg10[%get3A_214, %get3A_215] {strides = array<i32>} : memref<16x640xf32, #tpu.memory_space<vmem>>, vector<16xf32>,
      %add3A_217 = arith.addf %add3A_210, %get3A_216 : vector<16xf32>
      %mul3A_218 = arith.constant 16 : i32
      %mul3A_219 = arith.muli %scan3A_132, %mul3A_218 : i32
      %get3A_220 = arith.constant 12 : i32
      %get3A_221 = arith.index_cast %get3A_220 : i32 to index
      %get3A_222 = arith.index_cast %mul3A_219 : i32 to index
      %get3A_223 = tpu.vector_load %arg10[%get3A_221, %get3A_222] {strides = array<i32>} : memref<16x640xf32, #tpu.memory_space<vmem>>, vector<16xf32>,
      %add3A_224 = arith.addf %add3A_217, %get3A_223 : vector<16xf32>
      %mul3A_225 = arith.constant 16 : i32
      %mul3A_226 = arith.muli %scan3A_132, %mul3A_225 : i32
      %get3A_227 = arith.constant 13 : i32
      %get3A_228 = arith.index_cast %get3A_227 : i32 to index
      %get3A_229 = arith.index_cast %mul3A_226 : i32 to index
      %get3A_230 = tpu.vector_load %arg10[%get3A_228, %get3A_229] {strides = array<i32>} : memref<16x640xf32, #tpu.memory_space<vmem>>, vector<16xf32>,
      %add3A_231 = arith.addf %add3A_224, %get3A_230 : vector<16xf32>
      %mul3A_232 = arith.constant 16 : i32
      %mul3A_233 = arith.muli %scan3A_132, %mul3A_232 : i32
      %get3A_234 = arith.constant 14 : i32
      %get3A_235 = arith.index_cast %get3A_234 : i32 to index
      %get3A_236 = arith.index_cast %mul3A_233 : i32 to index
      %get3A_237 = tpu.vector_load %arg10[%get3A_235, %get3A_236] {strides = array<i32>} : memref<16x640xf32, #tpu.memory_space<vmem>>, vector<16xf32>,
      %add3A_238 = arith.addf %add3A_231, %get3A_237 : vector<16xf32>
      %mul3A_239 = arith.constant 16 : i32
      %mul3A_240 = arith.muli %scan3A_132, %mul3A_239 : i32
      %get3A_241 = arith.constant 15 : i32
      %get3A_242 = arith.index_cast %get3A_241 : i32 to index
      %get3A_243 = arith.index_cast %mul3A_240 : i32 to index
      %get3A_244 = tpu.vector_load %arg10[%get3A_242, %get3A_243] {strides = array<i32>} : memref<16x640xf32, #tpu.memory_space<vmem>>, vector<16xf32>,
      %add3A_245 = arith.addf %add3A_238, %get3A_244 : vector<16xf32>
      %mul3A_246 = arith.constant 16 : i32
      %mul3A_247 = arith.muli %scan3A_132, %mul3A_246 : i32
      %swap3A = arith.index_cast %mul3A_247 : i32 to index
      %swap3A_248 = tpu.vector_load %arg11[%swap3A] {strides = array<i32>} : memref<640xf32, #tpu.memory_space<vmem>>, vector<16xf32>,
      tpu.vector_store %arg11[%swap3A], %add3A_245 {strides = array<i32>} : memref<640xf32, #tpu.memory_space<vmem>>, vector<16xf32>,
    }
    %scan3A_129 = arith.constant 40 : i32
    %mul3A_130 = arith.constant 640 : i32
    %mul3A_131 = arith.muli %arg1, %mul3A_130 : i32
    "tpu.region"() ({
      %run_scoped3A_132 = tpu.sem_alloc : memref<!tpu.dma_semaphore, #tpu.memory_space<semaphore_mem>>
      %dma_start3A = tpu.memref_slice %arg5[%arg0, %mul3A_131] : memref<2x10240xf32, #tpu.memory_space<hbm>> -> memref<1x640xf32, #tpu.memory_space<hbm>>
      %dma_start3A_133 = tpu.memref_squeeze %dma_start3A : memref<1x640xf32, #tpu.memory_space<hbm>> -> memref<640xf32, #tpu.memory_space<hbm>>
      %dma_start3A_134 = tpu.memref_slice %arg5[%arg0, %mul3A_131] : memref<2x10240xf32, #tpu.memory_space<hbm>> -> memref<1x640xf32, #tpu.memory_space<hbm>>
      %dma_start3A_135 = tpu.memref_squeeze %dma_start3A_134 : memref<1x640xf32, #tpu.memory_space<hbm>> -> memref<640xf32, #tpu.memory_space<hbm>>
      tpu.enqueue_dma source(%arg11 : memref<640xf32, #tpu.memory_space<vmem>>) target(%dma_start3A_135 : memref<640xf32, #tpu.memory_space<hbm>>) target_semaphore(%run_scoped3A_132 : memref<!tpu.dma_semaphore, #tpu.memory_space<semaphore_mem>>)
      %dma_wait3A = tpu.memref_slice %arg5[%arg0, %mul3A_131] : memref<2x10240xf32, #tpu.memory_space<hbm>> -> memref<1x640xf32, #tpu.memory_space<hbm>>
      %dma_wait3A_136 = tpu.memref_squeeze %dma_wait3A : memref<1x640xf32, #tpu.memory_space<hbm>> -> memref<640xf32, #tpu.memory_space<hbm>>
      %dma_wait3A_137 = tpu.memref_slice %arg5[%arg0, %mul3A_131] : memref<2x10240xf32, #tpu.memory_space<hbm>> -> memref<1x640xf32, #tpu.memory_space<hbm>>
      %dma_wait3A_138 = tpu.memref_squeeze %dma_wait3A_137 : memref<1x640xf32, #tpu.memory_space<hbm>> -> memref<640xf32, #tpu.memory_space<hbm>>
      tpu.wait_dma2 semaphore(%run_scoped3A_132 : memref<!tpu.dma_semaphore, #tpu.memory_space<semaphore_mem>>) src(%arg11 : memref<640xf32, #tpu.memory_space<vmem>>) dst(%dma_wait3A_138 : memref<640xf32, #tpu.memory_space<hbm>>)
      tpu.yield
    }) : () -> ()
    return
  }
}

module attributes {stable_mosaic.version = 14 : i64} {
  func.func @_dense_body(%arg0: memref<10000x128xf32, #tpu.memory_space<vmem>>, %arg1: memref<1x128xf32, #tpu.memory_space<vmem>>, %arg2: memref<1x128xf32, #tpu.memory_space<vmem>>, %arg3: memref<128x128xf32, #tpu.memory_space<vmem>>, %arg4: memref<2x10240x1xf32, #tpu.memory_space<vmem>>, %arg5: memref<10240x128xf32, #tpu.memory_space<vmem>>) attributes {dimension_semantics = [], scalar_prefetch = 0 : i64, scratch_operands = 0 : i64, tpu.core_type = #tpu.core_type<tc>} {
    %get3A = arith.constant 0 : index
    %get3A_0 = arith.constant 0 : index
    %get3A_1 = vector.load %arg0[%get3A, %get3A_0] : memref<10000x128xf32, #tpu.memory_space<vmem>>, vector<10000x128xf32>
    %reduce_sum3A = arith.constant dense<0.000000e+00> : vector<128xf32>
    %reduce_sum3A_2 = vector.multi_reduction <add>, %get3A_1, %reduce_sum3A [0] : vector<10000x128xf32> to vector<128xf32>
    %broadcast_in_dim3A = vector.shape_cast %reduce_sum3A_2 : vector<128xf32> to vector<1x128xf32>
    %div3A = arith.constant 1.000000e+04 : f32
    %div3A_3 = vector.broadcast %div3A : f32 to vector<1x128xf32>
    %div3A_4 = arith.divf %broadcast_in_dim3A, %div3A_3 : vector<1x128xf32>
    %sub3A = vector.broadcast %div3A_4 : vector<1x128xf32> to vector<10000x128xf32>
    %sub3A_5 = arith.subf %get3A_1, %sub3A : vector<10000x128xf32>
    %mul3A = arith.mulf %sub3A_5, %sub3A_5 : vector<10000x128xf32>
    %reduce_sum3A_6 = arith.constant dense<0.000000e+00> : vector<128xf32>
    %reduce_sum3A_7 = vector.multi_reduction <add>, %mul3A, %reduce_sum3A_6 [0] : vector<10000x128xf32> to vector<128xf32>
    %broadcast_in_dim3A_8 = vector.shape_cast %reduce_sum3A_7 : vector<128xf32> to vector<1x128xf32>
    %div3A_9 = arith.constant 1.000000e+04 : f32
    %div3A_10 = vector.broadcast %div3A_9 : f32 to vector<1x128xf32>
    %div3A_11 = arith.divf %broadcast_in_dim3A_8, %div3A_10 : vector<1x128xf32>
    %add3A = arith.constant 9.99999974E-6 : f32
    %add3A_12 = vector.broadcast %add3A : f32 to vector<1x128xf32>
    %add3A_13 = arith.addf %div3A_11, %add3A_12 : vector<1x128xf32>
    %rsqrt3A = math.rsqrt %add3A_13 : vector<1x128xf32>
    %mul3A_14 = vector.broadcast %rsqrt3A : vector<1x128xf32> to vector<10000x128xf32>
    %mul3A_15 = arith.mulf %sub3A_5, %mul3A_14 : vector<10000x128xf32>
    %get3A_16 = arith.constant 0 : index
    %get3A_17 = arith.constant 0 : index
    %get3A_18 = vector.load %arg1[%get3A_16, %get3A_17] : memref<1x128xf32, #tpu.memory_space<vmem>>, vector<1x128xf32>
    %mul3A_19 = vector.broadcast %get3A_18 : vector<1x128xf32> to vector<10000x128xf32>
    %mul3A_20 = arith.mulf %mul3A_15, %mul3A_19 : vector<10000x128xf32>
    %get3A_21 = arith.constant 0 : index
    %get3A_22 = arith.constant 0 : index
    %get3A_23 = vector.load %arg2[%get3A_21, %get3A_22] : memref<1x128xf32, #tpu.memory_space<vmem>>, vector<1x128xf32>
    %add3A_24 = vector.broadcast %get3A_23 : vector<1x128xf32> to vector<10000x128xf32>
    %add3A_25 = arith.addf %mul3A_20, %add3A_24 : vector<10000x128xf32>
    %max3A = arith.constant 0.000000e+00 : f32
    %max3A_26 = vector.broadcast %max3A : f32 to vector<10000x128xf32>
    %max3A_27 = arith.maximumf %add3A_25, %max3A_26 : vector<10000x128xf32>
    %get3A_28 = arith.constant 0 : index
    %get3A_29 = arith.constant 0 : index
    %get3A_30 = vector.load %arg3[%get3A_28, %get3A_29] : memref<128x128xf32, #tpu.memory_space<vmem>>, vector<128x128xf32>
    %dot_general3A = arith.constant dense<0.000000e+00> : vector<10000x128xf32>
    %dot_general3A_31 = tpu.matmul %max3A_27, %get3A_30, %dot_general3A {dimension_numbers = #tpu.dot_dimension_numbers<[1], [0], [0], [1], [0, 0, 1, 1], [], []>, transpose_lhs_hint = false} : vector<10000x128xf32>, vector<128x128xf32>, vector<10000x128xf32> -> vector<10000x128xf32>
    %get3A_32 = arith.constant 0 : index
    %get3A_33 = arith.constant 0 : index
    %get3A_34 = arith.constant 0 : index
    %get3A_35 = vector.load %arg4[%get3A_32, %get3A_33, %get3A_34] : memref<2x10240x1xf32, #tpu.memory_space<vmem>>, vector<1x10000x1xf32>
    %get3A_36 = vector.shape_cast %get3A_35 : vector<1x10000x1xf32> to vector<10000x1xf32>
    %get3A_37 = arith.constant 1 : index
    %get3A_38 = arith.constant 0 : index
    %get3A_39 = arith.constant 0 : index
    %get3A_40 = vector.load %arg4[%get3A_37, %get3A_38, %get3A_39] : memref<2x10240x1xf32, #tpu.memory_space<vmem>>, vector<1x10000x1xf32>
    %get3A_41 = vector.shape_cast %get3A_40 : vector<1x10000x1xf32> to vector<10000x1xf32>
    %add3A_42 = arith.addf %get3A_36, %get3A_41 : vector<10000x1xf32>
    %add3A_43 = arith.constant 1.000000e+00 : f32
    %add3A_44 = vector.broadcast %add3A_43 : f32 to vector<10000x1xf32>
    %add3A_45 = arith.addf %add3A_42, %add3A_44 : vector<10000x1xf32>
    %rsqrt3A_46 = math.rsqrt %add3A_45 : vector<10000x1xf32>
    %mul3A_47 = vector.broadcast %rsqrt3A_46 : vector<10000x1xf32> to vector<10000x128xf32>
    %mul3A_48 = arith.mulf %dot_general3A_31, %mul3A_47 : vector<10000x128xf32>
    %swap3A = arith.constant 0 : index
    %swap3A_49 = arith.constant 0 : index
    %swap3A_50 = vector.load %arg5[%swap3A, %swap3A_49] : memref<10240x128xf32, #tpu.memory_space<vmem>>, vector<10000x128xf32>
    tpu.vector_store %arg5[%swap3A, %swap3A_49], %mul3A_48 {strides = array<i32>} : memref<10240x128xf32, #tpu.memory_space<vmem>>, vector<10000x128xf32>,
    %broadcast_in_dim3A_51 = arith.constant 0.000000e+00 : f32
    %broadcast_in_dim3A_52 = vector.broadcast %broadcast_in_dim3A_51 : f32 to vector<240x128xf32>
    %swap3A_53 = arith.constant 10000 : index
    %swap3A_54 = arith.constant 0 : index
    %swap3A_55 = vector.load %arg5[%swap3A_53, %swap3A_54] : memref<10240x128xf32, #tpu.memory_space<vmem>>, vector<240x128xf32>
    tpu.vector_store %arg5[%swap3A_53, %swap3A_54], %broadcast_in_dim3A_52 {strides = array<i32>} : memref<10240x128xf32, #tpu.memory_space<vmem>>, vector<240x128xf32>,
    return
  }
}

module attributes {stable_mosaic.version = 14 : i64} {
  func.func @_combine_body(%arg0: memref<4x5120x128xf32, #tpu.memory_space<vmem>>, %arg1: memref<10240x128xf32, #tpu.memory_space<vmem>>, %arg2: memref<2x10240x1xf32, #tpu.memory_space<vmem>>, %arg3: memref<1x128xf32, #tpu.memory_space<vmem>>, %arg4: memref<10000x128xf32, #tpu.memory_space<vmem>>) attributes {dimension_semantics = [], scalar_prefetch = 0 : i64, scratch_operands = 0 : i64, tpu.core_type = #tpu.core_type<tc>} {
    %get3A = arith.constant 0 : index
    %get3A_0 = arith.constant 0 : index
    %get3A_1 = arith.constant 0 : index
    %get3A_2 = vector.load %arg2[%get3A, %get3A_0, %get3A_1] : memref<2x10240x1xf32, #tpu.memory_space<vmem>>, vector<1x10000x1xf32>
    %get3A_3 = vector.shape_cast %get3A_2 : vector<1x10000x1xf32> to vector<10000x1xf32>
    %get3A_4 = arith.constant 1 : index
    %get3A_5 = arith.constant 0 : index
    %get3A_6 = arith.constant 0 : index
    %get3A_7 = vector.load %arg2[%get3A_4, %get3A_5, %get3A_6] : memref<2x10240x1xf32, #tpu.memory_space<vmem>>, vector<1x10000x1xf32>
    %get3A_8 = vector.shape_cast %get3A_7 : vector<1x10000x1xf32> to vector<10000x1xf32>
    %add3A = arith.addf %get3A_3, %get3A_8 : vector<10000x1xf32>
    %add3A_9 = arith.constant 1.000000e+00 : f32
    %add3A_10 = vector.broadcast %add3A_9 : f32 to vector<10000x1xf32>
    %add3A_11 = arith.addf %add3A, %add3A_10 : vector<10000x1xf32>
    %rsqrt3A = math.rsqrt %add3A_11 : vector<10000x1xf32>
    %get3A_12 = arith.constant 0 : index
    %get3A_13 = arith.constant 0 : index
    %get3A_14 = vector.load %arg3[%get3A_12, %get3A_13] : memref<1x128xf32, #tpu.memory_space<vmem>>, vector<1x128xf32>
    %get3A_15 = arith.constant 0 : index
    %get3A_16 = arith.constant 0 : index
    %get3A_17 = arith.constant 0 : index
    %get3A_18 = vector.load %arg0[%get3A_15, %get3A_16, %get3A_17] : memref<4x5120x128xf32, #tpu.memory_space<vmem>>, vector<1x5120x128xf32>
    %get3A_19 = vector.shape_cast %get3A_18 : vector<1x5120x128xf32> to vector<5120x128xf32>
    %get3A_20 = arith.constant 2 : index
    %get3A_21 = arith.constant 0 : index
    %get3A_22 = arith.constant 0 : index
    %get3A_23 = vector.load %arg0[%get3A_20, %get3A_21, %get3A_22] : memref<4x5120x128xf32, #tpu.memory_space<vmem>>, vector<1x5120x128xf32>
    %get3A_24 = vector.shape_cast %get3A_23 : vector<1x5120x128xf32> to vector<5120x128xf32>
    %add3A_25 = arith.addf %get3A_19, %get3A_24 : vector<5120x128xf32>
    %get3A_26 = arith.constant 0 : index
    %get3A_27 = arith.constant 0 : index
    %get3A_28 = vector.load %arg1[%get3A_26, %get3A_27] : memref<10240x128xf32, #tpu.memory_space<vmem>>, vector<5120x128xf32>
    %add3A_29 = arith.addf %add3A_25, %get3A_28 : vector<5120x128xf32>
    %slice3A = vector.extract_strided_slice %rsqrt3A {offsets = [0, 0], sizes = [5120, 1], strides = [1, 1]} : vector<10000x1xf32> to vector<5120x1xf32>
    %mul3A = vector.broadcast %slice3A : vector<5120x1xf32> to vector<5120x128xf32>
    %mul3A_30 = arith.mulf %add3A_29, %mul3A : vector<5120x128xf32>
    %add3A_31 = vector.broadcast %get3A_14 : vector<1x128xf32> to vector<5120x128xf32>
    %add3A_32 = arith.addf %mul3A_30, %add3A_31 : vector<5120x128xf32>
    %swap3A = arith.constant 0 : index
    %swap3A_33 = arith.constant 0 : index
    %swap3A_34 = vector.load %arg4[%swap3A, %swap3A_33] : memref<10000x128xf32, #tpu.memory_space<vmem>>, vector<5120x128xf32>
    tpu.vector_store %arg4[%swap3A, %swap3A_33], %add3A_32 {strides = array<i32>} : memref<10000x128xf32, #tpu.memory_space<vmem>>, vector<5120x128xf32>,
    %get3A_35 = arith.constant 1 : index
    %get3A_36 = arith.constant 0 : index
    %get3A_37 = arith.constant 0 : index
    %get3A_38 = vector.load %arg0[%get3A_35, %get3A_36, %get3A_37] : memref<4x5120x128xf32, #tpu.memory_space<vmem>>, vector<1x4880x128xf32>
    %get3A_39 = vector.shape_cast %get3A_38 : vector<1x4880x128xf32> to vector<4880x128xf32>
    %get3A_40 = arith.constant 3 : index
    %get3A_41 = arith.constant 0 : index
    %get3A_42 = arith.constant 0 : index
    %get3A_43 = vector.load %arg0[%get3A_40, %get3A_41, %get3A_42] : memref<4x5120x128xf32, #tpu.memory_space<vmem>>, vector<1x4880x128xf32>
    %get3A_44 = vector.shape_cast %get3A_43 : vector<1x4880x128xf32> to vector<4880x128xf32>
    %add3A_45 = arith.addf %get3A_39, %get3A_44 : vector<4880x128xf32>
    %get3A_46 = arith.constant 5120 : index
    %get3A_47 = arith.constant 0 : index
    %get3A_48 = vector.load %arg1[%get3A_46, %get3A_47] : memref<10240x128xf32, #tpu.memory_space<vmem>>, vector<4880x128xf32>
    %add3A_49 = arith.addf %add3A_45, %get3A_48 : vector<4880x128xf32>
    %slice3A_50 = vector.extract_strided_slice %rsqrt3A {offsets = [5120, 0], sizes = [4880, 1], strides = [1, 1]} : vector<10000x1xf32> to vector<4880x1xf32>
    %mul3A_51 = vector.broadcast %slice3A_50 : vector<4880x1xf32> to vector<4880x128xf32>
    %mul3A_52 = arith.mulf %add3A_49, %mul3A_51 : vector<4880x128xf32>
    %add3A_53 = vector.broadcast %get3A_14 : vector<1x128xf32> to vector<4880x128xf32>
    %add3A_54 = arith.addf %mul3A_52, %add3A_53 : vector<4880x128xf32>
    %swap3A_55 = arith.constant 5120 : index
    %swap3A_56 = arith.constant 0 : index
    %swap3A_57 = vector.load %arg4[%swap3A_55, %swap3A_56] : memref<10000x128xf32, #tpu.memory_space<vmem>>, vector<4880x128xf32>
    tpu.vector_store %arg4[%swap3A_55, %swap3A_56], %add3A_54 {strides = array<i32>} : memref<10000x128xf32, #tpu.memory_space<vmem>>, vector<4880x128xf32>,
    return
  }
}

</mosaic_0001>

<sc_bundles>
// kernel: kernel.6.cloned.1.call-start
scs
__scs_entry_jumppad:
0x0: {  	(pc) =	sbr.rel $0x88, $3  }
0x1: {  	(tag) =	ssettag $0x0;
	lr =	simm.s32 $0x1  }
0x2: {  	[smem:$0x3F9B] =	sst lr;
	_ =	strace $0xD0000000  }
0x3: {  	_ = 	snop  }
0x4: {  	_ = 	snop  }
0x5: {  	_ = 	snop  }
0x6: {  	_ = 	snop  }
0x7: {  	_ = 	snop  }
__scs_overlays_trampoline_lowered:
0x8: {  	[smem:$0x3FAA] =	sst s0  }
0x9: {  	[smem:$0x3FAB] =	sst s1  }
0xa: {  	[smem:$0x3FAC] =	sst s2  }
0xb: {  	[smem:$0x3FAD] =	sst s3  }
0xc: {  	[smem:$0x3FAE] =	sst s4  }
0xd: {  	[smem:$0x3FAF] =	sst s5  }
0xe: {  	[smem:$0x3FB0] =	sst s6  }
0xf: {  	[smem:$0x3FB1] =	sst s7  }
0x10: {  	[smem:$0x3FB2] =	sst s8  }
0x11: {  	[smem:$0x3FB3] =	sst s9;
	s0 =	simm.s32 @!p0 $0x0  }
0x12: {  	s1 =	sld [smem:$0x3F99];
	s0 =	simm.s32 @p0 $0x1  }
0x13: {  	[smem:$0x3FB4] =	sst s0;
	s0 =	simm.s32 @!p1 $0x0  }
0x14: {  	s2 =	sld [smem:$0x3F98];
	s0 =	simm.s32 @p1 $0x1  }
0x15: {  	[smem:$0x3FB5] =	sst s0;
	s0 =	simm.s32 @!p2 $0x0  }
0x16: {  	s3 =	sld [smem:$0x3FDB];
	s0 =	simm.s32 @p2 $0x1  }
0x17: {  	s4 =	simm.s32 $0x1BF5;
	[smem:$0x3FB7] =	sst s0  }
0x18: {  	s0 =	sld [smem:$0x3F9A];
	_ =	swait.ge [sflag:s4], $0x0  }
0x19: {  	s7 =	sld [smem:$0x3F9B]  }
0x1a: {  	s8 =	sadd.s32 $0xFFFFE003, lr  }
0x1b: {  	s9 =	sadd.s32 $0xFFFFFEF7, lr;
	s5 =	simm.s32 $0xFFFFFFFF;
	p2 =	slt.u32 s8, $0xFFFFF086  }
0x1c: {  	p1 =	slt.u32 s9, $0xF7A;
	s5 =	simm.s32 @!p2 $0x0  }
0x1d: {  	s5 =	simm.s32 @p1 $0x1;
	p0 =	seq.s32 s7, s2  }
0x1e: {  	s7 =	smul.u32 @!p0 $0xF7A, s2;
	p2 =	seq.s32 @!p0 s5, $0x0  }
0x1f: {  	s9 =	smul.u32 $0xF7A, s1;
	s8 =	simm.s32 @!p0 $0x1BF5;
	p2 =	por !p2, p0  }
0x20: {  	[sflag:s8] =	ssyncset.s32 @!p0 $0xFFFFF086;
	s6 =	sadd.s32 @!p0 s3, s7;
	s7 =	simm.s32 @!p0 $0x108  }
0x21: {  	s3 =	sadd.s32 s3, s9;
	s6 =	sadd.s32 @!p0 $0x88, s6;
	s7 =	simm.s32 @p2 $0x1082  }
0x22: {  	[simem:s7], [sflag:s8] =	dma.local @!p0 [hbm:s6], $0xF7A  }
0x23: {  	s9 =	sor.u32 $0xD0000000, s2;
	s6 =	simm.s32 $0x108;
	_ =	swait.ge @!p0 [sflag:s8], $0x0  }
0x24: {  	s3 =	sadd.s32 $0x88, s3;
	s6 =	simm.s32 @!p1 $0x1082;
	[sflag:s4] =	ssyncset.s32 $0xFFFFF086  }
0x25: {  	[simem:s6], [sflag:s4] =	dma.local [hbm:s3], $0xF7A  }
0x26: {  	[smem:$0x3F9B] =	sst s1;
	(tag) =	ssettag s2;
	_ =	strace s9  }
0x27: {  	s1 =	sld [smem:$0x3FAB]  }
0x28: {  	s2 =	sld [smem:$0x3FAC]  }
0x29: {  	s4 =	sld [smem:$0x3FAE]  }
0x2a: {  	p0 =	seq.s32 s5, $0x0;
	s5 =	sld [smem:$0x3FAF]  }
0x2b: {  	s6 =	sld [smem:$0x3FB0]  }
0x2c: {  	s7 =	sld [smem:$0x3FB1]  }
0x2d: {  	s3 =	simm.s32 $0x108;
	s8 =	sld [smem:$0x3FB2]  }
0x2e: {  	s3 =	simm.s32 @!p0 $0x1082;
	s9 =	sld [smem:$0x3FB3]  }
0x2f: {  	lr =	sadd.s32 s0, s3;
	s0 =	sld [smem:$0x3FAA]  }
0x30: {  	s3 =	sld [smem:$0x3FAD]  }
0x31: {  	[smem:$0x3FB6] =	sst s10  }
0x32: {  	s10 =	sld [smem:$0x3FB4];
	_ =	sdelay $0x3  }
0x33: {  	p0 =	seq.s32 s10, $0x1;
	s10 =	sld [smem:$0x3FB6];
	_ =	sdelay $0x3  }
0x34: {  	[smem:$0x3FB6] =	sst s10  }
0x35: {  	s10 =	sld [smem:$0x3FB5];
	_ =	sdelay $0x3  }
0x36: {  	p1 =	seq.s32 s10, $0x1;
	s10 =	sld [smem:$0x3FB6];
	_ =	sdelay $0x3  }
0x37: {  	[smem:$0x3FB6] =	sst s10  }
0x38: {  	s10 =	sld [smem:$0x3FB7]  }
0x39: {  	_ = 	snop;
	(pc) =	sbr.ind lr, $3  }
0x3a: {  	_ = 	snop  }
0x3b: {  	_ = 	snop  }
0x3c: {  	p2 =	seq.s32 s10, $0x1;
	s10 =	sld [smem:$0x3FB6]  }
0x3d: {  	_ =	shalt  }
0x3e: {  	_ =	shalt  }
0x3f: {  	_ =	shalt  }
0x40: {  	_ =	shalt  }
0x41: {  	_ =	shalt  }
0x42: {  	_ =	shalt  }
0x43: {  	_ =	shalt  }
0x44: {  	_ =	shalt  }
0x45: {  	_ =	shalt  }
0x46: {  	_ =	shalt  }
0x47: {  	_ =	shalt  }
0x48: {  	_ =	shalt  }
0x49: {  	_ =	shalt  }
0x4a: {  	_ =	shalt  }
0x4b: {  	_ =	shalt  }
0x4c: {  	_ =	shalt  }
0x4d: {  	_ =	shalt  }
0x4e: {  	_ =	shalt  }
0x4f: {  	_ =	shalt  }
0x50: {  	_ =	shalt  }
0x51: {  	_ =	shalt  }
0x52: {  	_ =	shalt  }
0x53: {  	_ =	shalt  }
0x54: {  	_ =	shalt  }
0x55: {  	_ =	shalt  }
0x56: {  	_ =	shalt  }
0x57: {  	_ =	shalt  }
0x58: {  	_ =	shalt  }
0x59: {  	_ =	shalt  }
0x5a: {  	_ =	shalt  }
0x5b: {  	_ =	shalt  }
0x5c: {  	_ =	shalt  }
0x5d: {  	_ =	shalt  }
0x5e: {  	_ =	shalt  }
0x5f: {  	_ =	shalt  }
0x60: {  	_ =	shalt  }
0x61: {  	_ =	shalt  }
0x62: {  	_ =	shalt  }
0x63: {  	_ =	shalt  }
0x64: {  	_ =	shalt  }
0x65: {  	_ =	shalt  }
0x66: {  	_ =	shalt  }
0x67: {  	_ =	shalt  }
0x68: {  	_ =	shalt  }
0x69: {  	_ =	shalt  }
0x6a: {  	_ =	shalt  }
0x6b: {  	_ =	shalt  }
0x6c: {  	_ =	shalt  }
0x6d: {  	_ =	shalt  }
0x6e: {  	_ =	shalt  }
0x6f: {  	_ =	shalt  }
0x70: {  	_ =	shalt  }
0x71: {  	_ =	shalt  }
0x72: {  	_ =	shalt  }
0x73: {  	_ =	shalt  }
0x74: {  	_ =	shalt  }
0x75: {  	_ =	shalt  }
0x76: {  	_ =	shalt  }
0x77: {  	_ =	shalt  }
0x78: {  	_ =	shalt  }
0x79: {  	_ =	shalt  }
0x7a: {  	_ =	shalt  }
0x7b: {  	_ =	shalt  }
0x7c: {  	_ =	shalt  }
0x7d: {  	_ =	shalt  }
0x7e: {  	_ =	shalt  }
0x7f: {  	_ =	shalt  }
0x80: {  	_ =	shalt  }
0x81: {  	_ =	shalt  }
0x82: {  	_ =	shalt  }
0x83: {  	_ =	shalt  }
0x84: {  	_ =	shalt  }
0x85: {  	_ =	shalt  }
0x86: {  	_ =	shalt  }
0x87: {  	_ =	shalt  }
.Lfunc_end0:
.L_simem_size_0:
called_computation_lowered:
.L_overlay_start_0:
0x88: {  	s2 =	sld [smem:$0x3FD9]  }
0x89: {  	s3 =	sld [smem:$0x3FFE];
	_ =	sdelay $0x1  }
0x8a: {  	s1 =	srdreg.scid  }
0x8b: {  	s0 =	sand.u32 $0x1, s1  }
0x8c: {  	s17 =	sshll.u32 s0, $0xA;
	s2 =	sadd.s32 s3, s2  }
0x8d: {  	s2 =	sadd.s32 s2, s17  }
0x8e: {  	[smem:$0x3FC2] =	sst s2  }
0x8f: {  	_ = 	snop  }
0x90: {  	s2 =	sld [smem:$0x3FD0];
	(tm) =	ssettm $0x1  }
0x91: {  	s18 =	sld [smem:$0x3FFB];
	_ =	sdelay $0x3  }
0x92: {  	_ =	strace s18  }
0x93: {  	s3 =	sld [smem:$0x3FFC];
	_ =	sdelay $0x3  }
0x94: {  	_ =	strace s3  }
0x95: {  	s3 =	sld [smem:$0x3FFD];
	_ =	sdelay $0x3  }
0x96: {  	_ =	strace s3  }
0x97: {  	_ =	strace $0x8FFFFFFF  }
0x98: {  	s19 =	sld [smem:$0x3FDB];
	_ =	sdelay $0x1  }
0x99: {  	s4 =	simm.s32 $_scs_section_size  }
0x9a: {  	s5 =	simm.s32 $_size__tile_overlayer_lowered;
	s6 =	simm.s32 $_tile_overlayer_lowered  }
0x9b: {  	s22 =	simm.s32 $0x1BFF;
	s21 =	sshll.u32 s6, $0x1;
	s3 =	sadd.s32 s4, s19  }
0x9c: {  	s7 =	simm.s32 $0x0;
	s20 =	sshll.u32 s5, $0x1;
	s5 =	sadd.s32 s21, s3  }
0x9d: {  	[timem:s7], [sflag:s22] =	dma.local [hbm:s5], s20  }
0x9e: {  	_ =	swait.ge [sflag:s22], s20  }
0x9f: {  	s4 =	ssub.s32 $0x0, s20;
	[sflag:s22] =	ssyncset.done $0x0  }
0xa0: {  	[sflag:s22] =	ssyncadd.s32 s4;
	_ =	sdelay $0x1  }
0xa1: {  	s23 =	simm.s32 $0x1B8B  }
0xa2: {  	_ =	swait.ge [sflag:s23], $0x1  }
0xa3: {  	[sflag:s23] =	ssyncset.done $0x0  }
0xa4: {  	s25 =	simm.s32 $0x1B8E;
	s24 =	sld [smem:$0x3FFE];
	[sflag:s23] =	ssyncadd.s32 $0xFFFFFFFF  }
0xa5: {  	s26 =	simm.s32 $execute0_lowered;
	[smem:$0x3FD2] =	sst s25  }
0xa6: {  	s5 =	sshll.u32 s26, $0x1;
	_ =	strace $0x80000046;
	[dreg:$0x1] =	wrdreg $0xFFFFFFFF  }
0xa7: {  	s28 =	simm.s32 $_size_execute0_lowered;
	s3 =	sadd.s32 s3, s5;
	[dreg:$0x0] =	wrdreg $0x0  }
0xa8: {  	s5 =	sshll.u32 s28, $0x1;
	[dreg:$0x2] =	wrdreg s3  }
0xa9: {  	[dreg:$0x3] =	wrdreg s5  }
0xaa: {  	[dreg:$0x4] =	wrdreg $0xC0  }
0xab: {  	_ =	task [dreg:s7], $0x5FFFF  }
0xac: {  	[dreg:$0x1] =	wrdreg $0xFFFFFFFF  }
0xad: {  	[dreg:$0x0] =	wrdreg $0x60  }
0xae: {  	[dreg:$0x2] =	wrdreg s2  }
0xaf: {  	[dreg:$0x3] =	wrdreg s24  }
0xb0: {  	[dreg:$0x4] =	wrdreg $0x102800  }
0xb1: {  	[dreg:$0x5] =	wrdreg $0x9  }
0xb2: {  	_ =	task.clear_ibuf [dreg:s7], $0x6FFFF;
	_ =	strace $0x90000046  }
0xb3: {  	s29 =	simm.s32 $0x9;
	_ =	strace $0x80000048  }
0xb4: {  	_ =	swait.ge [sflag:s29], $0x1  }
0xb5: {  	[sflag:s29] =	ssyncadd.s32 $0xFFFFFFFF  }
0xb6: {  	_ =	strace $0x90000048  }
0xb7: {  	_ =	sfence  }
0xb8: {  	s30 =	sld [smem:$0x0];
	_ =	sdelay $0x2  }
0xb9: {  	s31 =	sshll.u32 s1, $0xD;
	s1 =	sshrl.u32 s1, $0x2  }
0xba: {  	s3 =	sand.u32 $0x4000, s31;
	s1 =	sadd.s32 s1, s30  }
0xbb: {  	s0 =	sor.u32 s3, s0;
	s1 =	sshll.u32 s1, $0x11  }
0xbc: {  	s0 =	sor.u32 s1, s0  }
0xbd: {  	s0 =	sadd.s32 $0x8F2B, s0  }
0xbe: {  	[sflag:s0] =	ssyncadd.remote.s32 $0x1  }
0xbf: {  	_ =	sfence.sel $0xFFFF  }
0xc0: {  	[dreg:$0x0] =	wrdreg $0xFFFFFFFF;
	(pc) =	sbr.abs _section_cstart, $3  }
0xc1: {  	[dreg:$0x1] =	wrdreg $0xFFFFFFFF  }
0xc2: {  	_ =	task.clear_ibuf [dreg:s7], $0x2FFFF;
	_ =	strace $0x9FFFFFFF  }
0xc3: {  	(tm) =	ssettm $0x7FFFFFFF  }
tec
execute0_lowered:
.L_overlay_start_1:
0x0: {  	(tag) =	ssettag $0x1  }
0x1: {  	s1 =	rddreg [dreg:$0x0]  }
0x2: {  	s0 =	srdreg.scid;
	s3 =	rddreg [dreg:$0x1]  }
0x3: {  	s10 =	stileid.u32;
	s4 =	rddreg [dreg:$0x2]  }
0x4: {  	s0 =	sand.u32 $0x1, s0;
	s7 =	smul.u32 $0x500, s10;
	s24 =	sadd.s32 $0xC400, s3  }
0x5: {  	s2 =	sshll.u32 s0, $0x4;
	s8 =	sshll.u32 s0, $0x7;
	s0 =	ssub.s32 $0x2, s0  }
0x6: {  	s5 =	sor.u32 s10, s2;
	s2 =	simm.s32 $0x0;
	s7 =	sor.u32 s8, s7  }
0x7: {  	s25 =	sshrl.u32 s0, $0x1;
	s6 =	smul.u32 $0x500, s5;
	[smem:$0x7FF] =	sst s2  }
0x8: {  	s5 =	smul.u32 $0xC00, s5;
	s7 =	sshrl.u32 s7, $0x3;
	s0 =	ssub.s32 s0, s25  }
0x9: {  	_ =	strace $0x80000047;
	[dreg:$0x4] =	wrdreg s24;
	s0 =	smax.u32 s0, $0x1  }
0xa: {  	s7 =	sadd.s32 s7, s3;
	s1 =	sadd.s32 s1, s6;
	[dreg:$0x19] =	wrdreg s0  }
0xb: {  	s9 =	sadd.s32 s6, s3;
	s23 =	sadd.s32 $0x24A00, s7;
	[dreg:$0x5] =	wrdreg s1  }
0xc: {  	s3 =	sadd.s32 s5, s3;
	s26 =	sadd.s32 $0x2400, s9;
	[dreg:$0x18] =	wrdreg s23  }
0xd: {  	s28 =	sadd.s32 $0xCA00, s3;
	[dreg:$0x6] =	wrdreg s26  }
0xe: {  	s29 =	sadd.s32 $0xCA10, s3;
	[dreg:$0x7] =	wrdreg s28  }
0xf: {  	s31 =	sadd.s32 $0xCA20, s3;
	[dreg:$0x8] =	wrdreg s29  }
0x10: {  	s6 =	sadd.s32 $0xCA30, s3;
	[dreg:$0x9] =	wrdreg s31  }
0x11: {  	s11 =	smul.u32 $0x5000, s10;
	s8 =	sadd.s32 $0xCA40, s3;
	[dreg:$0xa] =	wrdreg s6  }
0x12: {  	s9 =	sadd.s32 $0xCA50, s3;
	[dreg:$0xb] =	wrdreg s8  }
0x13: {  	s5 =	sshrl.u32 s11, $0x2;
	s12 =	sadd.s32 $0xCA60, s3;
	[dreg:$0xc] =	wrdreg s9  }
0x14: {  	s3 =	sadd.s32 $0xCA70, s3;
	s15 =	sadd.s32 s5, s4;
	[dreg:$0xd] =	wrdreg s12  }
0x15: {  	[dreg:$0xe] =	wrdreg s3;
	s14 =	sadd.s32 $0x80, s15  }
0x16: {  	s16 =	sadd.s32 $0x100, s15;
	[dreg:$0x10] =	wrdreg s14  }
0x17: {  	s17 =	sadd.s32 $0x180, s15;
	[dreg:$0x11] =	wrdreg s16  }
0x18: {  	s18 =	sadd.s32 $0x200, s15;
	[dreg:$0x12] =	wrdreg s17  }
0x19: {  	s19 =	sadd.s32 $0x280, s15;
	[dreg:$0x13] =	wrdreg s18  }
0x1a: {  	s20 =	sadd.s32 $0x300, s15;
	[dreg:$0x14] =	wrdreg s19  }
0x1b: {  	s21 =	sadd.s32 $0x380, s15;
	[dreg:$0x15] =	wrdreg s20  }
0x1c: {  	s22 =	sadd.s32 $0x14000, s15;
	[dreg:$0x16] =	wrdreg s21  }
0x1d: {  	s24 =	sadd.s32 $0x14080, s15;
	[dreg:$0x17] =	wrdreg s22  }
0x1e: {  	s25 =	sadd.s32 $0x14100, s15;
	[dreg:$0x1a] =	wrdreg s24  }
0x1f: {  	s26 =	sadd.s32 $0x14180, s15;
	[dreg:$0x1b] =	wrdreg s25  }
0x20: {  	s28 =	sadd.s32 $0x14200, s15;
	[dreg:$0x1c] =	wrdreg s26  }
0x21: {  	s30 =	sshrl.u32 s10, $0x3;
	s29 =	sadd.s32 $0x14280, s15;
	[dreg:$0x1d] =	wrdreg s28  }
0x22: {  	s1 =	smul.u32 $0x50000, s30;
	s30 =	sadd.s32 $0x14300, s15;
	[dreg:$0x1e] =	wrdreg s29  }
0x23: {  	s31 =	sadd.s32 $0x14380, s15;
	[dreg:$0x1f] =	wrdreg s30  }
0x24: {  	s3 =	sadd.s32 $0x800, s15;
	[smem:$0x7C5] =	sst s31  }
0x25: {  	s5 =	sadd.s32 $0x1000, s15;
	[smem:$0x7C7] =	sst s3  }
0x26: {  	s7 =	sadd.s32 $0x880, s15;
	[smem:$0x7C9] =	sst s5  }
0x27: {  	s8 =	sadd.s32 $0xC80, s15;
	[smem:$0x7CB] =	sst s7  }
0x28: {  	s9 =	sadd.s32 $0x1080, s15;
	[smem:$0x7CC] =	sst s8  }
0x29: {  	s13 =	sshll.u32 s10, $0x7;
	s10 =	sadd.s32 $0x500, s15;
	[smem:$0x7CD] =	sst s9  }
0x2a: {  	s11 =	sadd.s32 $0x900, s15;
	[smem:$0x7CE] =	sst s10  }
0x2b: {  	s12 =	sadd.s32 $0xD00, s15;
	[smem:$0x7CF] =	sst s11  }
0x2c: {  	s6 =	sand.u32 $0x380, s13;
	s13 =	sadd.s32 $0x1100, s15;
	[smem:$0x7D0] =	sst s12  }
0x2d: {  	s23 =	sadd.s32 $0x680, s15;
	[smem:$0x7D1] =	sst s13  }
0x2e: {  	s14 =	sadd.s32 $0x580, s15;
	[smem:$0x7DA] =	sst s23  }
0x2f: {  	s16 =	sadd.s32 $0x980, s15;
	[smem:$0x7D2] =	sst s14  }
0x30: {  	s17 =	sadd.s32 $0xD80, s15;
	[smem:$0x7D3] =	sst s16  }
0x31: {  	s18 =	sadd.s32 $0x1180, s15;
	[smem:$0x7D4] =	sst s17  }
0x32: {  	s19 =	sadd.s32 $0x600, s15;
	[smem:$0x7D5] =	sst s18  }
0x33: {  	s20 =	sadd.s32 $0xA00, s15;
	[smem:$0x7D6] =	sst s19  }
0x34: {  	s21 =	sadd.s32 $0xE00, s15;
	[smem:$0x7D7] =	sst s20  }
0x35: {  	s22 =	sadd.s32 $0x1200, s15;
	[smem:$0x7D8] =	sst s21  }
0x36: {  	s24 =	sadd.s32 $0xA80, s15;
	[smem:$0x7D9] =	sst s22  }
0x37: {  	s25 =	sadd.s32 $0xE80, s15;
	[smem:$0x7DB] =	sst s24  }
0x38: {  	s26 =	sadd.s32 $0x1280, s15;
	[smem:$0x7DC] =	sst s25  }
0x39: {  	s28 =	sadd.s32 $0x700, s15;
	[smem:$0x7DD] =	sst s26  }
0x3a: {  	s29 =	sadd.s32 $0xB00, s15;
	[smem:$0x7DE] =	sst s28  }
0x3b: {  	s30 =	sadd.s32 $0xF00, s15;
	[smem:$0x7DF] =	sst s29  }
0x3c: {  	s31 =	sadd.s32 $0x1300, s15;
	[smem:$0x7E0] =	sst s30  }
0x3d: {  	s3 =	sadd.s32 $0xB80, s15;
	[smem:$0x7E1] =	sst s31  }
0x3e: {  	s5 =	sadd.s32 $0x1380, s15;
	[smem:$0x7E3] =	sst s3  }
0x3f: {  	s7 =	sadd.s32 $0x14800, s15;
	[smem:$0x7E5] =	sst s5  }
0x40: {  	s8 =	sadd.s32 $0x14C00, s15;
	[smem:$0x7E7] =	sst s7  }
0x41: {  	s9 =	sadd.s32 $0x15000, s15;
	[smem:$0x7E8] =	sst s8  }
0x42: {  	s10 =	sadd.s32 $0x14480, s15;
	[smem:$0x7E9] =	sst s9  }
0x43: {  	s11 =	sadd.s32 $0x14880, s15;
	[smem:$0x7EA] =	sst s10  }
0x44: {  	s12 =	sadd.s32 $0x14C80, s15;
	[smem:$0x7EB] =	sst s11  }
0x45: {  	s13 =	sadd.s32 $0x15080, s15;
	[smem:$0x7EC] =	sst s12  }
0x46: {  	s1 =	sshrl.u32 s1, $0x2;
	s23 =	sadd.s32 $0x14600, s15;
	[smem:$0x7ED] =	sst s13  }
0x47: {  	s1 =	sadd.s32 s1, s4;
	s4 =	sadd.s32 $0xC00, s15;
	[smem:$0x7F6] =	sst s23  }
0x48: {  	s14 =	sadd.s32 $0x14500, s15;
	[smem:$0x7C8] =	sst s4  }
0x49: {  	s16 =	sadd.s32 $0x14900, s15;
	[smem:$0x7EE] =	sst s14  }
0x4a: {  	s0 =	sadd.s32 $0x14B00, s15;
	s17 =	sadd.s32 $0x14D00, s15;
	[smem:$0x7EF] =	sst s16  }
0x4b: {  	s18 =	sadd.s32 $0x15100, s15;
	s19 =	sadd.s32 $0x14580, s15;
	[smem:$0x7F0] =	sst s17  }
0x4c: {  	s20 =	sadd.s32 $0x14980, s15;
	s21 =	sadd.s32 $0x14D80, s15;
	[smem:$0x7F1] =	sst s18  }
0x4d: {  	s22 =	sadd.s32 $0x15180, s15;
	s24 =	sadd.s32 $0x14A00, s15;
	[smem:$0x7F2] =	sst s19  }
0x4e: {  	s25 =	sadd.s32 $0x14E00, s15;
	s26 =	sadd.s32 $0x15200, s15;
	[smem:$0x7F3] =	sst s20  }
0x4f: {  	s28 =	sadd.s32 $0x14680, s15;
	s29 =	sadd.s32 $0x14A80, s15;
	[smem:$0x7F4] =	sst s21  }
0x50: {  	s30 =	sadd.s32 $0x14E80, s15;
	s31 =	sadd.s32 $0x15280, s15;
	[smem:$0x7F5] =	sst s22  }
0x51: {  	s3 =	sadd.s32 $0x14F00, s15;
	s5 =	sadd.s32 $0x14780, s15;
	[smem:$0x7F7] =	sst s24  }
0x52: {  	s7 =	sadd.s32 $0x14F80, s15;
	s8 =	sadd.s32 $0x15380, s15;
	[smem:$0x7F8] =	sst s25  }
0x53: {  	s9 =	simm.s32 $0x1;
	s10 =	simm.s32 $0x5000;
	[smem:$0x7F9] =	sst s26  }
0x54: {  	s11 =	simm.s32 $0xA280;
	s12 =	simm.s32 $0xAE80;
	[smem:$0x7FA] =	sst s28  }
0x55: {  	s13 =	simm.s32 $0xBA80;
	s1 =	sadd.s32 s6, s1;
	[smem:$0x7FB] =	sst s29  }
0x56: {  	s6 =	sadd.s32 $0x480, s15;
	s4 =	sadd.s32 $0xF80, s15;
	[smem:$0x7FC] =	sst s30  }
0x57: {  	[smem:$0x7FD] =	sst s31;
	s14 =	simm.s32 $0xC680;
	s16 =	simm.s32 $0xD280  }
0x58: {  	s17 =	simm.s32 $0xDE80;
	s18 =	simm.s32 $0xEA80;
	[dreg:$0xf] =	wrdreg s1  }
0x59: {  	s19 =	simm.s32 $0xF680;
	s20 =	simm.s32 $0x80;
	[smem:$0x7CA] =	sst s6  }
0x5a: {  	s21 =	simm.s32 $0x400;
	s1 =	sadd.s32 $0x400, s15;
	[smem:$0x7E4] =	sst s4  }
0x5b: {  	s22 =	simm.s32 $0x0;
	s6 =	sadd.s32 $0x14400, s15;
	[smem:$0x7C6] =	sst s1  }
0x5c: {  	s4 =	sadd.s32 $0x15300, s15;
	s1 =	sadd.s32 $0x780, s15;
	[smem:$0x7E6] =	sst s6  }
0x5d: {  	v0 =	vimm.s32 $0x0;
	v1 =	vimm.s32 $0x1400;
	v2 =	vimm.f32 $1.000000000e+00;
	s6 =	sadd.s32 $0x14B80, s15;
	[smem:$0x7E2] =	sst s1;
	s1 =	sadd.s32 $0x14700, s15  }
.LBB2_1:
0x5e: {  	s23 =	rddreg [dreg:$0x5]  }
0x5f: {  	[tilespmem:s2], [sflag:$0x1] =	stream.linear.gather [hbm4b:s23+s2], $0x2800, $0x38;
	[tilespmem:$0x12A80] =	vst v63  }
0x60: {  	_ =	swait.ge [sflag:s9], $0x2800  }
0x61: {  	[sflag:s9] =	ssyncset.done $0x0  }
0x62: {  	s24 =	simm.s32 $0x2800;
	s30 =	rddreg [dreg:$0x6];
	[sflag:s9] =	ssyncadd.s32 $0xFFFFD800  }
0x63: {  	[tilespmem:s24], [sflag:$0x1] =	stream.linear.gather [hbm4b:s30+s2], $0x2800, $0x38;
	[tilespmem:$0x12A80] =	vst v63  }
0x64: {  	_ =	swait.ge [sflag:s9], $0x2800  }
0x65: {  	[sflag:s9] =	ssyncset.done $0x0  }
0x66: {  	s31 =	rddreg [dreg:$0x4];
	[sflag:s9] =	ssyncadd.s32 $0xFFFFD800  }
0x67: {  	[tilespmem:s10], [sflag:$0x1] =	stream.linear.gather [hbm4b:s31+s2], $0x2800, $0x38;
	[tilespmem:$0x12A80] =	vst v63  }
0x68: {  	_ =	swait.ge [sflag:s9], $0x2800  }
0x69: {  	[sflag:s9] =	ssyncset.done $0x0  }
0x6a: {  	s23 =	simm.s32 $0x40;
	s24 =	simm.s32 $0x0;
	[sflag:s9] =	ssyncadd.s32 $0xFFFFD800  }
.LBB2_2:
0x6b: {  	p0 =	sne.s32 s23, $0x2FC0;
	[tilespmem:s24+$0xF680] =	vst v1  }
0x6c: {  	[tilespmem:s24+$0xA280] =	vst v0  }
0x6d: {  	[tilespmem:s24+$0xAE80] =	vst v1  }
.Ltmp0:
0x6e: {  	[tilespmem:s24+$0xBA80] =	vst v0;
	(pc) =	sbr.rel @p0 .LBB2_2-.Ltmp0, $4  }
0x6f: {  	[tilespmem:s24+$0xC680] =	vst v1  }
0x70: {  	[tilespmem:s24+$0xD280] =	vst v0  }
0x71: {  	[tilespmem:s24+$0xDE80] =	vst v1  }
0x72: {  	[tilespmem:s24+$0xEA80] =	vst v0;
	s24 =	sshra.s32 s23, $0x2;
	s23 =	sadd.s32 $0x40, s23  }
0x73: {  	[tilespmem:s24+$0xF680] =	vst v1  }
0x74: {  	[tilespmem:s24+$0xA280] =	vst v0  }
0x75: {  	[tilespmem:s24+$0xAE80] =	vst v1  }
0x76: {  	[tilespmem:s24+$0xBA80] =	vst v0  }
0x77: {  	[tilespmem:s24+$0xC680] =	vst v1  }
0x78: {  	[tilespmem:s24+$0xD280] =	vst v0  }
0x79: {  	[tilespmem:s24+$0xDE80] =	vst v1;
	s23 =	simm.s32 $0x0;
	s25 =	simm.s32 $0x0  }
0x7a: {  	[tilespmem:s24+$0xEA80] =	vst v0;
	s26 =	simm.s32 $0x0;
	s28 =	simm.s32 $0x0;
	s29 =	simm.s32 $0x0  }
.LBB2_4:
0x7b: {  	s24 =	sshra.s32 s23, $0x2  }
0x7c: {  	v3 =	vld [tilespmem:s24+$0x2800]  }
0x7d: {  	v4 =	vld [tilespmem:s24+$0x0];
	_ =	sdelay $0x4  }
0x7e: {  	vm2 =	vle.s32 v4, $0x13FF;
	vm0 =	vlt.s32 v3, $0x1400  }
0x7f: {  	vm1 =	vmand vm0, vm2  }
0x80: {  	vm3 =	vgt.s32 v4, $0x13FF;
	v5 =	vsel vm1, $0x1, v0  }
0x81: {  	v57 =	vadd.s32 $0xFFFFEC00, v3;
	vm0 =	vmand vm0, vm3;
	(xrf0) =	vadd.scan.msk.s32 $0xffff, v5  }
0x82: {  	vm4 =	vlt.u32 v57, $0x1310;
	v6 =	vsel vm0, $0x1, v0  }
0x83: {  	vm2 =	vmand vm4, vm2;
	(xrf0) =	vadd.scan.msk.s32 $0xffff, v6  }
0x84: {  	v58 =	vmov s29;
	v7 =	vsel vm2, $0x1, v0  }
0x85: {  	vm3 =	vmand vm4, vm3;
	v6 =	vadd.s32 $0xFFFFFFFF, v58;
	(xrf0) =	vadd.scan.msk.s32 $0xffff, v7  }
0x86: {  	v59 =	vmov s28;
	v8 =	vsel vm3, $0x1, v0;
	v6 =	vbroadcast v6, $0x0  }
0x87: {  	v7 =	vadd.s32 $0xFFFFFFFF, v59;
	(xrf0) =	vadd.scan.msk.s32 $0xffff, v8;
	v9, _, _ =	vpop (xrf0)  }
0x88: {  	v60 =	vmov s26;
	v7 =	vbroadcast v7, $0x0;
	v6 =	vadd.s32 v6, v9  }
0x89: {  	v8 =	vadd.s32 $0xFFFFFFFF, v60;
	v10, _, _ =	vpop (xrf0)  }
0x8a: {  	v11 =	vmov s25;
	v8 =	vbroadcast v8, $0x0;
	v7 =	vadd.s32 v7, v10  }
0x8b: {  	v11 =	vadd.s32 $0xFFFFFFFF, v11;
	v12, _, _ =	vpop (xrf0)  }
0x8c: {  	v11 =	vbroadcast v11, $0x0;
	[tilespmem:v3+s10+$0x0] =	vst.idx.add.f32.msk $0xffff, v2;
	v8 =	vadd.s32 v8, v12  }
0x8d: {  	v13, _, _ =	vpop (xrf0);
	[tilespmem:v6+s11+$0x0] =	vst.idx.msk vm1, v4  }
0x8e: {  	v61 =	vadd.s32 $0xFFFFEC00, v4;
	v11 =	vadd.s32 v11, v13;
	[tilespmem:v6+s12+$0x0] =	vst.idx.msk vm1, v3  }
0x8f: {  	[tilespmem:v7+s13+$0x0] =	vst.idx.msk vm0, v61  }
0x90: {  	(v2sf) =	vpush v9, $0xF;
	[tilespmem:v7+s14+$0x0] =	vst.idx.msk vm0, v3  }
0x91: {  	[tilespmem:v8+s16+$0x0] =	vst.idx.msk vm2, v4  }
0x92: {  	(v2sf) =	vpush v10, $0xF;
	[tilespmem:v8+s17+$0x0] =	vst.idx.msk vm2, v57  }
0x93: {  	[tilespmem:v11+s18+$0x0] =	vst.idx.msk vm3, v61  }
0x94: {  	(v2sf) =	vpush v12, $0xF;
	[tilespmem:v11+s19+$0x0] =	vst.idx.msk vm3, v57  }
0x95: {  	v3 =	vld [tilespmem:s24+$0x2810]  }
0x96: {  	(v2sf) =	vpush v13, $0xF;
	v4 =	vld [tilespmem:s24+$0x10];
	_ =	sdelay $0x4  }
0x97: {  	vm11 =	vle.s32 v4, $0x13FF;
	vm12 =	vlt.s32 v3, $0x1400  }
0x98: {  	vm13 =	vmand vm12, vm11  }
0x99: {  	vm14 =	vgt.s32 v4, $0x13FF;
	v62 =	vsel vm13, $0x1, v0  }
0x9a: {  	v63 =	vadd.s32 $0xFFFFEC00, v3;
	vm0 =	vmand vm12, vm14;
	(xrf0) =	vadd.scan.msk.s32 $0xffff, v62  }
0x9b: {  	s30 =	spop (v2sf);
	vm15 =	vlt.u32 v63, $0x1310;
	v12 =	vsel vm0, $0x1, v0  }
0x9c: {  	s29 =	sadd.s32 s29, s30;
	vm2 =	vmand vm15, vm11;
	(xrf0) =	vadd.scan.msk.s32 $0xffff, v12  }
0x9d: {  	s31 =	spop (v2sf);
	v13 =	vmov s29;
	v14 =	vsel vm2, $0x1, v0  }
0x9e: {  	s28 =	sadd.s32 s28, s31;
	v6 =	vadd.s32 $0xFFFFFFFF, v13;
	vm3 =	vmand vm15, vm14;
	(xrf0) =	vadd.scan.msk.s32 $0xffff, v14  }
0x9f: {  	s31 =	spop (v2sf);
	v15 =	vmov s28;
	v6 =	vbroadcast v6, $0x0;
	v16 =	vsel vm3, $0x1, v0  }
0xa0: {  	s26 =	sadd.s32 s26, s31;
	v7 =	vadd.s32 $0xFFFFFFFF, v15;
	v17, _, _ =	vpop (xrf0);
	(xrf0) =	vadd.scan.msk.s32 $0xffff, v16  }
0xa1: {  	s31 =	spop (v2sf);
	v18 =	vmov s26;
	v7 =	vbroadcast v7, $0x0;
	v6 =	vadd.s32 v6, v17  }
0xa2: {  	s25 =	sadd.s32 s25, s31;
	v8 =	vadd.s32 $0xFFFFFFFF, v18;
	v19, _, _ =	vpop (xrf0)  }
0xa3: {  	v20 =	vmov s25;
	v8 =	vbroadcast v8, $0x0;
	v7 =	vadd.s32 v7, v19  }
0xa4: {  	v11 =	vadd.s32 $0xFFFFFFFF, v20;
	v21, _, _ =	vpop (xrf0)  }
0xa5: {  	[tilespmem:v3+s10+$0x0] =	vst.idx.add.f32.msk $0xffff, v2;
	v11 =	vbroadcast v11, $0x0;
	v8 =	vadd.s32 v8, v21  }
0xa6: {  	[tilespmem:v6+s11+$0x0] =	vst.idx.msk vm13, v4;
	v22, _, _ =	vpop (xrf0)  }
0xa7: {  	v23 =	vadd.s32 $0xFFFFEC00, v4;
	[tilespmem:v6+s12+$0x0] =	vst.idx.msk vm13, v3;
	v11 =	vadd.s32 v11, v22  }
0xa8: {  	[tilespmem:v7+s13+$0x0] =	vst.idx.msk vm0, v23  }
0xa9: {  	(v2sf) =	vpush v17, $0xF;
	[tilespmem:v7+s14+$0x0] =	vst.idx.msk vm0, v3  }
0xaa: {  	[tilespmem:v8+s16+$0x0] =	vst.idx.msk vm2, v4  }
0xab: {  	(v2sf) =	vpush v19, $0xF;
	[tilespmem:v8+s17+$0x0] =	vst.idx.msk vm2, v63  }
0xac: {  	[tilespmem:v11+s18+$0x0] =	vst.idx.msk vm3, v23  }
0xad: {  	(v2sf) =	vpush v21, $0xF;
	[tilespmem:v11+s19+$0x0] =	vst.idx.msk vm3, v63  }
0xae: {  	v3 =	vld [tilespmem:s24+$0x2820]  }
0xaf: {  	(v2sf) =	vpush v22, $0xF;
	v4 =	vld [tilespmem:s24+$0x20];
	_ =	sdelay $0x4  }
0xb0: {  	vm8 =	vle.s32 v4, $0x13FF;
	vm9 =	vlt.s32 v3, $0x1400  }
0xb1: {  	vm10 =	vmand vm9, vm8  }
0xb2: {  	vm11 =	vgt.s32 v4, $0x13FF;
	v24 =	vsel vm10, $0x1, v0  }
0xb3: {  	v25 =	vadd.s32 $0xFFFFEC00, v3;
	vm0 =	vmand vm9, vm11;
	(xrf0) =	vadd.scan.msk.s32 $0xffff, v24  }
0xb4: {  	s31 =	spop (v2sf);
	vm12 =	vlt.u32 v25, $0x1310;
	v26 =	vsel vm0, $0x1, v0  }
0xb5: {  	s29 =	sadd.s32 s29, s31;
	vm2 =	vmand vm12, vm8;
	(xrf0) =	vadd.scan.msk.s32 $0xffff, v26  }
0xb6: {  	s31 =	spop (v2sf);
	v27 =	vmov s29;
	v28 =	vsel vm2, $0x1, v0  }
0xb7: {  	s28 =	sadd.s32 s28, s31;
	v6 =	vadd.s32 $0xFFFFFFFF, v27;
	vm3 =	vmand vm12, vm11;
	(xrf0) =	vadd.scan.msk.s32 $0xffff, v28  }
0xb8: {  	s31 =	spop (v2sf);
	v29 =	vmov s28;
	v6 =	vbroadcast v6, $0x0;
	v30 =	vsel vm3, $0x1, v0  }
0xb9: {  	s26 =	sadd.s32 s26, s31;
	v7 =	vadd.s32 $0xFFFFFFFF, v29;
	v31, _, _ =	vpop (xrf0);
	(xrf0) =	vadd.scan.msk.s32 $0xffff, v30  }
0xba: {  	v32 =	vmov s26;
	v7 =	vbroadcast v7, $0x0;
	s31 =	spop (v2sf);
	v6 =	vadd.s32 v6, v31  }
0xbb: {  	v8 =	vadd.s32 $0xFFFFFFFF, v32;
	s25 =	sadd.s32 s25, s31;
	v33, _, _ =	vpop (xrf0)  }
0xbc: {  	v8 =	vbroadcast v8, $0x0;
	v34 =	vmov s25;
	v7 =	vadd.s32 v7, v33  }
0xbd: {  	v11 =	vadd.s32 $0xFFFFFFFF, v34;
	v35, _, _ =	vpop (xrf0)  }
0xbe: {  	[tilespmem:v3+s10+$0x0] =	vst.idx.add.f32.msk $0xffff, v2;
	v11 =	vbroadcast v11, $0x0;
	v8 =	vadd.s32 v8, v35  }
0xbf: {  	[tilespmem:v6+s11+$0x0] =	vst.idx.msk vm10, v4;
	v36, _, _ =	vpop (xrf0)  }
0xc0: {  	v37 =	vadd.s32 $0xFFFFEC00, v4;
	[tilespmem:v6+s12+$0x0] =	vst.idx.msk vm10, v3;
	v11 =	vadd.s32 v11, v36  }
0xc1: {  	[tilespmem:v7+s13+$0x0] =	vst.idx.msk vm0, v37  }
0xc2: {  	(v2sf) =	vpush v31, $0xF;
	[tilespmem:v7+s14+$0x0] =	vst.idx.msk vm0, v3  }
0xc3: {  	[tilespmem:v8+s16+$0x0] =	vst.idx.msk vm2, v4  }
0xc4: {  	(v2sf) =	vpush v33, $0xF;
	[tilespmem:v8+s17+$0x0] =	vst.idx.msk vm2, v25  }
0xc5: {  	[tilespmem:v11+s18+$0x0] =	vst.idx.msk vm3, v37  }
0xc6: {  	(v2sf) =	vpush v35, $0xF;
	[tilespmem:v11+s19+$0x0] =	vst.idx.msk vm3, v25  }
0xc7: {  	v3 =	vld [tilespmem:s24+$0x2830]  }
0xc8: {  	(v2sf) =	vpush v36, $0xF;
	v4 =	vld [tilespmem:s24+$0x30];
	_ =	sdelay $0x4  }
0xc9: {  	vm13 =	vle.s32 v4, $0x13FF;
	vm14 =	vlt.s32 v3, $0x1400  }
0xca: {  	vm15 =	vmand vm14, vm13  }
0xcb: {  	vm8 =	vgt.s32 v4, $0x13FF;
	v38 =	vsel vm15, $0x1, v0  }
0xcc: {  	v39 =	vadd.s32 $0xFFFFEC00, v3;
	vm0 =	vmand vm14, vm8;
	(xrf0) =	vadd.scan.msk.s32 $0xffff, v38  }
0xcd: {  	s31 =	spop (v2sf);
	vm9 =	vlt.u32 v39, $0x1310;
	v40 =	vsel vm0, $0x1, v0  }
0xce: {  	s29 =	sadd.s32 s29, s31;
	vm2 =	vmand vm9, vm13;
	(xrf0) =	vadd.scan.msk.s32 $0xffff, v40  }
0xcf: {  	s31 =	spop (v2sf);
	v41 =	vmov s29;
	v42 =	vsel vm2, $0x1, v0  }
0xd0: {  	s28 =	sadd.s32 s28, s31;
	v6 =	vadd.s32 $0xFFFFFFFF, v41;
	vm3 =	vmand vm9, vm8;
	(xrf0) =	vadd.scan.msk.s32 $0xffff, v42  }
0xd1: {  	s31 =	spop (v2sf);
	v43 =	vmov s28;
	v6 =	vbroadcast v6, $0x0;
	v44 =	vsel vm3, $0x1, v0  }
0xd2: {  	s26 =	sadd.s32 s26, s31;
	v7 =	vadd.s32 $0xFFFFFFFF, v43;
	v45, _, _ =	vpop (xrf0);
	(xrf0) =	vadd.scan.msk.s32 $0xffff, v44  }
0xd3: {  	v46 =	vmov s26;
	v7 =	vbroadcast v7, $0x0;
	s31 =	spop (v2sf);
	v6 =	vadd.s32 v6, v45  }
0xd4: {  	v8 =	vadd.s32 $0xFFFFFFFF, v46;
	s25 =	sadd.s32 s25, s31;
	v47, _, _ =	vpop (xrf0)  }
0xd5: {  	v8 =	vbroadcast v8, $0x0;
	v48 =	vmov s25;
	v7 =	vadd.s32 v7, v47  }
0xd6: {  	v11 =	vadd.s32 $0xFFFFFFFF, v48;
	v49, _, _ =	vpop (xrf0)  }
0xd7: {  	[tilespmem:v3+s10+$0x0] =	vst.idx.add.f32.msk $0xffff, v2;
	v11 =	vbroadcast v11, $0x0;
	v8 =	vadd.s32 v8, v49  }
0xd8: {  	[tilespmem:v6+s11+$0x0] =	vst.idx.msk vm15, v4;
	v50, _, _ =	vpop (xrf0)  }
0xd9: {  	v51 =	vadd.s32 $0xFFFFEC00, v4;
	[tilespmem:v6+s12+$0x0] =	vst.idx.msk vm15, v3;
	v11 =	vadd.s32 v11, v50  }
0xda: {  	[tilespmem:v7+s13+$0x0] =	vst.idx.msk vm0, v51  }
0xdb: {  	(v2sf) =	vpush v45, $0xF;
	[tilespmem:v7+s14+$0x0] =	vst.idx.msk vm0, v3  }
0xdc: {  	[tilespmem:v8+s16+$0x0] =	vst.idx.msk vm2, v4  }
0xdd: {  	(v2sf) =	vpush v47, $0xF;
	[tilespmem:v8+s17+$0x0] =	vst.idx.msk vm2, v39  }
0xde: {  	[tilespmem:v11+s18+$0x0] =	vst.idx.msk vm3, v51  }
0xdf: {  	(v2sf) =	vpush v49, $0xF;
	[tilespmem:v11+s19+$0x0] =	vst.idx.msk vm3, v39  }
0xe0: {  	v3 =	vld [tilespmem:s24+$0x2840]  }
0xe1: {  	(v2sf) =	vpush v50, $0xF;
	v4 =	vld [tilespmem:s24+$0x40];
	_ =	sdelay $0x4  }
0xe2: {  	vm10 =	vle.s32 v4, $0x13FF;
	vm11 =	vlt.s32 v3, $0x1400  }
0xe3: {  	vm12 =	vmand vm11, vm10  }
0xe4: {  	vm13 =	vgt.s32 v4, $0x13FF;
	v52 =	vsel vm12, $0x1, v0  }
0xe5: {  	v53 =	vadd.s32 $0xFFFFEC00, v3;
	vm0 =	vmand vm11, vm13;
	(xrf0) =	vadd.scan.msk.s32 $0xffff, v52  }
0xe6: {  	s31 =	spop (v2sf);
	vm14 =	vlt.u32 v53, $0x1310;
	v54 =	vsel vm0, $0x1, v0  }
0xe7: {  	s29 =	sadd.s32 s29, s31;
	vm2 =	vmand vm14, vm10;
	(xrf0) =	vadd.scan.msk.s32 $0xffff, v54  }
0xe8: {  	s31 =	spop (v2sf);
	v55 =	vmov s29;
	v56 =	vsel vm2, $0x1, v0  }
0xe9: {  	s28 =	sadd.s32 s28, s31;
	v6 =	vadd.s32 $0xFFFFFFFF, v55;
	vm3 =	vmand vm14, vm13;
	(xrf0) =	vadd.scan.msk.s32 $0xffff, v56  }
0xea: {  	s31 =	spop (v2sf);
	v57 =	vmov s28;
	v6 =	vbroadcast v6, $0x0;
	v58 =	vsel vm3, $0x1, v0  }
0xeb: {  	s26 =	sadd.s32 s26, s31;
	v7 =	vadd.s32 $0xFFFFFFFF, v57;
	v59, _, _ =	vpop (xrf0);
	(xrf0) =	vadd.scan.msk.s32 $0xffff, v58  }
0xec: {  	v60 =	vmov s26;
	v7 =	vbroadcast v7, $0x0;
	s31 =	spop (v2sf);
	v6 =	vadd.s32 v6, v59  }
0xed: {  	v8 =	vadd.s32 $0xFFFFFFFF, v60;
	s25 =	sadd.s32 s25, s31;
	v61, _, _ =	vpop (xrf0)  }
0xee: {  	v8 =	vbroadcast v8, $0x0;
	v62 =	vmov s25;
	v7 =	vadd.s32 v7, v61  }
0xef: {  	v11 =	vadd.s32 $0xFFFFFFFF, v62;
	v63, _, _ =	vpop (xrf0)  }
0xf0: {  	[tilespmem:v3+s10+$0x0] =	vst.idx.add.f32.msk $0xffff, v2;
	v11 =	vbroadcast v11, $0x0;
	v8 =	vadd.s32 v8, v63  }
0xf1: {  	[tilespmem:v6+s11+$0x0] =	vst.idx.msk vm12, v4;
	v16, _, _ =	vpop (xrf0)  }
0xf2: {  	v17 =	vadd.s32 $0xFFFFEC00, v4;
	[tilespmem:v6+s12+$0x0] =	vst.idx.msk vm12, v3;
	v11 =	vadd.s32 v11, v16  }
0xf3: {  	[tilespmem:v7+s13+$0x0] =	vst.idx.msk vm0, v17  }
0xf4: {  	(v2sf) =	vpush v59, $0xF;
	[tilespmem:v7+s14+$0x0] =	vst.idx.msk vm0, v3  }
0xf5: {  	[tilespmem:v8+s16+$0x0] =	vst.idx.msk vm2, v4  }
0xf6: {  	(v2sf) =	vpush v61, $0xF;
	[tilespmem:v8+s17+$0x0] =	vst.idx.msk vm2, v53  }
0xf7: {  	[tilespmem:v11+s18+$0x0] =	vst.idx.msk vm3, v17  }
0xf8: {  	(v2sf) =	vpush v63, $0xF;
	[tilespmem:v11+s19+$0x0] =	vst.idx.msk vm3, v53  }
0xf9: {  	v3 =	vld [tilespmem:s24+$0x2850]  }
0xfa: {  	(v2sf) =	vpush v16, $0xF;
	v4 =	vld [tilespmem:s24+$0x50];
	_ =	sdelay $0x4  }
0xfb: {  	vm15 =	vle.s32 v4, $0x13FF;
	vm8 =	vlt.s32 v3, $0x1400  }
0xfc: {  	vm9 =	vmand vm8, vm15  }
0xfd: {  	vm10 =	vgt.s32 v4, $0x13FF;
	v18 =	vsel vm9, $0x1, v0  }
0xfe: {  	v19 =	vadd.s32 $0xFFFFEC00, v3;
	vm0 =	vmand vm8, vm10;
	(xrf0) =	vadd.scan.msk.s32 $0xffff, v18  }
0xff: {  	s31 =	spop (v2sf);
	vm11 =	vlt.u32 v19, $0x1310;
	v20 =	vsel vm0, $0x1, v0  }
0x100: {  	s29 =	sadd.s32 s29, s31;
	vm2 =	vmand vm11, vm15;
	(xrf0) =	vadd.scan.msk.s32 $0xffff, v20  }
0x101: {  	s31 =	spop (v2sf);
	v21 =	vmov s29;
	v22 =	vsel vm2, $0x1, v0  }
0x102: {  	s28 =	sadd.s32 s28, s31;
	v6 =	vadd.s32 $0xFFFFFFFF, v21;
	vm3 =	vmand vm11, vm10;
	(xrf0) =	vadd.scan.msk.s32 $0xffff, v22  }
0x103: {  	s31 =	spop (v2sf);
	v23 =	vmov s28;
	v6 =	vbroadcast v6, $0x0;
	v24 =	vsel vm3, $0x1, v0  }
0x104: {  	s30 =	sadd.s32 s26, s31;
	v7 =	vadd.s32 $0xFFFFFFFF, v23;
	v25, _, _ =	vpop (xrf0);
	(xrf0) =	vadd.scan.msk.s32 $0xffff, v24  }
0x105: {  	v26 =	vmov s30;
	v7 =	vbroadcast v7, $0x0;
	s31 =	spop (v2sf);
	v6 =	vadd.s32 v6, v25  }
0x106: {  	v8 =	vadd.s32 $0xFFFFFFFF, v26;
	s31 =	sadd.s32 s25, s31;
	v27, _, _ =	vpop (xrf0)  }
0x107: {  	v8 =	vbroadcast v8, $0x0;
	v28 =	vmov s31;
	v7 =	vadd.s32 v7, v27  }
0x108: {  	v11 =	vadd.s32 $0xFFFFFFFF, v28;
	v29, _, _ =	vpop (xrf0)  }
0x109: {  	[tilespmem:v3+s10+$0x0] =	vst.idx.add.f32.msk $0xffff, v2;
	v11 =	vbroadcast v11, $0x0;
	v8 =	vadd.s32 v8, v29  }
0x10a: {  	[tilespmem:v6+s11+$0x0] =	vst.idx.msk vm9, v4;
	v30, _, _ =	vpop (xrf0)  }
0x10b: {  	v31 =	vadd.s32 $0xFFFFEC00, v4;
	[tilespmem:v6+s12+$0x0] =	vst.idx.msk vm9, v3;
	v11 =	vadd.s32 v11, v30  }
0x10c: {  	[tilespmem:v7+s13+$0x0] =	vst.idx.msk vm0, v31  }
0x10d: {  	(v2sf) =	vpush v25, $0xF;
	[tilespmem:v7+s14+$0x0] =	vst.idx.msk vm0, v3  }
0x10e: {  	[tilespmem:v8+s16+$0x0] =	vst.idx.msk vm2, v4  }
0x10f: {  	(v2sf) =	vpush v27, $0xF;
	[tilespmem:v8+s17+$0x0] =	vst.idx.msk vm2, v19  }
0x110: {  	[tilespmem:v11+s18+$0x0] =	vst.idx.msk vm3, v31  }
0x111: {  	(v2sf) =	vpush v29, $0xF;
	[tilespmem:v11+s19+$0x0] =	vst.idx.msk vm3, v19  }
0x112: {  	v3 =	vld [tilespmem:s24+$0x2860]  }
0x113: {  	(v2sf) =	vpush v30, $0xF;
	v4 =	vld [tilespmem:s24+$0x60];
	_ =	sdelay $0x4  }
0x114: {  	vm12 =	vle.s32 v4, $0x13FF;
	vm13 =	vlt.s32 v3, $0x1400  }
0x115: {  	vm14 =	vmand vm13, vm12  }
0x116: {  	vm15 =	vgt.s32 v4, $0x13FF;
	v32 =	vsel vm14, $0x1, v0  }
0x117: {  	v33 =	vadd.s32 $0xFFFFEC00, v3;
	vm1 =	vmand vm13, vm15;
	(xrf0) =	vadd.scan.msk.s32 $0xffff, v32  }
0x118: {  	s26 =	spop (v2sf);
	vm8 =	vlt.u32 v33, $0x1310;
	v34 =	vsel vm1, $0x1, v0  }
0x119: {  	s25 =	sadd.s32 s29, s26;
	vm2 =	vmand vm8, vm12;
	(xrf0) =	vadd.scan.msk.s32 $0xffff, v34  }
0x11a: {  	s26 =	spop (v2sf);
	v35 =	vmov s25;
	v36 =	vsel vm2, $0x1, v0  }
0x11b: {  	s26 =	sadd.s32 s28, s26;
	v6 =	vadd.s32 $0xFFFFFFFF, v35;
	vm3 =	vmand vm8, vm15;
	(xrf0) =	vadd.scan.msk.s32 $0xffff, v36  }
0x11c: {  	s28 =	spop (v2sf);
	v37 =	vmov s26;
	v6 =	vbroadcast v6, $0x0;
	v38 =	vsel vm3, $0x1, v0  }
0x11d: {  	s28 =	sadd.s32 s30, s28;
	v7 =	vadd.s32 $0xFFFFFFFF, v37;
	v39, _, _ =	vpop (xrf0);
	(xrf0) =	vadd.scan.msk.s32 $0xffff, v38  }
0x11e: {  	v40 =	vmov s28;
	v7 =	vbroadcast v7, $0x0;
	s29 =	spop (v2sf);
	v6 =	vadd.s32 v6, v39  }
0x11f: {  	v8 =	vadd.s32 $0xFFFFFFFF, v40;
	s29 =	sadd.s32 s31, s29;
	v41, _, _ =	vpop (xrf0)  }
0x120: {  	v8 =	vbroadcast v8, $0x0;
	v42 =	vmov s29;
	v7 =	vadd.s32 v7, v41  }
0x121: {  	v11 =	vadd.s32 $0xFFFFFFFF, v42;
	v43, _, _ =	vpop (xrf0)  }
0x122: {  	[tilespmem:v3+s10+$0x0] =	vst.idx.add.f32.msk $0xffff, v2;
	v11 =	vbroadcast v11, $0x0;
	v8 =	vadd.s32 v8, v43  }
0x123: {  	[tilespmem:v6+s11+$0x0] =	vst.idx.msk vm14, v4;
	v44, _, _ =	vpop (xrf0)  }
0x124: {  	v45 =	vadd.s32 $0xFFFFEC00, v4;
	[tilespmem:v6+s12+$0x0] =	vst.idx.msk vm14, v3;
	v11 =	vadd.s32 v11, v44  }
0x125: {  	[tilespmem:v7+s13+$0x0] =	vst.idx.msk vm1, v45  }
0x126: {  	[tilespmem:v7+s14+$0x0] =	vst.idx.msk vm1, v3  }
0x127: {  	[tilespmem:v8+s16+$0x0] =	vst.idx.msk vm2, v4  }
0x128: {  	[tilespmem:v8+s17+$0x0] =	vst.idx.msk vm2, v33  }
0x129: {  	[tilespmem:v11+s18+$0x0] =	vst.idx.msk vm3, v45  }
0x12a: {  	[tilespmem:v11+s19+$0x0] =	vst.idx.msk vm3, v33  }
0x12b: {  	v3 =	vld [tilespmem:s24+$0x2870]  }
0x12c: {  	v4 =	vld [tilespmem:s24+$0x70]  }
0x12d: {  	(v2sf) =	vpush v39, $0xF;
	_ =	sdelay $0x1  }
0x12e: {  	(v2sf) =	vpush v41, $0xF  }
0x12f: {  	(v2sf) =	vpush v43, $0xF  }
0x130: {  	(v2sf) =	vpush v44, $0xF;
	vm9 =	vle.s32 v4, $0x13FF;
	vm10 =	vlt.s32 v3, $0x1400  }
0x131: {  	vm11 =	vgt.s32 v4, $0x13FF;
	v46 =	vadd.s32 $0xFFFFEC00, v3;
	vm12 =	vmand vm10, vm9  }
0x132: {  	vm13 =	vmand vm10, vm11;
	vm5 =	vlt.u32 v46, $0x1310;
	v47 =	vsel vm12, $0x1, v0  }
0x133: {  	v48 =	vsel vm13, $0x1, v0;
	vm14 =	vmand vm5, vm9;
	(xrf0) =	vadd.scan.msk.s32 $0xffff, v47  }
0x134: {  	vm15 =	vmand vm5, vm11;
	v49 =	vsel vm14, $0x1, v0;
	(xrf0) =	vadd.scan.msk.s32 $0xffff, v48  }
0x135: {  	v50 =	vsel vm15, $0x1, v0;
	(xrf0) =	vadd.scan.msk.s32 $0xffff, v49  }
0x136: {  	(xrf0) =	vadd.scan.msk.s32 $0xffff, v50;
	_ =	sdelay $0x2  }
0x137: {  	v51, _, _ =	vpop (xrf0)  }
0x138: {  	v52, _, _ =	vpop (xrf0);
	(v2sf) =	vpush v51, $0xF  }
0x139: {  	s30 =	spop (v2sf);
	v53, _, _ =	vpop (xrf0);
	(v2sf) =	vpush v52, $0xF  }
0x13a: {  	s24 =	sadd.s32 s25, s30;
	(v2sf) =	vpush v53, $0xF;
	v54, _, _ =	vpop (xrf0)  }
0x13b: {  	s31 =	spop (v2sf);
	v55 =	vmov s24;
	(v2sf) =	vpush v54, $0xF  }
0x13c: {  	s25 =	sadd.s32 s26, s31;
	v10 =	vadd.s32 $0xFFFFFFFF, v55  }
0x13d: {  	s30 =	spop (v2sf);
	v56 =	vmov s25;
	v10 =	vbroadcast v10, $0x0  }
0x13e: {  	s26 =	sadd.s32 s28, s30;
	v11 =	vadd.s32 $0xFFFFFFFF, v56  }
0x13f: {  	v58 =	vmov s26;
	v57 =	vbroadcast v11, $0x0;
	s28 =	spop (v2sf);
	v6 =	vadd.s32 v10, v51  }
0x140: {  	v11 =	vadd.s32 $0xFFFFFFFF, v58;
	s30 =	sadd.s32 s29, s28  }
0x141: {  	v59 =	vbroadcast v11, $0x0;
	v60 =	vmov s30;
	v7 =	vadd.s32 v57, v52  }
0x142: {  	v11 =	vadd.s32 $0xFFFFFFFF, v60  }
0x143: {  	[tilespmem:v3+s10+$0x0] =	vst.idx.add.f32.msk $0xffff, v2;
	v61 =	vbroadcast v11, $0x0;
	v8 =	vadd.s32 v59, v53  }
0x144: {  	[tilespmem:v6+s11+$0x0] =	vst.idx.msk vm12, v4  }
0x145: {  	v63 =	vadd.s32 $0xFFFFEC00, v4;
	v62 =	vadd.s32 v61, v54;
	[tilespmem:v6+s12+$0x0] =	vst.idx.msk vm12, v3  }
0x146: {  	p0 =	sne.s32 s23, $0x9E00;
	[tilespmem:v7+s13+$0x0] =	vst.idx.msk vm13, v63  }
.Ltmp1:
0x147: {  	[tilespmem:v7+s14+$0x0] =	vst.idx.msk vm13, v3;
	s28 =	spop (v2sf);
	(pc) =	sbr.rel @p0 .LBB2_4-.Ltmp1, $4  }
0x148: {  	[tilespmem:v8+s16+$0x0] =	vst.idx.msk vm14, v4;
	s31 =	spop (v2sf)  }
0x149: {  	[tilespmem:v8+s17+$0x0] =	vst.idx.msk vm14, v46;
	s29 =	sadd.s32 s24, s28;
	s24 =	spop (v2sf)  }
0x14a: {  	[tilespmem:v62+s18+$0x0] =	vst.idx.msk vm15, v63;
	s28 =	sadd.s32 s25, s31;
	s31 =	spop (v2sf)  }
0x14b: {  	s23 =	sadd.s32 $0x200, s23;
	[tilespmem:v62+s19+$0x0] =	vst.idx.msk vm15, v46;
	s26 =	sadd.s32 s26, s24;
	s25 =	sadd.s32 s30, s31  }
0x14c: {  	s23 =	rddreg [dreg:$0x7]  }
0x14d: {  	[hbm4b:s23+s20] =	stream.strided.scatter [tilespmem:s11], [sflag:$0x1], $0xC00, s21, s20, $0x38;
	[tilespmem:$0x12A80] =	vst v63  }
0x14e: {  	_ =	swait.ge [sflag:s9], $0xC00  }
0x14f: {  	[sflag:s9] =	ssyncset.done $0x0  }
0x150: {  	s26 =	rddreg [dreg:$0x8];
	[sflag:s9] =	ssyncadd.s32 $0xFFFFF400  }
0x151: {  	[hbm4b:s26+s20] =	stream.strided.scatter [tilespmem:s12], [sflag:$0x1], $0xC00, s21, s20, $0x38;
	[tilespmem:$0x12A80] =	vst v63  }
0x152: {  	_ =	swait.ge [sflag:s9], $0xC00  }
0x153: {  	[sflag:s9] =	ssyncset.done $0x0  }
0x154: {  	s29 =	rddreg [dreg:$0x9];
	[sflag:s9] =	ssyncadd.s32 $0xFFFFF400  }
0x155: {  	[hbm4b:s29+s20] =	stream.strided.scatter [tilespmem:s13], [sflag:$0x1], $0xC00, s21, s20, $0x38;
	[tilespmem:$0x12A80] =	vst v63  }
0x156: {  	_ =	swait.ge [sflag:s9], $0xC00  }
0x157: {  	[sflag:s9] =	ssyncset.done $0x0  }
0x158: {  	s30 =	rddreg [dreg:$0xa];
	[sflag:s9] =	ssyncadd.s32 $0xFFFFF400  }
0x159: {  	[hbm4b:s30+s20] =	stream.strided.scatter [tilespmem:s14], [sflag:$0x1], $0xC00, s21, s20, $0x38;
	[tilespmem:$0x12A80] =	vst v63  }
0x15a: {  	_ =	swait.ge [sflag:s9], $0xC00  }
0x15b: {  	[sflag:s9] =	ssyncset.done $0x0  }
0x15c: {  	s31 =	rddreg [dreg:$0xb];
	[sflag:s9] =	ssyncadd.s32 $0xFFFFF400  }
0x15d: {  	[hbm4b:s31+s20] =	stream.strided.scatter [tilespmem:s16], [sflag:$0x1], $0xC00, s21, s20, $0x38;
	[tilespmem:$0x12A80] =	vst v63  }
0x15e: {  	_ =	swait.ge [sflag:s9], $0xC00  }
0x15f: {  	[sflag:s9] =	ssyncset.done $0x0  }
0x160: {  	s24 =	rddreg [dreg:$0xc];
	[sflag:s9] =	ssyncadd.s32 $0xFFFFF400  }
0x161: {  	[hbm4b:s24+s20] =	stream.strided.scatter [tilespmem:s17], [sflag:$0x1], $0xC00, s21, s20, $0x38;
	[tilespmem:$0x12A80] =	vst v63  }
0x162: {  	_ =	swait.ge [sflag:s9], $0xC00  }
0x163: {  	[sflag:s9] =	ssyncset.done $0x0  }
0x164: {  	s25 =	rddreg [dreg:$0xd];
	[sflag:s9] =	ssyncadd.s32 $0xFFFFF400  }
0x165: {  	[hbm4b:s25+s20] =	stream.strided.scatter [tilespmem:s18], [sflag:$0x1], $0xC00, s21, s20, $0x38;
	[tilespmem:$0x12A80] =	vst v63  }
0x166: {  	_ =	swait.ge [sflag:s9], $0xC00  }
0x167: {  	[sflag:s9] =	ssyncset.done $0x0  }
0x168: {  	s26 =	rddreg [dreg:$0xe];
	[sflag:s9] =	ssyncadd.s32 $0xFFFFF400  }
0x169: {  	[hbm4b:s26+s20] =	stream.strided.scatter [tilespmem:s19], [sflag:$0x1], $0xC00, s21, s20, $0x38;
	[tilespmem:$0x12A80] =	vst v63  }
0x16a: {  	_ =	swait.ge [sflag:s9], $0xC00  }
0x16b: {  	[sflag:s9] =	ssyncset.done $0x0  }
0x16c: {  	s29 =	rddreg [dreg:$0xf];
	[sflag:s9] =	ssyncadd.s32 $0xFFFFF400  }
0x16d: {  	[spmem:s29] =	stream.strided.scatter [tilespmem:s10], [sflag:$0x1], $0x2800, s21, s20, $0x38;
	[tilespmem:$0x12A80] =	vst v63  }
0x16e: {  	_ =	swait.ge [sflag:s9], $0x2800  }
0x16f: {  	[sflag:s9] =	ssyncset.done $0x0  }
0x170: {  	[sflag:s9] =	ssyncadd.s32 $0xFFFFD800  }
0x171: {  	[bflag:$0x0] =	sbarrier.arrive $0xFFFF  }
0x172: {  	s30 =	simm.s32 $0x7800;
	s31 =	sld [smem:$0x7C6]  }
0x173: {  	[tilespmem:s30], [sflag:$0x1] =	stream.linear.gather [spmem:s15], $0x80, $0x38;
	[tilespmem:$0x12A80] =	vst v63  }
0x174: {  	s24 =	simm.s32 $0x7C00  }
0x175: {  	[tilespmem:s24], [sflag:$0x1] =	stream.linear.gather [spmem:s31], $0x80, $0x38;
	[tilespmem:$0x12A80] =	vst v63  }
0x176: {  	s24 =	sld [smem:$0x7C7];
	_ =	sdelay $0x1  }
0x177: {  	s25 =	simm.s32 $0x8000;
	s26 =	sld [smem:$0x7C8]  }
0x178: {  	[tilespmem:s25], [sflag:$0x1] =	stream.linear.gather [spmem:s24], $0x80, $0x38;
	[tilespmem:$0x12A80] =	vst v63  }
0x179: {  	s29 =	simm.s32 $0x8400;
	s30 =	sld [smem:$0x7C9]  }
0x17a: {  	[tilespmem:s29], [sflag:$0x1] =	stream.linear.gather [spmem:s26], $0x80, $0x38;
	[tilespmem:$0x12A80] =	vst v63  }
0x17b: {  	s31 =	simm.s32 $0x8800  }
0x17c: {  	[tilespmem:s31], [sflag:$0x1] =	stream.linear.gather [spmem:s30], $0x80, $0x38;
	[tilespmem:$0x12A80] =	vst v63  }
0x17d: {  	_ =	swait.ge [sflag:s9], $0x280  }
0x17e: {  	[sflag:s9] =	ssyncset.done $0x0;
	s24 =	rddreg [dreg:$0x10]  }
0x17f: {  	s25 =	simm.s32 $0x7880;
	s26 =	sld [smem:$0x7CA];
	[sflag:s9] =	ssyncadd.s32 $0xFFFFFD80  }
0x180: {  	[tilespmem:s25], [sflag:$0x1] =	stream.linear.gather [spmem:s24], $0x80, $0x38;
	[tilespmem:$0x12A80] =	vst v63  }
0x181: {  	s29 =	simm.s32 $0x7C80;
	s30 =	sld [smem:$0x7CB]  }
0x182: {  	[tilespmem:s29], [sflag:$0x1] =	stream.linear.gather [spmem:s26], $0x80, $0x38;
	[tilespmem:$0x12A80] =	vst v63  }
0x183: {  	s31 =	simm.s32 $0x8080;
	s24 =	sld [smem:$0x7CC]  }
0x184: {  	[tilespmem:s31], [sflag:$0x1] =	stream.linear.gather [spmem:s30], $0x80, $0x38;
	[tilespmem:$0x12A80] =	vst v63  }
0x185: {  	s25 =	simm.s32 $0x8480;
	s26 =	sld [smem:$0x7CD]  }
0x186: {  	[tilespmem:s25], [sflag:$0x1] =	stream.linear.gather [spmem:s24], $0x80, $0x38;
	[tilespmem:$0x12A80] =	vst v63  }
0x187: {  	s29 =	simm.s32 $0x8880  }
0x188: {  	[tilespmem:s29], [sflag:$0x1] =	stream.linear.gather [spmem:s26], $0x80, $0x38;
	[tilespmem:$0x12A80] =	vst v63  }
0x189: {  	_ =	swait.ge [sflag:s9], $0x280  }
0x18a: {  	[sflag:s9] =	ssyncset.done $0x0;
	s30 =	rddreg [dreg:$0x11]  }
0x18b: {  	s31 =	simm.s32 $0x7900;
	s24 =	sld [smem:$0x7CE];
	[sflag:s9] =	ssyncadd.s32 $0xFFFFFD80  }
0x18c: {  	[tilespmem:s31], [sflag:$0x1] =	stream.linear.gather [spmem:s30], $0x80, $0x38;
	[tilespmem:$0x12A80] =	vst v63  }
0x18d: {  	s25 =	simm.s32 $0x7D00;
	s26 =	sld [smem:$0x7CF]  }
0x18e: {  	[tilespmem:s25], [sflag:$0x1] =	stream.linear.gather [spmem:s24], $0x80, $0x38;
	[tilespmem:$0x12A80] =	vst v63  }
0x18f: {  	s29 =	simm.s32 $0x8100;
	s30 =	sld [smem:$0x7D0]  }
0x190: {  	[tilespmem:s29], [sflag:$0x1] =	stream.linear.gather [spmem:s26], $0x80, $0x38;
	[tilespmem:$0x12A80] =	vst v63  }
0x191: {  	s31 =	simm.s32 $0x8500;
	s24 =	sld [smem:$0x7D1]  }
0x192: {  	[tilespmem:s31], [sflag:$0x1] =	stream.linear.gather [spmem:s30], $0x80, $0x38;
	[tilespmem:$0x12A80] =	vst v63  }
0x193: {  	s25 =	simm.s32 $0x8900  }
0x194: {  	[tilespmem:s25], [sflag:$0x1] =	stream.linear.gather [spmem:s24], $0x80, $0x38;
	[tilespmem:$0x12A80] =	vst v63  }
0x195: {  	_ =	swait.ge [sflag:s9], $0x280  }
0x196: {  	[sflag:s9] =	ssyncset.done $0x0;
	s26 =	rddreg [dreg:$0x12]  }
0x197: {  	s29 =	simm.s32 $0x7980;
	s30 =	sld [smem:$0x7D2];
	[sflag:s9] =	ssyncadd.s32 $0xFFFFFD80  }
0x198: {  	[tilespmem:s29], [sflag:$0x1] =	stream.linear.gather [spmem:s26], $0x80, $0x38;
	[tilespmem:$0x12A80] =	vst v63  }
0x199: {  	s31 =	simm.s32 $0x7D80;
	s24 =	sld [smem:$0x7D3]  }
0x19a: {  	[tilespmem:s31], [sflag:$0x1] =	stream.linear.gather [spmem:s30], $0x80, $0x38;
	[tilespmem:$0x12A80] =	vst v63  }
0x19b: {  	s25 =	simm.s32 $0x8180;
	s26 =	sld [smem:$0x7D4]  }
0x19c: {  	[tilespmem:s25], [sflag:$0x1] =	stream.linear.gather [spmem:s24], $0x80, $0x38;
	[tilespmem:$0x12A80] =	vst v63  }
0x19d: {  	s29 =	simm.s32 $0x8580;
	s30 =	sld [smem:$0x7D5]  }
0x19e: {  	[tilespmem:s29], [sflag:$0x1] =	stream.linear.gather [spmem:s26], $0x80, $0x38;
	[tilespmem:$0x12A80] =	vst v63  }
0x19f: {  	s31 =	simm.s32 $0x8980  }
0x1a0: {  	[tilespmem:s31], [sflag:$0x1] =	stream.linear.gather [spmem:s30], $0x80, $0x38;
	[tilespmem:$0x12A80] =	vst v63  }
0x1a1: {  	_ =	swait.ge [sflag:s9], $0x280  }
0x1a2: {  	[sflag:s9] =	ssyncset.done $0x0;
	s24 =	rddreg [dreg:$0x13]  }
0x1a3: {  	s25 =	simm.s32 $0x7A00;
	s26 =	sld [smem:$0x7D6];
	[sflag:s9] =	ssyncadd.s32 $0xFFFFFD80  }
0x1a4: {  	[tilespmem:s25], [sflag:$0x1] =	stream.linear.gather [spmem:s24], $0x80, $0x38;
	[tilespmem:$0x12A80] =	vst v63  }
0x1a5: {  	s29 =	simm.s32 $0x7E00;
	s30 =	sld [smem:$0x7D7]  }
0x1a6: {  	[tilespmem:s29], [sflag:$0x1] =	stream.linear.gather [spmem:s26], $0x80, $0x38;
	[tilespmem:$0x12A80] =	vst v63  }
0x1a7: {  	s31 =	simm.s32 $0x8200;
	s24 =	sld [smem:$0x7D8]  }
0x1a8: {  	[tilespmem:s31], [sflag:$0x1] =	stream.linear.gather [spmem:s30], $0x80, $0x38;
	[tilespmem:$0x12A80] =	vst v63  }
0x1a9: {  	s25 =	simm.s32 $0x8600;
	s26 =	sld [smem:$0x7D9]  }
0x1aa: {  	[tilespmem:s25], [sflag:$0x1] =	stream.linear.gather [spmem:s24], $0x80, $0x38;
	[tilespmem:$0x12A80] =	vst v63  }
0x1ab: {  	s29 =	simm.s32 $0x8A00  }
0x1ac: {  	[tilespmem:s29], [sflag:$0x1] =	stream.linear.gather [spmem:s26], $0x80, $0x38;
	[tilespmem:$0x12A80] =	vst v63  }
0x1ad: {  	_ =	swait.ge [sflag:s9], $0x280  }
0x1ae: {  	[sflag:s9] =	ssyncset.done $0x0;
	s30 =	rddreg [dreg:$0x14]  }
0x1af: {  	s31 =	simm.s32 $0x7A80;
	s24 =	sld [smem:$0x7DA];
	[sflag:s9] =	ssyncadd.s32 $0xFFFFFD80  }
0x1b0: {  	[tilespmem:s31], [sflag:$0x1] =	stream.linear.gather [spmem:s30], $0x80, $0x38;
	[tilespmem:$0x12A80] =	vst v63  }
0x1b1: {  	s25 =	simm.s32 $0x7E80;
	s26 =	sld [smem:$0x7DB]  }
0x1b2: {  	[tilespmem:s25], [sflag:$0x1] =	stream.linear.gather [spmem:s24], $0x80, $0x38;
	[tilespmem:$0x12A80] =	vst v63  }
0x1b3: {  	s29 =	simm.s32 $0x8280;
	s30 =	sld [smem:$0x7DC]  }
0x1b4: {  	[tilespmem:s29], [sflag:$0x1] =	stream.linear.gather [spmem:s26], $0x80, $0x38;
	[tilespmem:$0x12A80] =	vst v63  }
0x1b5: {  	s31 =	simm.s32 $0x8680;
	s24 =	sld [smem:$0x7DD]  }
0x1b6: {  	[tilespmem:s31], [sflag:$0x1] =	stream.linear.gather [spmem:s30], $0x80, $0x38;
	[tilespmem:$0x12A80] =	vst v63  }
0x1b7: {  	s25 =	simm.s32 $0x8A80  }
0x1b8: {  	[tilespmem:s25], [sflag:$0x1] =	stream.linear.gather [spmem:s24], $0x80, $0x38;
	[tilespmem:$0x12A80] =	vst v63  }
0x1b9: {  	_ =	swait.ge [sflag:s9], $0x280  }
0x1ba: {  	[sflag:s9] =	ssyncset.done $0x0;
	s26 =	rddreg [dreg:$0x15]  }
0x1bb: {  	s29 =	simm.s32 $0x7B00;
	s30 =	sld [smem:$0x7DE];
	[sflag:s9] =	ssyncadd.s32 $0xFFFFFD80  }
0x1bc: {  	[tilespmem:s29], [sflag:$0x1] =	stream.linear.gather [spmem:s26], $0x80, $0x38;
	[tilespmem:$0x12A80] =	vst v63  }
0x1bd: {  	s31 =	simm.s32 $0x7F00;
	s24 =	sld [smem:$0x7DF]  }
0x1be: {  	[tilespmem:s31], [sflag:$0x1] =	stream.linear.gather [spmem:s30], $0x80, $0x38;
	[tilespmem:$0x12A80] =	vst v63  }
0x1bf: {  	s25 =	simm.s32 $0x8300;
	s26 =	sld [smem:$0x7E0]  }
0x1c0: {  	[tilespmem:s25], [sflag:$0x1] =	stream.linear.gather [spmem:s24], $0x80, $0x38;
	[tilespmem:$0x12A80] =	vst v63  }
0x1c1: {  	s29 =	simm.s32 $0x8700;
	s30 =	sld [smem:$0x7E1]  }
0x1c2: {  	[tilespmem:s29], [sflag:$0x1] =	stream.linear.gather [spmem:s26], $0x80, $0x38;
	[tilespmem:$0x12A80] =	vst v63  }
0x1c3: {  	s31 =	simm.s32 $0x8B00  }
0x1c4: {  	[tilespmem:s31], [sflag:$0x1] =	stream.linear.gather [spmem:s30], $0x80, $0x38;
	[tilespmem:$0x12A80] =	vst v63  }
0x1c5: {  	_ =	swait.ge [sflag:s9], $0x280  }
0x1c6: {  	[sflag:s9] =	ssyncset.done $0x0;
	s24 =	rddreg [dreg:$0x16]  }
0x1c7: {  	s25 =	simm.s32 $0x7B80;
	s26 =	sld [smem:$0x7E2];
	[sflag:s9] =	ssyncadd.s32 $0xFFFFFD80  }
0x1c8: {  	[tilespmem:s25], [sflag:$0x1] =	stream.linear.gather [spmem:s24], $0x80, $0x38;
	[tilespmem:$0x12A80] =	vst v63  }
0x1c9: {  	s29 =	simm.s32 $0x7F80;
	s30 =	sld [smem:$0x7E3]  }
0x1ca: {  	[tilespmem:s29], [sflag:$0x1] =	stream.linear.gather [spmem:s26], $0x80, $0x38;
	[tilespmem:$0x12A80] =	vst v63  }
0x1cb: {  	s31 =	simm.s32 $0x8380;
	s24 =	sld [smem:$0x7E4]  }
0x1cc: {  	[tilespmem:s31], [sflag:$0x1] =	stream.linear.gather [spmem:s30], $0x80, $0x38;
	[tilespmem:$0x12A80] =	vst v63  }
0x1cd: {  	s25 =	simm.s32 $0x8780;
	s26 =	sld [smem:$0x7E5]  }
0x1ce: {  	[tilespmem:s25], [sflag:$0x1] =	stream.linear.gather [spmem:s24], $0x80, $0x38;
	[tilespmem:$0x12A80] =	vst v63  }
0x1cf: {  	s29 =	simm.s32 $0x8B80  }
0x1d0: {  	[tilespmem:s29], [sflag:$0x1] =	stream.linear.gather [spmem:s26], $0x80, $0x38;
	[tilespmem:$0x12A80] =	vst v63  }
0x1d1: {  	_ =	swait.ge [sflag:s9], $0x280  }
0x1d2: {  	[sflag:s9] =	ssyncset.done $0x0;
	s30 =	rddreg [dreg:$0x17]  }
0x1d3: {  	s31 =	simm.s32 $0x8C00;
	s24 =	sld [smem:$0x7E6];
	[sflag:s9] =	ssyncadd.s32 $0xFFFFFD80  }
0x1d4: {  	[tilespmem:s31], [sflag:$0x1] =	stream.linear.gather [spmem:s30], $0x80, $0x38;
	[tilespmem:$0x12A80] =	vst v63  }
0x1d5: {  	s25 =	simm.s32 $0x9000;
	s26 =	sld [smem:$0x7E7]  }
0x1d6: {  	[tilespmem:s25], [sflag:$0x1] =	stream.linear.gather [spmem:s24], $0x80, $0x38;
	[tilespmem:$0x12A80] =	vst v63  }
0x1d7: {  	s29 =	simm.s32 $0x9400;
	s30 =	sld [smem:$0x7E8]  }
0x1d8: {  	[tilespmem:s29], [sflag:$0x1] =	stream.linear.gather [spmem:s26], $0x80, $0x38;
	[tilespmem:$0x12A80] =	vst v63  }
0x1d9: {  	s31 =	simm.s32 $0x9800;
	s24 =	sld [smem:$0x7E9]  }
0x1da: {  	[tilespmem:s31], [sflag:$0x1] =	stream.linear.gather [spmem:s30], $0x80, $0x38;
	[tilespmem:$0x12A80] =	vst v63  }
0x1db: {  	s25 =	simm.s32 $0x9C00  }
0x1dc: {  	[tilespmem:s25], [sflag:$0x1] =	stream.linear.gather [spmem:s24], $0x80, $0x38;
	[tilespmem:$0x12A80] =	vst v63  }
0x1dd: {  	_ =	swait.ge [sflag:s9], $0x280  }
0x1de: {  	[sflag:s9] =	ssyncset.done $0x0;
	s26 =	rddreg [dreg:$0x1a]  }
0x1df: {  	s29 =	simm.s32 $0x8C80;
	s30 =	sld [smem:$0x7EA];
	[sflag:s9] =	ssyncadd.s32 $0xFFFFFD80  }
0x1e0: {  	[tilespmem:s29], [sflag:$0x1] =	stream.linear.gather [spmem:s26], $0x80, $0x38;
	[tilespmem:$0x12A80] =	vst v63  }
0x1e1: {  	s31 =	simm.s32 $0x9080;
	s24 =	sld [smem:$0x7EB]  }
0x1e2: {  	[tilespmem:s31], [sflag:$0x1] =	stream.linear.gather [spmem:s30], $0x80, $0x38;
	[tilespmem:$0x12A80] =	vst v63  }
0x1e3: {  	s25 =	simm.s32 $0x9480;
	s26 =	sld [smem:$0x7EC]  }
0x1e4: {  	[tilespmem:s25], [sflag:$0x1] =	stream.linear.gather [spmem:s24], $0x80, $0x38;
	[tilespmem:$0x12A80] =	vst v63  }
0x1e5: {  	s29 =	simm.s32 $0x9880;
	s30 =	sld [smem:$0x7ED]  }
0x1e6: {  	[tilespmem:s29], [sflag:$0x1] =	stream.linear.gather [spmem:s26], $0x80, $0x38;
	[tilespmem:$0x12A80] =	vst v63  }
0x1e7: {  	s31 =	simm.s32 $0x9C80  }
0x1e8: {  	[tilespmem:s31], [sflag:$0x1] =	stream.linear.gather [spmem:s30], $0x80, $0x38;
	[tilespmem:$0x12A80] =	vst v63  }
0x1e9: {  	_ =	swait.ge [sflag:s9], $0x280  }
0x1ea: {  	[sflag:s9] =	ssyncset.done $0x0;
	s24 =	rddreg [dreg:$0x1b]  }
0x1eb: {  	s25 =	simm.s32 $0x8D00;
	s26 =	sld [smem:$0x7EE];
	[sflag:s9] =	ssyncadd.s32 $0xFFFFFD80  }
0x1ec: {  	[tilespmem:s25], [sflag:$0x1] =	stream.linear.gather [spmem:s24], $0x80, $0x38;
	[tilespmem:$0x12A80] =	vst v63  }
0x1ed: {  	s29 =	simm.s32 $0x9100;
	s30 =	sld [smem:$0x7EF]  }
0x1ee: {  	[tilespmem:s29], [sflag:$0x1] =	stream.linear.gather [spmem:s26], $0x80, $0x38;
	[tilespmem:$0x12A80] =	vst v63  }
0x1ef: {  	s31 =	simm.s32 $0x9500;
	s24 =	sld [smem:$0x7F0]  }
0x1f0: {  	[tilespmem:s31], [sflag:$0x1] =	stream.linear.gather [spmem:s30], $0x80, $0x38;
	[tilespmem:$0x12A80] =	vst v63  }
0x1f1: {  	s25 =	simm.s32 $0x9900;
	s26 =	sld [smem:$0x7F1]  }
0x1f2: {  	[tilespmem:s25], [sflag:$0x1] =	stream.linear.gather [spmem:s24], $0x80, $0x38;
	[tilespmem:$0x12A80] =	vst v63  }
0x1f3: {  	s29 =	simm.s32 $0x9D00  }
0x1f4: {  	[tilespmem:s29], [sflag:$0x1] =	stream.linear.gather [spmem:s26], $0x80, $0x38;
	[tilespmem:$0x12A80] =	vst v63  }
0x1f5: {  	_ =	swait.ge [sflag:s9], $0x280  }
0x1f6: {  	[sflag:s9] =	ssyncset.done $0x0;
	s30 =	rddreg [dreg:$0x1c]  }
0x1f7: {  	s31 =	simm.s32 $0x8D80;
	s24 =	sld [smem:$0x7F2];
	[sflag:s9] =	ssyncadd.s32 $0xFFFFFD80  }
0x1f8: {  	[tilespmem:s31], [sflag:$0x1] =	stream.linear.gather [spmem:s30], $0x80, $0x38;
	[tilespmem:$0x12A80] =	vst v63  }
0x1f9: {  	s25 =	simm.s32 $0x9180;
	s26 =	sld [smem:$0x7F3]  }
0x1fa: {  	[tilespmem:s25], [sflag:$0x1] =	stream.linear.gather [spmem:s24], $0x80, $0x38;
	[tilespmem:$0x12A80] =	vst v63  }
0x1fb: {  	s29 =	simm.s32 $0x9580;
	s30 =	sld [smem:$0x7F4]  }
0x1fc: {  	[tilespmem:s29], [sflag:$0x1] =	stream.linear.gather [spmem:s26], $0x80, $0x38;
	[tilespmem:$0x12A80] =	vst v63  }
0x1fd: {  	s31 =	simm.s32 $0x9980;
	s24 =	sld [smem:$0x7F5]  }
0x1fe: {  	[tilespmem:s31], [sflag:$0x1] =	stream.linear.gather [spmem:s30], $0x80, $0x38;
	[tilespmem:$0x12A80] =	vst v63  }
0x1ff: {  	s25 =	simm.s32 $0x9D80  }
0x200: {  	[tilespmem:s25], [sflag:$0x1] =	stream.linear.gather [spmem:s24], $0x80, $0x38;
	[tilespmem:$0x12A80] =	vst v63  }
0x201: {  	_ =	swait.ge [sflag:s9], $0x280  }
0x202: {  	[sflag:s9] =	ssyncset.done $0x0;
	s26 =	rddreg [dreg:$0x1d]  }
0x203: {  	s29 =	simm.s32 $0x8E00;
	s30 =	sld [smem:$0x7F6];
	[sflag:s9] =	ssyncadd.s32 $0xFFFFFD80  }
0x204: {  	[tilespmem:s29], [sflag:$0x1] =	stream.linear.gather [spmem:s26], $0x80, $0x38;
	[tilespmem:$0x12A80] =	vst v63  }
0x205: {  	s31 =	simm.s32 $0x9200;
	s24 =	sld [smem:$0x7F7]  }
0x206: {  	[tilespmem:s31], [sflag:$0x1] =	stream.linear.gather [spmem:s30], $0x80, $0x38;
	[tilespmem:$0x12A80] =	vst v63  }
0x207: {  	s25 =	simm.s32 $0x9600;
	s26 =	sld [smem:$0x7F8]  }
0x208: {  	[tilespmem:s25], [sflag:$0x1] =	stream.linear.gather [spmem:s24], $0x80, $0x38;
	[tilespmem:$0x12A80] =	vst v63  }
0x209: {  	s29 =	simm.s32 $0x9A00;
	s30 =	sld [smem:$0x7F9]  }
0x20a: {  	[tilespmem:s29], [sflag:$0x1] =	stream.linear.gather [spmem:s26], $0x80, $0x38;
	[tilespmem:$0x12A80] =	vst v63  }
0x20b: {  	s31 =	simm.s32 $0x9E00  }
0x20c: {  	[tilespmem:s31], [sflag:$0x1] =	stream.linear.gather [spmem:s30], $0x80, $0x38;
	[tilespmem:$0x12A80] =	vst v63  }
0x20d: {  	_ =	swait.ge [sflag:s9], $0x280  }
0x20e: {  	[sflag:s9] =	ssyncset.done $0x0;
	s24 =	rddreg [dreg:$0x1e]  }
0x20f: {  	s25 =	simm.s32 $0x8E80;
	s26 =	sld [smem:$0x7FA];
	[sflag:s9] =	ssyncadd.s32 $0xFFFFFD80  }
0x210: {  	[tilespmem:s25], [sflag:$0x1] =	stream.linear.gather [spmem:s24], $0x80, $0x38;
	[tilespmem:$0x12A80] =	vst v63  }
0x211: {  	s29 =	simm.s32 $0x9280;
	s30 =	sld [smem:$0x7FB]  }
0x212: {  	[tilespmem:s29], [sflag:$0x1] =	stream.linear.gather [spmem:s26], $0x80, $0x38;
	[tilespmem:$0x12A80] =	vst v63  }
0x213: {  	s31 =	simm.s32 $0x9680;
	s24 =	sld [smem:$0x7FC]  }
0x214: {  	[tilespmem:s31], [sflag:$0x1] =	stream.linear.gather [spmem:s30], $0x80, $0x38;
	[tilespmem:$0x12A80] =	vst v63  }
0x215: {  	s25 =	simm.s32 $0x9A80;
	s26 =	sld [smem:$0x7FD]  }
0x216: {  	[tilespmem:s25], [sflag:$0x1] =	stream.linear.gather [spmem:s24], $0x80, $0x38;
	[tilespmem:$0x12A80] =	vst v63  }
0x217: {  	s29 =	simm.s32 $0x9E80  }
0x218: {  	[tilespmem:s29], [sflag:$0x1] =	stream.linear.gather [spmem:s26], $0x80, $0x38;
	[tilespmem:$0x12A80] =	vst v63  }
0x219: {  	_ =	swait.ge [sflag:s9], $0x280  }
0x21a: {  	[sflag:s9] =	ssyncset.done $0x0  }
0x21b: {  	s31 =	simm.s32 $0x8F00;
	s30 =	rddreg [dreg:$0x1f];
	[sflag:s9] =	ssyncadd.s32 $0xFFFFFD80  }
0x21c: {  	[tilespmem:s31], [sflag:$0x1] =	stream.linear.gather [spmem:s30], $0x80, $0x38;
	[tilespmem:$0x12A80] =	vst v63  }
0x21d: {  	s24 =	simm.s32 $0x9300  }
0x21e: {  	[tilespmem:s24], [sflag:$0x1] =	stream.linear.gather [spmem:s1], $0x80, $0x38;
	[tilespmem:$0x12A80] =	vst v63  }
0x21f: {  	s25 =	simm.s32 $0x9700  }
0x220: {  	[tilespmem:s25], [sflag:$0x1] =	stream.linear.gather [spmem:s0], $0x80, $0x38;
	[tilespmem:$0x12A80] =	vst v63  }
0x221: {  	s26 =	simm.s32 $0x9B00  }
0x222: {  	[tilespmem:s26], [sflag:$0x1] =	stream.linear.gather [spmem:s3], $0x80, $0x38;
	[tilespmem:$0x12A80] =	vst v63  }
0x223: {  	s29 =	simm.s32 $0x9F00  }
0x224: {  	[tilespmem:s29], [sflag:$0x1] =	stream.linear.gather [spmem:s4], $0x80, $0x38;
	[tilespmem:$0x12A80] =	vst v63  }
0x225: {  	_ =	swait.ge [sflag:s9], $0x280  }
0x226: {  	s30 =	sld [smem:$0x7C5]  }
0x227: {  	[sflag:s9] =	ssyncset.done $0x0  }
0x228: {  	s31 =	simm.s32 $0x8F80;
	[sflag:s9] =	ssyncadd.s32 $0xFFFFFD80  }
0x229: {  	[tilespmem:s31], [sflag:$0x1] =	stream.linear.gather [spmem:s30], $0x80, $0x38;
	[tilespmem:$0x12A80] =	vst v63  }
0x22a: {  	s24 =	simm.s32 $0x9380  }
0x22b: {  	[tilespmem:s24], [sflag:$0x1] =	stream.linear.gather [spmem:s5], $0x80, $0x38;
	[tilespmem:$0x12A80] =	vst v63  }
0x22c: {  	s25 =	simm.s32 $0x9780  }
0x22d: {  	[tilespmem:s25], [sflag:$0x1] =	stream.linear.gather [spmem:s6], $0x80, $0x38;
	[tilespmem:$0x12A80] =	vst v63  }
0x22e: {  	s26 =	simm.s32 $0x9B80  }
0x22f: {  	[tilespmem:s26], [sflag:$0x1] =	stream.linear.gather [spmem:s7], $0x80, $0x38;
	[tilespmem:$0x12A80] =	vst v63  }
0x230: {  	s29 =	simm.s32 $0x9F80  }
0x231: {  	[tilespmem:s29], [sflag:$0x1] =	stream.linear.gather [spmem:s8], $0x80, $0x38;
	[tilespmem:$0x12A80] =	vst v63  }
0x232: {  	s30 =	simm.s32 $0x0;
	_ =	swait.ge [sflag:s9], $0x280  }
0x233: {  	s31 =	sand.u32 $0x70, s30;
	s23 =	sand.u32 $0x1C00, s30;
	[sflag:s9] =	ssyncset.done $0x0  }
0x234: {  	s23 =	sor.u32 s31, s23;
	[sflag:s9] =	ssyncadd.s32 $0xFFFFFD80  }
0x235: {  	v3 =	vld [tilespmem:s23+$0x7800];
	_ =	sdelay $0x1  }
0x236: {  	v4 =	vld [tilespmem:s23+$0x7880];
	_ =	sdelay $0x1  }
0x237: {  	v5 =	vld [tilespmem:s23+$0x7900]  }
0x238: {  	v3 =	vadd.f32 $0.0e+00, v3  }
0x239: {  	v6 =	vld [tilespmem:s23+$0x7980]  }
0x23a: {  	v3 =	vadd.f32 v4, v3  }
0x23b: {  	v4 =	vld [tilespmem:s23+$0x7A00]  }
0x23c: {  	v3 =	vadd.f32 v5, v3  }
0x23d: {  	v5 =	vld [tilespmem:s23+$0x7A80]  }
0x23e: {  	v3 =	vadd.f32 v6, v3  }
0x23f: {  	v60 =	vld [tilespmem:s23+$0x7B00]  }
0x240: {  	v3 =	vadd.f32 v4, v3  }
0x241: {  	v4 =	vld [tilespmem:s23+$0x7B80]  }
0x242: {  	v3 =	vadd.f32 v5, v3  }
0x243: {  	v5 =	vld [tilespmem:s23+$0x8C00]  }
0x244: {  	v3 =	vadd.f32 v60, v3  }
0x245: {  	v61 =	vld [tilespmem:s23+$0x8C80]  }
0x246: {  	v3 =	vadd.f32 v4, v3  }
0x247: {  	v4 =	vld [tilespmem:s23+$0x8D00]  }
0x248: {  	v3 =	vadd.f32 v5, v3  }
0x249: {  	v5 =	vld [tilespmem:s23+$0x8D80]  }
0x24a: {  	v3 =	vadd.f32 v61, v3  }
0x24b: {  	v62 =	vld [tilespmem:s23+$0x8E00]  }
0x24c: {  	v3 =	vadd.f32 v4, v3  }
0x24d: {  	v4 =	vld [tilespmem:s23+$0x8E80]  }
0x24e: {  	v3 =	vadd.f32 v5, v3  }
0x24f: {  	v5 =	vld [tilespmem:s23+$0x8F00]  }
0x250: {  	v3 =	vadd.f32 v62, v3  }
0x251: {  	v63 =	vld [tilespmem:s23+$0x8F80]  }
0x252: {  	v3 =	vadd.f32 v4, v3;
	_ =	sdelay $0x1  }
0x253: {  	v3 =	vadd.f32 v5, v3  }
0x254: {  	s24 =	simm.s32 $0x80  }
0x255: {  	s28 =	sand.u32 $0x1C00, s24;
	s25 =	simm.s32 $0x10;
	v3 =	vadd.f32 v63, v3  }
0x256: {  	s26 =	sand.u32 $0x70, s25;
	s25 =	simm.s32 $0x20;
	s23 =	simm.s32 $0xA000  }
.LBB2_6:
0x257: {  	p0 =	sne.s32 s25, $0x270;
	s26 =	sor.u32 s26, s28;
	[tilespmem:s23+$0x0] =	vst v3  }
0x258: {  	v3 =	vld [tilespmem:s26+$0x7800];
	_ =	sdelay $0x1  }
0x259: {  	v4 =	vld [tilespmem:s26+$0x7880];
	_ =	sdelay $0x1  }
0x25a: {  	v5 =	vld [tilespmem:s26+$0x7900]  }
0x25b: {  	v3 =	vadd.f32 $0.0e+00, v3  }
0x25c: {  	v6 =	vld [tilespmem:s26+$0x7980]  }
0x25d: {  	v3 =	vadd.f32 v4, v3  }
0x25e: {  	v4 =	vld [tilespmem:s26+$0x7A00]  }
0x25f: {  	v3 =	vadd.f32 v5, v3  }
0x260: {  	v5 =	vld [tilespmem:s26+$0x7A80]  }
0x261: {  	v3 =	vadd.f32 v6, v3  }
0x262: {  	v6 =	vld [tilespmem:s26+$0x7B00]  }
0x263: {  	v3 =	vadd.f32 v4, v3  }
0x264: {  	v4 =	vld [tilespmem:s26+$0x7B80]  }
0x265: {  	v3 =	vadd.f32 v5, v3  }
0x266: {  	v5 =	vld [tilespmem:s26+$0x8C00]  }
0x267: {  	v3 =	vadd.f32 v6, v3  }
0x268: {  	v6 =	vld [tilespmem:s26+$0x8C80]  }
0x269: {  	v3 =	vadd.f32 v4, v3  }
0x26a: {  	v4 =	vld [tilespmem:s26+$0x8D00]  }
0x26b: {  	v3 =	vadd.f32 v5, v3  }
0x26c: {  	v5 =	vld [tilespmem:s26+$0x8D80]  }
0x26d: {  	v3 =	vadd.f32 v6, v3  }
0x26e: {  	v6 =	vld [tilespmem:s26+$0x8E00]  }
0x26f: {  	v3 =	vadd.f32 v4, v3  }
0x270: {  	v4 =	vld [tilespmem:s26+$0x8E80]  }
0x271: {  	v3 =	vadd.f32 v5, v3  }
0x272: {  	v5 =	vld [tilespmem:s26+$0x8F00]  }
0x273: {  	v3 =	vadd.f32 v6, v3  }
0x274: {  	v6 =	vld [tilespmem:s26+$0x8F80]  }
0x275: {  	v3 =	vadd.f32 v4, v3  }
.Ltmp2:
0x276: {  	(pc) =	sbr.rel @p0 .LBB2_6-.Ltmp2, $3  }
0x277: {  	v3 =	vadd.f32 v5, v3;
	_ =	sdelay $0x1  }
0x278: {  	s24 =	sadd.s32 $0x80, s24;
	s23 =	sadd.s32 $0x10, s23;
	v3 =	vadd.f32 v6, v3  }
0x279: {  	s28 =	sand.u32 $0x1C00, s24;
	s26 =	sand.u32 $0x70, s25;
	s25 =	sadd.s32 $0x10, s25  }
0x27a: {  	s24 =	sor.u32 s26, s28;
	[tilespmem:s23+$0x0] =	vst v3  }
0x27b: {  	v3 =	vld [tilespmem:s24+$0x7800];
	_ =	sdelay $0x1  }
0x27c: {  	v4 =	vld [tilespmem:s24+$0x7880];
	_ =	sdelay $0x1  }
0x27d: {  	v5 =	vld [tilespmem:s24+$0x7900]  }
0x27e: {  	v3 =	vadd.f32 $0.0e+00, v3  }
0x27f: {  	v6 =	vld [tilespmem:s24+$0x7980]  }
0x280: {  	v3 =	vadd.f32 v4, v3  }
0x281: {  	v52 =	vld [tilespmem:s24+$0x7A00]  }
0x282: {  	v3 =	vadd.f32 v5, v3  }
0x283: {  	v53 =	vld [tilespmem:s24+$0x7A80]  }
0x284: {  	v3 =	vadd.f32 v6, v3  }
0x285: {  	v54 =	vld [tilespmem:s24+$0x7B00]  }
0x286: {  	v3 =	vadd.f32 v52, v3  }
0x287: {  	v55 =	vld [tilespmem:s24+$0x7B80]  }
0x288: {  	v3 =	vadd.f32 v53, v3  }
0x289: {  	v56 =	vld [tilespmem:s24+$0x8C00]  }
0x28a: {  	v3 =	vadd.f32 v54, v3  }
0x28b: {  	v57 =	vld [tilespmem:s24+$0x8C80]  }
0x28c: {  	v3 =	vadd.f32 v55, v3  }
0x28d: {  	v58 =	vld [tilespmem:s24+$0x8D00]  }
0x28e: {  	v3 =	vadd.f32 v56, v3  }
0x28f: {  	v59 =	vld [tilespmem:s24+$0x8D80]  }
0x290: {  	v3 =	vadd.f32 v57, v3  }
0x291: {  	v60 =	vld [tilespmem:s24+$0x8E00]  }
0x292: {  	v3 =	vadd.f32 v58, v3  }
0x293: {  	v61 =	vld [tilespmem:s24+$0x8E80]  }
0x294: {  	v3 =	vadd.f32 v59, v3  }
0x295: {  	v62 =	vld [tilespmem:s24+$0x8F00]  }
0x296: {  	v3 =	vadd.f32 v60, v3  }
0x297: {  	v63 =	vld [tilespmem:s24+$0x8F80]  }
0x298: {  	v3 =	vadd.f32 v61, v3;
	_ =	sdelay $0x1  }
0x299: {  	v3 =	vadd.f32 v62, v3;
	_ =	sdelay $0x1  }
0x29a: {  	v3 =	vadd.f32 v63, v3  }
0x29b: {  	s28 =	sadd.s32 $0x10, s23  }
0x29c: {  	s29 =	rddreg [dreg:$0x18];
	s30 =	simm.s32 $0x100;
	s25 =	simm.s32 $0xA000;
	[tilespmem:s28+$0x0] =	vst v3  }
0x29d: {  	[hbm4b:s29+s20] =	stream.strided.scatter [tilespmem:s25], [sflag:$0x1], $0x280, s30, s20, $0x38;
	[tilespmem:$0x12A80] =	vst v63  }
0x29e: {  	_ =	swait.ge [sflag:s9], $0x280  }
0x29f: {  	s22 =	sadd.s32 $0x1, s22;
	s31 =	rddreg [dreg:$0x19]  }
0x2a0: {  	p0 =	sne.s32 s22, s31  }
.Ltmp3:
0x2a1: {  	_ = 	snop;
	(pc) =	sbr.rel @p0 .LBB2_1-.Ltmp3, $3  }
0x2a2: {  	_ =	sdelay $0x1  }
0x2a3: {  	[sflag:s9] =	ssyncset.done $0x0  }
0x2a4: {  	[sflag:s9] =	ssyncadd.s32 $0xFFFFFD80  }
0x2a5: {  	_ =	sfence.sel $0x180000  }
0x2a6: {  	[bflag:$0x0] =	sbarrier.arrive $0xFFFF  }
0x2a7: {  	_ =	strace $0x90000047  }
0x2a8: {  	s0 =	stileid.u32;
	[bflag:$0x2] =	sbarrier.arrive $0xFFFF  }
0x2a9: {  	p0 =	sne.s32 s0, $0x0;
	s0 =	rddreg [dreg:$0x3]  }
0x2aa: {  	s0 =	sadd.s32 @!p0 $0x100000, s0  }
0x2ab: {  	[sflag:s0] =	ssyncadd.tile.s32 @!p0 $0x1;
	_ =	shalt  }
.Lfunc_end2:
_tile_overlayer_lowered:
.L_overlay_start_2:
0x2ac: {  	(tag) =	ssettag $0x2  }
0x2ad: {  	s0 =	rddreg [dreg:$0x0];
	s2 =	stileid.u32  }
0x2ae: {  	s1 =	rddreg [dreg:$0x1];
	p0 =	sne.s32 s2, $0x0  }
0x2af: {  	s3 =	rddreg [dreg:$0x2];
	[bflag:$0x3] =	sbarrier.arrive $0xFFFF;
	s2 =	simm.s32 @!p0 $0x1C01  }
0x2b0: {  	[timem:s3], [sflag:s2] =	dma.local @!p0 [hbm:s0], s1  }
0x2b1: {  	s0 =	simm.s32 @!p0 $0x1  }
0x2b2: {  	_ =	swait.ge @!p0 [sflag:s0], s1  }
0x2b3: {  	s1 =	ssub.s32 @!p0 $0x0, s1;
	[sflag:s0] =	ssyncset.done @!p0 $0x0  }
0x2b4: {  	[sflag:s0] =	ssyncadd.s32 @!p0 s1  }
0x2b5: {  	[bflag:$0x3] =	sbarrier.arrive $0xFFFF  }
0x2b6: {  	_ =	shalt  }

// kernel: kernel.9.cloned.1.call-start
scs
__scs_entry_jumppad:
0x0: {  	(pc) =	sbr.rel $0x88, $3  }
0x1: {  	(tag) =	ssettag $0x0;
	lr =	simm.s32 $0x1  }
0x2: {  	[smem:$0x3F9B] =	sst lr;
	_ =	strace $0xD0000000  }
0x3: {  	_ = 	snop  }
0x4: {  	_ = 	snop  }
0x5: {  	_ = 	snop  }
0x6: {  	_ = 	snop  }
0x7: {  	_ = 	snop  }
__scs_overlays_trampoline_lowered:
0x8: {  	[smem:$0x3FAA] =	sst s0  }
0x9: {  	[smem:$0x3FAB] =	sst s1  }
0xa: {  	[smem:$0x3FAC] =	sst s2  }
0xb: {  	[smem:$0x3FAD] =	sst s3  }
0xc: {  	[smem:$0x3FAE] =	sst s4  }
0xd: {  	[smem:$0x3FAF] =	sst s5  }
0xe: {  	[smem:$0x3FB0] =	sst s6  }
0xf: {  	[smem:$0x3FB1] =	sst s7  }
0x10: {  	[smem:$0x3FB2] =	sst s8  }
0x11: {  	[smem:$0x3FB3] =	sst s9;
	s0 =	simm.s32 @!p0 $0x0  }
0x12: {  	s1 =	sld [smem:$0x3F99];
	s0 =	simm.s32 @p0 $0x1  }
0x13: {  	[smem:$0x3FB4] =	sst s0;
	s0 =	simm.s32 @!p1 $0x0  }
0x14: {  	s2 =	sld [smem:$0x3F98];
	s0 =	simm.s32 @p1 $0x1  }
0x15: {  	[smem:$0x3FB5] =	sst s0;
	s0 =	simm.s32 @!p2 $0x0  }
0x16: {  	s3 =	sld [smem:$0x3FDB];
	s0 =	simm.s32 @p2 $0x1  }
0x17: {  	s4 =	simm.s32 $0x1BF5;
	[smem:$0x3FB7] =	sst s0  }
0x18: {  	s0 =	sld [smem:$0x3F9A];
	_ =	swait.ge [sflag:s4], $0x0  }
0x19: {  	s7 =	sld [smem:$0x3F9B]  }
0x1a: {  	s8 =	sadd.s32 $0xFFFFE003, lr  }
0x1b: {  	s9 =	sadd.s32 $0xFFFFFEF7, lr;
	s5 =	simm.s32 $0xFFFFFFFF;
	p2 =	slt.u32 s8, $0xFFFFF086  }
0x1c: {  	p1 =	slt.u32 s9, $0xF7A;
	s5 =	simm.s32 @!p2 $0x0  }
0x1d: {  	s5 =	simm.s32 @p1 $0x1;
	p0 =	seq.s32 s7, s2  }
0x1e: {  	s7 =	smul.u32 @!p0 $0xF7A, s2;
	p2 =	seq.s32 @!p0 s5, $0x0  }
0x1f: {  	s9 =	smul.u32 $0xF7A, s1;
	s8 =	simm.s32 @!p0 $0x1BF5;
	p2 =	por !p2, p0  }
0x20: {  	[sflag:s8] =	ssyncset.s32 @!p0 $0xFFFFF086;
	s6 =	sadd.s32 @!p0 s3, s7;
	s7 =	simm.s32 @!p0 $0x108  }
0x21: {  	s3 =	sadd.s32 s3, s9;
	s6 =	sadd.s32 @!p0 $0x88, s6;
	s7 =	simm.s32 @p2 $0x1082  }
0x22: {  	[simem:s7], [sflag:s8] =	dma.local @!p0 [hbm:s6], $0xF7A  }
0x23: {  	s9 =	sor.u32 $0xD0000000, s2;
	s6 =	simm.s32 $0x108;
	_ =	swait.ge @!p0 [sflag:s8], $0x0  }
0x24: {  	s3 =	sadd.s32 $0x88, s3;
	s6 =	simm.s32 @!p1 $0x1082;
	[sflag:s4] =	ssyncset.s32 $0xFFFFF086  }
0x25: {  	[simem:s6], [sflag:s4] =	dma.local [hbm:s3], $0xF7A  }
0x26: {  	[smem:$0x3F9B] =	sst s1;
	(tag) =	ssettag s2;
	_ =	strace s9  }
0x27: {  	s1 =	sld [smem:$0x3FAB]  }
0x28: {  	s2 =	sld [smem:$0x3FAC]  }
0x29: {  	s4 =	sld [smem:$0x3FAE]  }
0x2a: {  	p0 =	seq.s32 s5, $0x0;
	s5 =	sld [smem:$0x3FAF]  }
0x2b: {  	s6 =	sld [smem:$0x3FB0]  }
0x2c: {  	s7 =	sld [smem:$0x3FB1]  }
0x2d: {  	s3 =	simm.s32 $0x108;
	s8 =	sld [smem:$0x3FB2]  }
0x2e: {  	s3 =	simm.s32 @!p0 $0x1082;
	s9 =	sld [smem:$0x3FB3]  }
0x2f: {  	lr =	sadd.s32 s0, s3;
	s0 =	sld [smem:$0x3FAA]  }
0x30: {  	s3 =	sld [smem:$0x3FAD]  }
0x31: {  	[smem:$0x3FB6] =	sst s10  }
0x32: {  	s10 =	sld [smem:$0x3FB4];
	_ =	sdelay $0x3  }
0x33: {  	p0 =	seq.s32 s10, $0x1;
	s10 =	sld [smem:$0x3FB6];
	_ =	sdelay $0x3  }
0x34: {  	[smem:$0x3FB6] =	sst s10  }
0x35: {  	s10 =	sld [smem:$0x3FB5];
	_ =	sdelay $0x3  }
0x36: {  	p1 =	seq.s32 s10, $0x1;
	s10 =	sld [smem:$0x3FB6];
	_ =	sdelay $0x3  }
0x37: {  	[smem:$0x3FB6] =	sst s10  }
0x38: {  	s10 =	sld [smem:$0x3FB7]  }
0x39: {  	_ = 	snop;
	(pc) =	sbr.ind lr, $3  }
0x3a: {  	_ = 	snop  }
0x3b: {  	_ = 	snop  }
0x3c: {  	p2 =	seq.s32 s10, $0x1;
	s10 =	sld [smem:$0x3FB6]  }
0x3d: {  	_ =	shalt  }
0x3e: {  	_ =	shalt  }
0x3f: {  	_ =	shalt  }
0x40: {  	_ =	shalt  }
0x41: {  	_ =	shalt  }
0x42: {  	_ =	shalt  }
0x43: {  	_ =	shalt  }
0x44: {  	_ =	shalt  }
0x45: {  	_ =	shalt  }
0x46: {  	_ =	shalt  }
0x47: {  	_ =	shalt  }
0x48: {  	_ =	shalt  }
0x49: {  	_ =	shalt  }
0x4a: {  	_ =	shalt  }
0x4b: {  	_ =	shalt  }
0x4c: {  	_ =	shalt  }
0x4d: {  	_ =	shalt  }
0x4e: {  	_ =	shalt  }
0x4f: {  	_ =	shalt  }
0x50: {  	_ =	shalt  }
0x51: {  	_ =	shalt  }
0x52: {  	_ =	shalt  }
0x53: {  	_ =	shalt  }
0x54: {  	_ =	shalt  }
0x55: {  	_ =	shalt  }
0x56: {  	_ =	shalt  }
0x57: {  	_ =	shalt  }
0x58: {  	_ =	shalt  }
0x59: {  	_ =	shalt  }
0x5a: {  	_ =	shalt  }
0x5b: {  	_ =	shalt  }
0x5c: {  	_ =	shalt  }
0x5d: {  	_ =	shalt  }
0x5e: {  	_ =	shalt  }
0x5f: {  	_ =	shalt  }
0x60: {  	_ =	shalt  }
0x61: {  	_ =	shalt  }
0x62: {  	_ =	shalt  }
0x63: {  	_ =	shalt  }
0x64: {  	_ =	shalt  }
0x65: {  	_ =	shalt  }
0x66: {  	_ =	shalt  }
0x67: {  	_ =	shalt  }
0x68: {  	_ =	shalt  }
0x69: {  	_ =	shalt  }
0x6a: {  	_ =	shalt  }
0x6b: {  	_ =	shalt  }
0x6c: {  	_ =	shalt  }
0x6d: {  	_ =	shalt  }
0x6e: {  	_ =	shalt  }
0x6f: {  	_ =	shalt  }
0x70: {  	_ =	shalt  }
0x71: {  	_ =	shalt  }
0x72: {  	_ =	shalt  }
0x73: {  	_ =	shalt  }
0x74: {  	_ =	shalt  }
0x75: {  	_ =	shalt  }
0x76: {  	_ =	shalt  }
0x77: {  	_ =	shalt  }
0x78: {  	_ =	shalt  }
0x79: {  	_ =	shalt  }
0x7a: {  	_ =	shalt  }
0x7b: {  	_ =	shalt  }
0x7c: {  	_ =	shalt  }
0x7d: {  	_ =	shalt  }
0x7e: {  	_ =	shalt  }
0x7f: {  	_ =	shalt  }
0x80: {  	_ =	shalt  }
0x81: {  	_ =	shalt  }
0x82: {  	_ =	shalt  }
0x83: {  	_ =	shalt  }
0x84: {  	_ =	shalt  }
0x85: {  	_ =	shalt  }
0x86: {  	_ =	shalt  }
0x87: {  	_ =	shalt  }
.Lfunc_end0:
.L_simem_size_0:
called_computation.1_lowered:
.L_overlay_start_0:
0x88: {  	s2 =	sld [smem:$0x3FD9]  }
0x89: {  	s3 =	sld [smem:$0x3FFE];
	_ =	sdelay $0x1  }
0x8a: {  	s1 =	srdreg.scid  }
0x8b: {  	s0 =	sand.u32 $0x1, s1  }
0x8c: {  	s17 =	sshll.u32 s0, $0xA;
	s2 =	sadd.s32 s3, s2  }
0x8d: {  	s2 =	sadd.s32 s2, s17  }
0x8e: {  	[smem:$0x3FC2] =	sst s2  }
0x8f: {  	_ = 	snop  }
0x90: {  	s2 =	sld [smem:$0x3FD0];
	(tm) =	ssettm $0x1  }
0x91: {  	s18 =	sld [smem:$0x3FFB];
	_ =	sdelay $0x3  }
0x92: {  	_ =	strace s18  }
0x93: {  	s3 =	sld [smem:$0x3FFC];
	_ =	sdelay $0x3  }
0x94: {  	_ =	strace s3  }
0x95: {  	s3 =	sld [smem:$0x3FFD];
	_ =	sdelay $0x3  }
0x96: {  	_ =	strace s3  }
0x97: {  	_ =	strace $0x8FFFFFFF  }
0x98: {  	s19 =	sld [smem:$0x3FDB];
	_ =	sdelay $0x1  }
0x99: {  	s4 =	simm.s32 $_scs_section_size  }
0x9a: {  	s5 =	simm.s32 $_size__tile_overlayer_lowered;
	s6 =	simm.s32 $_tile_overlayer_lowered  }
0x9b: {  	s22 =	simm.s32 $0x1BFF;
	s21 =	sshll.u32 s6, $0x1;
	s3 =	sadd.s32 s4, s19  }
0x9c: {  	s7 =	simm.s32 $0x0;
	s20 =	sshll.u32 s5, $0x1;
	s5 =	sadd.s32 s21, s3  }
0x9d: {  	[timem:s7], [sflag:s22] =	dma.local [hbm:s5], s20  }
0x9e: {  	_ =	swait.ge [sflag:s22], s20  }
0x9f: {  	s4 =	ssub.s32 $0x0, s20;
	[sflag:s22] =	ssyncset.done $0x0  }
0xa0: {  	[sflag:s22] =	ssyncadd.s32 s4;
	_ =	sdelay $0x1  }
0xa1: {  	s23 =	simm.s32 $0x1B8B  }
0xa2: {  	_ =	swait.ge [sflag:s23], $0x1  }
0xa3: {  	[sflag:s23] =	ssyncset.done $0x0  }
0xa4: {  	s25 =	simm.s32 $0x1B8E;
	s24 =	sld [smem:$0x3FFE];
	[sflag:s23] =	ssyncadd.s32 $0xFFFFFFFF  }
0xa5: {  	s26 =	simm.s32 $execute0_lowered;
	[smem:$0x3FD2] =	sst s25  }
0xa6: {  	s5 =	sshll.u32 s26, $0x1;
	_ =	strace $0x80000049;
	[dreg:$0x1] =	wrdreg $0xFFFFFFFF  }
0xa7: {  	s28 =	simm.s32 $_size_execute0_lowered;
	s3 =	sadd.s32 s3, s5;
	[dreg:$0x0] =	wrdreg $0x0  }
0xa8: {  	s5 =	sshll.u32 s28, $0x1;
	[dreg:$0x2] =	wrdreg s3  }
0xa9: {  	[dreg:$0x3] =	wrdreg s5  }
0xaa: {  	[dreg:$0x4] =	wrdreg $0xC0  }
0xab: {  	_ =	task [dreg:s7], $0x5FFFF  }
0xac: {  	[dreg:$0x1] =	wrdreg $0xFFFFFFFF  }
0xad: {  	[dreg:$0x0] =	wrdreg $0x60  }
0xae: {  	[dreg:$0x2] =	wrdreg s24  }
0xaf: {  	[dreg:$0x3] =	wrdreg s2  }
0xb0: {  	[dreg:$0x4] =	wrdreg $0x98000  }
0xb1: {  	[dreg:$0x5] =	wrdreg $0x138000  }
0xb2: {  	[dreg:$0x6] =	wrdreg $0x9  }
0xb3: {  	_ =	task.clear_ibuf [dreg:s7], $0x7FFFF;
	_ =	strace $0x90000049  }
0xb4: {  	s29 =	simm.s32 $0x9;
	_ =	strace $0x8000004B  }
0xb5: {  	_ =	swait.ge [sflag:s29], $0x1  }
0xb6: {  	[sflag:s29] =	ssyncadd.s32 $0xFFFFFFFF  }
0xb7: {  	_ =	strace $0x9000004B  }
0xb8: {  	_ =	sfence  }
0xb9: {  	s30 =	sld [smem:$0x0];
	_ =	sdelay $0x2  }
0xba: {  	s31 =	sshll.u32 s1, $0xD;
	s1 =	sshrl.u32 s1, $0x2  }
0xbb: {  	s3 =	sand.u32 $0x4000, s31;
	s1 =	sadd.s32 s1, s30  }
0xbc: {  	s0 =	sor.u32 s3, s0;
	s1 =	sshll.u32 s1, $0x11  }
0xbd: {  	s0 =	sor.u32 s1, s0  }
0xbe: {  	s0 =	sadd.s32 $0x8F2B, s0  }
0xbf: {  	[sflag:s0] =	ssyncadd.remote.s32 $0x1  }
0xc0: {  	_ =	sfence.sel $0xFFFF  }
0xc1: {  	[dreg:$0x0] =	wrdreg $0xFFFFFFFF;
	(pc) =	sbr.abs _section_cstart, $3  }
0xc2: {  	[dreg:$0x1] =	wrdreg $0xFFFFFFFF  }
0xc3: {  	_ =	task.clear_ibuf [dreg:s7], $0x2FFFF;
	_ =	strace $0x9FFFFFFF  }
0xc4: {  	(tm) =	ssettm $0x7FFFFFFF  }
0xc5: {  	_ =	shalt  }
tec
execute0_lowered:
.L_overlay_start_1:
0x0: {  	(tag) =	ssettag $0x1  }
0x1: {  	s0 =	rddreg [dreg:$0x0]  }
0x2: {  	s3 =	rddreg [dreg:$0x1]  }
0x3: {  	s1 =	rddreg [dreg:$0x2]  }
0x4: {  	s2 =	rddreg [dreg:$0x3]  }
0x5: {  	s4 =	simm.s32 $0x0;
	s5 =	srdreg.scid;
	s23 =	stileid.u32  }
0x6: {  	s28 =	simm.s32 $0x1780;
	s30 =	simm.s32 $0x0;
	[smem:$0x7FF] =	sst s4  }
0x7: {  	s13 =	sadd.s32 $0x52400, s0;
	s14 =	sand.u32 $0x1, s5;
	s6 =	smul.u32 $0x140, s23  }
0x8: {  	s22 =	sadd.s32 $0x7A400, s0;
	s0 =	sadd.s32 $0x7AC00, s0;
	s15 =	smul.u32 $0xA000, s23  }
0x9: {  	s11 =	sshll.u32 s23, $0x3;
	p0 =	sne.s32 s23, $0xF;
	s29 =	sadd.s32 $0xA0000, s2  }
0xa: {  	s23 =	simm.s32 $0x4;
	_ =	strace $0x8000004A;
	[dreg:$0x5] =	wrdreg s22  }
0xb: {  	s7 =	ssub.s32 $0x2, s14;
	s10 =	sshll.u32 s14, $0x7;
	s26 =	smul.u32 $0x140000, s14  }
0xc: {  	s8 =	sshrl.u32 s7, $0x1;
	s9 =	sadd.s32 $0x80, s6;
	s12 =	sadd.s32 $0x100, s6  }
0xd: {  	s6 =	sadd.s32 s15, s2;
	s19 =	sshrl.u32 s15, $0x3;
	s21 =	sor.u32 s11, s10  }
0xe: {  	s11 =	sadd.s32 s15, s1;
	s16 =	ssub.s32 s7, s8;
	s17 =	sshll.u32 s9, $0x7  }
0xf: {  	s18 =	sshll.u32 s12, $0x7;
	s20 =	sshll.u32 s9, $0x4;
	s24 =	smul.u32 $0x180, s21  }
0x10: {  	s9 =	sadd.s32 s13, s19;
	s25 =	sshll.u32 s12, $0x4;
	s21 =	smul.u32 $0xC00, s21  }
0x11: {  	s7 =	sadd.s32 s17, s2;
	s8 =	sadd.s32 s18, s2;
	s10 =	sadd.s32 s13, s20  }
0x12: {  	s12 =	sadd.s32 s17, s1;
	s13 =	sadd.s32 s13, s25;
	s14 =	sadd.s32 s18, s1  }
0x13: {  	s25 =	sadd.s32 $0xA0000, s26;
	s20 =	sadd.s32 s26, s18;
	s31 =	sadd.s32 $0x14000, s9  }
0x14: {  	s5 =	sadd.s32 s3, s24;
	s22 =	sshrl.u32 s21, $0x3;
	s24 =	sadd.s32 s15, s26  }
0x15: {  	s15 =	sadd.s32 s15, s25;
	s3 =	sadd.s32 s3, s22;
	s22 =	sadd.s32 s26, s17  }
0x16: {  	s19 =	sshrl.u32 s24, $0x3;
	[dreg:$0x6] =	wrdreg s5;
	s26 =	sadd.s32 $0x480, s3  }
0x17: {  	s15 =	sshrl.u32 s15, $0x3;
	s19 =	sadd.s32 s0, s19;
	[dreg:$0x7] =	wrdreg s26  }
0x18: {  	s18 =	sadd.s32 s25, s18;
	s15 =	sadd.s32 s0, s15;
	[dreg:$0x8] =	wrdreg s19  }
0x19: {  	s20 =	sshrl.u32 s20, $0x3;
	s21 =	sadd.s32 $0x780, s3;
	[dreg:$0xb] =	wrdreg s15  }
0x1a: {  	s24 =	sshrl.u32 s22, $0x3;
	s22 =	sadd.s32 $0x900, s3;
	[dreg:$0xf] =	wrdreg s21  }
0x1b: {  	s17 =	sadd.s32 s25, s17;
	s25 =	sadd.s32 s0, s24;
	[dreg:$0x10] =	wrdreg s22  }
0x1c: {  	s17 =	sshrl.u32 s17, $0x3;
	s26 =	sadd.s32 s0, s20;
	[dreg:$0x9] =	wrdreg s25  }
0x1d: {  	s18 =	sshrl.u32 s18, $0x3;
	s19 =	sadd.s32 s0, s17;
	[dreg:$0xa] =	wrdreg s26  }
0x1e: {  	s0 =	sadd.s32 s0, s18;
	s20 =	sadd.s32 $0x600, s3;
	[dreg:$0xc] =	wrdreg s19  }
0x1f: {  	s24 =	sadd.s32 $0xA80, s3;
	s3 =	sadd.s32 $0x15000, s9;
	[dreg:$0xd] =	wrdreg s0  }
0x20: {  	s17 =	simm.s32 $0x1800;
	s18 =	simm.s32 $0x5;
	[dreg:$0xe] =	wrdreg s20  }
0x21: {  	s21 =	simm.s32 $0x1;
	s22 =	simm.s32 $0x2;
	[dreg:$0x11] =	wrdreg s24  }
0x22: {  	s25 =	smax.u32 s16, $0x1;
	s26 =	sadd.s32 $0x180, s5;
	s0 =	sadd.s32 $0x14800, s9  }
0x23: {  	s5 =	sadd.s32 $0x300, s5;
	s19 =	simm.s32 $0x3;
	[dreg:$0x12] =	wrdreg s25  }
0x24: {  	s20 =	simm.s32 $0x5800;
	s24 =	simm.s32 $0xC00;
	[dreg:$0x13] =	wrdreg s26  }
0x25: {  	[dreg:$0x14] =	wrdreg s5;
	s25 =	simm.s32 $0x80;
	s26 =	simm.s32 $0x1700  }
.LBB2_1:
0x26: {  	s5 =	rddreg [dreg:$0x5]  }
0x27: {  	[tilespmem:s17], [sflag:$0x5] =	stream.linear.gather [hbm4b:s5+s4], $0x4000, $0x38;
	[tilespmem:$0x1D840] =	vst v63  }
0x28: {  	_ =	swait.ge [sflag:s18], $0x4000  }
0x29: {  	[sflag:s18] =	ssyncset.done $0x0  }
0x2a: {  	[sflag:s18] =	ssyncadd.s32 $0xFFFFC000  }
0x2b: {  	[spmem:s6] =	stream.linear.scatter [tilespmem:s17], [sflag:$0x3], $0x4000, $0x38;
	[tilespmem:$0x1D840] =	vst v63  }
0x2c: {  	_ = 	snop  }
0x2d: {  	[spmem:s7] =	stream.linear.scatter [tilespmem:s17], [sflag:$0x3], $0x4000, $0x38;
	[tilespmem:$0x1D840] =	vst v63  }
0x2e: {  	_ = 	snop  }
0x2f: {  	[spmem:s8] =	stream.linear.scatter [tilespmem:s17], [sflag:$0x3], $0x2000, $0x38;
	[tilespmem:$0x1D840] =	vst v63  }
0x30: {  	s15 =	simm.s32 @!p0 $0x1800  }
0x31: {  	[spmem:s29] =	stream.linear.scatter @!p0 [tilespmem:s15], [sflag:$0x4], $0x400, $0x38;
	[tilespmem:$0x1D840] =	vst v63  }
0x32: {  	s15 =	simm.s32 @!p0 $0x4  }
0x33: {  	_ =	swait.ge @!p0 [sflag:s15], $0x400  }
0x34: {  	[sflag:s15] =	ssyncset.done @!p0 $0x0  }
0x35: {  	[sflag:s15] =	ssyncadd.s32 @!p0 $0xFFFFFC00  }
0x36: {  	_ =	swait.ge [sflag:s19], $0x4000  }
0x37: {  	[sflag:s19] =	ssyncset.done $0x0  }
0x38: {  	[sflag:s19] =	ssyncadd.s32 $0xFFFFC000  }
0x39: {  	_ =	swait.ge [sflag:s19], $0x4000  }
0x3a: {  	[sflag:s19] =	ssyncset.done $0x0  }
0x3b: {  	[sflag:s19] =	ssyncadd.s32 $0xFFFFC000  }
0x3c: {  	_ =	swait.ge [sflag:s19], $0x2000  }
0x3d: {  	[sflag:s19] =	ssyncset.done $0x0  }
0x3e: {  	[sflag:s19] =	ssyncadd.s32 $0xFFFFE000  }
0x3f: {  	[bflag:$0x0] =	sbarrier.arrive $0xFFFF  }
0x40: {  	[tilespmem:s17], [sflag:$0x1] =	stream.linear.gather [hbm4b:s9+s4], $0x4000, $0x38;
	[tilespmem:$0x1D840] =	vst v63  }
0x41: {  	_ = 	snop  }
0x42: {  	[tilespmem:s20], [sflag:$0x2] =	stream.linear.gather [hbm4b:s10+s4], $0x4000, $0x38;
	[tilespmem:$0x1D840] =	vst v63  }
0x43: {  	_ =	swait.ge [sflag:s21], $0x4000  }
0x44: {  	[sflag:s21] =	ssyncset.done $0x0  }
0x45: {  	[sflag:s21] =	ssyncadd.s32 $0xFFFFC000  }
0x46: {  	[spmem:s11] =	stream.linear.scatter [tilespmem:s17], [sflag:$0x3], $0x4000, $0x38;
	[tilespmem:$0x1D840] =	vst v63  }
0x47: {  	_ =	swait.ge [sflag:s22], $0x4000  }
0x48: {  	[sflag:s22] =	ssyncset.done $0x0  }
0x49: {  	[sflag:s22] =	ssyncadd.s32 $0xFFFFC000  }
0x4a: {  	[spmem:s12] =	stream.linear.scatter [tilespmem:s20], [sflag:$0x4], $0x4000, $0x38;
	[tilespmem:$0x1D840] =	vst v63  }
0x4b: {  	_ =	swait.ge [sflag:s19], $0x4000  }
0x4c: {  	[sflag:s19] =	ssyncset.done $0x0  }
0x4d: {  	[sflag:s19] =	ssyncadd.s32 $0xFFFFC000  }
0x4e: {  	[tilespmem:s17], [sflag:$0x1] =	stream.linear.gather [hbm4b:s13+s4], $0x2000, $0x38;
	[tilespmem:$0x1D840] =	vst v63  }
0x4f: {  	_ =	swait.ge [sflag:s21], $0x2000  }
0x50: {  	[sflag:s21] =	ssyncset.done $0x0  }
0x51: {  	[sflag:s21] =	ssyncadd.s32 $0xFFFFE000  }
0x52: {  	[spmem:s14] =	stream.linear.scatter [tilespmem:s17], [sflag:$0x3], $0x2000, $0x38;
	[tilespmem:$0x1D840] =	vst v63  }
0x53: {  	_ =	swait.ge [sflag:s23], $0x4000  }
0x54: {  	[sflag:s23] =	ssyncset.done $0x0  }
0x55: {  	[sflag:s23] =	ssyncadd.s32 $0xFFFFC000  }
0x56: {  	_ =	swait.ge [sflag:s19], $0x2000  }
0x57: {  	[sflag:s19] =	ssyncset.done $0x0  }
0x58: {  	[sflag:s19] =	ssyncadd.s32 $0xFFFFE000  }
0x59: {  	[bflag:$0x0] =	sbarrier.arrive $0xFFFF  }
0x5a: {  	s16 =	rddreg [dreg:$0x6]  }
0x5b: {  	[tilespmem:s4], [sflag:$0x5] =	stream.linear.gather [hbm4b:s16+s4], $0xC00, $0x38;
	[tilespmem:$0x1D840] =	vst v63  }
0x5c: {  	_ =	swait.ge [sflag:s18], $0xC00  }
0x5d: {  	[sflag:s18] =	ssyncset.done $0x0  }
0x5e: {  	s15 =	rddreg [dreg:$0x13];
	[sflag:s18] =	ssyncadd.s32 $0xFFFFF400  }
0x5f: {  	[tilespmem:s24], [sflag:$0x5] =	stream.linear.gather [hbm4b:s15+s4], $0xC00, $0x38;
	[tilespmem:$0x1D840] =	vst v63  }
0x60: {  	_ =	swait.ge [sflag:s18], $0xC00  }
0x61: {  	[sflag:s18] =	ssyncset.done $0x0  }
0x62: {  	[sflag:s18] =	ssyncadd.s32 $0xFFFFF400  }
0x63: {  	[tilespmem:s17], [sflag:$0x1] =	stream.indirect.gather [spmem:s1], $0x80, s4, s25, $0xb8;
	[tilespmem:$0x1D840] =	vst v63  }
0x64: {  	_ = 	snop  }
0x65: {  	[tilespmem:s20], [sflag:$0x2] =	stream.indirect.gather [spmem:s1], $0x80, s25, s25, $0xb8;
	[tilespmem:$0x1D840] =	vst v63  }
0x66: {  	_ =	swait.ge [sflag:s21], $0x4000  }
0x67: {  	[sflag:s21] =	ssyncset.done $0x0  }
0x68: {  	s16 =	simm.s32 $0xC00;
	[sflag:s21] =	ssyncadd.s32 $0xFFFFC000  }
0x69: {  	[spmem:s2] =	stream.indirect.scatter.add.f32 [tilespmem:s17], [sflag:$0x5], $0x80, s16, s25, $0xb8;
	[tilespmem:$0x1D840] =	vst v63  }
0x6a: {  	_ =	swait.ge [sflag:s18], $0x4000  }
0x6b: {  	[sflag:s18] =	ssyncset.done $0x0  }
0x6c: {  	s5 =	simm.s32 $0x100;
	[sflag:s18] =	ssyncadd.s32 $0xFFFFC000  }
0x6d: {  	[tilespmem:s17], [sflag:$0x1] =	stream.indirect.gather [spmem:s1], $0x80, s5, s25, $0xb8;
	[tilespmem:$0x1D840] =	vst v63  }
0x6e: {  	_ =	swait.ge [sflag:s22], $0x4000  }
0x6f: {  	[sflag:s22] =	ssyncset.done $0x0  }
0x70: {  	s16 =	simm.s32 $0xC80;
	[sflag:s22] =	ssyncadd.s32 $0xFFFFC000  }
0x71: {  	[spmem:s2] =	stream.indirect.scatter.add.f32 [tilespmem:s20], [sflag:$0x5], $0x80, s16, s25, $0xb8;
	[tilespmem:$0x1D840] =	vst v63  }
0x72: {  	_ =	swait.ge [sflag:s18], $0x4000  }
0x73: {  	[sflag:s18] =	ssyncset.done $0x0  }
0x74: {  	s15 =	simm.s32 $0x180;
	s16 =	simm.s32 $0x400;
	[sflag:s18] =	ssyncadd.s32 $0xFFFFC000  }
.LBB2_2:
0x75: {  	[tilespmem:s20], [sflag:$0x2] =	stream.indirect.gather [spmem:s1], $0x80, s15, s25, $0xb8;
	[tilespmem:$0x1D840] =	vst v63  }
0x76: {  	s15 =	smov.u32 s16  }
0x77: {  	p1 =	sne.s32 s16, $0x2800;
	s16 =	sadd.s32 $0x400, s16;
	_ =	swait.ge [sflag:s21], $0x4000  }
0x78: {  	s15 =	sshra.s32 s15, $0x2;
	[sflag:s21] =	ssyncset.done $0x0  }
0x79: {  	s5 =	sadd.s32 $0xC00, s15;
	[sflag:s21] =	ssyncadd.s32 $0xFFFFC000  }
0x7a: {  	[spmem:s2] =	stream.indirect.scatter.add.f32 [tilespmem:s17], [sflag:$0x5], $0x80, s5, s25, $0xb8;
	[tilespmem:$0x1D840] =	vst v63  }
0x7b: {  	_ =	swait.ge [sflag:s18], $0x4000  }
0x7c: {  	[sflag:s18] =	ssyncset.done $0x0  }
0x7d: {  	s5 =	sadd.s32 $0x100, s15;
	[sflag:s18] =	ssyncadd.s32 $0xFFFFC000  }
0x7e: {  	[tilespmem:s17], [sflag:$0x1] =	stream.indirect.gather [spmem:s1], $0x80, s5, s25, $0xb8;
	[tilespmem:$0x1D840] =	vst v63  }
0x7f: {  	_ =	swait.ge [sflag:s22], $0x4000  }
0x80: {  	[sflag:s22] =	ssyncset.done $0x0  }
.Ltmp0:
0x81: {  	s5 =	sadd.s32 $0xC80, s15;
	[sflag:s22] =	ssyncadd.s32 $0xFFFFC000;
	(pc) =	sbr.rel @p1 .LBB2_2-.Ltmp0, $4  }
0x82: {  	[spmem:s2] =	stream.indirect.scatter.add.f32 [tilespmem:s20], [sflag:$0x5], $0x80, s5, s25, $0xb8;
	[tilespmem:$0x1D840] =	vst v63  }
0x83: {  	_ =	swait.ge [sflag:s18], $0x4000  }
0x84: {  	[sflag:s18] =	ssyncset.done $0x0  }
0x85: {  	s15 =	sadd.s32 $0x180, s15;
	[sflag:s18] =	ssyncadd.s32 $0xFFFFC000  }
0x86: {  	[tilespmem:s20], [sflag:$0x2] =	stream.indirect.gather [spmem:s1], $0x80, s15, s25, $0xb8;
	[tilespmem:$0x1D840] =	vst v63  }
0x87: {  	_ =	swait.ge [sflag:s21], $0x4000  }
0x88: {  	[sflag:s21] =	ssyncset.done $0x0  }
0x89: {  	[sflag:s21] =	ssyncadd.s32 $0xFFFFC000  }
0x8a: {  	[spmem:s2] =	stream.indirect.scatter.add.f32 [tilespmem:s17], [sflag:$0x5], $0x80, s26, s25, $0xb8;
	[tilespmem:$0x1D840] =	vst v63  }
0x8b: {  	_ =	swait.ge [sflag:s18], $0x4000  }
0x8c: {  	[sflag:s18] =	ssyncset.done $0x0  }
0x8d: {  	[sflag:s18] =	ssyncadd.s32 $0xFFFFC000  }
0x8e: {  	_ =	swait.ge [sflag:s22], $0x4000  }
0x8f: {  	[sflag:s22] =	ssyncset.done $0x0  }
0x90: {  	[sflag:s22] =	ssyncadd.s32 $0xFFFFC000  }
0x91: {  	[spmem:s2] =	stream.indirect.scatter.add.f32 [tilespmem:s20], [sflag:$0x5], $0x80, s28, s25, $0xb8;
	[tilespmem:$0x1D840] =	vst v63  }
0x92: {  	_ =	swait.ge [sflag:s18], $0x4000  }
0x93: {  	[sflag:s18] =	ssyncset.done $0x0  }
0x94: {  	[sflag:s18] =	ssyncadd.s32 $0xFFFFC000  }
0x95: {  	s5 =	simm.s32 $0x0;
	[bflag:$0x0] =	sbarrier.arrive $0xFFFF  }
0x96: {  	[tilespmem:s17], [sflag:$0x1] =	stream.linear.gather [hbm4b:s31+s5], $0x4000, $0x38;
	[tilespmem:$0x1D840] =	vst v63  }
0x97: {  	_ = 	snop  }
0x98: {  	[tilespmem:s20], [sflag:$0x2] =	stream.linear.gather [hbm4b:s0+s5], $0x4000, $0x38;
	[tilespmem:$0x1D840] =	vst v63  }
0x99: {  	_ =	swait.ge [sflag:s21], $0x4000  }
0x9a: {  	[sflag:s21] =	ssyncset.done $0x0  }
0x9b: {  	[sflag:s21] =	ssyncadd.s32 $0xFFFFC000  }
0x9c: {  	[spmem:s11] =	stream.linear.scatter [tilespmem:s17], [sflag:$0x3], $0x4000, $0x38;
	[tilespmem:$0x1D840] =	vst v63  }
0x9d: {  	_ =	swait.ge [sflag:s22], $0x4000  }
0x9e: {  	[sflag:s22] =	ssyncset.done $0x0  }
0x9f: {  	[sflag:s22] =	ssyncadd.s32 $0xFFFFC000  }
0xa0: {  	[spmem:s12] =	stream.linear.scatter [tilespmem:s20], [sflag:$0x4], $0x4000, $0x38;
	[tilespmem:$0x1D840] =	vst v63  }
0xa1: {  	_ =	swait.ge [sflag:s19], $0x4000  }
0xa2: {  	[sflag:s19] =	ssyncset.done $0x0  }
0xa3: {  	[sflag:s19] =	ssyncadd.s32 $0xFFFFC000  }
0xa4: {  	[tilespmem:s17], [sflag:$0x1] =	stream.linear.gather [hbm4b:s3+s5], $0x2000, $0x38;
	[tilespmem:$0x1D840] =	vst v63  }
0xa5: {  	_ =	swait.ge [sflag:s21], $0x2000  }
0xa6: {  	[sflag:s21] =	ssyncset.done $0x0  }
0xa7: {  	[sflag:s21] =	ssyncadd.s32 $0xFFFFE000  }
0xa8: {  	[spmem:s14] =	stream.linear.scatter [tilespmem:s17], [sflag:$0x3], $0x2000, $0x38;
	[tilespmem:$0x1D840] =	vst v63  }
0xa9: {  	_ =	swait.ge [sflag:s23], $0x4000  }
0xaa: {  	[sflag:s23] =	ssyncset.done $0x0  }
0xab: {  	[sflag:s23] =	ssyncadd.s32 $0xFFFFC000  }
0xac: {  	_ =	swait.ge [sflag:s19], $0x2000  }
0xad: {  	[sflag:s19] =	ssyncset.done $0x0  }
0xae: {  	[sflag:s19] =	ssyncadd.s32 $0xFFFFE000  }
0xaf: {  	[bflag:$0x0] =	sbarrier.arrive $0xFFFF  }
0xb0: {  	s16 =	rddreg [dreg:$0x14]  }
0xb1: {  	[tilespmem:s5], [sflag:$0x5] =	stream.linear.gather [hbm4b:s16+s5], $0xC00, $0x38;
	[tilespmem:$0x1D840] =	vst v63  }
0xb2: {  	_ =	swait.ge [sflag:s18], $0xC00  }
0xb3: {  	[sflag:s18] =	ssyncset.done $0x0  }
0xb4: {  	s16 =	rddreg [dreg:$0x7];
	[sflag:s18] =	ssyncadd.s32 $0xFFFFF400  }
0xb5: {  	[tilespmem:s24], [sflag:$0x5] =	stream.linear.gather [hbm4b:s16+s5], $0xC00, $0x38;
	[tilespmem:$0x1D840] =	vst v63  }
0xb6: {  	_ =	swait.ge [sflag:s18], $0xC00  }
0xb7: {  	[sflag:s18] =	ssyncset.done $0x0  }
0xb8: {  	[sflag:s18] =	ssyncadd.s32 $0xFFFFF400  }
0xb9: {  	[tilespmem:s17], [sflag:$0x1] =	stream.indirect.gather [spmem:s1], $0x80, s5, s25, $0xb8;
	[tilespmem:$0x1D840] =	vst v63  }
0xba: {  	_ = 	snop  }
0xbb: {  	[tilespmem:s20], [sflag:$0x2] =	stream.indirect.gather [spmem:s1], $0x80, s25, s25, $0xb8;
	[tilespmem:$0x1D840] =	vst v63  }
0xbc: {  	_ =	swait.ge [sflag:s21], $0x4000  }
0xbd: {  	[sflag:s21] =	ssyncset.done $0x0  }
0xbe: {  	s16 =	simm.s32 $0xC00;
	[sflag:s21] =	ssyncadd.s32 $0xFFFFC000  }
0xbf: {  	[spmem:s2] =	stream.indirect.scatter.add.f32 [tilespmem:s17], [sflag:$0x5], $0x80, s16, s25, $0xb8;
	[tilespmem:$0x1D840] =	vst v63  }
0xc0: {  	_ =	swait.ge [sflag:s18], $0x4000  }
0xc1: {  	[sflag:s18] =	ssyncset.done $0x0  }
0xc2: {  	s15 =	simm.s32 $0x100;
	[sflag:s18] =	ssyncadd.s32 $0xFFFFC000  }
0xc3: {  	[tilespmem:s17], [sflag:$0x1] =	stream.indirect.gather [spmem:s1], $0x80, s15, s25, $0xb8;
	[tilespmem:$0x1D840] =	vst v63  }
0xc4: {  	_ =	swait.ge [sflag:s22], $0x4000  }
0xc5: {  	[sflag:s22] =	ssyncset.done $0x0  }
0xc6: {  	s16 =	simm.s32 $0xC80;
	[sflag:s22] =	ssyncadd.s32 $0xFFFFC000  }
0xc7: {  	[spmem:s2] =	stream.indirect.scatter.add.f32 [tilespmem:s20], [sflag:$0x5], $0x80, s16, s25, $0xb8;
	[tilespmem:$0x1D840] =	vst v63  }
0xc8: {  	_ =	swait.ge [sflag:s18], $0x4000  }
0xc9: {  	[sflag:s18] =	ssyncset.done $0x0  }
0xca: {  	s15 =	simm.s32 $0x180;
	s16 =	simm.s32 $0x400;
	[sflag:s18] =	ssyncadd.s32 $0xFFFFC000  }
.LBB2_4:
0xcb: {  	[tilespmem:s20], [sflag:$0x2] =	stream.indirect.gather [spmem:s1], $0x80, s15, s25, $0xb8;
	[tilespmem:$0x1D840] =	vst v63  }
0xcc: {  	s5 =	smov.u32 s16  }
0xcd: {  	p1 =	sne.s32 s16, $0x2800;
	s16 =	sadd.s32 $0x400, s16;
	_ =	swait.ge [sflag:s21], $0x4000  }
0xce: {  	s5 =	sshra.s32 s5, $0x2;
	[sflag:s21] =	ssyncset.done $0x0  }
0xcf: {  	s15 =	sadd.s32 $0xC00, s5;
	[sflag:s21] =	ssyncadd.s32 $0xFFFFC000  }
0xd0: {  	[spmem:s2] =	stream.indirect.scatter.add.f32 [tilespmem:s17], [sflag:$0x5], $0x80, s15, s25, $0xb8;
	[tilespmem:$0x1D840] =	vst v63  }
0xd1: {  	_ =	swait.ge [sflag:s18], $0x4000  }
0xd2: {  	[sflag:s18] =	ssyncset.done $0x0  }
0xd3: {  	s15 =	sadd.s32 $0x100, s5;
	[sflag:s18] =	ssyncadd.s32 $0xFFFFC000  }
0xd4: {  	[tilespmem:s17], [sflag:$0x1] =	stream.indirect.gather [spmem:s1], $0x80, s15, s25, $0xb8;
	[tilespmem:$0x1D840] =	vst v63  }
0xd5: {  	_ =	swait.ge [sflag:s22], $0x4000  }
0xd6: {  	[sflag:s22] =	ssyncset.done $0x0  }
.Ltmp1:
0xd7: {  	s15 =	sadd.s32 $0xC80, s5;
	[sflag:s22] =	ssyncadd.s32 $0xFFFFC000;
	(pc) =	sbr.rel @p1 .LBB2_4-.Ltmp1, $4  }
0xd8: {  	[spmem:s2] =	stream.indirect.scatter.add.f32 [tilespmem:s20], [sflag:$0x5], $0x80, s15, s25, $0xb8;
	[tilespmem:$0x1D840] =	vst v63  }
0xd9: {  	_ =	swait.ge [sflag:s18], $0x4000  }
0xda: {  	[sflag:s18] =	ssyncset.done $0x0  }
0xdb: {  	s15 =	sadd.s32 $0x180, s5;
	[sflag:s18] =	ssyncadd.s32 $0xFFFFC000  }
0xdc: {  	[tilespmem:s20], [sflag:$0x2] =	stream.indirect.gather [spmem:s1], $0x80, s15, s25, $0xb8;
	[tilespmem:$0x1D840] =	vst v63  }
0xdd: {  	_ =	swait.ge [sflag:s21], $0x4000  }
0xde: {  	[sflag:s21] =	ssyncset.done $0x0  }
0xdf: {  	[sflag:s21] =	ssyncadd.s32 $0xFFFFC000  }
0xe0: {  	[spmem:s2] =	stream.indirect.scatter.add.f32 [tilespmem:s17], [sflag:$0x5], $0x80, s26, s25, $0xb8;
	[tilespmem:$0x1D840] =	vst v63  }
0xe1: {  	_ =	swait.ge [sflag:s18], $0x4000  }
0xe2: {  	[sflag:s18] =	ssyncset.done $0x0  }
0xe3: {  	[sflag:s18] =	ssyncadd.s32 $0xFFFFC000  }
0xe4: {  	_ =	swait.ge [sflag:s22], $0x4000  }
0xe5: {  	[sflag:s22] =	ssyncset.done $0x0  }
0xe6: {  	[sflag:s22] =	ssyncadd.s32 $0xFFFFC000  }
0xe7: {  	[spmem:s2] =	stream.indirect.scatter.add.f32 [tilespmem:s20], [sflag:$0x5], $0x80, s28, s25, $0xb8;
	[tilespmem:$0x1D840] =	vst v63  }
0xe8: {  	_ =	swait.ge [sflag:s18], $0x4000  }
0xe9: {  	[sflag:s18] =	ssyncset.done $0x0  }
0xea: {  	[sflag:s18] =	ssyncadd.s32 $0xFFFFC000  }
0xeb: {  	[bflag:$0x0] =	sbarrier.arrive $0xFFFF  }
0xec: {  	[tilespmem:s17], [sflag:$0x1] =	stream.linear.gather [spmem:s6], $0x4000, $0x38;
	[tilespmem:$0x1D840] =	vst v63  }
0xed: {  	_ = 	snop  }
0xee: {  	[tilespmem:s20], [sflag:$0x2] =	stream.linear.gather [spmem:s7], $0x4000, $0x38;
	[tilespmem:$0x1D840] =	vst v63  }
0xef: {  	_ =	swait.ge [sflag:s21], $0x4000  }
0xf0: {  	[sflag:s21] =	ssyncset.done $0x0  }
0xf1: {  	s5 =	rddreg [dreg:$0x8];
	[sflag:s21] =	ssyncadd.s32 $0xFFFFC000  }
0xf2: {  	[hbm4b:s5+s4] =	stream.linear.scatter [tilespmem:s17], [sflag:$0x3], $0x4000, $0x38;
	[tilespmem:$0x1D840] =	vst v63  }
0xf3: {  	_ =	swait.ge [sflag:s22], $0x4000  }
0xf4: {  	[sflag:s22] =	ssyncset.done $0x0  }
0xf5: {  	s15 =	rddreg [dreg:$0x9];
	[sflag:s22] =	ssyncadd.s32 $0xFFFFC000  }
0xf6: {  	[hbm4b:s15+s4] =	stream.linear.scatter [tilespmem:s20], [sflag:$0x4], $0x4000, $0x38;
	[tilespmem:$0x1D840] =	vst v63  }
0xf7: {  	_ =	swait.ge [sflag:s19], $0x4000  }
0xf8: {  	[sflag:s19] =	ssyncset.done $0x0  }
0xf9: {  	[sflag:s19] =	ssyncadd.s32 $0xFFFFC000  }
0xfa: {  	[tilespmem:s17], [sflag:$0x1] =	stream.linear.gather [spmem:s8], $0x2000, $0x38;
	[tilespmem:$0x1D840] =	vst v63  }
0xfb: {  	_ =	swait.ge [sflag:s21], $0x2000  }
0xfc: {  	[sflag:s21] =	ssyncset.done $0x0  }
0xfd: {  	s16 =	rddreg [dreg:$0xa];
	[sflag:s21] =	ssyncadd.s32 $0xFFFFE000  }
0xfe: {  	[hbm4b:s16+s4] =	stream.linear.scatter [tilespmem:s17], [sflag:$0x3], $0x2000, $0x38;
	[tilespmem:$0x1D840] =	vst v63  }
0xff: {  	_ =	swait.ge [sflag:s23], $0x4000  }
0x100: {  	[sflag:s23] =	ssyncset.done $0x0  }
0x101: {  	[sflag:s23] =	ssyncadd.s32 $0xFFFFC000  }
0x102: {  	_ =	swait.ge [sflag:s19], $0x2000  }
0x103: {  	[sflag:s19] =	ssyncset.done $0x0  }
0x104: {  	[sflag:s19] =	ssyncadd.s32 $0xFFFFE000  }
0x105: {  	[bflag:$0x0] =	sbarrier.arrive $0xFFFF  }
0x106: {  	s15 =	rddreg [dreg:$0x5]  }
0x107: {  	[tilespmem:s17], [sflag:$0x5] =	stream.linear.gather [hbm4b:s15+s4], $0x4000, $0x38;
	[tilespmem:$0x1D840] =	vst v63  }
0x108: {  	_ =	swait.ge [sflag:s18], $0x4000  }
0x109: {  	[sflag:s18] =	ssyncset.done $0x0  }
0x10a: {  	[sflag:s18] =	ssyncadd.s32 $0xFFFFC000  }
0x10b: {  	[spmem:s6] =	stream.linear.scatter [tilespmem:s17], [sflag:$0x3], $0x4000, $0x38;
	[tilespmem:$0x1D840] =	vst v63  }
0x10c: {  	_ = 	snop  }
0x10d: {  	[spmem:s7] =	stream.linear.scatter [tilespmem:s17], [sflag:$0x3], $0x4000, $0x38;
	[tilespmem:$0x1D840] =	vst v63  }
0x10e: {  	_ = 	snop  }
0x10f: {  	[spmem:s8] =	stream.linear.scatter [tilespmem:s17], [sflag:$0x3], $0x2000, $0x38;
	[tilespmem:$0x1D840] =	vst v63  }
0x110: {  	s5 =	simm.s32 @!p0 $0x1800  }
0x111: {  	[spmem:s29] =	stream.linear.scatter @!p0 [tilespmem:s5], [sflag:$0x4], $0x400, $0x38;
	[tilespmem:$0x1D840] =	vst v63  }
0x112: {  	s5 =	simm.s32 @!p0 $0x4  }
0x113: {  	_ =	swait.ge @!p0 [sflag:s5], $0x400  }
0x114: {  	[sflag:s5] =	ssyncset.done @!p0 $0x0  }
0x115: {  	[sflag:s5] =	ssyncadd.s32 @!p0 $0xFFFFFC00  }
0x116: {  	_ =	swait.ge [sflag:s19], $0x4000  }
0x117: {  	[sflag:s19] =	ssyncset.done $0x0  }
0x118: {  	[sflag:s19] =	ssyncadd.s32 $0xFFFFC000  }
0x119: {  	_ =	swait.ge [sflag:s19], $0x4000  }
0x11a: {  	[sflag:s19] =	ssyncset.done $0x0  }
0x11b: {  	[sflag:s19] =	ssyncadd.s32 $0xFFFFC000  }
0x11c: {  	_ =	swait.ge [sflag:s19], $0x2000  }
0x11d: {  	[sflag:s19] =	ssyncset.done $0x0  }
0x11e: {  	[sflag:s19] =	ssyncadd.s32 $0xFFFFE000  }
0x11f: {  	s5 =	simm.s32 $0x0;
	[bflag:$0x0] =	sbarrier.arrive $0xFFFF  }
0x120: {  	[tilespmem:s17], [sflag:$0x1] =	stream.linear.gather [hbm4b:s9+s5], $0x4000, $0x38;
	[tilespmem:$0x1D840] =	vst v63  }
0x121: {  	_ = 	snop  }
0x122: {  	[tilespmem:s20], [sflag:$0x2] =	stream.linear.gather [hbm4b:s10+s5], $0x4000, $0x38;
	[tilespmem:$0x1D840] =	vst v63  }
0x123: {  	_ =	swait.ge [sflag:s21], $0x4000  }
0x124: {  	[sflag:s21] =	ssyncset.done $0x0  }
0x125: {  	[sflag:s21] =	ssyncadd.s32 $0xFFFFC000  }
0x126: {  	[spmem:s11] =	stream.linear.scatter [tilespmem:s17], [sflag:$0x3], $0x4000, $0x38;
	[tilespmem:$0x1D840] =	vst v63  }
0x127: {  	_ =	swait.ge [sflag:s22], $0x4000  }
0x128: {  	[sflag:s22] =	ssyncset.done $0x0  }
0x129: {  	[sflag:s22] =	ssyncadd.s32 $0xFFFFC000  }
0x12a: {  	[spmem:s12] =	stream.linear.scatter [tilespmem:s20], [sflag:$0x4], $0x4000, $0x38;
	[tilespmem:$0x1D840] =	vst v63  }
0x12b: {  	_ =	swait.ge [sflag:s19], $0x4000  }
0x12c: {  	[sflag:s19] =	ssyncset.done $0x0  }
0x12d: {  	[sflag:s19] =	ssyncadd.s32 $0xFFFFC000  }
0x12e: {  	[tilespmem:s17], [sflag:$0x1] =	stream.linear.gather [hbm4b:s13+s5], $0x2000, $0x38;
	[tilespmem:$0x1D840] =	vst v63  }
0x12f: {  	_ =	swait.ge [sflag:s21], $0x2000  }
0x130: {  	[sflag:s21] =	ssyncset.done $0x0  }
0x131: {  	[sflag:s21] =	ssyncadd.s32 $0xFFFFE000  }
0x132: {  	[spmem:s14] =	stream.linear.scatter [tilespmem:s17], [sflag:$0x3], $0x2000, $0x38;
	[tilespmem:$0x1D840] =	vst v63  }
0x133: {  	_ =	swait.ge [sflag:s23], $0x4000  }
0x134: {  	[sflag:s23] =	ssyncset.done $0x0  }
0x135: {  	[sflag:s23] =	ssyncadd.s32 $0xFFFFC000  }
0x136: {  	_ =	swait.ge [sflag:s19], $0x2000  }
0x137: {  	[sflag:s19] =	ssyncset.done $0x0  }
0x138: {  	[sflag:s19] =	ssyncadd.s32 $0xFFFFE000  }
0x139: {  	[bflag:$0x0] =	sbarrier.arrive $0xFFFF  }
0x13a: {  	s16 =	rddreg [dreg:$0xe]  }
0x13b: {  	[tilespmem:s5], [sflag:$0x5] =	stream.linear.gather [hbm4b:s16+s5], $0xC00, $0x38;
	[tilespmem:$0x1D840] =	vst v63  }
0x13c: {  	_ =	swait.ge [sflag:s18], $0xC00  }
0x13d: {  	[sflag:s18] =	ssyncset.done $0x0  }
0x13e: {  	s16 =	rddreg [dreg:$0xf];
	[sflag:s18] =	ssyncadd.s32 $0xFFFFF400  }
0x13f: {  	[tilespmem:s24], [sflag:$0x5] =	stream.linear.gather [hbm4b:s16+s5], $0xC00, $0x38;
	[tilespmem:$0x1D840] =	vst v63  }
0x140: {  	_ =	swait.ge [sflag:s18], $0xC00  }
0x141: {  	[sflag:s18] =	ssyncset.done $0x0  }
0x142: {  	[sflag:s18] =	ssyncadd.s32 $0xFFFFF400  }
0x143: {  	[tilespmem:s17], [sflag:$0x1] =	stream.indirect.gather [spmem:s1], $0x80, s5, s25, $0xb8;
	[tilespmem:$0x1D840] =	vst v63  }
0x144: {  	_ = 	snop  }
0x145: {  	[tilespmem:s20], [sflag:$0x2] =	stream.indirect.gather [spmem:s1], $0x80, s25, s25, $0xb8;
	[tilespmem:$0x1D840] =	vst v63  }
0x146: {  	_ =	swait.ge [sflag:s21], $0x4000  }
0x147: {  	[sflag:s21] =	ssyncset.done $0x0  }
0x148: {  	s16 =	simm.s32 $0xC00;
	[sflag:s21] =	ssyncadd.s32 $0xFFFFC000  }
0x149: {  	[spmem:s2] =	stream.indirect.scatter.add.f32 [tilespmem:s17], [sflag:$0x5], $0x80, s16, s25, $0xb8;
	[tilespmem:$0x1D840] =	vst v63  }
0x14a: {  	_ =	swait.ge [sflag:s18], $0x4000  }
0x14b: {  	[sflag:s18] =	ssyncset.done $0x0  }
0x14c: {  	s15 =	simm.s32 $0x100;
	[sflag:s18] =	ssyncadd.s32 $0xFFFFC000  }
0x14d: {  	[tilespmem:s17], [sflag:$0x1] =	stream.indirect.gather [spmem:s1], $0x80, s15, s25, $0xb8;
	[tilespmem:$0x1D840] =	vst v63  }
0x14e: {  	_ =	swait.ge [sflag:s22], $0x4000  }
0x14f: {  	[sflag:s22] =	ssyncset.done $0x0  }
0x150: {  	s16 =	simm.s32 $0xC80;
	[sflag:s22] =	ssyncadd.s32 $0xFFFFC000  }
0x151: {  	[spmem:s2] =	stream.indirect.scatter.add.f32 [tilespmem:s20], [sflag:$0x5], $0x80, s16, s25, $0xb8;
	[tilespmem:$0x1D840] =	vst v63  }
0x152: {  	_ =	swait.ge [sflag:s18], $0x4000  }
0x153: {  	[sflag:s18] =	ssyncset.done $0x0  }
0x154: {  	s15 =	simm.s32 $0x180;
	s16 =	simm.s32 $0x400;
	[sflag:s18] =	ssyncadd.s32 $0xFFFFC000  }
.LBB2_6:
0x155: {  	[tilespmem:s20], [sflag:$0x2] =	stream.indirect.gather [spmem:s1], $0x80, s15, s25, $0xb8;
	[tilespmem:$0x1D840] =	vst v63  }
0x156: {  	s5 =	smov.u32 s16  }
0x157: {  	p1 =	sne.s32 s16, $0x2800;
	s16 =	sadd.s32 $0x400, s16;
	_ =	swait.ge [sflag:s21], $0x4000  }
0x158: {  	s5 =	sshra.s32 s5, $0x2;
	[sflag:s21] =	ssyncset.done $0x0  }
0x159: {  	s15 =	sadd.s32 $0xC00, s5;
	[sflag:s21] =	ssyncadd.s32 $0xFFFFC000  }
0x15a: {  	[spmem:s2] =	stream.indirect.scatter.add.f32 [tilespmem:s17], [sflag:$0x5], $0x80, s15, s25, $0xb8;
	[tilespmem:$0x1D840] =	vst v63  }
0x15b: {  	_ =	swait.ge [sflag:s18], $0x4000  }
0x15c: {  	[sflag:s18] =	ssyncset.done $0x0  }
0x15d: {  	s15 =	sadd.s32 $0x100, s5;
	[sflag:s18] =	ssyncadd.s32 $0xFFFFC000  }
0x15e: {  	[tilespmem:s17], [sflag:$0x1] =	stream.indirect.gather [spmem:s1], $0x80, s15, s25, $0xb8;
	[tilespmem:$0x1D840] =	vst v63  }
0x15f: {  	_ =	swait.ge [sflag:s22], $0x4000  }
0x160: {  	[sflag:s22] =	ssyncset.done $0x0  }
.Ltmp2:
0x161: {  	s15 =	sadd.s32 $0xC80, s5;
	[sflag:s22] =	ssyncadd.s32 $0xFFFFC000;
	(pc) =	sbr.rel @p1 .LBB2_6-.Ltmp2, $4  }
0x162: {  	[spmem:s2] =	stream.indirect.scatter.add.f32 [tilespmem:s20], [sflag:$0x5], $0x80, s15, s25, $0xb8;
	[tilespmem:$0x1D840] =	vst v63  }
0x163: {  	_ =	swait.ge [sflag:s18], $0x4000  }
0x164: {  	[sflag:s18] =	ssyncset.done $0x0  }
0x165: {  	s15 =	sadd.s32 $0x180, s5;
	[sflag:s18] =	ssyncadd.s32 $0xFFFFC000  }
0x166: {  	[tilespmem:s20], [sflag:$0x2] =	stream.indirect.gather [spmem:s1], $0x80, s15, s25, $0xb8;
	[tilespmem:$0x1D840] =	vst v63  }
0x167: {  	_ =	swait.ge [sflag:s21], $0x4000  }
0x168: {  	[sflag:s21] =	ssyncset.done $0x0  }
0x169: {  	[sflag:s21] =	ssyncadd.s32 $0xFFFFC000  }
0x16a: {  	[spmem:s2] =	stream.indirect.scatter.add.f32 [tilespmem:s17], [sflag:$0x5], $0x80, s26, s25, $0xb8;
	[tilespmem:$0x1D840] =	vst v63  }
0x16b: {  	_ =	swait.ge [sflag:s18], $0x4000  }
0x16c: {  	[sflag:s18] =	ssyncset.done $0x0  }
0x16d: {  	[sflag:s18] =	ssyncadd.s32 $0xFFFFC000  }
0x16e: {  	_ =	swait.ge [sflag:s22], $0x4000  }
0x16f: {  	[sflag:s22] =	ssyncset.done $0x0  }
0x170: {  	[sflag:s22] =	ssyncadd.s32 $0xFFFFC000  }
0x171: {  	[spmem:s2] =	stream.indirect.scatter.add.f32 [tilespmem:s20], [sflag:$0x5], $0x80, s28, s25, $0xb8;
	[tilespmem:$0x1D840] =	vst v63  }
0x172: {  	_ =	swait.ge [sflag:s18], $0x4000  }
0x173: {  	[sflag:s18] =	ssyncset.done $0x0  }
0x174: {  	[sflag:s18] =	ssyncadd.s32 $0xFFFFC000  }
0x175: {  	s5 =	simm.s32 $0x0;
	[bflag:$0x0] =	sbarrier.arrive $0xFFFF  }
0x176: {  	[tilespmem:s17], [sflag:$0x1] =	stream.linear.gather [hbm4b:s31+s5], $0x4000, $0x38;
	[tilespmem:$0x1D840] =	vst v63  }
0x177: {  	_ = 	snop  }
0x178: {  	[tilespmem:s20], [sflag:$0x2] =	stream.linear.gather [hbm4b:s0+s5], $0x4000, $0x38;
	[tilespmem:$0x1D840] =	vst v63  }
0x179: {  	_ =	swait.ge [sflag:s21], $0x4000  }
0x17a: {  	[sflag:s21] =	ssyncset.done $0x0  }
0x17b: {  	[sflag:s21] =	ssyncadd.s32 $0xFFFFC000  }
0x17c: {  	[spmem:s11] =	stream.linear.scatter [tilespmem:s17], [sflag:$0x3], $0x4000, $0x38;
	[tilespmem:$0x1D840] =	vst v63  }
0x17d: {  	_ =	swait.ge [sflag:s22], $0x4000  }
0x17e: {  	[sflag:s22] =	ssyncset.done $0x0  }
0x17f: {  	[sflag:s22] =	ssyncadd.s32 $0xFFFFC000  }
0x180: {  	[spmem:s12] =	stream.linear.scatter [tilespmem:s20], [sflag:$0x4], $0x4000, $0x38;
	[tilespmem:$0x1D840] =	vst v63  }
0x181: {  	_ =	swait.ge [sflag:s19], $0x4000  }
0x182: {  	[sflag:s19] =	ssyncset.done $0x0  }
0x183: {  	[sflag:s19] =	ssyncadd.s32 $0xFFFFC000  }
0x184: {  	[tilespmem:s17], [sflag:$0x1] =	stream.linear.gather [hbm4b:s3+s5], $0x2000, $0x38;
	[tilespmem:$0x1D840] =	vst v63  }
0x185: {  	_ =	swait.ge [sflag:s21], $0x2000  }
0x186: {  	[sflag:s21] =	ssyncset.done $0x0  }
0x187: {  	[sflag:s21] =	ssyncadd.s32 $0xFFFFE000  }
0x188: {  	[spmem:s14] =	stream.linear.scatter [tilespmem:s17], [sflag:$0x3], $0x2000, $0x38;
	[tilespmem:$0x1D840] =	vst v63  }
0x189: {  	_ =	swait.ge [sflag:s23], $0x4000  }
0x18a: {  	[sflag:s23] =	ssyncset.done $0x0  }
0x18b: {  	[sflag:s23] =	ssyncadd.s32 $0xFFFFC000  }
0x18c: {  	_ =	swait.ge [sflag:s19], $0x2000  }
0x18d: {  	[sflag:s19] =	ssyncset.done $0x0  }
0x18e: {  	[sflag:s19] =	ssyncadd.s32 $0xFFFFE000  }
0x18f: {  	[bflag:$0x0] =	sbarrier.arrive $0xFFFF  }
0x190: {  	s16 =	rddreg [dreg:$0x10]  }
0x191: {  	[tilespmem:s5], [sflag:$0x5] =	stream.linear.gather [hbm4b:s16+s5], $0xC00, $0x38;
	[tilespmem:$0x1D840] =	vst v63  }
0x192: {  	_ =	swait.ge [sflag:s18], $0xC00  }
0x193: {  	[sflag:s18] =	ssyncset.done $0x0  }
0x194: {  	s16 =	rddreg [dreg:$0x11];
	[sflag:s18] =	ssyncadd.s32 $0xFFFFF400  }
0x195: {  	[tilespmem:s24], [sflag:$0x5] =	stream.linear.gather [hbm4b:s16+s5], $0xC00, $0x38;
	[tilespmem:$0x1D840] =	vst v63  }
0x196: {  	_ =	swait.ge [sflag:s18], $0xC00  }
0x197: {  	[sflag:s18] =	ssyncset.done $0x0  }
0x198: {  	[sflag:s18] =	ssyncadd.s32 $0xFFFFF400  }
0x199: {  	[tilespmem:s17], [sflag:$0x1] =	stream.indirect.gather [spmem:s1], $0x80, s5, s25, $0xb8;
	[tilespmem:$0x1D840] =	vst v63  }
0x19a: {  	_ = 	snop  }
0x19b: {  	[tilespmem:s20], [sflag:$0x2] =	stream.indirect.gather [spmem:s1], $0x80, s25, s25, $0xb8;
	[tilespmem:$0x1D840] =	vst v63  }
0x19c: {  	_ =	swait.ge [sflag:s21], $0x4000  }
0x19d: {  	[sflag:s21] =	ssyncset.done $0x0  }
0x19e: {  	s16 =	simm.s32 $0xC00;
	[sflag:s21] =	ssyncadd.s32 $0xFFFFC000  }
0x19f: {  	[spmem:s2] =	stream.indirect.scatter.add.f32 [tilespmem:s17], [sflag:$0x5], $0x80, s16, s25, $0xb8;
	[tilespmem:$0x1D840] =	vst v63  }
0x1a0: {  	_ =	swait.ge [sflag:s18], $0x4000  }
0x1a1: {  	[sflag:s18] =	ssyncset.done $0x0  }
0x1a2: {  	s15 =	simm.s32 $0x100;
	[sflag:s18] =	ssyncadd.s32 $0xFFFFC000  }
0x1a3: {  	[tilespmem:s17], [sflag:$0x1] =	stream.indirect.gather [spmem:s1], $0x80, s15, s25, $0xb8;
	[tilespmem:$0x1D840] =	vst v63  }
0x1a4: {  	_ =	swait.ge [sflag:s22], $0x4000  }
0x1a5: {  	[sflag:s22] =	ssyncset.done $0x0  }
0x1a6: {  	s16 =	simm.s32 $0xC80;
	[sflag:s22] =	ssyncadd.s32 $0xFFFFC000  }
0x1a7: {  	[spmem:s2] =	stream.indirect.scatter.add.f32 [tilespmem:s20], [sflag:$0x5], $0x80, s16, s25, $0xb8;
	[tilespmem:$0x1D840] =	vst v63  }
0x1a8: {  	_ =	swait.ge [sflag:s18], $0x4000  }
0x1a9: {  	[sflag:s18] =	ssyncset.done $0x0  }
0x1aa: {  	s15 =	simm.s32 $0x180;
	s16 =	simm.s32 $0x400;
	[sflag:s18] =	ssyncadd.s32 $0xFFFFC000  }
.LBB2_8:
0x1ab: {  	[tilespmem:s20], [sflag:$0x2] =	stream.indirect.gather [spmem:s1], $0x80, s15, s25, $0xb8;
	[tilespmem:$0x1D840] =	vst v63  }
0x1ac: {  	s5 =	smov.u32 s16  }
0x1ad: {  	p1 =	sne.s32 s16, $0x2800;
	s16 =	sadd.s32 $0x400, s16;
	_ =	swait.ge [sflag:s21], $0x4000  }
0x1ae: {  	s5 =	sshra.s32 s5, $0x2;
	[sflag:s21] =	ssyncset.done $0x0  }
0x1af: {  	s15 =	sadd.s32 $0xC00, s5;
	[sflag:s21] =	ssyncadd.s32 $0xFFFFC000  }
0x1b0: {  	[spmem:s2] =	stream.indirect.scatter.add.f32 [tilespmem:s17], [sflag:$0x5], $0x80, s15, s25, $0xb8;
	[tilespmem:$0x1D840] =	vst v63  }
0x1b1: {  	_ =	swait.ge [sflag:s18], $0x4000  }
0x1b2: {  	[sflag:s18] =	ssyncset.done $0x0  }
0x1b3: {  	s15 =	sadd.s32 $0x100, s5;
	[sflag:s18] =	ssyncadd.s32 $0xFFFFC000  }
0x1b4: {  	[tilespmem:s17], [sflag:$0x1] =	stream.indirect.gather [spmem:s1], $0x80, s15, s25, $0xb8;
	[tilespmem:$0x1D840] =	vst v63  }
0x1b5: {  	_ =	swait.ge [sflag:s22], $0x4000  }
0x1b6: {  	[sflag:s22] =	ssyncset.done $0x0  }
.Ltmp3:
0x1b7: {  	s15 =	sadd.s32 $0xC80, s5;
	[sflag:s22] =	ssyncadd.s32 $0xFFFFC000;
	(pc) =	sbr.rel @p1 .LBB2_8-.Ltmp3, $4  }
0x1b8: {  	[spmem:s2] =	stream.indirect.scatter.add.f32 [tilespmem:s20], [sflag:$0x5], $0x80, s15, s25, $0xb8;
	[tilespmem:$0x1D840] =	vst v63  }
0x1b9: {  	_ =	swait.ge [sflag:s18], $0x4000  }
0x1ba: {  	[sflag:s18] =	ssyncset.done $0x0  }
0x1bb: {  	s15 =	sadd.s32 $0x180, s5;
	[sflag:s18] =	ssyncadd.s32 $0xFFFFC000  }
0x1bc: {  	[tilespmem:s20], [sflag:$0x2] =	stream.indirect.gather [spmem:s1], $0x80, s15, s25, $0xb8;
	[tilespmem:$0x1D840] =	vst v63  }
0x1bd: {  	_ =	swait.ge [sflag:s21], $0x4000  }
0x1be: {  	[sflag:s21] =	ssyncset.done $0x0  }
0x1bf: {  	[sflag:s21] =	ssyncadd.s32 $0xFFFFC000  }
0x1c0: {  	[spmem:s2] =	stream.indirect.scatter.add.f32 [tilespmem:s17], [sflag:$0x5], $0x80, s26, s25, $0xb8;
	[tilespmem:$0x1D840] =	vst v63  }
0x1c1: {  	_ =	swait.ge [sflag:s18], $0x4000  }
0x1c2: {  	[sflag:s18] =	ssyncset.done $0x0  }
0x1c3: {  	[sflag:s18] =	ssyncadd.s32 $0xFFFFC000  }
0x1c4: {  	_ =	swait.ge [sflag:s22], $0x4000  }
0x1c5: {  	[sflag:s22] =	ssyncset.done $0x0  }
0x1c6: {  	[sflag:s22] =	ssyncadd.s32 $0xFFFFC000  }
0x1c7: {  	[spmem:s2] =	stream.indirect.scatter.add.f32 [tilespmem:s20], [sflag:$0x5], $0x80, s28, s25, $0xb8;
	[tilespmem:$0x1D840] =	vst v63  }
0x1c8: {  	_ =	swait.ge [sflag:s18], $0x4000  }
0x1c9: {  	[sflag:s18] =	ssyncset.done $0x0  }
0x1ca: {  	[sflag:s18] =	ssyncadd.s32 $0xFFFFC000  }
0x1cb: {  	[bflag:$0x0] =	sbarrier.arrive $0xFFFF  }
0x1cc: {  	[tilespmem:s17], [sflag:$0x1] =	stream.linear.gather [spmem:s6], $0x4000, $0x38;
	[tilespmem:$0x1D840] =	vst v63  }
0x1cd: {  	_ = 	snop  }
0x1ce: {  	[tilespmem:s20], [sflag:$0x2] =	stream.linear.gather [spmem:s7], $0x4000, $0x38;
	[tilespmem:$0x1D840] =	vst v63  }
0x1cf: {  	_ =	swait.ge [sflag:s21], $0x4000  }
0x1d0: {  	[sflag:s21] =	ssyncset.done $0x0  }
0x1d1: {  	s5 =	rddreg [dreg:$0xb];
	[sflag:s21] =	ssyncadd.s32 $0xFFFFC000  }
0x1d2: {  	[hbm4b:s5+s4] =	stream.linear.scatter [tilespmem:s17], [sflag:$0x3], $0x4000, $0x38;
	[tilespmem:$0x1D840] =	vst v63  }
0x1d3: {  	_ =	swait.ge [sflag:s22], $0x4000  }
0x1d4: {  	[sflag:s22] =	ssyncset.done $0x0  }
0x1d5: {  	s16 =	rddreg [dreg:$0xc];
	[sflag:s22] =	ssyncadd.s32 $0xFFFFC000  }
0x1d6: {  	[hbm4b:s16+s4] =	stream.linear.scatter [tilespmem:s20], [sflag:$0x4], $0x4000, $0x38;
	[tilespmem:$0x1D840] =	vst v63  }
0x1d7: {  	_ =	swait.ge [sflag:s19], $0x4000  }
0x1d8: {  	[sflag:s19] =	ssyncset.done $0x0  }
0x1d9: {  	[sflag:s19] =	ssyncadd.s32 $0xFFFFC000  }
0x1da: {  	[tilespmem:s17], [sflag:$0x1] =	stream.linear.gather [spmem:s8], $0x2000, $0x38;
	[tilespmem:$0x1D840] =	vst v63  }
0x1db: {  	_ =	swait.ge [sflag:s21], $0x2000  }
0x1dc: {  	[sflag:s21] =	ssyncset.done $0x0  }
0x1dd: {  	s15 =	rddreg [dreg:$0xd];
	[sflag:s21] =	ssyncadd.s32 $0xFFFFE000  }
0x1de: {  	[hbm4b:s15+s4] =	stream.linear.scatter [tilespmem:s17], [sflag:$0x3], $0x2000, $0x38;
	[tilespmem:$0x1D840] =	vst v63  }
0x1df: {  	_ =	swait.ge [sflag:s23], $0x4000  }
0x1e0: {  	[sflag:s23] =	ssyncset.done $0x0  }
0x1e1: {  	[sflag:s23] =	ssyncadd.s32 $0xFFFFC000  }
0x1e2: {  	_ =	swait.ge [sflag:s19], $0x2000  }
0x1e3: {  	s30 =	sadd.s32 $0x1, s30;
	s16 =	rddreg [dreg:$0x12]  }
0x1e4: {  	p1 =	sne.s32 s30, s16  }
.Ltmp4:
0x1e5: {  	_ = 	snop;
	(pc) =	sbr.rel @p1 .LBB2_1-.Ltmp4, $3  }
0x1e6: {  	[sflag:s19] =	ssyncset.done $0x0  }
0x1e7: {  	[sflag:s19] =	ssyncadd.s32 $0xFFFFE000  }
0x1e8: {  	[bflag:$0x0] =	sbarrier.arrive $0xFFFF;
	_ =	sdelay $0x1  }
0x1e9: {  	_ =	sfence.sel $0x180000  }
0x1ea: {  	[bflag:$0x0] =	sbarrier.arrive $0xFFFF  }
0x1eb: {  	_ =	strace $0x9000004A  }
0x1ec: {  	s0 =	stileid.u32;
	[bflag:$0x2] =	sbarrier.arrive $0xFFFF  }
0x1ed: {  	p0 =	sne.s32 s0, $0x0;
	s0 =	rddreg [dreg:$0x4]  }
0x1ee: {  	s0 =	sadd.s32 @!p0 $0x100000, s0  }
0x1ef: {  	[sflag:s0] =	ssyncadd.tile.s32 @!p0 $0x1;
	_ =	shalt  }
.Lfunc_end2:
_tile_overlayer_lowered:
.L_overlay_start_2:
0x1f0: {  	(tag) =	ssettag $0x2  }
0x1f1: {  	s0 =	rddreg [dreg:$0x0];
	s2 =	stileid.u32  }
0x1f2: {  	s1 =	rddreg [dreg:$0x1];
	p0 =	sne.s32 s2, $0x0  }
0x1f3: {  	s3 =	rddreg [dreg:$0x2];
	[bflag:$0x3] =	sbarrier.arrive $0xFFFF;
	s2 =	simm.s32 @!p0 $0x1C05  }
0x1f4: {  	[timem:s3], [sflag:s2] =	dma.local @!p0 [hbm:s0], s1  }
0x1f5: {  	s0 =	simm.s32 @!p0 $0x5  }
0x1f6: {  	_ =	swait.ge @!p0 [sflag:s0], s1  }
0x1f7: {  	s1 =	ssub.s32 @!p0 $0x0, s1;
	[sflag:s0] =	ssyncset.done @!p0 $0x0  }
0x1f8: {  	[sflag:s0] =	ssyncadd.s32 @!p0 s1  }
0x1f9: {  	[bflag:$0x3] =	sbarrier.arrive $0xFFFF  }
0x1fa: {  	_ =	shalt  }

</sc_bundles>
